<compile_context>
chip_gen: v7x
topology: tpu7x:2x2x1
jax: 0.10.2.dev20260603
libtpu: 0.0.44.dev20260713+nightly
codegen_flags: <defaults>
</compile_context>

<pallas_src>
import functools

import jax
import jax.numpy as jnp
from jax import lax
from jax.experimental import pallas as pl
from jax.experimental.pallas import tpu as pltpu
from jax.experimental.pallas import tpu_sc as plsc

N_NODES = 10000
N_EDGES = 320000
D = 128
D_OUT = 16
G = 16

NW = 32
CH = 128
NPAD = 10240
EPAD = 327680
CPT = EPAD // NW // CH
WIN = 8
SC_C0 = 144
ZROWS = NPAD // 16

def _deg_body(dst2_hbm, out_hbm, dst_v, ones_v, z_v, deg_sh, sem):
    del sem
    cid = lax.axis_index("c")
    sid = lax.axis_index("s")
    wid = sid * 2 + cid

    def fill_ones(i, _):
        ones_v[pl.ds(i * 16, 16)] = jnp.ones((16,), jnp.float32)
        return 0

    lax.fori_loop(0, CH // 16, fill_ones, 0)

    def fill_zero(i, _):
        z_v[pl.ds(i * 16, 16)] = jnp.zeros((16,), jnp.float32)
        return 0

    lax.fori_loop(0, ZROWS // 16, fill_zero, 0)

    pltpu.sync_copy(z_v, deg_sh.at[pl.ds(sid * ZROWS, ZROWS)])
    plsc.subcore_barrier()

    pltpu.sync_copy(dst2_hbm.at[pl.ds(wid * CPT, CPT)], dst_v)

    def body(j, _):
        pltpu.sync_copy(ones_v, deg_sh.at[dst_v.at[j]], add=True)
        return 0

    lax.fori_loop(0, CPT, body, 0)
    plsc.subcore_barrier()
    pltpu.sync_copy(deg_sh.at[pl.ds(sid * ZROWS, ZROWS)],
                    out_hbm.at[cid, pl.ds(sid * ZROWS, ZROWS)])


@functools.cache
def _deg_call():
    return pl.kernel(
        _deg_body,
        out_type=jax.ShapeDtypeStruct((2, NPAD), jnp.float32),
        mesh=plsc.VectorSubcoreMesh(core_axis_name="c", subcore_axis_name="s"),
        scratch_types=[
            pltpu.VMEM((CPT, CH), jnp.int32),
            pltpu.VMEM((CH,), jnp.float32),
            pltpu.VMEM((ZROWS,), jnp.float32),
            pltpu.VMEM_SHARED((NPAD,), jnp.float32),
            pltpu.SemaphoreType.DMA,
        ],
    )


def _scatter_body(c0_chunks, y_hbm, src2_hbm, dst2_hbm, out_hbm,
                  src_v, dst_v, rows0, rows1, acc_sh, sem0, sem1):
    c1_chunks = 2 * CPT - c0_chunks
    cid = lax.axis_index("c")
    sid = lax.axis_index("s")
    bufs = (rows0, rows1)
    sems = (sem0, sem1)

    def fill_zero(i, _):
        for j in range(D // 16):
            rows0[i, pl.ds(j * 16, 16)] = jnp.zeros((16,), jnp.float32)
        return 0

    lax.fori_loop(0, CH, fill_zero, 0)
    for k in range(ZROWS // CH):
        pltpu.sync_copy(rows0, acc_sh.at[pl.ds(sid * ZROWS + k * CH, CH)])
    plsc.subcore_barrier()

    def window(w, start_chunk):
        base = start_chunk + w * WIN
        pltpu.sync_copy(src2_hbm.at[pl.ds(base, WIN)], src_v)
        pltpu.sync_copy(dst2_hbm.at[pl.ds(base, WIN)], dst_v)
        descs = [None] * WIN
        descs[0] = pltpu.async_copy(y_hbm.at[src_v.at[0]], bufs[0], sems[0])
        for b in range(WIN):
            descs[b].wait()
            if b + 1 < WIN:
                descs[b + 1] = pltpu.async_copy(
                    y_hbm.at[src_v.at[b + 1]], bufs[(b + 1) % 2],
                    sems[(b + 1) % 2])
            pltpu.sync_copy(bufs[b % 2], acc_sh.at[dst_v.at[b]], add=True)
        return start_chunk

    def run_edges(start_chunk, nchunks):
        lax.fori_loop(0, nchunks // WIN, window, start_chunk)

    @pl.when(cid == 0)
    def _():
        run_edges(sid * c0_chunks, c0_chunks)

    @pl.when(cid == 1)
    def _():
        run_edges(16 * c0_chunks + sid * c1_chunks, c1_chunks)

    plsc.subcore_barrier()
    pltpu.sync_copy(acc_sh.at[pl.ds(sid * ZROWS, ZROWS)],
                    out_hbm.at[cid, pl.ds(sid * ZROWS, ZROWS)])


@functools.cache
def _scatter_call(c0_chunks):
    return pl.kernel(
        functools.partial(_scatter_body, c0_chunks),
        out_type=jax.ShapeDtypeStruct((2, NPAD, D), jnp.float32),
        mesh=plsc.VectorSubcoreMesh(core_axis_name="c", subcore_axis_name="s"),
        scratch_types=[
            pltpu.VMEM((WIN, CH), jnp.int32),
            pltpu.VMEM((WIN, CH), jnp.int32),
            pltpu.VMEM((CH, D), jnp.float32),
            pltpu.VMEM((CH, D), jnp.float32),
            pltpu.VMEM_SHARED((NPAD, D), jnp.float32),
            pltpu.SemaphoreType.DMA,
            pltpu.SemaphoreType.DMA,
        ],
    )


def _stage_a_body(x_ref, w1_ref, degp_ref, xw_ref, y_ref, dinv_ref):
    deg = degp_ref[0, :N_NODES, :] + degp_ref[1, :N_NODES, :] + 1.0
    dinv = lax.rsqrt(deg)
    xw = jnp.dot(x_ref[:, :], w1_ref[:, :], preferred_element_type=jnp.float32)
    xw_ref[:, :] = xw
    y_ref[:, :] = xw * dinv
    dinv_ref[:, :] = dinv


_stage_a = pl.pallas_call(
    _stage_a_body,
    out_shape=[
        jax.ShapeDtypeStruct((N_NODES, D), jnp.float32),
        jax.ShapeDtypeStruct((N_NODES, D), jnp.float32),
        jax.ShapeDtypeStruct((N_NODES, 1), jnp.float32),
    ],
)


def _bn_relu(h, g_ref, be_ref):
    m = jnp.mean(h, axis=0, keepdims=True)
    v = jnp.mean((h - m) ** 2, axis=0, keepdims=True)
    h = (h - m) * lax.rsqrt(v + 1e-5) * g_ref[:, :] + be_ref[:, :]
    return jnp.maximum(h, 0.0)


def _stage_b_body(accp_ref, xw_ref, dinv_ref, b_ref, g_ref, be_ref, w2_ref,
                  xw2_ref, y2_ref):
    dinv = dinv_ref[:, :]
    acc = accp_ref[0, :N_NODES, :] + accp_ref[1, :N_NODES, :]
    h = dinv * acc + (dinv * dinv) * xw_ref[:, :] + b_ref[:, :]
    h = _bn_relu(h, g_ref, be_ref)
    xw2 = jnp.dot(h, w2_ref[:, :], preferred_element_type=jnp.float32)
    xw2_ref[:, :] = xw2
    y2_ref[:, :] = xw2 * dinv


_stage_b = pl.pallas_call(
    _stage_b_body,
    out_shape=[
        jax.ShapeDtypeStruct((N_NODES, D), jnp.float32),
        jax.ShapeDtypeStruct((N_NODES, D), jnp.float32),
    ],
)


def _stage_c_body(accp_ref, xw2_ref, dinv_ref, b_ref, g_ref, be_ref,
                  batch_ref, fc1w_ref, fc1b_ref, fc2w_ref, fc2b_ref, out_ref):
    dinv = dinv_ref[:, :]
    acc = accp_ref[0, :N_NODES, :] + accp_ref[1, :N_NODES, :]
    h = dinv * acc + (dinv * dinv) * xw2_ref[:, :] + b_ref[:, :]
    h = _bn_relu(h, g_ref, be_ref)
    gids = lax.broadcasted_iota(jnp.int32, (G, N_NODES), 0)
    onehot = (gids == batch_ref[:, :]).astype(jnp.float32)
    sums = jnp.dot(onehot, h, preferred_element_type=jnp.float32)
    counts = jnp.sum(onehot, axis=1, keepdims=True)
    pooled = sums / jnp.maximum(counts, 1.0)
    h3 = jnp.dot(pooled, fc1w_ref[:, :], preferred_element_type=jnp.float32)
    h3 = jnp.maximum(h3 + fc1b_ref[:, :], 0.0)
    logits = jnp.dot(h3, fc2w_ref[:, :], preferred_element_type=jnp.float32)
    logits = logits + fc2b_ref[:, :]
    z = logits - jnp.max(logits, axis=1, keepdims=True)
    e = jnp.exp(z)
    out_ref[:, :] = e / jnp.sum(e, axis=1, keepdims=True)


_stage_c = pl.pallas_call(
    _stage_c_body,
    out_shape=jax.ShapeDtypeStruct((G, D_OUT), jnp.float32),
)


@jax.jit
def kernel(x, edge_index, batch, W1, b1, g1, be1, W2, b2, g2, be2,
           fc1_w, fc1_b, fc2_w, fc2_b):
    src = edge_index[0].astype(jnp.int32)
    dst = edge_index[1].astype(jnp.int32)
    npad = EPAD - N_EDGES
    src2 = jnp.concatenate([src, jnp.zeros((npad,), jnp.int32)])
    src2 = src2.reshape(EPAD // CH, CH)
    dst2 = jnp.concatenate([dst, jnp.full((npad,), N_NODES, jnp.int32)])
    dst2 = dst2.reshape(EPAD // CH, CH)

    degp = _deg_call()(dst2).reshape(2, NPAD, 1)
    xw1, y1, dinv = _stage_a(x, W1, degp)
    acc1 = _scatter_call(SC_C0)(y1, src2, dst2)
    xw2, y2 = _stage_b(acc1, xw1, dinv, b1.reshape(1, D), g1.reshape(1, D),
                       be1.reshape(1, D), W2)
    acc2 = _scatter_call(SC_C0)(y2, src2, dst2)
    out = _stage_c(acc2, xw2, dinv, b2.reshape(1, D), g2.reshape(1, D),
                   be2.reshape(1, D), batch.reshape(1, N_NODES).astype(jnp.int32),
                   fc1_w, fc1_b.reshape(1, D), fc2_w, fc2_b.reshape(1, D_OUT))
    return out

# --- scband reference (transcript-rebuilt; emitter-appended) ---
"""Pipeline reference for scband-actor-gnn-25744033972731 (READ-ONLY COPY).

The authoritative reference and input builder live on the scoring server;
editing this copy changes nothing except your own understanding.
"""

import jax, jax.numpy as jnp
import numpy as np

N_NODES = 10000
N_EDGES = 320000
D_IN = 128
D_HID = 128
D_OUT = 16
N_GRAPHS = 16


def gcn_conv(x, edge_index, W, b, n_nodes):
    # GCNConv: add self-loops, symmetric degree normalization, x @ W, aggregate
    src = edge_index[0]
    dst = edge_index[1]
    loop = jnp.arange(n_nodes, dtype=src.dtype)
    src = jnp.concatenate([src, loop])
    dst = jnp.concatenate([dst, loop])
    deg = jax.ops.segment_sum(jnp.ones_like(dst, dtype=x.dtype), dst, num_segments=n_nodes)
    dinv = jnp.where(deg > 0, 1.0 / jnp.sqrt(deg), 0.0)
    norm = dinv[src] * dinv[dst]
    xw = x @ W
    msg = xw[src] * norm[:, None]
    out = jax.ops.segment_sum(msg, dst, num_segments=n_nodes)
    return out + b


def batch_norm(x, gamma, beta, eps=1e-5):
    mean = jnp.mean(x, axis=0)
    var = jnp.var(x, axis=0)
    return (x - mean) / jnp.sqrt(var + eps) * gamma + beta


def setup_inputs(seed: int = 0) -> dict:
    key = jax.random.key(seed)
    ks = [jax.random.fold_in(key, i) for i in range(16)]
    x = jax.random.normal(ks[0], (N_NODES, D_IN), dtype=jnp.float32)
    edge_index = jax.random.randint(ks[1], (2, N_EDGES), 0, N_NODES, dtype=jnp.int64 if jax.config.jax_enable_x64 else jnp.int32)
    batch = jnp.sort(jax.random.randint(ks[2], (N_NODES,), 0, N_GRAPHS, dtype=jnp.int32))
    W1 = jax.random.normal(ks[3], (D_IN, D_HID), dtype=jnp.float32) * jnp.sqrt(2.0 / D_IN)
    b1 = jnp.zeros((D_HID,), dtype=jnp.float32)
    g1 = jnp.ones((D_HID,), dtype=jnp.float32)
    be1 = jnp.zeros((D_HID,), dtype=jnp.float32)
    W2 = jax.random.normal(ks[4], (D_HID, D_HID), dtype=jnp.float32) * jnp.sqrt(2.0 / D_HID)
    b2 = jnp.zeros((D_HID,), dtype=jnp.float32)
    g2 = jnp.ones((D_HID,), dtype=jnp.float32)
    be2 = jnp.zeros((D_HID,), dtype=jnp.float32)
    fc1_w = jax.random.normal(ks[5], (D_HID, D_HID), dtype=jnp.float32) * jnp.sqrt(2.0 / D_HID)
    fc1_b = jnp.full((D_HID,), 0.001, dtype=jnp.float32)
    fc2_w = jax.random.normal(ks[6], (D_HID, D_OUT), dtype=jnp.float32) * jnp.sqrt(2.0 / D_HID)
    fc2_b = jnp.full((D_OUT,), 0.001, dtype=jnp.float32)
    return {"x": x, "edge_index": edge_index, "batch": batch,
            "W1": W1, "b1": b1, "g1": g1, "be1": be1,
            "W2": W2, "b2": b2, "g2": g2, "be2": be2,
            "fc1_w": fc1_w, "fc1_b": fc1_b, "fc2_w": fc2_w, "fc2_b": fc2_b}


def reference(x, edge_index, batch, W1, b1, g1, be1, W2, b2, g2, be2, fc1_w, fc1_b, fc2_w, fc2_b):
    h = jax.nn.relu(batch_norm(gcn_conv(x, edge_index, W1, b1, N_NODES), g1, be1))
    h = jax.nn.relu(batch_norm(gcn_conv(h, edge_index, W2, b2, N_NODES), g2, be2))
    sums = jax.ops.segment_sum(h, batch, num_segments=N_GRAPHS)
    counts = jax.ops.segment_sum(jnp.ones((h.shape[0],), dtype=h.dtype), batch, num_segments=N_GRAPHS)
    pooled = sums / jnp.maximum(counts, 1.0)[:, None]
    h = jax.nn.relu(pooled @ fc1_w + fc1_b)
    out = jax.nn.softmax(h @ fc2_w + fc2_b, axis=1)
    return out

if __name__ == "__main__":
    import jax
    _d = setup_inputs()
    print(jax.jit(kernel)(*tuple(_d.values())))

</pallas_src>

<mosaic_0001>
#map = affine_map<(d0, d1) -> (0, 0)>
#map1 = affine_map<(d0, d1) -> (0, 0, 0)>
module attributes {stable_mosaic.version = 14 : i64} {
  func.func @_scatter_body(%arg0: i32, %arg1: i32, %arg2: memref<10000x128xf32, #tpu.memory_space<hbm>>, %arg3: memref<2560x128xi32, #tpu.memory_space<hbm>>, %arg4: memref<2560x128xi32, #tpu.memory_space<hbm>>, %arg5: memref<2x10240x128xf32, #tpu.memory_space<hbm>>, %arg6: memref<8x128xi32, #tpu.memory_space<vmem>>, %arg7: memref<8x128xi32, #tpu.memory_space<vmem>>, %arg8: memref<128x128xf32, #tpu.memory_space<vmem>>, %arg9: memref<128x128xf32, #tpu.memory_space<vmem>>, %arg10: memref<10240x128xf32, #tpu.memory_space<vmem_shared>>, %arg11: memref<!tpu.dma_semaphore, #tpu.memory_space<semaphore_mem>>, %arg12: memref<!tpu.dma_semaphore, #tpu.memory_space<semaphore_mem>>) attributes {dimension_semantics = [#tpu.dimension_semantics<core_parallel>, #tpu.dimension_semantics<subcore_parallel>], iteration_bounds = array<i64: 2, 16>, scalar_prefetch = 0 : i64, scratch_operands = 7 : i64, tpu.core_type = #tpu.core_type<sc_vector_subcore>, window_params = [{transform_indices = #map}, {transform_indices = #map}, {transform_indices = #map}, {transform_indices = #map1}]} {
    %scan3A = arith.constant 0 : i32
    %scan3A_0 = arith.constant 0 : i32
    %scan3A_1 = arith.constant 128 : i32
    %scan3A_2 = arith.addi %scan3A_0, %scan3A_1 : i32
    %scan3A_3 = arith.constant 1 : i32
    %scan3A_4 = scf.for %scan3A_36 = %scan3A_0 to %scan3A_2 step %scan3A_3 iter_args(%scan3A_37 = %scan3A) -> (i32)  : i32 {
      %broadcast_in_dim3A = arith.constant 0.000000e+00 : f32
      %broadcast_in_dim3A_38 = vector.broadcast %broadcast_in_dim3A : f32 to vector<16xf32>
      %swap3A = arith.index_cast %scan3A_36 : i32 to index
      %swap3A_39 = arith.constant 0 : index
      %swap3A_40 = tpu.vector_load %arg8[%swap3A, %swap3A_39] {strides = array<i32>} : memref<128x128xf32, #tpu.memory_space<vmem>>, vector<1x16xf32>,
      %swap3A_41 = vector.shape_cast %swap3A_40 : vector<1x16xf32> to vector<16xf32>
      %swap3A_42 = vector.shape_cast %broadcast_in_dim3A_38 : vector<16xf32> to vector<1x16xf32>
      tpu.vector_store %arg8[%swap3A, %swap3A_39], %swap3A_42 {strides = array<i32>} : memref<128x128xf32, #tpu.memory_space<vmem>>, vector<1x16xf32>,
      %broadcast_in_dim3A_43 = arith.constant 0.000000e+00 : f32
      %broadcast_in_dim3A_44 = vector.broadcast %broadcast_in_dim3A_43 : f32 to vector<16xf32>
      %swap3A_45 = arith.index_cast %scan3A_36 : i32 to index
      %swap3A_46 = arith.constant 16 : index
      %swap3A_47 = tpu.vector_load %arg8[%swap3A_45, %swap3A_46] {strides = array<i32>} : memref<128x128xf32, #tpu.memory_space<vmem>>, vector<1x16xf32>,
      %swap3A_48 = vector.shape_cast %swap3A_47 : vector<1x16xf32> to vector<16xf32>
      %swap3A_49 = vector.shape_cast %broadcast_in_dim3A_44 : vector<16xf32> to vector<1x16xf32>
      tpu.vector_store %arg8[%swap3A_45, %swap3A_46], %swap3A_49 {strides = array<i32>} : memref<128x128xf32, #tpu.memory_space<vmem>>, vector<1x16xf32>,
      %broadcast_in_dim3A_50 = arith.constant 0.000000e+00 : f32
      %broadcast_in_dim3A_51 = vector.broadcast %broadcast_in_dim3A_50 : f32 to vector<16xf32>
      %swap3A_52 = arith.index_cast %scan3A_36 : i32 to index
      %swap3A_53 = arith.constant 32 : index
      %swap3A_54 = tpu.vector_load %arg8[%swap3A_52, %swap3A_53] {strides = array<i32>} : memref<128x128xf32, #tpu.memory_space<vmem>>, vector<1x16xf32>,
      %swap3A_55 = vector.shape_cast %swap3A_54 : vector<1x16xf32> to vector<16xf32>
      %swap3A_56 = vector.shape_cast %broadcast_in_dim3A_51 : vector<16xf32> to vector<1x16xf32>
      tpu.vector_store %arg8[%swap3A_52, %swap3A_53], %swap3A_56 {strides = array<i32>} : memref<128x128xf32, #tpu.memory_space<vmem>>, vector<1x16xf32>,
      %broadcast_in_dim3A_57 = arith.constant 0.000000e+00 : f32
      %broadcast_in_dim3A_58 = vector.broadcast %broadcast_in_dim3A_57 : f32 to vector<16xf32>
      %swap3A_59 = arith.index_cast %scan3A_36 : i32 to index
      %swap3A_60 = arith.constant 48 : index
      %swap3A_61 = tpu.vector_load %arg8[%swap3A_59, %swap3A_60] {strides = array<i32>} : memref<128x128xf32, #tpu.memory_space<vmem>>, vector<1x16xf32>,
      %swap3A_62 = vector.shape_cast %swap3A_61 : vector<1x16xf32> to vector<16xf32>
      %swap3A_63 = vector.shape_cast %broadcast_in_dim3A_58 : vector<16xf32> to vector<1x16xf32>
      tpu.vector_store %arg8[%swap3A_59, %swap3A_60], %swap3A_63 {strides = array<i32>} : memref<128x128xf32, #tpu.memory_space<vmem>>, vector<1x16xf32>,
      %broadcast_in_dim3A_64 = arith.constant 0.000000e+00 : f32
      %broadcast_in_dim3A_65 = vector.broadcast %broadcast_in_dim3A_64 : f32 to vector<16xf32>
      %swap3A_66 = arith.index_cast %scan3A_36 : i32 to index
      %swap3A_67 = arith.constant 64 : index
      %swap3A_68 = tpu.vector_load %arg8[%swap3A_66, %swap3A_67] {strides = array<i32>} : memref<128x128xf32, #tpu.memory_space<vmem>>, vector<1x16xf32>,
      %swap3A_69 = vector.shape_cast %swap3A_68 : vector<1x16xf32> to vector<16xf32>
      %swap3A_70 = vector.shape_cast %broadcast_in_dim3A_65 : vector<16xf32> to vector<1x16xf32>
      tpu.vector_store %arg8[%swap3A_66, %swap3A_67], %swap3A_70 {strides = array<i32>} : memref<128x128xf32, #tpu.memory_space<vmem>>, vector<1x16xf32>,
      %broadcast_in_dim3A_71 = arith.constant 0.000000e+00 : f32
      %broadcast_in_dim3A_72 = vector.broadcast %broadcast_in_dim3A_71 : f32 to vector<16xf32>
      %swap3A_73 = arith.index_cast %scan3A_36 : i32 to index
      %swap3A_74 = arith.constant 80 : index
      %swap3A_75 = tpu.vector_load %arg8[%swap3A_73, %swap3A_74] {strides = array<i32>} : memref<128x128xf32, #tpu.memory_space<vmem>>, vector<1x16xf32>,
      %swap3A_76 = vector.shape_cast %swap3A_75 : vector<1x16xf32> to vector<16xf32>
      %swap3A_77 = vector.shape_cast %broadcast_in_dim3A_72 : vector<16xf32> to vector<1x16xf32>
      tpu.vector_store %arg8[%swap3A_73, %swap3A_74], %swap3A_77 {strides = array<i32>} : memref<128x128xf32, #tpu.memory_space<vmem>>, vector<1x16xf32>,
      %broadcast_in_dim3A_78 = arith.constant 0.000000e+00 : f32
      %broadcast_in_dim3A_79 = vector.broadcast %broadcast_in_dim3A_78 : f32 to vector<16xf32>
      %swap3A_80 = arith.index_cast %scan3A_36 : i32 to index
      %swap3A_81 = arith.constant 96 : index
      %swap3A_82 = tpu.vector_load %arg8[%swap3A_80, %swap3A_81] {strides = array<i32>} : memref<128x128xf32, #tpu.memory_space<vmem>>, vector<1x16xf32>,
      %swap3A_83 = vector.shape_cast %swap3A_82 : vector<1x16xf32> to vector<16xf32>
      %swap3A_84 = vector.shape_cast %broadcast_in_dim3A_79 : vector<16xf32> to vector<1x16xf32>
      tpu.vector_store %arg8[%swap3A_80, %swap3A_81], %swap3A_84 {strides = array<i32>} : memref<128x128xf32, #tpu.memory_space<vmem>>, vector<1x16xf32>,
      %broadcast_in_dim3A_85 = arith.constant 0.000000e+00 : f32
      %broadcast_in_dim3A_86 = vector.broadcast %broadcast_in_dim3A_85 : f32 to vector<16xf32>
      %swap3A_87 = arith.index_cast %scan3A_36 : i32 to index
      %swap3A_88 = arith.constant 112 : index
      %swap3A_89 = tpu.vector_load %arg8[%swap3A_87, %swap3A_88] {strides = array<i32>} : memref<128x128xf32, #tpu.memory_space<vmem>>, vector<1x16xf32>,
      %swap3A_90 = vector.shape_cast %swap3A_89 : vector<1x16xf32> to vector<16xf32>
      %swap3A_91 = vector.shape_cast %broadcast_in_dim3A_86 : vector<16xf32> to vector<1x16xf32>
      tpu.vector_store %arg8[%swap3A_87, %swap3A_88], %swap3A_91 {strides = array<i32>} : memref<128x128xf32, #tpu.memory_space<vmem>>, vector<1x16xf32>,
      %scan3A_92 = arith.constant 0 : i32
      scf.yield %scan3A_92 : i32
    }
    %scan3A_5 = arith.constant 128 : i32
    %mul3A = arith.constant 640 : i32
    %mul3A_6 = arith.muli %arg1, %mul3A : i32
    %add3A = arith.constant 0 : i32
    %add3A_7 = arith.addi %mul3A_6, %add3A : i32
    "tpu.region"() ({
      %run_scoped3A = tpu.sem_alloc : memref<!tpu.dma_semaphore, #tpu.memory_space<semaphore_mem>>
      %dma_start3A = arith.constant 0 : i32
      %dma_start3A_36 = tpu.memref_slice %arg10[%add3A_7, %dma_start3A] : memref<10240x128xf32, #tpu.memory_space<vmem_shared>> -> memref<128x128xf32, #tpu.memory_space<vmem_shared>>
      %dma_start3A_37 = arith.constant 0 : i32
      %dma_start3A_38 = tpu.memref_slice %arg10[%add3A_7, %dma_start3A_37] : memref<10240x128xf32, #tpu.memory_space<vmem_shared>> -> memref<128x128xf32, #tpu.memory_space<vmem_shared>>
      tpu.enqueue_dma source(%arg8 : memref<128x128xf32, #tpu.memory_space<vmem>>) target(%dma_start3A_38 : memref<128x128xf32, #tpu.memory_space<vmem_shared>>) target_semaphore(%run_scoped3A : memref<!tpu.dma_semaphore, #tpu.memory_space<semaphore_mem>>)
      %dma_wait3A = arith.constant 0 : i32
      %dma_wait3A_39 = tpu.memref_slice %arg10[%add3A_7, %dma_wait3A] : memref<10240x128xf32, #tpu.memory_space<vmem_shared>> -> memref<128x128xf32, #tpu.memory_space<vmem_shared>>
      %dma_wait3A_40 = arith.constant 0 : i32
      %dma_wait3A_41 = tpu.memref_slice %arg10[%add3A_7, %dma_wait3A_40] : memref<10240x128xf32, #tpu.memory_space<vmem_shared>> -> memref<128x128xf32, #tpu.memory_space<vmem_shared>>
      tpu.wait_dma2 semaphore(%run_scoped3A : memref<!tpu.dma_semaphore, #tpu.memory_space<semaphore_mem>>) src(%arg8 : memref<128x128xf32, #tpu.memory_space<vmem>>) dst(%dma_wait3A_41 : memref<128x128xf32, #tpu.memory_space<vmem_shared>>)
      tpu.yield
    }) : () -> ()
    %mul3A_8 = arith.constant 640 : i32
    %mul3A_9 = arith.muli %arg1, %mul3A_8 : i32
    %add3A_10 = arith.constant 128 : i32
    %add3A_11 = arith.addi %mul3A_9, %add3A_10 : i32
    "tpu.region"() ({
      %run_scoped3A = tpu.sem_alloc : memref<!tpu.dma_semaphore, #tpu.memory_space<semaphore_mem>>
      %dma_start3A = arith.constant 0 : i32
      %dma_start3A_36 = tpu.memref_slice %arg10[%add3A_11, %dma_start3A] : memref<10240x128xf32, #tpu.memory_space<vmem_shared>> -> memref<128x128xf32, #tpu.memory_space<vmem_shared>>
      %dma_start3A_37 = arith.constant 0 : i32
      %dma_start3A_38 = tpu.memref_slice %arg10[%add3A_11, %dma_start3A_37] : memref<10240x128xf32, #tpu.memory_space<vmem_shared>> -> memref<128x128xf32, #tpu.memory_space<vmem_shared>>
      tpu.enqueue_dma source(%arg8 : memref<128x128xf32, #tpu.memory_space<vmem>>) target(%dma_start3A_38 : memref<128x128xf32, #tpu.memory_space<vmem_shared>>) target_semaphore(%run_scoped3A : memref<!tpu.dma_semaphore, #tpu.memory_space<semaphore_mem>>)
      %dma_wait3A = arith.constant 0 : i32
      %dma_wait3A_39 = tpu.memref_slice %arg10[%add3A_11, %dma_wait3A] : memref<10240x128xf32, #tpu.memory_space<vmem_shared>> -> memref<128x128xf32, #tpu.memory_space<vmem_shared>>
      %dma_wait3A_40 = arith.constant 0 : i32
      %dma_wait3A_41 = tpu.memref_slice %arg10[%add3A_11, %dma_wait3A_40] : memref<10240x128xf32, #tpu.memory_space<vmem_shared>> -> memref<128x128xf32, #tpu.memory_space<vmem_shared>>
      tpu.wait_dma2 semaphore(%run_scoped3A : memref<!tpu.dma_semaphore, #tpu.memory_space<semaphore_mem>>) src(%arg8 : memref<128x128xf32, #tpu.memory_space<vmem>>) dst(%dma_wait3A_41 : memref<128x128xf32, #tpu.memory_space<vmem_shared>>)
      tpu.yield
    }) : () -> ()
    %mul3A_12 = arith.constant 640 : i32
    %mul3A_13 = arith.muli %arg1, %mul3A_12 : i32
    %add3A_14 = arith.constant 256 : i32
    %add3A_15 = arith.addi %mul3A_13, %add3A_14 : i32
    "tpu.region"() ({
      %run_scoped3A = tpu.sem_alloc : memref<!tpu.dma_semaphore, #tpu.memory_space<semaphore_mem>>
      %dma_start3A = arith.constant 0 : i32
      %dma_start3A_36 = tpu.memref_slice %arg10[%add3A_15, %dma_start3A] : memref<10240x128xf32, #tpu.memory_space<vmem_shared>> -> memref<128x128xf32, #tpu.memory_space<vmem_shared>>
      %dma_start3A_37 = arith.constant 0 : i32
      %dma_start3A_38 = tpu.memref_slice %arg10[%add3A_15, %dma_start3A_37] : memref<10240x128xf32, #tpu.memory_space<vmem_shared>> -> memref<128x128xf32, #tpu.memory_space<vmem_shared>>
      tpu.enqueue_dma source(%arg8 : memref<128x128xf32, #tpu.memory_space<vmem>>) target(%dma_start3A_38 : memref<128x128xf32, #tpu.memory_space<vmem_shared>>) target_semaphore(%run_scoped3A : memref<!tpu.dma_semaphore, #tpu.memory_space<semaphore_mem>>)
      %dma_wait3A = arith.constant 0 : i32
      %dma_wait3A_39 = tpu.memref_slice %arg10[%add3A_15, %dma_wait3A] : memref<10240x128xf32, #tpu.memory_space<vmem_shared>> -> memref<128x128xf32, #tpu.memory_space<vmem_shared>>
      %dma_wait3A_40 = arith.constant 0 : i32
      %dma_wait3A_41 = tpu.memref_slice %arg10[%add3A_15, %dma_wait3A_40] : memref<10240x128xf32, #tpu.memory_space<vmem_shared>> -> memref<128x128xf32, #tpu.memory_space<vmem_shared>>
      tpu.wait_dma2 semaphore(%run_scoped3A : memref<!tpu.dma_semaphore, #tpu.memory_space<semaphore_mem>>) src(%arg8 : memref<128x128xf32, #tpu.memory_space<vmem>>) dst(%dma_wait3A_41 : memref<128x128xf32, #tpu.memory_space<vmem_shared>>)
      tpu.yield
    }) : () -> ()
    %mul3A_16 = arith.constant 640 : i32
    %mul3A_17 = arith.muli %arg1, %mul3A_16 : i32
    %add3A_18 = arith.constant 384 : i32
    %add3A_19 = arith.addi %mul3A_17, %add3A_18 : i32
    "tpu.region"() ({
      %run_scoped3A = tpu.sem_alloc : memref<!tpu.dma_semaphore, #tpu.memory_space<semaphore_mem>>
      %dma_start3A = arith.constant 0 : i32
      %dma_start3A_36 = tpu.memref_slice %arg10[%add3A_19, %dma_start3A] : memref<10240x128xf32, #tpu.memory_space<vmem_shared>> -> memref<128x128xf32, #tpu.memory_space<vmem_shared>>
      %dma_start3A_37 = arith.constant 0 : i32
      %dma_start3A_38 = tpu.memref_slice %arg10[%add3A_19, %dma_start3A_37] : memref<10240x128xf32, #tpu.memory_space<vmem_shared>> -> memref<128x128xf32, #tpu.memory_space<vmem_shared>>
      tpu.enqueue_dma source(%arg8 : memref<128x128xf32, #tpu.memory_space<vmem>>) target(%dma_start3A_38 : memref<128x128xf32, #tpu.memory_space<vmem_shared>>) target_semaphore(%run_scoped3A : memref<!tpu.dma_semaphore, #tpu.memory_space<semaphore_mem>>)
      %dma_wait3A = arith.constant 0 : i32
      %dma_wait3A_39 = tpu.memref_slice %arg10[%add3A_19, %dma_wait3A] : memref<10240x128xf32, #tpu.memory_space<vmem_shared>> -> memref<128x128xf32, #tpu.memory_space<vmem_shared>>
      %dma_wait3A_40 = arith.constant 0 : i32
      %dma_wait3A_41 = tpu.memref_slice %arg10[%add3A_19, %dma_wait3A_40] : memref<10240x128xf32, #tpu.memory_space<vmem_shared>> -> memref<128x128xf32, #tpu.memory_space<vmem_shared>>
      tpu.wait_dma2 semaphore(%run_scoped3A : memref<!tpu.dma_semaphore, #tpu.memory_space<semaphore_mem>>) src(%arg8 : memref<128x128xf32, #tpu.memory_space<vmem>>) dst(%dma_wait3A_41 : memref<128x128xf32, #tpu.memory_space<vmem_shared>>)
      tpu.yield
    }) : () -> ()
    %mul3A_20 = arith.constant 640 : i32
    %mul3A_21 = arith.muli %arg1, %mul3A_20 : i32
    %add3A_22 = arith.constant 512 : i32
    %add3A_23 = arith.addi %mul3A_21, %add3A_22 : i32
    "tpu.region"() ({
      %run_scoped3A = tpu.sem_alloc : memref<!tpu.dma_semaphore, #tpu.memory_space<semaphore_mem>>
      %dma_start3A = arith.constant 0 : i32
      %dma_start3A_36 = tpu.memref_slice %arg10[%add3A_23, %dma_start3A] : memref<10240x128xf32, #tpu.memory_space<vmem_shared>> -> memref<128x128xf32, #tpu.memory_space<vmem_shared>>
      %dma_start3A_37 = arith.constant 0 : i32
      %dma_start3A_38 = tpu.memref_slice %arg10[%add3A_23, %dma_start3A_37] : memref<10240x128xf32, #tpu.memory_space<vmem_shared>> -> memref<128x128xf32, #tpu.memory_space<vmem_shared>>
      tpu.enqueue_dma source(%arg8 : memref<128x128xf32, #tpu.memory_space<vmem>>) target(%dma_start3A_38 : memref<128x128xf32, #tpu.memory_space<vmem_shared>>) target_semaphore(%run_scoped3A : memref<!tpu.dma_semaphore, #tpu.memory_space<semaphore_mem>>)
      %dma_wait3A = arith.constant 0 : i32
      %dma_wait3A_39 = tpu.memref_slice %arg10[%add3A_23, %dma_wait3A] : memref<10240x128xf32, #tpu.memory_space<vmem_shared>> -> memref<128x128xf32, #tpu.memory_space<vmem_shared>>
      %dma_wait3A_40 = arith.constant 0 : i32
      %dma_wait3A_41 = tpu.memref_slice %arg10[%add3A_23, %dma_wait3A_40] : memref<10240x128xf32, #tpu.memory_space<vmem_shared>> -> memref<128x128xf32, #tpu.memory_space<vmem_shared>>
      tpu.wait_dma2 semaphore(%run_scoped3A : memref<!tpu.dma_semaphore, #tpu.memory_space<semaphore_mem>>) src(%arg8 : memref<128x128xf32, #tpu.memory_space<vmem>>) dst(%dma_wait3A_41 : memref<128x128xf32, #tpu.memory_space<vmem_shared>>)
      tpu.yield
    }) : () -> ()
    %barrier3A = arith.constant 0 : index
    tpu.barrier barrier_id(%barrier3A)
    %eq3A = arith.constant 0 : i32
    %eq3A_24 = arith.cmpi eq, %arg0, %eq3A : i32
    %convert_element_type3A = arith.extui %eq3A_24 : i1 to i32
    %cond3A = arith.constant 0 : i32
    %cond3A_25 = arith.cmpi ne, %convert_element_type3A, %cond3A : i32
    scf.if %cond3A_25 {
      %mul3A_36 = arith.constant 144 : i32
      %mul3A_37 = arith.muli %arg1, %mul3A_36 : i32
      %scan3A_38 = arith.constant 0 : i32
      %scan3A_39 = arith.constant 18 : i32
      %scan3A_40 = arith.addi %scan3A_38, %scan3A_39 : i32
      %scan3A_41 = arith.constant 1 : i32
      scf.for %scan3A_43 = %scan3A_38 to %scan3A_40 step %scan3A_41  : i32 {
        %mul3A_44 = arith.constant 8 : i32
        %mul3A_45 = arith.muli %scan3A_43, %mul3A_44 : i32
        %add3A_46 = arith.addi %mul3A_37, %mul3A_45 : i32
        "tpu.region"() ({
          %run_scoped3A_164 = tpu.sem_alloc : memref<!tpu.dma_semaphore, #tpu.memory_space<semaphore_mem>>
          %dma_start3A_165 = arith.constant 0 : i32
          %dma_start3A_166 = tpu.memref_slice %arg3[%add3A_46, %dma_start3A_165] : memref<2560x128xi32, #tpu.memory_space<hbm>> -> memref<8x128xi32, #tpu.memory_space<hbm>>
          %dma_start3A_167 = arith.constant 0 : i32
          %dma_start3A_168 = tpu.memref_slice %arg3[%add3A_46, %dma_start3A_167] : memref<2560x128xi32, #tpu.memory_space<hbm>> -> memref<8x128xi32, #tpu.memory_space<hbm>>
          tpu.enqueue_dma source(%dma_start3A_168 : memref<8x128xi32, #tpu.memory_space<hbm>>) target(%arg6 : memref<8x128xi32, #tpu.memory_space<vmem>>) target_semaphore(%run_scoped3A_164 : memref<!tpu.dma_semaphore, #tpu.memory_space<semaphore_mem>>)
          %dma_wait3A_169 = arith.constant 0 : i32
          %dma_wait3A_170 = tpu.memref_slice %arg3[%add3A_46, %dma_wait3A_169] : memref<2560x128xi32, #tpu.memory_space<hbm>> -> memref<8x128xi32, #tpu.memory_space<hbm>>
          %dma_wait3A_171 = arith.constant 0 : i32
          %dma_wait3A_172 = tpu.memref_slice %arg3[%add3A_46, %dma_wait3A_171] : memref<2560x128xi32, #tpu.memory_space<hbm>> -> memref<8x128xi32, #tpu.memory_space<hbm>>
          tpu.wait_dma2 semaphore(%run_scoped3A_164 : memref<!tpu.dma_semaphore, #tpu.memory_space<semaphore_mem>>) src(%dma_wait3A_172 : memref<8x128xi32, #tpu.memory_space<hbm>>) dst(%arg6 : memref<8x128xi32, #tpu.memory_space<vmem>>)
          tpu.yield
        }) : () -> ()
        "tpu.region"() ({
          %run_scoped3A_164 = tpu.sem_alloc : memref<!tpu.dma_semaphore, #tpu.memory_space<semaphore_mem>>
          %dma_start3A_165 = arith.constant 0 : i32
          %dma_start3A_166 = tpu.memref_slice %arg4[%add3A_46, %dma_start3A_165] : memref<2560x128xi32, #tpu.memory_space<hbm>> -> memref<8x128xi32, #tpu.memory_space<hbm>>
          %dma_start3A_167 = arith.constant 0 : i32
          %dma_start3A_168 = tpu.memref_slice %arg4[%add3A_46, %dma_start3A_167] : memref<2560x128xi32, #tpu.memory_space<hbm>> -> memref<8x128xi32, #tpu.memory_space<hbm>>
          tpu.enqueue_dma source(%dma_start3A_168 : memref<8x128xi32, #tpu.memory_space<hbm>>) target(%arg7 : memref<8x128xi32, #tpu.memory_space<vmem>>) target_semaphore(%run_scoped3A_164 : memref<!tpu.dma_semaphore, #tpu.memory_space<semaphore_mem>>)
          %dma_wait3A_169 = arith.constant 0 : i32
          %dma_wait3A_170 = tpu.memref_slice %arg4[%add3A_46, %dma_wait3A_169] : memref<2560x128xi32, #tpu.memory_space<hbm>> -> memref<8x128xi32, #tpu.memory_space<hbm>>
          %dma_wait3A_171 = arith.constant 0 : i32
          %dma_wait3A_172 = tpu.memref_slice %arg4[%add3A_46, %dma_wait3A_171] : memref<2560x128xi32, #tpu.memory_space<hbm>> -> memref<8x128xi32, #tpu.memory_space<hbm>>
          tpu.wait_dma2 semaphore(%run_scoped3A_164 : memref<!tpu.dma_semaphore, #tpu.memory_space<semaphore_mem>>) src(%dma_wait3A_172 : memref<8x128xi32, #tpu.memory_space<hbm>>) dst(%arg7 : memref<8x128xi32, #tpu.memory_space<vmem>>)
          tpu.yield
        }) : () -> ()
        %dma_start3A = arith.constant 0 : i32
        %dma_start3A_47 = arith.constant 0 : i32
        %dma_start3A_48 = tpu.memref_slice %arg6[%dma_start3A, %dma_start3A_47] : memref<8x128xi32, #tpu.memory_space<vmem>> -> memref<1x128xi32, #tpu.memory_space<vmem>>
        %dma_start3A_49 = tpu.memref_squeeze %dma_start3A_48 : memref<1x128xi32, #tpu.memory_space<vmem>> -> memref<128xi32, #tpu.memory_space<vmem>>
        %dma_start3A_50 = arith.constant 0 : i32
        %dma_start3A_51 = arith.constant 0 : i32
        %dma_start3A_52 = tpu.memref_slice %arg2[%dma_start3A_50, %dma_start3A_51] : memref<10000x128xf32, #tpu.memory_space<hbm>> -> memref<10000x128xf32, #tpu.memory_space<hbm>>
        tpu.enqueue_indirect_dma source(%dma_start3A_52 : memref<10000x128xf32, #tpu.memory_space<hbm>>) target(%arg8 : memref<128x128xf32, #tpu.memory_space<vmem>>) offsets(%dma_start3A_49 : memref<128xi32, #tpu.memory_space<vmem>>) semaphore(%arg11 : memref<!tpu.dma_semaphore, #tpu.memory_space<semaphore_mem>>)
        %dma_wait3A = arith.constant 0 : i32
        %dma_wait3A_53 = arith.constant 0 : i32
        %dma_wait3A_54 = tpu.memref_slice %arg6[%dma_wait3A, %dma_wait3A_53] : memref<8x128xi32, #tpu.memory_space<vmem>> -> memref<1x128xi32, #tpu.memory_space<vmem>>
        %dma_wait3A_55 = tpu.memref_squeeze %dma_wait3A_54 : memref<1x128xi32, #tpu.memory_space<vmem>> -> memref<128xi32, #tpu.memory_space<vmem>>
        %dma_wait3A_56 = arith.constant 0 : i32
        %dma_wait3A_57 = arith.constant 0 : i32
        %dma_wait3A_58 = tpu.memref_slice %arg2[%dma_wait3A_56, %dma_wait3A_57] : memref<10000x128xf32, #tpu.memory_space<hbm>> -> memref<10000x128xf32, #tpu.memory_space<hbm>>
        tpu.wait_indirect_dma semaphore(%arg11 : memref<!tpu.dma_semaphore, #tpu.memory_space<semaphore_mem>>) src(%dma_wait3A_58 : memref<10000x128xf32, #tpu.memory_space<hbm>>) dst(%arg8 : memref<128x128xf32, #tpu.memory_space<vmem>>)
        %dma_start3A_59 = arith.constant 1 : i32
        %dma_start3A_60 = arith.constant 0 : i32
        %dma_start3A_61 = tpu.memref_slice %arg6[%dma_start3A_59, %dma_start3A_60] : memref<8x128xi32, #tpu.memory_space<vmem>> -> memref<1x128xi32, #tpu.memory_space<vmem>>
        %dma_start3A_62 = tpu.memref_squeeze %dma_start3A_61 : memref<1x128xi32, #tpu.memory_space<vmem>> -> memref<128xi32, #tpu.memory_space<vmem>>
        %dma_start3A_63 = arith.constant 0 : i32
        %dma_start3A_64 = arith.constant 0 : i32
        %dma_start3A_65 = tpu.memref_slice %arg2[%dma_start3A_63, %dma_start3A_64] : memref<10000x128xf32, #tpu.memory_space<hbm>> -> memref<10000x128xf32, #tpu.memory_space<hbm>>
        tpu.enqueue_indirect_dma source(%dma_start3A_65 : memref<10000x128xf32, #tpu.memory_space<hbm>>) target(%arg9 : memref<128x128xf32, #tpu.memory_space<vmem>>) offsets(%dma_start3A_62 : memref<128xi32, #tpu.memory_space<vmem>>) semaphore(%arg12 : memref<!tpu.dma_semaphore, #tpu.memory_space<semaphore_mem>>)
        %run_scoped3A = arith.constant 0 : i32
        "tpu.region"() ({
          %run_scoped3A_164 = tpu.sem_alloc : memref<!tpu.dma_semaphore, #tpu.memory_space<semaphore_mem>>
          %dma_start3A_165 = arith.constant 0 : i32
          %dma_start3A_166 = tpu.memref_slice %arg7[%run_scoped3A, %dma_start3A_165] : memref<8x128xi32, #tpu.memory_space<vmem>> -> memref<1x128xi32, #tpu.memory_space<vmem>>
          %dma_start3A_167 = tpu.memref_squeeze %dma_start3A_166 : memref<1x128xi32, #tpu.memory_space<vmem>> -> memref<128xi32, #tpu.memory_space<vmem>>
          %dma_start3A_168 = arith.constant 0 : i32
          %dma_start3A_169 = arith.constant 0 : i32
          %dma_start3A_170 = tpu.memref_slice %arg10[%dma_start3A_168, %dma_start3A_169] : memref<10240x128xf32, #tpu.memory_space<vmem_shared>> -> memref<10240x128xf32, #tpu.memory_space<vmem_shared>>
          tpu.enqueue_indirect_dma source(%arg8 : memref<128x128xf32, #tpu.memory_space<vmem>>) target(%dma_start3A_170 : memref<10240x128xf32, #tpu.memory_space<vmem_shared>>) offsets(%dma_start3A_167 : memref<128xi32, #tpu.memory_space<vmem>>) semaphore(%run_scoped3A_164 : memref<!tpu.dma_semaphore, #tpu.memory_space<semaphore_mem>>) {add = true}
          %dma_wait3A_171 = arith.constant 0 : i32
          %dma_wait3A_172 = tpu.memref_slice %arg7[%run_scoped3A, %dma_wait3A_171] : memref<8x128xi32, #tpu.memory_space<vmem>> -> memref<1x128xi32, #tpu.memory_space<vmem>>
          %dma_wait3A_173 = tpu.memref_squeeze %dma_wait3A_172 : memref<1x128xi32, #tpu.memory_space<vmem>> -> memref<128xi32, #tpu.memory_space<vmem>>
          %dma_wait3A_174 = arith.constant 0 : i32
          %dma_wait3A_175 = arith.constant 0 : i32
          %dma_wait3A_176 = tpu.memref_slice %arg10[%dma_wait3A_174, %dma_wait3A_175] : memref<10240x128xf32, #tpu.memory_space<vmem_shared>> -> memref<10240x128xf32, #tpu.memory_space<vmem_shared>>
          tpu.wait_indirect_dma semaphore(%run_scoped3A_164 : memref<!tpu.dma_semaphore, #tpu.memory_space<semaphore_mem>>) src(%arg8 : memref<128x128xf32, #tpu.memory_space<vmem>>) dst(%dma_wait3A_176 : memref<10240x128xf32, #tpu.memory_space<vmem_shared>>)
          tpu.yield
        }) : () -> ()
        %dma_wait3A_66 = arith.constant 1 : i32
        %dma_wait3A_67 = arith.constant 0 : i32
        %dma_wait3A_68 = tpu.memref_slice %arg6[%dma_wait3A_66, %dma_wait3A_67] : memref<8x128xi32, #tpu.memory_space<vmem>> -> memref<1x128xi32, #tpu.memory_space<vmem>>
        %dma_wait3A_69 = tpu.memref_squeeze %dma_wait3A_68 : memref<1x128xi32, #tpu.memory_space<vmem>> -> memref<128xi32, #tpu.memory_space<vmem>>
        %dma_wait3A_70 = arith.constant 0 : i32
        %dma_wait3A_71 = arith.constant 0 : i32
        %dma_wait3A_72 = tpu.memref_slice %arg2[%dma_wait3A_70, %dma_wait3A_71] : memref<10000x128xf32, #tpu.memory_space<hbm>> -> memref<10000x128xf32, #tpu.memory_space<hbm>>
        tpu.wait_indirect_dma semaphore(%arg12 : memref<!tpu.dma_semaphore, #tpu.memory_space<semaphore_mem>>) src(%dma_wait3A_72 : memref<10000x128xf32, #tpu.memory_space<hbm>>) dst(%arg9 : memref<128x128xf32, #tpu.memory_space<vmem>>)
        %dma_start3A_73 = arith.constant 2 : i32
        %dma_start3A_74 = arith.constant 0 : i32
        %dma_start3A_75 = tpu.memref_slice %arg6[%dma_start3A_73, %dma_start3A_74] : memref<8x128xi32, #tpu.memory_space<vmem>> -> memref<1x128xi32, #tpu.memory_space<vmem>>
        %dma_start3A_76 = tpu.memref_squeeze %dma_start3A_75 : memref<1x128xi32, #tpu.memory_space<vmem>> -> memref<128xi32, #tpu.memory_space<vmem>>
        %dma_start3A_77 = arith.constant 0 : i32
        %dma_start3A_78 = arith.constant 0 : i32
        %dma_start3A_79 = tpu.memref_slice %arg2[%dma_start3A_77, %dma_start3A_78] : memref<10000x128xf32, #tpu.memory_space<hbm>> -> memref<10000x128xf32, #tpu.memory_space<hbm>>
        tpu.enqueue_indirect_dma source(%dma_start3A_79 : memref<10000x128xf32, #tpu.memory_space<hbm>>) target(%arg8 : memref<128x128xf32, #tpu.memory_space<vmem>>) offsets(%dma_start3A_76 : memref<128xi32, #tpu.memory_space<vmem>>) semaphore(%arg11 : memref<!tpu.dma_semaphore, #tpu.memory_space<semaphore_mem>>)
        %run_scoped3A_80 = arith.constant 1 : i32
        "tpu.region"() ({
          %run_scoped3A_164 = tpu.sem_alloc : memref<!tpu.dma_semaphore, #tpu.memory_space<semaphore_mem>>
          %dma_start3A_165 = arith.constant 0 : i32
          %dma_start3A_166 = tpu.memref_slice %arg7[%run_scoped3A_80, %dma_start3A_165] : memref<8x128xi32, #tpu.memory_space<vmem>> -> memref<1x128xi32, #tpu.memory_space<vmem>>
          %dma_start3A_167 = tpu.memref_squeeze %dma_start3A_166 : memref<1x128xi32, #tpu.memory_space<vmem>> -> memref<128xi32, #tpu.memory_space<vmem>>
          %dma_start3A_168 = arith.constant 0 : i32
          %dma_start3A_169 = arith.constant 0 : i32
          %dma_start3A_170 = tpu.memref_slice %arg10[%dma_start3A_168, %dma_start3A_169] : memref<10240x128xf32, #tpu.memory_space<vmem_shared>> -> memref<10240x128xf32, #tpu.memory_space<vmem_shared>>
          tpu.enqueue_indirect_dma source(%arg9 : memref<128x128xf32, #tpu.memory_space<vmem>>) target(%dma_start3A_170 : memref<10240x128xf32, #tpu.memory_space<vmem_shared>>) offsets(%dma_start3A_167 : memref<128xi32, #tpu.memory_space<vmem>>) semaphore(%run_scoped3A_164 : memref<!tpu.dma_semaphore, #tpu.memory_space<semaphore_mem>>) {add = true}
          %dma_wait3A_171 = arith.constant 0 : i32
          %dma_wait3A_172 = tpu.memref_slice %arg7[%run_scoped3A_80, %dma_wait3A_171] : memref<8x128xi32, #tpu.memory_space<vmem>> -> memref<1x128xi32, #tpu.memory_space<vmem>>
          %dma_wait3A_173 = tpu.memref_squeeze %dma_wait3A_172 : memref<1x128xi32, #tpu.memory_space<vmem>> -> memref<128xi32, #tpu.memory_space<vmem>>
          %dma_wait3A_174 = arith.constant 0 : i32
          %dma_wait3A_175 = arith.constant 0 : i32
          %dma_wait3A_176 = tpu.memref_slice %arg10[%dma_wait3A_174, %dma_wait3A_175] : memref<10240x128xf32, #tpu.memory_space<vmem_shared>> -> memref<10240x128xf32, #tpu.memory_space<vmem_shared>>
          tpu.wait_indirect_dma semaphore(%run_scoped3A_164 : memref<!tpu.dma_semaphore, #tpu.memory_space<semaphore_mem>>) src(%arg9 : memref<128x128xf32, #tpu.memory_space<vmem>>) dst(%dma_wait3A_176 : memref<10240x128xf32, #tpu.memory_space<vmem_shared>>)
          tpu.yield
        }) : () -> ()
        %dma_wait3A_81 = arith.constant 2 : i32
        %dma_wait3A_82 = arith.constant 0 : i32
        %dma_wait3A_83 = tpu.memref_slice %arg6[%dma_wait3A_81, %dma_wait3A_82] : memref<8x128xi32, #tpu.memory_space<vmem>> -> memref<1x128xi32, #tpu.memory_space<vmem>>
        %dma_wait3A_84 = tpu.memref_squeeze %dma_wait3A_83 : memref<1x128xi32, #tpu.memory_space<vmem>> -> memref<128xi32, #tpu.memory_space<vmem>>
        %dma_wait3A_85 = arith.constant 0 : i32
        %dma_wait3A_86 = arith.constant 0 : i32
        %dma_wait3A_87 = tpu.memref_slice %arg2[%dma_wait3A_85, %dma_wait3A_86] : memref<10000x128xf32, #tpu.memory_space<hbm>> -> memref<10000x128xf32, #tpu.memory_space<hbm>>
        tpu.wait_indirect_dma semaphore(%arg11 : memref<!tpu.dma_semaphore, #tpu.memory_space<semaphore_mem>>) src(%dma_wait3A_87 : memref<10000x128xf32, #tpu.memory_space<hbm>>) dst(%arg8 : memref<128x128xf32, #tpu.memory_space<vmem>>)
        %dma_start3A_88 = arith.constant 3 : i32
        %dma_start3A_89 = arith.constant 0 : i32
        %dma_start3A_90 = tpu.memref_slice %arg6[%dma_start3A_88, %dma_start3A_89] : memref<8x128xi32, #tpu.memory_space<vmem>> -> memref<1x128xi32, #tpu.memory_space<vmem>>
        %dma_start3A_91 = tpu.memref_squeeze %dma_start3A_90 : memref<1x128xi32, #tpu.memory_space<vmem>> -> memref<128xi32, #tpu.memory_space<vmem>>
        %dma_start3A_92 = arith.constant 0 : i32
        %dma_start3A_93 = arith.constant 0 : i32
        %dma_start3A_94 = tpu.memref_slice %arg2[%dma_start3A_92, %dma_start3A_93] : memref<10000x128xf32, #tpu.memory_space<hbm>> -> memref<10000x128xf32, #tpu.memory_space<hbm>>
        tpu.enqueue_indirect_dma source(%dma_start3A_94 : memref<10000x128xf32, #tpu.memory_space<hbm>>) target(%arg9 : memref<128x128xf32, #tpu.memory_space<vmem>>) offsets(%dma_start3A_91 : memref<128xi32, #tpu.memory_space<vmem>>) semaphore(%arg12 : memref<!tpu.dma_semaphore, #tpu.memory_space<semaphore_mem>>)
        %run_scoped3A_95 = arith.constant 2 : i32
        "tpu.region"() ({
          %run_scoped3A_164 = tpu.sem_alloc : memref<!tpu.dma_semaphore, #tpu.memory_space<semaphore_mem>>
          %dma_start3A_165 = arith.constant 0 : i32
          %dma_start3A_166 = tpu.memref_slice %arg7[%run_scoped3A_95, %dma_start3A_165] : memref<8x128xi32, #tpu.memory_space<vmem>> -> memref<1x128xi32, #tpu.memory_space<vmem>>
          %dma_start3A_167 = tpu.memref_squeeze %dma_start3A_166 : memref<1x128xi32, #tpu.memory_space<vmem>> -> memref<128xi32, #tpu.memory_space<vmem>>
          %dma_start3A_168 = arith.constant 0 : i32
          %dma_start3A_169 = arith.constant 0 : i32
          %dma_start3A_170 = tpu.memref_slice %arg10[%dma_start3A_168, %dma_start3A_169] : memref<10240x128xf32, #tpu.memory_space<vmem_shared>> -> memref<10240x128xf32, #tpu.memory_space<vmem_shared>>
          tpu.enqueue_indirect_dma source(%arg8 : memref<128x128xf32, #tpu.memory_space<vmem>>) target(%dma_start3A_170 : memref<10240x128xf32, #tpu.memory_space<vmem_shared>>) offsets(%dma_start3A_167 : memref<128xi32, #tpu.memory_space<vmem>>) semaphore(%run_scoped3A_164 : memref<!tpu.dma_semaphore, #tpu.memory_space<semaphore_mem>>) {add = true}
          %dma_wait3A_171 = arith.constant 0 : i32
          %dma_wait3A_172 = tpu.memref_slice %arg7[%run_scoped3A_95, %dma_wait3A_171] : memref<8x128xi32, #tpu.memory_space<vmem>> -> memref<1x128xi32, #tpu.memory_space<vmem>>
          %dma_wait3A_173 = tpu.memref_squeeze %dma_wait3A_172 : memref<1x128xi32, #tpu.memory_space<vmem>> -> memref<128xi32, #tpu.memory_space<vmem>>
          %dma_wait3A_174 = arith.constant 0 : i32
          %dma_wait3A_175 = arith.constant 0 : i32
          %dma_wait3A_176 = tpu.memref_slice %arg10[%dma_wait3A_174, %dma_wait3A_175] : memref<10240x128xf32, #tpu.memory_space<vmem_shared>> -> memref<10240x128xf32, #tpu.memory_space<vmem_shared>>
          tpu.wait_indirect_dma semaphore(%run_scoped3A_164 : memref<!tpu.dma_semaphore, #tpu.memory_space<semaphore_mem>>) src(%arg8 : memref<128x128xf32, #tpu.memory_space<vmem>>) dst(%dma_wait3A_176 : memref<10240x128xf32, #tpu.memory_space<vmem_shared>>)
          tpu.yield
        }) : () -> ()
        %dma_wait3A_96 = arith.constant 3 : i32
        %dma_wait3A_97 = arith.constant 0 : i32
        %dma_wait3A_98 = tpu.memref_slice %arg6[%dma_wait3A_96, %dma_wait3A_97] : memref<8x128xi32, #tpu.memory_space<vmem>> -> memref<1x128xi32, #tpu.memory_space<vmem>>
        %dma_wait3A_99 = tpu.memref_squeeze %dma_wait3A_98 : memref<1x128xi32, #tpu.memory_space<vmem>> -> memref<128xi32, #tpu.memory_space<vmem>>
        %dma_wait3A_100 = arith.constant 0 : i32
        %dma_wait3A_101 = arith.constant 0 : i32
        %dma_wait3A_102 = tpu.memref_slice %arg2[%dma_wait3A_100, %dma_wait3A_101] : memref<10000x128xf32, #tpu.memory_space<hbm>> -> memref<10000x128xf32, #tpu.memory_space<hbm>>
        tpu.wait_indirect_dma semaphore(%arg12 : memref<!tpu.dma_semaphore, #tpu.memory_space<semaphore_mem>>) src(%dma_wait3A_102 : memref<10000x128xf32, #tpu.memory_space<hbm>>) dst(%arg9 : memref<128x128xf32, #tpu.memory_space<vmem>>)
        %dma_start3A_103 = arith.constant 4 : i32
        %dma_start3A_104 = arith.constant 0 : i32
        %dma_start3A_105 = tpu.memref_slice %arg6[%dma_start3A_103, %dma_start3A_104] : memref<8x128xi32, #tpu.memory_space<vmem>> -> memref<1x128xi32, #tpu.memory_space<vmem>>
        %dma_start3A_106 = tpu.memref_squeeze %dma_start3A_105 : memref<1x128xi32, #tpu.memory_space<vmem>> -> memref<128xi32, #tpu.memory_space<vmem>>
        %dma_start3A_107 = arith.constant 0 : i32
        %dma_start3A_108 = arith.constant 0 : i32
        %dma_start3A_109 = tpu.memref_slice %arg2[%dma_start3A_107, %dma_start3A_108] : memref<10000x128xf32, #tpu.memory_space<hbm>> -> memref<10000x128xf32, #tpu.memory_space<hbm>>
        tpu.enqueue_indirect_dma source(%dma_start3A_109 : memref<10000x128xf32, #tpu.memory_space<hbm>>) target(%arg8 : memref<128x128xf32, #tpu.memory_space<vmem>>) offsets(%dma_start3A_106 : memref<128xi32, #tpu.memory_space<vmem>>) semaphore(%arg11 : memref<!tpu.dma_semaphore, #tpu.memory_space<semaphore_mem>>)
        %run_scoped3A_110 = arith.constant 3 : i32
        "tpu.region"() ({
          %run_scoped3A_164 = tpu.sem_alloc : memref<!tpu.dma_semaphore, #tpu.memory_space<semaphore_mem>>
          %dma_start3A_165 = arith.constant 0 : i32
          %dma_start3A_166 = tpu.memref_slice %arg7[%run_scoped3A_110, %dma_start3A_165] : memref<8x128xi32, #tpu.memory_space<vmem>> -> memref<1x128xi32, #tpu.memory_space<vmem>>
          %dma_start3A_167 = tpu.memref_squeeze %dma_start3A_166 : memref<1x128xi32, #tpu.memory_space<vmem>> -> memref<128xi32, #tpu.memory_space<vmem>>
          %dma_start3A_168 = arith.constant 0 : i32
          %dma_start3A_169 = arith.constant 0 : i32
          %dma_start3A_170 = tpu.memref_slice %arg10[%dma_start3A_168, %dma_start3A_169] : memref<10240x128xf32, #tpu.memory_space<vmem_shared>> -> memref<10240x128xf32, #tpu.memory_space<vmem_shared>>
          tpu.enqueue_indirect_dma source(%arg9 : memref<128x128xf32, #tpu.memory_space<vmem>>) target(%dma_start3A_170 : memref<10240x128xf32, #tpu.memory_space<vmem_shared>>) offsets(%dma_start3A_167 : memref<128xi32, #tpu.memory_space<vmem>>) semaphore(%run_scoped3A_164 : memref<!tpu.dma_semaphore, #tpu.memory_space<semaphore_mem>>) {add = true}
          %dma_wait3A_171 = arith.constant 0 : i32
          %dma_wait3A_172 = tpu.memref_slice %arg7[%run_scoped3A_110, %dma_wait3A_171] : memref<8x128xi32, #tpu.memory_space<vmem>> -> memref<1x128xi32, #tpu.memory_space<vmem>>
          %dma_wait3A_173 = tpu.memref_squeeze %dma_wait3A_172 : memref<1x128xi32, #tpu.memory_space<vmem>> -> memref<128xi32, #tpu.memory_space<vmem>>
          %dma_wait3A_174 = arith.constant 0 : i32
          %dma_wait3A_175 = arith.constant 0 : i32
          %dma_wait3A_176 = tpu.memref_slice %arg10[%dma_wait3A_174, %dma_wait3A_175] : memref<10240x128xf32, #tpu.memory_space<vmem_shared>> -> memref<10240x128xf32, #tpu.memory_space<vmem_shared>>
          tpu.wait_indirect_dma semaphore(%run_scoped3A_164 : memref<!tpu.dma_semaphore, #tpu.memory_space<semaphore_mem>>) src(%arg9 : memref<128x128xf32, #tpu.memory_space<vmem>>) dst(%dma_wait3A_176 : memref<10240x128xf32, #tpu.memory_space<vmem_shared>>)
          tpu.yield
        }) : () -> ()
        %dma_wait3A_111 = arith.constant 4 : i32
        %dma_wait3A_112 = arith.constant 0 : i32
        %dma_wait3A_113 = tpu.memref_slice %arg6[%dma_wait3A_111, %dma_wait3A_112] : memref<8x128xi32, #tpu.memory_space<vmem>> -> memref<1x128xi32, #tpu.memory_space<vmem>>
        %dma_wait3A_114 = tpu.memref_squeeze %dma_wait3A_113 : memref<1x128xi32, #tpu.memory_space<vmem>> -> memref<128xi32, #tpu.memory_space<vmem>>
        %dma_wait3A_115 = arith.constant 0 : i32
        %dma_wait3A_116 = arith.constant 0 : i32
        %dma_wait3A_117 = tpu.memref_slice %arg2[%dma_wait3A_115, %dma_wait3A_116] : memref<10000x128xf32, #tpu.memory_space<hbm>> -> memref<10000x128xf32, #tpu.memory_space<hbm>>
        tpu.wait_indirect_dma semaphore(%arg11 : memref<!tpu.dma_semaphore, #tpu.memory_space<semaphore_mem>>) src(%dma_wait3A_117 : memref<10000x128xf32, #tpu.memory_space<hbm>>) dst(%arg8 : memref<128x128xf32, #tpu.memory_space<vmem>>)
        %dma_start3A_118 = arith.constant 5 : i32
        %dma_start3A_119 = arith.constant 0 : i32
        %dma_start3A_120 = tpu.memref_slice %arg6[%dma_start3A_118, %dma_start3A_119] : memref<8x128xi32, #tpu.memory_space<vmem>> -> memref<1x128xi32, #tpu.memory_space<vmem>>
        %dma_start3A_121 = tpu.memref_squeeze %dma_start3A_120 : memref<1x128xi32, #tpu.memory_space<vmem>> -> memref<128xi32, #tpu.memory_space<vmem>>
        %dma_start3A_122 = arith.constant 0 : i32
        %dma_start3A_123 = arith.constant 0 : i32
        %dma_start3A_124 = tpu.memref_slice %arg2[%dma_start3A_122, %dma_start3A_123] : memref<10000x128xf32, #tpu.memory_space<hbm>> -> memref<10000x128xf32, #tpu.memory_space<hbm>>
        tpu.enqueue_indirect_dma source(%dma_start3A_124 : memref<10000x128xf32, #tpu.memory_space<hbm>>) target(%arg9 : memref<128x128xf32, #tpu.memory_space<vmem>>) offsets(%dma_start3A_121 : memref<128xi32, #tpu.memory_space<vmem>>) semaphore(%arg12 : memref<!tpu.dma_semaphore, #tpu.memory_space<semaphore_mem>>)
        %run_scoped3A_125 = arith.constant 4 : i32
        "tpu.region"() ({
          %run_scoped3A_164 = tpu.sem_alloc : memref<!tpu.dma_semaphore, #tpu.memory_space<semaphore_mem>>
          %dma_start3A_165 = arith.constant 0 : i32
          %dma_start3A_166 = tpu.memref_slice %arg7[%run_scoped3A_125, %dma_start3A_165] : memref<8x128xi32, #tpu.memory_space<vmem>> -> memref<1x128xi32, #tpu.memory_space<vmem>>
          %dma_start3A_167 = tpu.memref_squeeze %dma_start3A_166 : memref<1x128xi32, #tpu.memory_space<vmem>> -> memref<128xi32, #tpu.memory_space<vmem>>
          %dma_start3A_168 = arith.constant 0 : i32
          %dma_start3A_169 = arith.constant 0 : i32
          %dma_start3A_170 = tpu.memref_slice %arg10[%dma_start3A_168, %dma_start3A_169] : memref<10240x128xf32, #tpu.memory_space<vmem_shared>> -> memref<10240x128xf32, #tpu.memory_space<vmem_shared>>
          tpu.enqueue_indirect_dma source(%arg8 : memref<128x128xf32, #tpu.memory_space<vmem>>) target(%dma_start3A_170 : memref<10240x128xf32, #tpu.memory_space<vmem_shared>>) offsets(%dma_start3A_167 : memref<128xi32, #tpu.memory_space<vmem>>) semaphore(%run_scoped3A_164 : memref<!tpu.dma_semaphore, #tpu.memory_space<semaphore_mem>>) {add = true}
          %dma_wait3A_171 = arith.constant 0 : i32
          %dma_wait3A_172 = tpu.memref_slice %arg7[%run_scoped3A_125, %dma_wait3A_171] : memref<8x128xi32, #tpu.memory_space<vmem>> -> memref<1x128xi32, #tpu.memory_space<vmem>>
          %dma_wait3A_173 = tpu.memref_squeeze %dma_wait3A_172 : memref<1x128xi32, #tpu.memory_space<vmem>> -> memref<128xi32, #tpu.memory_space<vmem>>
          %dma_wait3A_174 = arith.constant 0 : i32
          %dma_wait3A_175 = arith.constant 0 : i32
          %dma_wait3A_176 = tpu.memref_slice %arg10[%dma_wait3A_174, %dma_wait3A_175] : memref<10240x128xf32, #tpu.memory_space<vmem_shared>> -> memref<10240x128xf32, #tpu.memory_space<vmem_shared>>
          tpu.wait_indirect_dma semaphore(%run_scoped3A_164 : memref<!tpu.dma_semaphore, #tpu.memory_space<semaphore_mem>>) src(%arg8 : memref<128x128xf32, #tpu.memory_space<vmem>>) dst(%dma_wait3A_176 : memref<10240x128xf32, #tpu.memory_space<vmem_shared>>)
          tpu.yield
        }) : () -> ()
        %dma_wait3A_126 = arith.constant 5 : i32
        %dma_wait3A_127 = arith.constant 0 : i32
        %dma_wait3A_128 = tpu.memref_slice %arg6[%dma_wait3A_126, %dma_wait3A_127] : memref<8x128xi32, #tpu.memory_space<vmem>> -> memref<1x128xi32, #tpu.memory_space<vmem>>
        %dma_wait3A_129 = tpu.memref_squeeze %dma_wait3A_128 : memref<1x128xi32, #tpu.memory_space<vmem>> -> memref<128xi32, #tpu.memory_space<vmem>>
        %dma_wait3A_130 = arith.constant 0 : i32
        %dma_wait3A_131 = arith.constant 0 : i32
        %dma_wait3A_132 = tpu.memref_slice %arg2[%dma_wait3A_130, %dma_wait3A_131] : memref<10000x128xf32, #tpu.memory_space<hbm>> -> memref<10000x128xf32, #tpu.memory_space<hbm>>
        tpu.wait_indirect_dma semaphore(%arg12 : memref<!tpu.dma_semaphore, #tpu.memory_space<semaphore_mem>>) src(%dma_wait3A_132 : memref<10000x128xf32, #tpu.memory_space<hbm>>) dst(%arg9 : memref<128x128xf32, #tpu.memory_space<vmem>>)
        %dma_start3A_133 = arith.constant 6 : i32
        %dma_start3A_134 = arith.constant 0 : i32
        %dma_start3A_135 = tpu.memref_slice %arg6[%dma_start3A_133, %dma_start3A_134] : memref<8x128xi32, #tpu.memory_space<vmem>> -> memref<1x128xi32, #tpu.memory_space<vmem>>
        %dma_start3A_136 = tpu.memref_squeeze %dma_start3A_135 : memref<1x128xi32, #tpu.memory_space<vmem>> -> memref<128xi32, #tpu.memory_space<vmem>>
        %dma_start3A_137 = arith.constant 0 : i32
        %dma_start3A_138 = arith.constant 0 : i32
        %dma_start3A_139 = tpu.memref_slice %arg2[%dma_start3A_137, %dma_start3A_138] : memref<10000x128xf32, #tpu.memory_space<hbm>> -> memref<10000x128xf32, #tpu.memory_space<hbm>>
        tpu.enqueue_indirect_dma source(%dma_start3A_139 : memref<10000x128xf32, #tpu.memory_space<hbm>>) target(%arg8 : memref<128x128xf32, #tpu.memory_space<vmem>>) offsets(%dma_start3A_136 : memref<128xi32, #tpu.memory_space<vmem>>) semaphore(%arg11 : memref<!tpu.dma_semaphore, #tpu.memory_space<semaphore_mem>>)
        %run_scoped3A_140 = arith.constant 5 : i32
        "tpu.region"() ({
          %run_scoped3A_164 = tpu.sem_alloc : memref<!tpu.dma_semaphore, #tpu.memory_space<semaphore_mem>>
          %dma_start3A_165 = arith.constant 0 : i32
          %dma_start3A_166 = tpu.memref_slice %arg7[%run_scoped3A_140, %dma_start3A_165] : memref<8x128xi32, #tpu.memory_space<vmem>> -> memref<1x128xi32, #tpu.memory_space<vmem>>
          %dma_start3A_167 = tpu.memref_squeeze %dma_start3A_166 : memref<1x128xi32, #tpu.memory_space<vmem>> -> memref<128xi32, #tpu.memory_space<vmem>>
          %dma_start3A_168 = arith.constant 0 : i32
          %dma_start3A_169 = arith.constant 0 : i32
          %dma_start3A_170 = tpu.memref_slice %arg10[%dma_start3A_168, %dma_start3A_169] : memref<10240x128xf32, #tpu.memory_space<vmem_shared>> -> memref<10240x128xf32, #tpu.memory_space<vmem_shared>>
          tpu.enqueue_indirect_dma source(%arg9 : memref<128x128xf32, #tpu.memory_space<vmem>>) target(%dma_start3A_170 : memref<10240x128xf32, #tpu.memory_space<vmem_shared>>) offsets(%dma_start3A_167 : memref<128xi32, #tpu.memory_space<vmem>>) semaphore(%run_scoped3A_164 : memref<!tpu.dma_semaphore, #tpu.memory_space<semaphore_mem>>) {add = true}
          %dma_wait3A_171 = arith.constant 0 : i32
          %dma_wait3A_172 = tpu.memref_slice %arg7[%run_scoped3A_140, %dma_wait3A_171] : memref<8x128xi32, #tpu.memory_space<vmem>> -> memref<1x128xi32, #tpu.memory_space<vmem>>
          %dma_wait3A_173 = tpu.memref_squeeze %dma_wait3A_172 : memref<1x128xi32, #tpu.memory_space<vmem>> -> memref<128xi32, #tpu.memory_space<vmem>>
          %dma_wait3A_174 = arith.constant 0 : i32
          %dma_wait3A_175 = arith.constant 0 : i32
          %dma_wait3A_176 = tpu.memref_slice %arg10[%dma_wait3A_174, %dma_wait3A_175] : memref<10240x128xf32, #tpu.memory_space<vmem_shared>> -> memref<10240x128xf32, #tpu.memory_space<vmem_shared>>
          tpu.wait_indirect_dma semaphore(%run_scoped3A_164 : memref<!tpu.dma_semaphore, #tpu.memory_space<semaphore_mem>>) src(%arg9 : memref<128x128xf32, #tpu.memory_space<vmem>>) dst(%dma_wait3A_176 : memref<10240x128xf32, #tpu.memory_space<vmem_shared>>)
          tpu.yield
        }) : () -> ()
        %dma_wait3A_141 = arith.constant 6 : i32
        %dma_wait3A_142 = arith.constant 0 : i32
        %dma_wait3A_143 = tpu.memref_slice %arg6[%dma_wait3A_141, %dma_wait3A_142] : memref<8x128xi32, #tpu.memory_space<vmem>> -> memref<1x128xi32, #tpu.memory_space<vmem>>
        %dma_wait3A_144 = tpu.memref_squeeze %dma_wait3A_143 : memref<1x128xi32, #tpu.memory_space<vmem>> -> memref<128xi32, #tpu.memory_space<vmem>>
        %dma_wait3A_145 = arith.constant 0 : i32
        %dma_wait3A_146 = arith.constant 0 : i32
        %dma_wait3A_147 = tpu.memref_slice %arg2[%dma_wait3A_145, %dma_wait3A_146] : memref<10000x128xf32, #tpu.memory_space<hbm>> -> memref<10000x128xf32, #tpu.memory_space<hbm>>
        tpu.wait_indirect_dma semaphore(%arg11 : memref<!tpu.dma_semaphore, #tpu.memory_space<semaphore_mem>>) src(%dma_wait3A_147 : memref<10000x128xf32, #tpu.memory_space<hbm>>) dst(%arg8 : memref<128x128xf32, #tpu.memory_space<vmem>>)
        %dma_start3A_148 = arith.constant 7 : i32
        %dma_start3A_149 = arith.constant 0 : i32
        %dma_start3A_150 = tpu.memref_slice %arg6[%dma_start3A_148, %dma_start3A_149] : memref<8x128xi32, #tpu.memory_space<vmem>> -> memref<1x128xi32, #tpu.memory_space<vmem>>
        %dma_start3A_151 = tpu.memref_squeeze %dma_start3A_150 : memref<1x128xi32, #tpu.memory_space<vmem>> -> memref<128xi32, #tpu.memory_space<vmem>>
        %dma_start3A_152 = arith.constant 0 : i32
        %dma_start3A_153 = arith.constant 0 : i32
        %dma_start3A_154 = tpu.memref_slice %arg2[%dma_start3A_152, %dma_start3A_153] : memref<10000x128xf32, #tpu.memory_space<hbm>> -> memref<10000x128xf32, #tpu.memory_space<hbm>>
        tpu.enqueue_indirect_dma source(%dma_start3A_154 : memref<10000x128xf32, #tpu.memory_space<hbm>>) target(%arg9 : memref<128x128xf32, #tpu.memory_space<vmem>>) offsets(%dma_start3A_151 : memref<128xi32, #tpu.memory_space<vmem>>) semaphore(%arg12 : memref<!tpu.dma_semaphore, #tpu.memory_space<semaphore_mem>>)
        %run_scoped3A_155 = arith.constant 6 : i32
        "tpu.region"() ({
          %run_scoped3A_164 = tpu.sem_alloc : memref<!tpu.dma_semaphore, #tpu.memory_space<semaphore_mem>>
          %dma_start3A_165 = arith.constant 0 : i32
          %dma_start3A_166 = tpu.memref_slice %arg7[%run_scoped3A_155, %dma_start3A_165] : memref<8x128xi32, #tpu.memory_space<vmem>> -> memref<1x128xi32, #tpu.memory_space<vmem>>
          %dma_start3A_167 = tpu.memref_squeeze %dma_start3A_166 : memref<1x128xi32, #tpu.memory_space<vmem>> -> memref<128xi32, #tpu.memory_space<vmem>>
          %dma_start3A_168 = arith.constant 0 : i32
          %dma_start3A_169 = arith.constant 0 : i32
          %dma_start3A_170 = tpu.memref_slice %arg10[%dma_start3A_168, %dma_start3A_169] : memref<10240x128xf32, #tpu.memory_space<vmem_shared>> -> memref<10240x128xf32, #tpu.memory_space<vmem_shared>>
          tpu.enqueue_indirect_dma source(%arg8 : memref<128x128xf32, #tpu.memory_space<vmem>>) target(%dma_start3A_170 : memref<10240x128xf32, #tpu.memory_space<vmem_shared>>) offsets(%dma_start3A_167 : memref<128xi32, #tpu.memory_space<vmem>>) semaphore(%run_scoped3A_164 : memref<!tpu.dma_semaphore, #tpu.memory_space<semaphore_mem>>) {add = true}
          %dma_wait3A_171 = arith.constant 0 : i32
          %dma_wait3A_172 = tpu.memref_slice %arg7[%run_scoped3A_155, %dma_wait3A_171] : memref<8x128xi32, #tpu.memory_space<vmem>> -> memref<1x128xi32, #tpu.memory_space<vmem>>
          %dma_wait3A_173 = tpu.memref_squeeze %dma_wait3A_172 : memref<1x128xi32, #tpu.memory_space<vmem>> -> memref<128xi32, #tpu.memory_space<vmem>>
          %dma_wait3A_174 = arith.constant 0 : i32
          %dma_wait3A_175 = arith.constant 0 : i32
          %dma_wait3A_176 = tpu.memref_slice %arg10[%dma_wait3A_174, %dma_wait3A_175] : memref<10240x128xf32, #tpu.memory_space<vmem_shared>> -> memref<10240x128xf32, #tpu.memory_space<vmem_shared>>
          tpu.wait_indirect_dma semaphore(%run_scoped3A_164 : memref<!tpu.dma_semaphore, #tpu.memory_space<semaphore_mem>>) src(%arg8 : memref<128x128xf32, #tpu.memory_space<vmem>>) dst(%dma_wait3A_176 : memref<10240x128xf32, #tpu.memory_space<vmem_shared>>)
          tpu.yield
        }) : () -> ()
        %dma_wait3A_156 = arith.constant 7 : i32
        %dma_wait3A_157 = arith.constant 0 : i32
        %dma_wait3A_158 = tpu.memref_slice %arg6[%dma_wait3A_156, %dma_wait3A_157] : memref<8x128xi32, #tpu.memory_space<vmem>> -> memref<1x128xi32, #tpu.memory_space<vmem>>
        %dma_wait3A_159 = tpu.memref_squeeze %dma_wait3A_158 : memref<1x128xi32, #tpu.memory_space<vmem>> -> memref<128xi32, #tpu.memory_space<vmem>>
        %dma_wait3A_160 = arith.constant 0 : i32
        %dma_wait3A_161 = arith.constant 0 : i32
        %dma_wait3A_162 = tpu.memref_slice %arg2[%dma_wait3A_160, %dma_wait3A_161] : memref<10000x128xf32, #tpu.memory_space<hbm>> -> memref<10000x128xf32, #tpu.memory_space<hbm>>
        tpu.wait_indirect_dma semaphore(%arg12 : memref<!tpu.dma_semaphore, #tpu.memory_space<semaphore_mem>>) src(%dma_wait3A_162 : memref<10000x128xf32, #tpu.memory_space<hbm>>) dst(%arg9 : memref<128x128xf32, #tpu.memory_space<vmem>>)
        %run_scoped3A_163 = arith.constant 7 : i32
        "tpu.region"() ({
          %run_scoped3A_164 = tpu.sem_alloc : memref<!tpu.dma_semaphore, #tpu.memory_space<semaphore_mem>>
          %dma_start3A_165 = arith.constant 0 : i32
          %dma_start3A_166 = tpu.memref_slice %arg7[%run_scoped3A_163, %dma_start3A_165] : memref<8x128xi32, #tpu.memory_space<vmem>> -> memref<1x128xi32, #tpu.memory_space<vmem>>
          %dma_start3A_167 = tpu.memref_squeeze %dma_start3A_166 : memref<1x128xi32, #tpu.memory_space<vmem>> -> memref<128xi32, #tpu.memory_space<vmem>>
          %dma_start3A_168 = arith.constant 0 : i32
          %dma_start3A_169 = arith.constant 0 : i32
          %dma_start3A_170 = tpu.memref_slice %arg10[%dma_start3A_168, %dma_start3A_169] : memref<10240x128xf32, #tpu.memory_space<vmem_shared>> -> memref<10240x128xf32, #tpu.memory_space<vmem_shared>>
          tpu.enqueue_indirect_dma source(%arg9 : memref<128x128xf32, #tpu.memory_space<vmem>>) target(%dma_start3A_170 : memref<10240x128xf32, #tpu.memory_space<vmem_shared>>) offsets(%dma_start3A_167 : memref<128xi32, #tpu.memory_space<vmem>>) semaphore(%run_scoped3A_164 : memref<!tpu.dma_semaphore, #tpu.memory_space<semaphore_mem>>) {add = true}
          %dma_wait3A_171 = arith.constant 0 : i32
          %dma_wait3A_172 = tpu.memref_slice %arg7[%run_scoped3A_163, %dma_wait3A_171] : memref<8x128xi32, #tpu.memory_space<vmem>> -> memref<1x128xi32, #tpu.memory_space<vmem>>
          %dma_wait3A_173 = tpu.memref_squeeze %dma_wait3A_172 : memref<1x128xi32, #tpu.memory_space<vmem>> -> memref<128xi32, #tpu.memory_space<vmem>>
          %dma_wait3A_174 = arith.constant 0 : i32
          %dma_wait3A_175 = arith.constant 0 : i32
          %dma_wait3A_176 = tpu.memref_slice %arg10[%dma_wait3A_174, %dma_wait3A_175] : memref<10240x128xf32, #tpu.memory_space<vmem_shared>> -> memref<10240x128xf32, #tpu.memory_space<vmem_shared>>
          tpu.wait_indirect_dma semaphore(%run_scoped3A_164 : memref<!tpu.dma_semaphore, #tpu.memory_space<semaphore_mem>>) src(%arg9 : memref<128x128xf32, #tpu.memory_space<vmem>>) dst(%dma_wait3A_176 : memref<10240x128xf32, #tpu.memory_space<vmem_shared>>)
          tpu.yield
        }) : () -> ()
      }
      %scan3A_42 = arith.constant 18 : i32
    } else {
    }
    %eq3A_26 = arith.constant 1 : i32
    %eq3A_27 = arith.cmpi eq, %arg0, %eq3A_26 : i32
    %convert_element_type3A_28 = arith.extui %eq3A_27 : i1 to i32
    %cond3A_29 = arith.constant 0 : i32
    %cond3A_30 = arith.cmpi ne, %convert_element_type3A_28, %cond3A_29 : i32
    scf.if %cond3A_30 {
      %mul3A_36 = arith.constant 16 : i32
      %mul3A_37 = arith.muli %arg1, %mul3A_36 : i32
      %add3A_38 = arith.constant 2304 : i32
      %add3A_39 = arith.addi %add3A_38, %mul3A_37 : i32
      %scan3A_40 = arith.constant 0 : i32
      %scan3A_41 = arith.constant 2 : i32
      %scan3A_42 = arith.addi %scan3A_40, %scan3A_41 : i32
      %scan3A_43 = arith.constant 1 : i32
      scf.for %scan3A_45 = %scan3A_40 to %scan3A_42 step %scan3A_43  : i32 {
        %mul3A_46 = arith.constant 8 : i32
        %mul3A_47 = arith.muli %scan3A_45, %mul3A_46 : i32
        %add3A_48 = arith.addi %add3A_39, %mul3A_47 : i32
        "tpu.region"() ({
          %run_scoped3A_166 = tpu.sem_alloc : memref<!tpu.dma_semaphore, #tpu.memory_space<semaphore_mem>>
          %dma_start3A_167 = arith.constant 0 : i32
          %dma_start3A_168 = tpu.memref_slice %arg3[%add3A_48, %dma_start3A_167] : memref<2560x128xi32, #tpu.memory_space<hbm>> -> memref<8x128xi32, #tpu.memory_space<hbm>>
          %dma_start3A_169 = arith.constant 0 : i32
          %dma_start3A_170 = tpu.memref_slice %arg3[%add3A_48, %dma_start3A_169] : memref<2560x128xi32, #tpu.memory_space<hbm>> -> memref<8x128xi32, #tpu.memory_space<hbm>>
          tpu.enqueue_dma source(%dma_start3A_170 : memref<8x128xi32, #tpu.memory_space<hbm>>) target(%arg6 : memref<8x128xi32, #tpu.memory_space<vmem>>) target_semaphore(%run_scoped3A_166 : memref<!tpu.dma_semaphore, #tpu.memory_space<semaphore_mem>>)
          %dma_wait3A_171 = arith.constant 0 : i32
          %dma_wait3A_172 = tpu.memref_slice %arg3[%add3A_48, %dma_wait3A_171] : memref<2560x128xi32, #tpu.memory_space<hbm>> -> memref<8x128xi32, #tpu.memory_space<hbm>>
          %dma_wait3A_173 = arith.constant 0 : i32
          %dma_wait3A_174 = tpu.memref_slice %arg3[%add3A_48, %dma_wait3A_173] : memref<2560x128xi32, #tpu.memory_space<hbm>> -> memref<8x128xi32, #tpu.memory_space<hbm>>
          tpu.wait_dma2 semaphore(%run_scoped3A_166 : memref<!tpu.dma_semaphore, #tpu.memory_space<semaphore_mem>>) src(%dma_wait3A_174 : memref<8x128xi32, #tpu.memory_space<hbm>>) dst(%arg6 : memref<8x128xi32, #tpu.memory_space<vmem>>)
          tpu.yield
        }) : () -> ()
        "tpu.region"() ({
          %run_scoped3A_166 = tpu.sem_alloc : memref<!tpu.dma_semaphore, #tpu.memory_space<semaphore_mem>>
          %dma_start3A_167 = arith.constant 0 : i32
          %dma_start3A_168 = tpu.memref_slice %arg4[%add3A_48, %dma_start3A_167] : memref<2560x128xi32, #tpu.memory_space<hbm>> -> memref<8x128xi32, #tpu.memory_space<hbm>>
          %dma_start3A_169 = arith.constant 0 : i32
          %dma_start3A_170 = tpu.memref_slice %arg4[%add3A_48, %dma_start3A_169] : memref<2560x128xi32, #tpu.memory_space<hbm>> -> memref<8x128xi32, #tpu.memory_space<hbm>>
          tpu.enqueue_dma source(%dma_start3A_170 : memref<8x128xi32, #tpu.memory_space<hbm>>) target(%arg7 : memref<8x128xi32, #tpu.memory_space<vmem>>) target_semaphore(%run_scoped3A_166 : memref<!tpu.dma_semaphore, #tpu.memory_space<semaphore_mem>>)
          %dma_wait3A_171 = arith.constant 0 : i32
          %dma_wait3A_172 = tpu.memref_slice %arg4[%add3A_48, %dma_wait3A_171] : memref<2560x128xi32, #tpu.memory_space<hbm>> -> memref<8x128xi32, #tpu.memory_space<hbm>>
          %dma_wait3A_173 = arith.constant 0 : i32
          %dma_wait3A_174 = tpu.memref_slice %arg4[%add3A_48, %dma_wait3A_173] : memref<2560x128xi32, #tpu.memory_space<hbm>> -> memref<8x128xi32, #tpu.memory_space<hbm>>
          tpu.wait_dma2 semaphore(%run_scoped3A_166 : memref<!tpu.dma_semaphore, #tpu.memory_space<semaphore_mem>>) src(%dma_wait3A_174 : memref<8x128xi32, #tpu.memory_space<hbm>>) dst(%arg7 : memref<8x128xi32, #tpu.memory_space<vmem>>)
          tpu.yield
        }) : () -> ()
        %dma_start3A = arith.constant 0 : i32
        %dma_start3A_49 = arith.constant 0 : i32
        %dma_start3A_50 = tpu.memref_slice %arg6[%dma_start3A, %dma_start3A_49] : memref<8x128xi32, #tpu.memory_space<vmem>> -> memref<1x128xi32, #tpu.memory_space<vmem>>
        %dma_start3A_51 = tpu.memref_squeeze %dma_start3A_50 : memref<1x128xi32, #tpu.memory_space<vmem>> -> memref<128xi32, #tpu.memory_space<vmem>>
        %dma_start3A_52 = arith.constant 0 : i32
        %dma_start3A_53 = arith.constant 0 : i32
        %dma_start3A_54 = tpu.memref_slice %arg2[%dma_start3A_52, %dma_start3A_53] : memref<10000x128xf32, #tpu.memory_space<hbm>> -> memref<10000x128xf32, #tpu.memory_space<hbm>>
        tpu.enqueue_indirect_dma source(%dma_start3A_54 : memref<10000x128xf32, #tpu.memory_space<hbm>>) target(%arg8 : memref<128x128xf32, #tpu.memory_space<vmem>>) offsets(%dma_start3A_51 : memref<128xi32, #tpu.memory_space<vmem>>) semaphore(%arg11 : memref<!tpu.dma_semaphore, #tpu.memory_space<semaphore_mem>>)
        %dma_wait3A = arith.constant 0 : i32
        %dma_wait3A_55 = arith.constant 0 : i32
        %dma_wait3A_56 = tpu.memref_slice %arg6[%dma_wait3A, %dma_wait3A_55] : memref<8x128xi32, #tpu.memory_space<vmem>> -> memref<1x128xi32, #tpu.memory_space<vmem>>
        %dma_wait3A_57 = tpu.memref_squeeze %dma_wait3A_56 : memref<1x128xi32, #tpu.memory_space<vmem>> -> memref<128xi32, #tpu.memory_space<vmem>>
        %dma_wait3A_58 = arith.constant 0 : i32
        %dma_wait3A_59 = arith.constant 0 : i32
        %dma_wait3A_60 = tpu.memref_slice %arg2[%dma_wait3A_58, %dma_wait3A_59] : memref<10000x128xf32, #tpu.memory_space<hbm>> -> memref<10000x128xf32, #tpu.memory_space<hbm>>
        tpu.wait_indirect_dma semaphore(%arg11 : memref<!tpu.dma_semaphore, #tpu.memory_space<semaphore_mem>>) src(%dma_wait3A_60 : memref<10000x128xf32, #tpu.memory_space<hbm>>) dst(%arg8 : memref<128x128xf32, #tpu.memory_space<vmem>>)
        %dma_start3A_61 = arith.constant 1 : i32
        %dma_start3A_62 = arith.constant 0 : i32
        %dma_start3A_63 = tpu.memref_slice %arg6[%dma_start3A_61, %dma_start3A_62] : memref<8x128xi32, #tpu.memory_space<vmem>> -> memref<1x128xi32, #tpu.memory_space<vmem>>
        %dma_start3A_64 = tpu.memref_squeeze %dma_start3A_63 : memref<1x128xi32, #tpu.memory_space<vmem>> -> memref<128xi32, #tpu.memory_space<vmem>>
        %dma_start3A_65 = arith.constant 0 : i32
        %dma_start3A_66 = arith.constant 0 : i32
        %dma_start3A_67 = tpu.memref_slice %arg2[%dma_start3A_65, %dma_start3A_66] : memref<10000x128xf32, #tpu.memory_space<hbm>> -> memref<10000x128xf32, #tpu.memory_space<hbm>>
        tpu.enqueue_indirect_dma source(%dma_start3A_67 : memref<10000x128xf32, #tpu.memory_space<hbm>>) target(%arg9 : memref<128x128xf32, #tpu.memory_space<vmem>>) offsets(%dma_start3A_64 : memref<128xi32, #tpu.memory_space<vmem>>) semaphore(%arg12 : memref<!tpu.dma_semaphore, #tpu.memory_space<semaphore_mem>>)
        %run_scoped3A = arith.constant 0 : i32
        "tpu.region"() ({
          %run_scoped3A_166 = tpu.sem_alloc : memref<!tpu.dma_semaphore, #tpu.memory_space<semaphore_mem>>
          %dma_start3A_167 = arith.constant 0 : i32
          %dma_start3A_168 = tpu.memref_slice %arg7[%run_scoped3A, %dma_start3A_167] : memref<8x128xi32, #tpu.memory_space<vmem>> -> memref<1x128xi32, #tpu.memory_space<vmem>>
          %dma_start3A_169 = tpu.memref_squeeze %dma_start3A_168 : memref<1x128xi32, #tpu.memory_space<vmem>> -> memref<128xi32, #tpu.memory_space<vmem>>
          %dma_start3A_170 = arith.constant 0 : i32
          %dma_start3A_171 = arith.constant 0 : i32
          %dma_start3A_172 = tpu.memref_slice %arg10[%dma_start3A_170, %dma_start3A_171] : memref<10240x128xf32, #tpu.memory_space<vmem_shared>> -> memref<10240x128xf32, #tpu.memory_space<vmem_shared>>
          tpu.enqueue_indirect_dma source(%arg8 : memref<128x128xf32, #tpu.memory_space<vmem>>) target(%dma_start3A_172 : memref<10240x128xf32, #tpu.memory_space<vmem_shared>>) offsets(%dma_start3A_169 : memref<128xi32, #tpu.memory_space<vmem>>) semaphore(%run_scoped3A_166 : memref<!tpu.dma_semaphore, #tpu.memory_space<semaphore_mem>>) {add = true}
          %dma_wait3A_173 = arith.constant 0 : i32
          %dma_wait3A_174 = tpu.memref_slice %arg7[%run_scoped3A, %dma_wait3A_173] : memref<8x128xi32, #tpu.memory_space<vmem>> -> memref<1x128xi32, #tpu.memory_space<vmem>>
          %dma_wait3A_175 = tpu.memref_squeeze %dma_wait3A_174 : memref<1x128xi32, #tpu.memory_space<vmem>> -> memref<128xi32, #tpu.memory_space<vmem>>
          %dma_wait3A_176 = arith.constant 0 : i32
          %dma_wait3A_177 = arith.constant 0 : i32
          %dma_wait3A_178 = tpu.memref_slice %arg10[%dma_wait3A_176, %dma_wait3A_177] : memref<10240x128xf32, #tpu.memory_space<vmem_shared>> -> memref<10240x128xf32, #tpu.memory_space<vmem_shared>>
          tpu.wait_indirect_dma semaphore(%run_scoped3A_166 : memref<!tpu.dma_semaphore, #tpu.memory_space<semaphore_mem>>) src(%arg8 : memref<128x128xf32, #tpu.memory_space<vmem>>) dst(%dma_wait3A_178 : memref<10240x128xf32, #tpu.memory_space<vmem_shared>>)
          tpu.yield
        }) : () -> ()
        %dma_wait3A_68 = arith.constant 1 : i32
        %dma_wait3A_69 = arith.constant 0 : i32
        %dma_wait3A_70 = tpu.memref_slice %arg6[%dma_wait3A_68, %dma_wait3A_69] : memref<8x128xi32, #tpu.memory_space<vmem>> -> memref<1x128xi32, #tpu.memory_space<vmem>>
        %dma_wait3A_71 = tpu.memref_squeeze %dma_wait3A_70 : memref<1x128xi32, #tpu.memory_space<vmem>> -> memref<128xi32, #tpu.memory_space<vmem>>
        %dma_wait3A_72 = arith.constant 0 : i32
        %dma_wait3A_73 = arith.constant 0 : i32
        %dma_wait3A_74 = tpu.memref_slice %arg2[%dma_wait3A_72, %dma_wait3A_73] : memref<10000x128xf32, #tpu.memory_space<hbm>> -> memref<10000x128xf32, #tpu.memory_space<hbm>>
        tpu.wait_indirect_dma semaphore(%arg12 : memref<!tpu.dma_semaphore, #tpu.memory_space<semaphore_mem>>) src(%dma_wait3A_74 : memref<10000x128xf32, #tpu.memory_space<hbm>>) dst(%arg9 : memref<128x128xf32, #tpu.memory_space<vmem>>)
        %dma_start3A_75 = arith.constant 2 : i32
        %dma_start3A_76 = arith.constant 0 : i32
        %dma_start3A_77 = tpu.memref_slice %arg6[%dma_start3A_75, %dma_start3A_76] : memref<8x128xi32, #tpu.memory_space<vmem>> -> memref<1x128xi32, #tpu.memory_space<vmem>>
        %dma_start3A_78 = tpu.memref_squeeze %dma_start3A_77 : memref<1x128xi32, #tpu.memory_space<vmem>> -> memref<128xi32, #tpu.memory_space<vmem>>
        %dma_start3A_79 = arith.constant 0 : i32
        %dma_start3A_80 = arith.constant 0 : i32
        %dma_start3A_81 = tpu.memref_slice %arg2[%dma_start3A_79, %dma_start3A_80] : memref<10000x128xf32, #tpu.memory_space<hbm>> -> memref<10000x128xf32, #tpu.memory_space<hbm>>
        tpu.enqueue_indirect_dma source(%dma_start3A_81 : memref<10000x128xf32, #tpu.memory_space<hbm>>) target(%arg8 : memref<128x128xf32, #tpu.memory_space<vmem>>) offsets(%dma_start3A_78 : memref<128xi32, #tpu.memory_space<vmem>>) semaphore(%arg11 : memref<!tpu.dma_semaphore, #tpu.memory_space<semaphore_mem>>)
        %run_scoped3A_82 = arith.constant 1 : i32
        "tpu.region"() ({
          %run_scoped3A_166 = tpu.sem_alloc : memref<!tpu.dma_semaphore, #tpu.memory_space<semaphore_mem>>
          %dma_start3A_167 = arith.constant 0 : i32
          %dma_start3A_168 = tpu.memref_slice %arg7[%run_scoped3A_82, %dma_start3A_167] : memref<8x128xi32, #tpu.memory_space<vmem>> -> memref<1x128xi32, #tpu.memory_space<vmem>>
          %dma_start3A_169 = tpu.memref_squeeze %dma_start3A_168 : memref<1x128xi32, #tpu.memory_space<vmem>> -> memref<128xi32, #tpu.memory_space<vmem>>
          %dma_start3A_170 = arith.constant 0 : i32
          %dma_start3A_171 = arith.constant 0 : i32
          %dma_start3A_172 = tpu.memref_slice %arg10[%dma_start3A_170, %dma_start3A_171] : memref<10240x128xf32, #tpu.memory_space<vmem_shared>> -> memref<10240x128xf32, #tpu.memory_space<vmem_shared>>
          tpu.enqueue_indirect_dma source(%arg9 : memref<128x128xf32, #tpu.memory_space<vmem>>) target(%dma_start3A_172 : memref<10240x128xf32, #tpu.memory_space<vmem_shared>>) offsets(%dma_start3A_169 : memref<128xi32, #tpu.memory_space<vmem>>) semaphore(%run_scoped3A_166 : memref<!tpu.dma_semaphore, #tpu.memory_space<semaphore_mem>>) {add = true}
          %dma_wait3A_173 = arith.constant 0 : i32
          %dma_wait3A_174 = tpu.memref_slice %arg7[%run_scoped3A_82, %dma_wait3A_173] : memref<8x128xi32, #tpu.memory_space<vmem>> -> memref<1x128xi32, #tpu.memory_space<vmem>>
          %dma_wait3A_175 = tpu.memref_squeeze %dma_wait3A_174 : memref<1x128xi32, #tpu.memory_space<vmem>> -> memref<128xi32, #tpu.memory_space<vmem>>
          %dma_wait3A_176 = arith.constant 0 : i32
          %dma_wait3A_177 = arith.constant 0 : i32
          %dma_wait3A_178 = tpu.memref_slice %arg10[%dma_wait3A_176, %dma_wait3A_177] : memref<10240x128xf32, #tpu.memory_space<vmem_shared>> -> memref<10240x128xf32, #tpu.memory_space<vmem_shared>>
          tpu.wait_indirect_dma semaphore(%run_scoped3A_166 : memref<!tpu.dma_semaphore, #tpu.memory_space<semaphore_mem>>) src(%arg9 : memref<128x128xf32, #tpu.memory_space<vmem>>) dst(%dma_wait3A_178 : memref<10240x128xf32, #tpu.memory_space<vmem_shared>>)
          tpu.yield
        }) : () -> ()
        %dma_wait3A_83 = arith.constant 2 : i32
        %dma_wait3A_84 = arith.constant 0 : i32
        %dma_wait3A_85 = tpu.memref_slice %arg6[%dma_wait3A_83, %dma_wait3A_84] : memref<8x128xi32, #tpu.memory_space<vmem>> -> memref<1x128xi32, #tpu.memory_space<vmem>>
        %dma_wait3A_86 = tpu.memref_squeeze %dma_wait3A_85 : memref<1x128xi32, #tpu.memory_space<vmem>> -> memref<128xi32, #tpu.memory_space<vmem>>
        %dma_wait3A_87 = arith.constant 0 : i32
        %dma_wait3A_88 = arith.constant 0 : i32
        %dma_wait3A_89 = tpu.memref_slice %arg2[%dma_wait3A_87, %dma_wait3A_88] : memref<10000x128xf32, #tpu.memory_space<hbm>> -> memref<10000x128xf32, #tpu.memory_space<hbm>>
        tpu.wait_indirect_dma semaphore(%arg11 : memref<!tpu.dma_semaphore, #tpu.memory_space<semaphore_mem>>) src(%dma_wait3A_89 : memref<10000x128xf32, #tpu.memory_space<hbm>>) dst(%arg8 : memref<128x128xf32, #tpu.memory_space<vmem>>)
        %dma_start3A_90 = arith.constant 3 : i32
        %dma_start3A_91 = arith.constant 0 : i32
        %dma_start3A_92 = tpu.memref_slice %arg6[%dma_start3A_90, %dma_start3A_91] : memref<8x128xi32, #tpu.memory_space<vmem>> -> memref<1x128xi32, #tpu.memory_space<vmem>>
        %dma_start3A_93 = tpu.memref_squeeze %dma_start3A_92 : memref<1x128xi32, #tpu.memory_space<vmem>> -> memref<128xi32, #tpu.memory_space<vmem>>
        %dma_start3A_94 = arith.constant 0 : i32
        %dma_start3A_95 = arith.constant 0 : i32
        %dma_start3A_96 = tpu.memref_slice %arg2[%dma_start3A_94, %dma_start3A_95] : memref<10000x128xf32, #tpu.memory_space<hbm>> -> memref<10000x128xf32, #tpu.memory_space<hbm>>
        tpu.enqueue_indirect_dma source(%dma_start3A_96 : memref<10000x128xf32, #tpu.memory_space<hbm>>) target(%arg9 : memref<128x128xf32, #tpu.memory_space<vmem>>) offsets(%dma_start3A_93 : memref<128xi32, #tpu.memory_space<vmem>>) semaphore(%arg12 : memref<!tpu.dma_semaphore, #tpu.memory_space<semaphore_mem>>)
        %run_scoped3A_97 = arith.constant 2 : i32
        "tpu.region"() ({
          %run_scoped3A_166 = tpu.sem_alloc : memref<!tpu.dma_semaphore, #tpu.memory_space<semaphore_mem>>
          %dma_start3A_167 = arith.constant 0 : i32
          %dma_start3A_168 = tpu.memref_slice %arg7[%run_scoped3A_97, %dma_start3A_167] : memref<8x128xi32, #tpu.memory_space<vmem>> -> memref<1x128xi32, #tpu.memory_space<vmem>>
          %dma_start3A_169 = tpu.memref_squeeze %dma_start3A_168 : memref<1x128xi32, #tpu.memory_space<vmem>> -> memref<128xi32, #tpu.memory_space<vmem>>
          %dma_start3A_170 = arith.constant 0 : i32
          %dma_start3A_171 = arith.constant 0 : i32
          %dma_start3A_172 = tpu.memref_slice %arg10[%dma_start3A_170, %dma_start3A_171] : memref<10240x128xf32, #tpu.memory_space<vmem_shared>> -> memref<10240x128xf32, #tpu.memory_space<vmem_shared>>
          tpu.enqueue_indirect_dma source(%arg8 : memref<128x128xf32, #tpu.memory_space<vmem>>) target(%dma_start3A_172 : memref<10240x128xf32, #tpu.memory_space<vmem_shared>>) offsets(%dma_start3A_169 : memref<128xi32, #tpu.memory_space<vmem>>) semaphore(%run_scoped3A_166 : memref<!tpu.dma_semaphore, #tpu.memory_space<semaphore_mem>>) {add = true}
          %dma_wait3A_173 = arith.constant 0 : i32
          %dma_wait3A_174 = tpu.memref_slice %arg7[%run_scoped3A_97, %dma_wait3A_173] : memref<8x128xi32, #tpu.memory_space<vmem>> -> memref<1x128xi32, #tpu.memory_space<vmem>>
          %dma_wait3A_175 = tpu.memref_squeeze %dma_wait3A_174 : memref<1x128xi32, #tpu.memory_space<vmem>> -> memref<128xi32, #tpu.memory_space<vmem>>
          %dma_wait3A_176 = arith.constant 0 : i32
          %dma_wait3A_177 = arith.constant 0 : i32
          %dma_wait3A_178 = tpu.memref_slice %arg10[%dma_wait3A_176, %dma_wait3A_177] : memref<10240x128xf32, #tpu.memory_space<vmem_shared>> -> memref<10240x128xf32, #tpu.memory_space<vmem_shared>>
          tpu.wait_indirect_dma semaphore(%run_scoped3A_166 : memref<!tpu.dma_semaphore, #tpu.memory_space<semaphore_mem>>) src(%arg8 : memref<128x128xf32, #tpu.memory_space<vmem>>) dst(%dma_wait3A_178 : memref<10240x128xf32, #tpu.memory_space<vmem_shared>>)
          tpu.yield
        }) : () -> ()
        %dma_wait3A_98 = arith.constant 3 : i32
        %dma_wait3A_99 = arith.constant 0 : i32
        %dma_wait3A_100 = tpu.memref_slice %arg6[%dma_wait3A_98, %dma_wait3A_99] : memref<8x128xi32, #tpu.memory_space<vmem>> -> memref<1x128xi32, #tpu.memory_space<vmem>>
        %dma_wait3A_101 = tpu.memref_squeeze %dma_wait3A_100 : memref<1x128xi32, #tpu.memory_space<vmem>> -> memref<128xi32, #tpu.memory_space<vmem>>
        %dma_wait3A_102 = arith.constant 0 : i32
        %dma_wait3A_103 = arith.constant 0 : i32
        %dma_wait3A_104 = tpu.memref_slice %arg2[%dma_wait3A_102, %dma_wait3A_103] : memref<10000x128xf32, #tpu.memory_space<hbm>> -> memref<10000x128xf32, #tpu.memory_space<hbm>>
        tpu.wait_indirect_dma semaphore(%arg12 : memref<!tpu.dma_semaphore, #tpu.memory_space<semaphore_mem>>) src(%dma_wait3A_104 : memref<10000x128xf32, #tpu.memory_space<hbm>>) dst(%arg9 : memref<128x128xf32, #tpu.memory_space<vmem>>)
        %dma_start3A_105 = arith.constant 4 : i32
        %dma_start3A_106 = arith.constant 0 : i32
        %dma_start3A_107 = tpu.memref_slice %arg6[%dma_start3A_105, %dma_start3A_106] : memref<8x128xi32, #tpu.memory_space<vmem>> -> memref<1x128xi32, #tpu.memory_space<vmem>>
        %dma_start3A_108 = tpu.memref_squeeze %dma_start3A_107 : memref<1x128xi32, #tpu.memory_space<vmem>> -> memref<128xi32, #tpu.memory_space<vmem>>
        %dma_start3A_109 = arith.constant 0 : i32
        %dma_start3A_110 = arith.constant 0 : i32
        %dma_start3A_111 = tpu.memref_slice %arg2[%dma_start3A_109, %dma_start3A_110] : memref<10000x128xf32, #tpu.memory_space<hbm>> -> memref<10000x128xf32, #tpu.memory_space<hbm>>
        tpu.enqueue_indirect_dma source(%dma_start3A_111 : memref<10000x128xf32, #tpu.memory_space<hbm>>) target(%arg8 : memref<128x128xf32, #tpu.memory_space<vmem>>) offsets(%dma_start3A_108 : memref<128xi32, #tpu.memory_space<vmem>>) semaphore(%arg11 : memref<!tpu.dma_semaphore, #tpu.memory_space<semaphore_mem>>)
        %run_scoped3A_112 = arith.constant 3 : i32
        "tpu.region"() ({
          %run_scoped3A_166 = tpu.sem_alloc : memref<!tpu.dma_semaphore, #tpu.memory_space<semaphore_mem>>
          %dma_start3A_167 = arith.constant 0 : i32
          %dma_start3A_168 = tpu.memref_slice %arg7[%run_scoped3A_112, %dma_start3A_167] : memref<8x128xi32, #tpu.memory_space<vmem>> -> memref<1x128xi32, #tpu.memory_space<vmem>>
          %dma_start3A_169 = tpu.memref_squeeze %dma_start3A_168 : memref<1x128xi32, #tpu.memory_space<vmem>> -> memref<128xi32, #tpu.memory_space<vmem>>
          %dma_start3A_170 = arith.constant 0 : i32
          %dma_start3A_171 = arith.constant 0 : i32
          %dma_start3A_172 = tpu.memref_slice %arg10[%dma_start3A_170, %dma_start3A_171] : memref<10240x128xf32, #tpu.memory_space<vmem_shared>> -> memref<10240x128xf32, #tpu.memory_space<vmem_shared>>
          tpu.enqueue_indirect_dma source(%arg9 : memref<128x128xf32, #tpu.memory_space<vmem>>) target(%dma_start3A_172 : memref<10240x128xf32, #tpu.memory_space<vmem_shared>>) offsets(%dma_start3A_169 : memref<128xi32, #tpu.memory_space<vmem>>) semaphore(%run_scoped3A_166 : memref<!tpu.dma_semaphore, #tpu.memory_space<semaphore_mem>>) {add = true}
          %dma_wait3A_173 = arith.constant 0 : i32
          %dma_wait3A_174 = tpu.memref_slice %arg7[%run_scoped3A_112, %dma_wait3A_173] : memref<8x128xi32, #tpu.memory_space<vmem>> -> memref<1x128xi32, #tpu.memory_space<vmem>>
          %dma_wait3A_175 = tpu.memref_squeeze %dma_wait3A_174 : memref<1x128xi32, #tpu.memory_space<vmem>> -> memref<128xi32, #tpu.memory_space<vmem>>
          %dma_wait3A_176 = arith.constant 0 : i32
          %dma_wait3A_177 = arith.constant 0 : i32
          %dma_wait3A_178 = tpu.memref_slice %arg10[%dma_wait3A_176, %dma_wait3A_177] : memref<10240x128xf32, #tpu.memory_space<vmem_shared>> -> memref<10240x128xf32, #tpu.memory_space<vmem_shared>>
          tpu.wait_indirect_dma semaphore(%run_scoped3A_166 : memref<!tpu.dma_semaphore, #tpu.memory_space<semaphore_mem>>) src(%arg9 : memref<128x128xf32, #tpu.memory_space<vmem>>) dst(%dma_wait3A_178 : memref<10240x128xf32, #tpu.memory_space<vmem_shared>>)
          tpu.yield
        }) : () -> ()
        %dma_wait3A_113 = arith.constant 4 : i32
        %dma_wait3A_114 = arith.constant 0 : i32
        %dma_wait3A_115 = tpu.memref_slice %arg6[%dma_wait3A_113, %dma_wait3A_114] : memref<8x128xi32, #tpu.memory_space<vmem>> -> memref<1x128xi32, #tpu.memory_space<vmem>>
        %dma_wait3A_116 = tpu.memref_squeeze %dma_wait3A_115 : memref<1x128xi32, #tpu.memory_space<vmem>> -> memref<128xi32, #tpu.memory_space<vmem>>
        %dma_wait3A_117 = arith.constant 0 : i32
        %dma_wait3A_118 = arith.constant 0 : i32
        %dma_wait3A_119 = tpu.memref_slice %arg2[%dma_wait3A_117, %dma_wait3A_118] : memref<10000x128xf32, #tpu.memory_space<hbm>> -> memref<10000x128xf32, #tpu.memory_space<hbm>>
        tpu.wait_indirect_dma semaphore(%arg11 : memref<!tpu.dma_semaphore, #tpu.memory_space<semaphore_mem>>) src(%dma_wait3A_119 : memref<10000x128xf32, #tpu.memory_space<hbm>>) dst(%arg8 : memref<128x128xf32, #tpu.memory_space<vmem>>)
        %dma_start3A_120 = arith.constant 5 : i32
        %dma_start3A_121 = arith.constant 0 : i32
        %dma_start3A_122 = tpu.memref_slice %arg6[%dma_start3A_120, %dma_start3A_121] : memref<8x128xi32, #tpu.memory_space<vmem>> -> memref<1x128xi32, #tpu.memory_space<vmem>>
        %dma_start3A_123 = tpu.memref_squeeze %dma_start3A_122 : memref<1x128xi32, #tpu.memory_space<vmem>> -> memref<128xi32, #tpu.memory_space<vmem>>
        %dma_start3A_124 = arith.constant 0 : i32
        %dma_start3A_125 = arith.constant 0 : i32
        %dma_start3A_126 = tpu.memref_slice %arg2[%dma_start3A_124, %dma_start3A_125] : memref<10000x128xf32, #tpu.memory_space<hbm>> -> memref<10000x128xf32, #tpu.memory_space<hbm>>
        tpu.enqueue_indirect_dma source(%dma_start3A_126 : memref<10000x128xf32, #tpu.memory_space<hbm>>) target(%arg9 : memref<128x128xf32, #tpu.memory_space<vmem>>) offsets(%dma_start3A_123 : memref<128xi32, #tpu.memory_space<vmem>>) semaphore(%arg12 : memref<!tpu.dma_semaphore, #tpu.memory_space<semaphore_mem>>)
        %run_scoped3A_127 = arith.constant 4 : i32
        "tpu.region"() ({
          %run_scoped3A_166 = tpu.sem_alloc : memref<!tpu.dma_semaphore, #tpu.memory_space<semaphore_mem>>
          %dma_start3A_167 = arith.constant 0 : i32
          %dma_start3A_168 = tpu.memref_slice %arg7[%run_scoped3A_127, %dma_start3A_167] : memref<8x128xi32, #tpu.memory_space<vmem>> -> memref<1x128xi32, #tpu.memory_space<vmem>>
          %dma_start3A_169 = tpu.memref_squeeze %dma_start3A_168 : memref<1x128xi32, #tpu.memory_space<vmem>> -> memref<128xi32, #tpu.memory_space<vmem>>
          %dma_start3A_170 = arith.constant 0 : i32
          %dma_start3A_171 = arith.constant 0 : i32
          %dma_start3A_172 = tpu.memref_slice %arg10[%dma_start3A_170, %dma_start3A_171] : memref<10240x128xf32, #tpu.memory_space<vmem_shared>> -> memref<10240x128xf32, #tpu.memory_space<vmem_shared>>
          tpu.enqueue_indirect_dma source(%arg8 : memref<128x128xf32, #tpu.memory_space<vmem>>) target(%dma_start3A_172 : memref<10240x128xf32, #tpu.memory_space<vmem_shared>>) offsets(%dma_start3A_169 : memref<128xi32, #tpu.memory_space<vmem>>) semaphore(%run_scoped3A_166 : memref<!tpu.dma_semaphore, #tpu.memory_space<semaphore_mem>>) {add = true}
          %dma_wait3A_173 = arith.constant 0 : i32
          %dma_wait3A_174 = tpu.memref_slice %arg7[%run_scoped3A_127, %dma_wait3A_173] : memref<8x128xi32, #tpu.memory_space<vmem>> -> memref<1x128xi32, #tpu.memory_space<vmem>>
          %dma_wait3A_175 = tpu.memref_squeeze %dma_wait3A_174 : memref<1x128xi32, #tpu.memory_space<vmem>> -> memref<128xi32, #tpu.memory_space<vmem>>
          %dma_wait3A_176 = arith.constant 0 : i32
          %dma_wait3A_177 = arith.constant 0 : i32
          %dma_wait3A_178 = tpu.memref_slice %arg10[%dma_wait3A_176, %dma_wait3A_177] : memref<10240x128xf32, #tpu.memory_space<vmem_shared>> -> memref<10240x128xf32, #tpu.memory_space<vmem_shared>>
          tpu.wait_indirect_dma semaphore(%run_scoped3A_166 : memref<!tpu.dma_semaphore, #tpu.memory_space<semaphore_mem>>) src(%arg8 : memref<128x128xf32, #tpu.memory_space<vmem>>) dst(%dma_wait3A_178 : memref<10240x128xf32, #tpu.memory_space<vmem_shared>>)
          tpu.yield
        }) : () -> ()
        %dma_wait3A_128 = arith.constant 5 : i32
        %dma_wait3A_129 = arith.constant 0 : i32
        %dma_wait3A_130 = tpu.memref_slice %arg6[%dma_wait3A_128, %dma_wait3A_129] : memref<8x128xi32, #tpu.memory_space<vmem>> -> memref<1x128xi32, #tpu.memory_space<vmem>>
        %dma_wait3A_131 = tpu.memref_squeeze %dma_wait3A_130 : memref<1x128xi32, #tpu.memory_space<vmem>> -> memref<128xi32, #tpu.memory_space<vmem>>
        %dma_wait3A_132 = arith.constant 0 : i32
        %dma_wait3A_133 = arith.constant 0 : i32
        %dma_wait3A_134 = tpu.memref_slice %arg2[%dma_wait3A_132, %dma_wait3A_133] : memref<10000x128xf32, #tpu.memory_space<hbm>> -> memref<10000x128xf32, #tpu.memory_space<hbm>>
        tpu.wait_indirect_dma semaphore(%arg12 : memref<!tpu.dma_semaphore, #tpu.memory_space<semaphore_mem>>) src(%dma_wait3A_134 : memref<10000x128xf32, #tpu.memory_space<hbm>>) dst(%arg9 : memref<128x128xf32, #tpu.memory_space<vmem>>)
        %dma_start3A_135 = arith.constant 6 : i32
        %dma_start3A_136 = arith.constant 0 : i32
        %dma_start3A_137 = tpu.memref_slice %arg6[%dma_start3A_135, %dma_start3A_136] : memref<8x128xi32, #tpu.memory_space<vmem>> -> memref<1x128xi32, #tpu.memory_space<vmem>>
        %dma_start3A_138 = tpu.memref_squeeze %dma_start3A_137 : memref<1x128xi32, #tpu.memory_space<vmem>> -> memref<128xi32, #tpu.memory_space<vmem>>
        %dma_start3A_139 = arith.constant 0 : i32
        %dma_start3A_140 = arith.constant 0 : i32
        %dma_start3A_141 = tpu.memref_slice %arg2[%dma_start3A_139, %dma_start3A_140] : memref<10000x128xf32, #tpu.memory_space<hbm>> -> memref<10000x128xf32, #tpu.memory_space<hbm>>
        tpu.enqueue_indirect_dma source(%dma_start3A_141 : memref<10000x128xf32, #tpu.memory_space<hbm>>) target(%arg8 : memref<128x128xf32, #tpu.memory_space<vmem>>) offsets(%dma_start3A_138 : memref<128xi32, #tpu.memory_space<vmem>>) semaphore(%arg11 : memref<!tpu.dma_semaphore, #tpu.memory_space<semaphore_mem>>)
        %run_scoped3A_142 = arith.constant 5 : i32
        "tpu.region"() ({
          %run_scoped3A_166 = tpu.sem_alloc : memref<!tpu.dma_semaphore, #tpu.memory_space<semaphore_mem>>
          %dma_start3A_167 = arith.constant 0 : i32
          %dma_start3A_168 = tpu.memref_slice %arg7[%run_scoped3A_142, %dma_start3A_167] : memref<8x128xi32, #tpu.memory_space<vmem>> -> memref<1x128xi32, #tpu.memory_space<vmem>>
          %dma_start3A_169 = tpu.memref_squeeze %dma_start3A_168 : memref<1x128xi32, #tpu.memory_space<vmem>> -> memref<128xi32, #tpu.memory_space<vmem>>
          %dma_start3A_170 = arith.constant 0 : i32
          %dma_start3A_171 = arith.constant 0 : i32
          %dma_start3A_172 = tpu.memref_slice %arg10[%dma_start3A_170, %dma_start3A_171] : memref<10240x128xf32, #tpu.memory_space<vmem_shared>> -> memref<10240x128xf32, #tpu.memory_space<vmem_shared>>
          tpu.enqueue_indirect_dma source(%arg9 : memref<128x128xf32, #tpu.memory_space<vmem>>) target(%dma_start3A_172 : memref<10240x128xf32, #tpu.memory_space<vmem_shared>>) offsets(%dma_start3A_169 : memref<128xi32, #tpu.memory_space<vmem>>) semaphore(%run_scoped3A_166 : memref<!tpu.dma_semaphore, #tpu.memory_space<semaphore_mem>>) {add = true}
          %dma_wait3A_173 = arith.constant 0 : i32
          %dma_wait3A_174 = tpu.memref_slice %arg7[%run_scoped3A_142, %dma_wait3A_173] : memref<8x128xi32, #tpu.memory_space<vmem>> -> memref<1x128xi32, #tpu.memory_space<vmem>>
          %dma_wait3A_175 = tpu.memref_squeeze %dma_wait3A_174 : memref<1x128xi32, #tpu.memory_space<vmem>> -> memref<128xi32, #tpu.memory_space<vmem>>
          %dma_wait3A_176 = arith.constant 0 : i32
          %dma_wait3A_177 = arith.constant 0 : i32
          %dma_wait3A_178 = tpu.memref_slice %arg10[%dma_wait3A_176, %dma_wait3A_177] : memref<10240x128xf32, #tpu.memory_space<vmem_shared>> -> memref<10240x128xf32, #tpu.memory_space<vmem_shared>>
          tpu.wait_indirect_dma semaphore(%run_scoped3A_166 : memref<!tpu.dma_semaphore, #tpu.memory_space<semaphore_mem>>) src(%arg9 : memref<128x128xf32, #tpu.memory_space<vmem>>) dst(%dma_wait3A_178 : memref<10240x128xf32, #tpu.memory_space<vmem_shared>>)
          tpu.yield
        }) : () -> ()
        %dma_wait3A_143 = arith.constant 6 : i32
        %dma_wait3A_144 = arith.constant 0 : i32
        %dma_wait3A_145 = tpu.memref_slice %arg6[%dma_wait3A_143, %dma_wait3A_144] : memref<8x128xi32, #tpu.memory_space<vmem>> -> memref<1x128xi32, #tpu.memory_space<vmem>>
        %dma_wait3A_146 = tpu.memref_squeeze %dma_wait3A_145 : memref<1x128xi32, #tpu.memory_space<vmem>> -> memref<128xi32, #tpu.memory_space<vmem>>
        %dma_wait3A_147 = arith.constant 0 : i32
        %dma_wait3A_148 = arith.constant 0 : i32
        %dma_wait3A_149 = tpu.memref_slice %arg2[%dma_wait3A_147, %dma_wait3A_148] : memref<10000x128xf32, #tpu.memory_space<hbm>> -> memref<10000x128xf32, #tpu.memory_space<hbm>>
        tpu.wait_indirect_dma semaphore(%arg11 : memref<!tpu.dma_semaphore, #tpu.memory_space<semaphore_mem>>) src(%dma_wait3A_149 : memref<10000x128xf32, #tpu.memory_space<hbm>>) dst(%arg8 : memref<128x128xf32, #tpu.memory_space<vmem>>)
        %dma_start3A_150 = arith.constant 7 : i32
        %dma_start3A_151 = arith.constant 0 : i32
        %dma_start3A_152 = tpu.memref_slice %arg6[%dma_start3A_150, %dma_start3A_151] : memref<8x128xi32, #tpu.memory_space<vmem>> -> memref<1x128xi32, #tpu.memory_space<vmem>>
        %dma_start3A_153 = tpu.memref_squeeze %dma_start3A_152 : memref<1x128xi32, #tpu.memory_space<vmem>> -> memref<128xi32, #tpu.memory_space<vmem>>
        %dma_start3A_154 = arith.constant 0 : i32
        %dma_start3A_155 = arith.constant 0 : i32
        %dma_start3A_156 = tpu.memref_slice %arg2[%dma_start3A_154, %dma_start3A_155] : memref<10000x128xf32, #tpu.memory_space<hbm>> -> memref<10000x128xf32, #tpu.memory_space<hbm>>
        tpu.enqueue_indirect_dma source(%dma_start3A_156 : memref<10000x128xf32, #tpu.memory_space<hbm>>) target(%arg9 : memref<128x128xf32, #tpu.memory_space<vmem>>) offsets(%dma_start3A_153 : memref<128xi32, #tpu.memory_space<vmem>>) semaphore(%arg12 : memref<!tpu.dma_semaphore, #tpu.memory_space<semaphore_mem>>)
        %run_scoped3A_157 = arith.constant 6 : i32
        "tpu.region"() ({
          %run_scoped3A_166 = tpu.sem_alloc : memref<!tpu.dma_semaphore, #tpu.memory_space<semaphore_mem>>
          %dma_start3A_167 = arith.constant 0 : i32
          %dma_start3A_168 = tpu.memref_slice %arg7[%run_scoped3A_157, %dma_start3A_167] : memref<8x128xi32, #tpu.memory_space<vmem>> -> memref<1x128xi32, #tpu.memory_space<vmem>>
          %dma_start3A_169 = tpu.memref_squeeze %dma_start3A_168 : memref<1x128xi32, #tpu.memory_space<vmem>> -> memref<128xi32, #tpu.memory_space<vmem>>
          %dma_start3A_170 = arith.constant 0 : i32
          %dma_start3A_171 = arith.constant 0 : i32
          %dma_start3A_172 = tpu.memref_slice %arg10[%dma_start3A_170, %dma_start3A_171] : memref<10240x128xf32, #tpu.memory_space<vmem_shared>> -> memref<10240x128xf32, #tpu.memory_space<vmem_shared>>
          tpu.enqueue_indirect_dma source(%arg8 : memref<128x128xf32, #tpu.memory_space<vmem>>) target(%dma_start3A_172 : memref<10240x128xf32, #tpu.memory_space<vmem_shared>>) offsets(%dma_start3A_169 : memref<128xi32, #tpu.memory_space<vmem>>) semaphore(%run_scoped3A_166 : memref<!tpu.dma_semaphore, #tpu.memory_space<semaphore_mem>>) {add = true}
          %dma_wait3A_173 = arith.constant 0 : i32
          %dma_wait3A_174 = tpu.memref_slice %arg7[%run_scoped3A_157, %dma_wait3A_173] : memref<8x128xi32, #tpu.memory_space<vmem>> -> memref<1x128xi32, #tpu.memory_space<vmem>>
          %dma_wait3A_175 = tpu.memref_squeeze %dma_wait3A_174 : memref<1x128xi32, #tpu.memory_space<vmem>> -> memref<128xi32, #tpu.memory_space<vmem>>
          %dma_wait3A_176 = arith.constant 0 : i32
          %dma_wait3A_177 = arith.constant 0 : i32
          %dma_wait3A_178 = tpu.memref_slice %arg10[%dma_wait3A_176, %dma_wait3A_177] : memref<10240x128xf32, #tpu.memory_space<vmem_shared>> -> memref<10240x128xf32, #tpu.memory_space<vmem_shared>>
          tpu.wait_indirect_dma semaphore(%run_scoped3A_166 : memref<!tpu.dma_semaphore, #tpu.memory_space<semaphore_mem>>) src(%arg8 : memref<128x128xf32, #tpu.memory_space<vmem>>) dst(%dma_wait3A_178 : memref<10240x128xf32, #tpu.memory_space<vmem_shared>>)
          tpu.yield
        }) : () -> ()
        %dma_wait3A_158 = arith.constant 7 : i32
        %dma_wait3A_159 = arith.constant 0 : i32
        %dma_wait3A_160 = tpu.memref_slice %arg6[%dma_wait3A_158, %dma_wait3A_159] : memref<8x128xi32, #tpu.memory_space<vmem>> -> memref<1x128xi32, #tpu.memory_space<vmem>>
        %dma_wait3A_161 = tpu.memref_squeeze %dma_wait3A_160 : memref<1x128xi32, #tpu.memory_space<vmem>> -> memref<128xi32, #tpu.memory_space<vmem>>
        %dma_wait3A_162 = arith.constant 0 : i32
        %dma_wait3A_163 = arith.constant 0 : i32
        %dma_wait3A_164 = tpu.memref_slice %arg2[%dma_wait3A_162, %dma_wait3A_163] : memref<10000x128xf32, #tpu.memory_space<hbm>> -> memref<10000x128xf32, #tpu.memory_space<hbm>>
        tpu.wait_indirect_dma semaphore(%arg12 : memref<!tpu.dma_semaphore, #tpu.memory_space<semaphore_mem>>) src(%dma_wait3A_164 : memref<10000x128xf32, #tpu.memory_space<hbm>>) dst(%arg9 : memref<128x128xf32, #tpu.memory_space<vmem>>)
        %run_scoped3A_165 = arith.constant 7 : i32
        "tpu.region"() ({
          %run_scoped3A_166 = tpu.sem_alloc : memref<!tpu.dma_semaphore, #tpu.memory_space<semaphore_mem>>
          %dma_start3A_167 = arith.constant 0 : i32
          %dma_start3A_168 = tpu.memref_slice %arg7[%run_scoped3A_165, %dma_start3A_167] : memref<8x128xi32, #tpu.memory_space<vmem>> -> memref<1x128xi32, #tpu.memory_space<vmem>>
          %dma_start3A_169 = tpu.memref_squeeze %dma_start3A_168 : memref<1x128xi32, #tpu.memory_space<vmem>> -> memref<128xi32, #tpu.memory_space<vmem>>
          %dma_start3A_170 = arith.constant 0 : i32
          %dma_start3A_171 = arith.constant 0 : i32
          %dma_start3A_172 = tpu.memref_slice %arg10[%dma_start3A_170, %dma_start3A_171] : memref<10240x128xf32, #tpu.memory_space<vmem_shared>> -> memref<10240x128xf32, #tpu.memory_space<vmem_shared>>
          tpu.enqueue_indirect_dma source(%arg9 : memref<128x128xf32, #tpu.memory_space<vmem>>) target(%dma_start3A_172 : memref<10240x128xf32, #tpu.memory_space<vmem_shared>>) offsets(%dma_start3A_169 : memref<128xi32, #tpu.memory_space<vmem>>) semaphore(%run_scoped3A_166 : memref<!tpu.dma_semaphore, #tpu.memory_space<semaphore_mem>>) {add = true}
          %dma_wait3A_173 = arith.constant 0 : i32
          %dma_wait3A_174 = tpu.memref_slice %arg7[%run_scoped3A_165, %dma_wait3A_173] : memref<8x128xi32, #tpu.memory_space<vmem>> -> memref<1x128xi32, #tpu.memory_space<vmem>>
          %dma_wait3A_175 = tpu.memref_squeeze %dma_wait3A_174 : memref<1x128xi32, #tpu.memory_space<vmem>> -> memref<128xi32, #tpu.memory_space<vmem>>
          %dma_wait3A_176 = arith.constant 0 : i32
          %dma_wait3A_177 = arith.constant 0 : i32
          %dma_wait3A_178 = tpu.memref_slice %arg10[%dma_wait3A_176, %dma_wait3A_177] : memref<10240x128xf32, #tpu.memory_space<vmem_shared>> -> memref<10240x128xf32, #tpu.memory_space<vmem_shared>>
          tpu.wait_indirect_dma semaphore(%run_scoped3A_166 : memref<!tpu.dma_semaphore, #tpu.memory_space<semaphore_mem>>) src(%arg9 : memref<128x128xf32, #tpu.memory_space<vmem>>) dst(%dma_wait3A_178 : memref<10240x128xf32, #tpu.memory_space<vmem_shared>>)
          tpu.yield
        }) : () -> ()
      }
      %scan3A_44 = arith.constant 2 : i32
    } else {
    }
    %barrier3A_31 = arith.constant 0 : index
    tpu.barrier barrier_id(%barrier3A_31)
    %mul3A_32 = arith.constant 640 : i32
    %mul3A_33 = arith.muli %arg1, %mul3A_32 : i32
    %mul3A_34 = arith.constant 640 : i32
    %mul3A_35 = arith.muli %arg1, %mul3A_34 : i32
    "tpu.region"() ({
      %run_scoped3A = tpu.sem_alloc : memref<!tpu.dma_semaphore, #tpu.memory_space<semaphore_mem>>
      %dma_start3A = arith.constant 0 : i32
      %dma_start3A_36 = tpu.memref_slice %arg5[%arg0, %mul3A_35, %dma_start3A] : memref<2x10240x128xf32, #tpu.memory_space<hbm>> -> memref<1x640x128xf32, #tpu.memory_space<hbm>>
      %dma_start3A_37 = tpu.memref_squeeze %dma_start3A_36 : memref<1x640x128xf32, #tpu.memory_space<hbm>> -> memref<640x128xf32, #tpu.memory_space<hbm>>
      %dma_start3A_38 = arith.constant 0 : i32
      %dma_start3A_39 = tpu.memref_slice %arg10[%mul3A_33, %dma_start3A_38] : memref<10240x128xf32, #tpu.memory_space<vmem_shared>> -> memref<640x128xf32, #tpu.memory_space<vmem_shared>>
      tpu.enqueue_dma source(%dma_start3A_39 : memref<640x128xf32, #tpu.memory_space<vmem_shared>>) target(%dma_start3A_37 : memref<640x128xf32, #tpu.memory_space<hbm>>) target_semaphore(%run_scoped3A : memref<!tpu.dma_semaphore, #tpu.memory_space<semaphore_mem>>)
      %dma_wait3A = arith.constant 0 : i32
      %dma_wait3A_40 = tpu.memref_slice %arg5[%arg0, %mul3A_35, %dma_wait3A] : memref<2x10240x128xf32, #tpu.memory_space<hbm>> -> memref<1x640x128xf32, #tpu.memory_space<hbm>>
      %dma_wait3A_41 = tpu.memref_squeeze %dma_wait3A_40 : memref<1x640x128xf32, #tpu.memory_space<hbm>> -> memref<640x128xf32, #tpu.memory_space<hbm>>
      %dma_wait3A_42 = arith.constant 0 : i32
      %dma_wait3A_43 = tpu.memref_slice %arg10[%mul3A_33, %dma_wait3A_42] : memref<10240x128xf32, #tpu.memory_space<vmem_shared>> -> memref<640x128xf32, #tpu.memory_space<vmem_shared>>
      tpu.wait_dma2 semaphore(%run_scoped3A : memref<!tpu.dma_semaphore, #tpu.memory_space<semaphore_mem>>) src(%dma_wait3A_43 : memref<640x128xf32, #tpu.memory_space<vmem_shared>>) dst(%dma_wait3A_41 : memref<640x128xf32, #tpu.memory_space<hbm>>)
      tpu.yield
    }) : () -> ()
    return
  }
}

#map = affine_map<(d0, d1) -> (0, 0)>
module attributes {stable_mosaic.version = 14 : i64} {
  func.func @_deg_body(%arg0: i32, %arg1: i32, %arg2: memref<2560x128xi32, #tpu.memory_space<hbm>>, %arg3: memref<2x10240xf32, #tpu.memory_space<hbm>>, %arg4: memref<80x128xi32, #tpu.memory_space<vmem>>, %arg5: memref<128xf32, #tpu.memory_space<vmem>>, %arg6: memref<640xf32, #tpu.memory_space<vmem>>, %arg7: memref<10240xf32, #tpu.memory_space<vmem_shared>>, %arg8: memref<!tpu.dma_semaphore, #tpu.memory_space<semaphore_mem>>) attributes {dimension_semantics = [#tpu.dimension_semantics<core_parallel>, #tpu.dimension_semantics<subcore_parallel>], iteration_bounds = array<i64: 2, 16>, scalar_prefetch = 0 : i64, scratch_operands = 5 : i64, tpu.core_type = #tpu.core_type<sc_vector_subcore>, window_params = [{transform_indices = #map}, {transform_indices = #map}]} {
    %mul3A = arith.constant 2 : i32
    %mul3A_0 = arith.muli %arg1, %mul3A : i32
    %add3A = arith.addi %mul3A_0, %arg0 : i32
    %scan3A = arith.constant 0 : i32
    %scan3A_1 = arith.constant 0 : i32
    %scan3A_2 = arith.constant 8 : i32
    %scan3A_3 = arith.addi %scan3A_1, %scan3A_2 : i32
    %scan3A_4 = arith.constant 1 : i32
    %scan3A_5 = scf.for %scan3A_30 = %scan3A_1 to %scan3A_3 step %scan3A_4 iter_args(%scan3A_31 = %scan3A) -> (i32)  : i32 {
      %broadcast_in_dim3A = arith.constant 1.000000e+00 : f32
      %broadcast_in_dim3A_32 = vector.broadcast %broadcast_in_dim3A : f32 to vector<16xf32>
      %mul3A_33 = arith.constant 16 : i32
      %mul3A_34 = arith.muli %scan3A_30, %mul3A_33 : i32
      %swap3A = arith.index_cast %mul3A_34 : i32 to index
      %swap3A_35 = tpu.vector_load %arg5[%swap3A] {strides = array<i32>} : memref<128xf32, #tpu.memory_space<vmem>>, vector<16xf32>,
      %swap3A_36 = vector.shape_cast %swap3A_35 : vector<16xf32> to vector<16xf32>
      %swap3A_37 = vector.shape_cast %broadcast_in_dim3A_32 : vector<16xf32> to vector<16xf32>
      tpu.vector_store %arg5[%swap3A], %swap3A_37 {strides = array<i32>} : memref<128xf32, #tpu.memory_space<vmem>>, vector<16xf32>,
      %scan3A_38 = arith.constant 0 : i32
      scf.yield %scan3A_38 : i32
    }
    %scan3A_6 = arith.constant 8 : i32
    %scan3A_7 = arith.constant 0 : i32
    %scan3A_8 = arith.constant 0 : i32
    %scan3A_9 = arith.constant 40 : i32
    %scan3A_10 = arith.addi %scan3A_8, %scan3A_9 : i32
    %scan3A_11 = arith.constant 1 : i32
    %scan3A_12 = scf.for %scan3A_30 = %scan3A_8 to %scan3A_10 step %scan3A_11 iter_args(%scan3A_31 = %scan3A_7) -> (i32)  : i32 {
      %broadcast_in_dim3A = arith.constant 0.000000e+00 : f32
      %broadcast_in_dim3A_32 = vector.broadcast %broadcast_in_dim3A : f32 to vector<16xf32>
      %mul3A_33 = arith.constant 16 : i32
      %mul3A_34 = arith.muli %scan3A_30, %mul3A_33 : i32
      %swap3A = arith.index_cast %mul3A_34 : i32 to index
      %swap3A_35 = tpu.vector_load %arg6[%swap3A] {strides = array<i32>} : memref<640xf32, #tpu.memory_space<vmem>>, vector<16xf32>,
      %swap3A_36 = vector.shape_cast %swap3A_35 : vector<16xf32> to vector<16xf32>
      %swap3A_37 = vector.shape_cast %broadcast_in_dim3A_32 : vector<16xf32> to vector<16xf32>
      tpu.vector_store %arg6[%swap3A], %swap3A_37 {strides = array<i32>} : memref<640xf32, #tpu.memory_space<vmem>>, vector<16xf32>,
      %scan3A_38 = arith.constant 0 : i32
      scf.yield %scan3A_38 : i32
    }
    %scan3A_13 = arith.constant 40 : i32
    %mul3A_14 = arith.constant 640 : i32
    %mul3A_15 = arith.muli %arg1, %mul3A_14 : i32
    "tpu.region"() ({
      %run_scoped3A = tpu.sem_alloc : memref<!tpu.dma_semaphore, #tpu.memory_space<semaphore_mem>>
      %dma_start3A = tpu.memref_slice %arg7[%mul3A_15] : memref<10240xf32, #tpu.memory_space<vmem_shared>> -> memref<640xf32, #tpu.memory_space<vmem_shared>>
      %dma_start3A_30 = tpu.memref_slice %arg7[%mul3A_15] : memref<10240xf32, #tpu.memory_space<vmem_shared>> -> memref<640xf32, #tpu.memory_space<vmem_shared>>
      tpu.enqueue_dma source(%arg6 : memref<640xf32, #tpu.memory_space<vmem>>) target(%dma_start3A_30 : memref<640xf32, #tpu.memory_space<vmem_shared>>) target_semaphore(%run_scoped3A : memref<!tpu.dma_semaphore, #tpu.memory_space<semaphore_mem>>)
      %dma_wait3A = tpu.memref_slice %arg7[%mul3A_15] : memref<10240xf32, #tpu.memory_space<vmem_shared>> -> memref<640xf32, #tpu.memory_space<vmem_shared>>
      %dma_wait3A_31 = tpu.memref_slice %arg7[%mul3A_15] : memref<10240xf32, #tpu.memory_space<vmem_shared>> -> memref<640xf32, #tpu.memory_space<vmem_shared>>
      tpu.wait_dma2 semaphore(%run_scoped3A : memref<!tpu.dma_semaphore, #tpu.memory_space<semaphore_mem>>) src(%arg6 : memref<640xf32, #tpu.memory_space<vmem>>) dst(%dma_wait3A_31 : memref<640xf32, #tpu.memory_space<vmem_shared>>)
      tpu.yield
    }) : () -> ()
    %barrier3A = arith.constant 0 : index
    tpu.barrier barrier_id(%barrier3A)
    %mul3A_16 = arith.constant 80 : i32
    %mul3A_17 = arith.muli %add3A, %mul3A_16 : i32
    "tpu.region"() ({
      %run_scoped3A = tpu.sem_alloc : memref<!tpu.dma_semaphore, #tpu.memory_space<semaphore_mem>>
      %dma_start3A = arith.constant 0 : i32
      %dma_start3A_30 = tpu.memref_slice %arg2[%mul3A_17, %dma_start3A] : memref<2560x128xi32, #tpu.memory_space<hbm>> -> memref<80x128xi32, #tpu.memory_space<hbm>>
      %dma_start3A_31 = arith.constant 0 : i32
      %dma_start3A_32 = tpu.memref_slice %arg2[%mul3A_17, %dma_start3A_31] : memref<2560x128xi32, #tpu.memory_space<hbm>> -> memref<80x128xi32, #tpu.memory_space<hbm>>
      tpu.enqueue_dma source(%dma_start3A_32 : memref<80x128xi32, #tpu.memory_space<hbm>>) target(%arg4 : memref<80x128xi32, #tpu.memory_space<vmem>>) target_semaphore(%run_scoped3A : memref<!tpu.dma_semaphore, #tpu.memory_space<semaphore_mem>>)
      %dma_wait3A = arith.constant 0 : i32
      %dma_wait3A_33 = tpu.memref_slice %arg2[%mul3A_17, %dma_wait3A] : memref<2560x128xi32, #tpu.memory_space<hbm>> -> memref<80x128xi32, #tpu.memory_space<hbm>>
      %dma_wait3A_34 = arith.constant 0 : i32
      %dma_wait3A_35 = tpu.memref_slice %arg2[%mul3A_17, %dma_wait3A_34] : memref<2560x128xi32, #tpu.memory_space<hbm>> -> memref<80x128xi32, #tpu.memory_space<hbm>>
      tpu.wait_dma2 semaphore(%run_scoped3A : memref<!tpu.dma_semaphore, #tpu.memory_space<semaphore_mem>>) src(%dma_wait3A_35 : memref<80x128xi32, #tpu.memory_space<hbm>>) dst(%arg4 : memref<80x128xi32, #tpu.memory_space<vmem>>)
      tpu.yield
    }) : () -> ()
    %scan3A_18 = arith.constant 0 : i32
    %scan3A_19 = arith.constant 0 : i32
    %scan3A_20 = arith.constant 80 : i32
    %scan3A_21 = arith.addi %scan3A_19, %scan3A_20 : i32
    %scan3A_22 = arith.constant 1 : i32
    %scan3A_23 = scf.for %scan3A_30 = %scan3A_19 to %scan3A_21 step %scan3A_22 iter_args(%scan3A_31 = %scan3A_18) -> (i32)  : i32 {
      "tpu.region"() ({
        %run_scoped3A = tpu.sem_alloc : memref<!tpu.dma_semaphore, #tpu.memory_space<semaphore_mem>>
        %dma_start3A = arith.constant 0 : i32
        %dma_start3A_33 = tpu.memref_slice %arg4[%scan3A_30, %dma_start3A] : memref<80x128xi32, #tpu.memory_space<vmem>> -> memref<1x128xi32, #tpu.memory_space<vmem>>
        %dma_start3A_34 = tpu.memref_squeeze %dma_start3A_33 : memref<1x128xi32, #tpu.memory_space<vmem>> -> memref<128xi32, #tpu.memory_space<vmem>>
        %dma_start3A_35 = arith.constant 0 : i32
        %dma_start3A_36 = tpu.memref_slice %arg7[%dma_start3A_35] : memref<10240xf32, #tpu.memory_space<vmem_shared>> -> memref<10240xf32, #tpu.memory_space<vmem_shared>>
        tpu.enqueue_indirect_dma source(%arg5 : memref<128xf32, #tpu.memory_space<vmem>>) target(%dma_start3A_36 : memref<10240xf32, #tpu.memory_space<vmem_shared>>) offsets(%dma_start3A_34 : memref<128xi32, #tpu.memory_space<vmem>>) semaphore(%run_scoped3A : memref<!tpu.dma_semaphore, #tpu.memory_space<semaphore_mem>>) {add = true}
        %dma_wait3A = arith.constant 0 : i32
        %dma_wait3A_37 = tpu.memref_slice %arg4[%scan3A_30, %dma_wait3A] : memref<80x128xi32, #tpu.memory_space<vmem>> -> memref<1x128xi32, #tpu.memory_space<vmem>>
        %dma_wait3A_38 = tpu.memref_squeeze %dma_wait3A_37 : memref<1x128xi32, #tpu.memory_space<vmem>> -> memref<128xi32, #tpu.memory_space<vmem>>
        %dma_wait3A_39 = arith.constant 0 : i32
        %dma_wait3A_40 = tpu.memref_slice %arg7[%dma_wait3A_39] : memref<10240xf32, #tpu.memory_space<vmem_shared>> -> memref<10240xf32, #tpu.memory_space<vmem_shared>>
        tpu.wait_indirect_dma semaphore(%run_scoped3A : memref<!tpu.dma_semaphore, #tpu.memory_space<semaphore_mem>>) src(%arg5 : memref<128xf32, #tpu.memory_space<vmem>>) dst(%dma_wait3A_40 : memref<10240xf32, #tpu.memory_space<vmem_shared>>)
        tpu.yield
      }) : () -> ()
      %scan3A_32 = arith.constant 0 : i32
      scf.yield %scan3A_32 : i32
    }
    %scan3A_24 = arith.constant 80 : i32
    %barrier3A_25 = arith.constant 0 : index
    tpu.barrier barrier_id(%barrier3A_25)
    %mul3A_26 = arith.constant 640 : i32
    %mul3A_27 = arith.muli %arg1, %mul3A_26 : i32
    %mul3A_28 = arith.constant 640 : i32
    %mul3A_29 = arith.muli %arg1, %mul3A_28 : i32
    "tpu.region"() ({
      %run_scoped3A = tpu.sem_alloc : memref<!tpu.dma_semaphore, #tpu.memory_space<semaphore_mem>>
      %dma_start3A = tpu.memref_slice %arg3[%arg0, %mul3A_29] : memref<2x10240xf32, #tpu.memory_space<hbm>> -> memref<1x640xf32, #tpu.memory_space<hbm>>
      %dma_start3A_30 = tpu.memref_squeeze %dma_start3A : memref<1x640xf32, #tpu.memory_space<hbm>> -> memref<640xf32, #tpu.memory_space<hbm>>
      %dma_start3A_31 = tpu.memref_slice %arg7[%mul3A_27] : memref<10240xf32, #tpu.memory_space<vmem_shared>> -> memref<640xf32, #tpu.memory_space<vmem_shared>>
      tpu.enqueue_dma source(%dma_start3A_31 : memref<640xf32, #tpu.memory_space<vmem_shared>>) target(%dma_start3A_30 : memref<640xf32, #tpu.memory_space<hbm>>) target_semaphore(%run_scoped3A : memref<!tpu.dma_semaphore, #tpu.memory_space<semaphore_mem>>)
      %dma_wait3A = tpu.memref_slice %arg3[%arg0, %mul3A_29] : memref<2x10240xf32, #tpu.memory_space<hbm>> -> memref<1x640xf32, #tpu.memory_space<hbm>>
      %dma_wait3A_32 = tpu.memref_squeeze %dma_wait3A : memref<1x640xf32, #tpu.memory_space<hbm>> -> memref<640xf32, #tpu.memory_space<hbm>>
      %dma_wait3A_33 = tpu.memref_slice %arg7[%mul3A_27] : memref<10240xf32, #tpu.memory_space<vmem_shared>> -> memref<640xf32, #tpu.memory_space<vmem_shared>>
      tpu.wait_dma2 semaphore(%run_scoped3A : memref<!tpu.dma_semaphore, #tpu.memory_space<semaphore_mem>>) src(%dma_wait3A_33 : memref<640xf32, #tpu.memory_space<vmem_shared>>) dst(%dma_wait3A_32 : memref<640xf32, #tpu.memory_space<hbm>>)
      tpu.yield
    }) : () -> ()
    return
  }
}

#map = affine_map<(d0, d1) -> (0, 0)>
#map1 = affine_map<(d0, d1) -> (0, 0, 0)>
module attributes {stable_mosaic.version = 14 : i64} {
  func.func @_scatter_body(%arg0: i32, %arg1: i32, %arg2: memref<10000x128xf32, #tpu.memory_space<hbm>>, %arg3: memref<2560x128xi32, #tpu.memory_space<hbm>>, %arg4: memref<2560x128xi32, #tpu.memory_space<hbm>>, %arg5: memref<2x10240x128xf32, #tpu.memory_space<hbm>>, %arg6: memref<8x128xi32, #tpu.memory_space<vmem>>, %arg7: memref<8x128xi32, #tpu.memory_space<vmem>>, %arg8: memref<128x128xf32, #tpu.memory_space<vmem>>, %arg9: memref<128x128xf32, #tpu.memory_space<vmem>>, %arg10: memref<10240x128xf32, #tpu.memory_space<vmem_shared>>, %arg11: memref<!tpu.dma_semaphore, #tpu.memory_space<semaphore_mem>>, %arg12: memref<!tpu.dma_semaphore, #tpu.memory_space<semaphore_mem>>) attributes {dimension_semantics = [#tpu.dimension_semantics<core_parallel>, #tpu.dimension_semantics<subcore_parallel>], iteration_bounds = array<i64: 2, 16>, scalar_prefetch = 0 : i64, scratch_operands = 7 : i64, tpu.core_type = #tpu.core_type<sc_vector_subcore>, window_params = [{transform_indices = #map}, {transform_indices = #map}, {transform_indices = #map}, {transform_indices = #map1}]} {
    %scan3A = arith.constant 0 : i32
    %scan3A_0 = arith.constant 0 : i32
    %scan3A_1 = arith.constant 128 : i32
    %scan3A_2 = arith.addi %scan3A_0, %scan3A_1 : i32
    %scan3A_3 = arith.constant 1 : i32
    %scan3A_4 = scf.for %scan3A_36 = %scan3A_0 to %scan3A_2 step %scan3A_3 iter_args(%scan3A_37 = %scan3A) -> (i32)  : i32 {
      %broadcast_in_dim3A = arith.constant 0.000000e+00 : f32
      %broadcast_in_dim3A_38 = vector.broadcast %broadcast_in_dim3A : f32 to vector<16xf32>
      %swap3A = arith.index_cast %scan3A_36 : i32 to index
      %swap3A_39 = arith.constant 0 : index
      %swap3A_40 = tpu.vector_load %arg8[%swap3A, %swap3A_39] {strides = array<i32>} : memref<128x128xf32, #tpu.memory_space<vmem>>, vector<1x16xf32>,
      %swap3A_41 = vector.shape_cast %swap3A_40 : vector<1x16xf32> to vector<16xf32>
      %swap3A_42 = vector.shape_cast %broadcast_in_dim3A_38 : vector<16xf32> to vector<1x16xf32>
      tpu.vector_store %arg8[%swap3A, %swap3A_39], %swap3A_42 {strides = array<i32>} : memref<128x128xf32, #tpu.memory_space<vmem>>, vector<1x16xf32>,
      %broadcast_in_dim3A_43 = arith.constant 0.000000e+00 : f32
      %broadcast_in_dim3A_44 = vector.broadcast %broadcast_in_dim3A_43 : f32 to vector<16xf32>
      %swap3A_45 = arith.index_cast %scan3A_36 : i32 to index
      %swap3A_46 = arith.constant 16 : index
      %swap3A_47 = tpu.vector_load %arg8[%swap3A_45, %swap3A_46] {strides = array<i32>} : memref<128x128xf32, #tpu.memory_space<vmem>>, vector<1x16xf32>,
      %swap3A_48 = vector.shape_cast %swap3A_47 : vector<1x16xf32> to vector<16xf32>
      %swap3A_49 = vector.shape_cast %broadcast_in_dim3A_44 : vector<16xf32> to vector<1x16xf32>
      tpu.vector_store %arg8[%swap3A_45, %swap3A_46], %swap3A_49 {strides = array<i32>} : memref<128x128xf32, #tpu.memory_space<vmem>>, vector<1x16xf32>,
      %broadcast_in_dim3A_50 = arith.constant 0.000000e+00 : f32
      %broadcast_in_dim3A_51 = vector.broadcast %broadcast_in_dim3A_50 : f32 to vector<16xf32>
      %swap3A_52 = arith.index_cast %scan3A_36 : i32 to index
      %swap3A_53 = arith.constant 32 : index
      %swap3A_54 = tpu.vector_load %arg8[%swap3A_52, %swap3A_53] {strides = array<i32>} : memref<128x128xf32, #tpu.memory_space<vmem>>, vector<1x16xf32>,
      %swap3A_55 = vector.shape_cast %swap3A_54 : vector<1x16xf32> to vector<16xf32>
      %swap3A_56 = vector.shape_cast %broadcast_in_dim3A_51 : vector<16xf32> to vector<1x16xf32>
      tpu.vector_store %arg8[%swap3A_52, %swap3A_53], %swap3A_56 {strides = array<i32>} : memref<128x128xf32, #tpu.memory_space<vmem>>, vector<1x16xf32>,
      %broadcast_in_dim3A_57 = arith.constant 0.000000e+00 : f32
      %broadcast_in_dim3A_58 = vector.broadcast %broadcast_in_dim3A_57 : f32 to vector<16xf32>
      %swap3A_59 = arith.index_cast %scan3A_36 : i32 to index
      %swap3A_60 = arith.constant 48 : index
      %swap3A_61 = tpu.vector_load %arg8[%swap3A_59, %swap3A_60] {strides = array<i32>} : memref<128x128xf32, #tpu.memory_space<vmem>>, vector<1x16xf32>,
      %swap3A_62 = vector.shape_cast %swap3A_61 : vector<1x16xf32> to vector<16xf32>
      %swap3A_63 = vector.shape_cast %broadcast_in_dim3A_58 : vector<16xf32> to vector<1x16xf32>
      tpu.vector_store %arg8[%swap3A_59, %swap3A_60], %swap3A_63 {strides = array<i32>} : memref<128x128xf32, #tpu.memory_space<vmem>>, vector<1x16xf32>,
      %broadcast_in_dim3A_64 = arith.constant 0.000000e+00 : f32
      %broadcast_in_dim3A_65 = vector.broadcast %broadcast_in_dim3A_64 : f32 to vector<16xf32>
      %swap3A_66 = arith.index_cast %scan3A_36 : i32 to index
      %swap3A_67 = arith.constant 64 : index
      %swap3A_68 = tpu.vector_load %arg8[%swap3A_66, %swap3A_67] {strides = array<i32>} : memref<128x128xf32, #tpu.memory_space<vmem>>, vector<1x16xf32>,
      %swap3A_69 = vector.shape_cast %swap3A_68 : vector<1x16xf32> to vector<16xf32>
      %swap3A_70 = vector.shape_cast %broadcast_in_dim3A_65 : vector<16xf32> to vector<1x16xf32>
      tpu.vector_store %arg8[%swap3A_66, %swap3A_67], %swap3A_70 {strides = array<i32>} : memref<128x128xf32, #tpu.memory_space<vmem>>, vector<1x16xf32>,
      %broadcast_in_dim3A_71 = arith.constant 0.000000e+00 : f32
      %broadcast_in_dim3A_72 = vector.broadcast %broadcast_in_dim3A_71 : f32 to vector<16xf32>
      %swap3A_73 = arith.index_cast %scan3A_36 : i32 to index
      %swap3A_74 = arith.constant 80 : index
      %swap3A_75 = tpu.vector_load %arg8[%swap3A_73, %swap3A_74] {strides = array<i32>} : memref<128x128xf32, #tpu.memory_space<vmem>>, vector<1x16xf32>,
      %swap3A_76 = vector.shape_cast %swap3A_75 : vector<1x16xf32> to vector<16xf32>
      %swap3A_77 = vector.shape_cast %broadcast_in_dim3A_72 : vector<16xf32> to vector<1x16xf32>
      tpu.vector_store %arg8[%swap3A_73, %swap3A_74], %swap3A_77 {strides = array<i32>} : memref<128x128xf32, #tpu.memory_space<vmem>>, vector<1x16xf32>,
      %broadcast_in_dim3A_78 = arith.constant 0.000000e+00 : f32
      %broadcast_in_dim3A_79 = vector.broadcast %broadcast_in_dim3A_78 : f32 to vector<16xf32>
      %swap3A_80 = arith.index_cast %scan3A_36 : i32 to index
      %swap3A_81 = arith.constant 96 : index
      %swap3A_82 = tpu.vector_load %arg8[%swap3A_80, %swap3A_81] {strides = array<i32>} : memref<128x128xf32, #tpu.memory_space<vmem>>, vector<1x16xf32>,
      %swap3A_83 = vector.shape_cast %swap3A_82 : vector<1x16xf32> to vector<16xf32>
      %swap3A_84 = vector.shape_cast %broadcast_in_dim3A_79 : vector<16xf32> to vector<1x16xf32>
      tpu.vector_store %arg8[%swap3A_80, %swap3A_81], %swap3A_84 {strides = array<i32>} : memref<128x128xf32, #tpu.memory_space<vmem>>, vector<1x16xf32>,
      %broadcast_in_dim3A_85 = arith.constant 0.000000e+00 : f32
      %broadcast_in_dim3A_86 = vector.broadcast %broadcast_in_dim3A_85 : f32 to vector<16xf32>
      %swap3A_87 = arith.index_cast %scan3A_36 : i32 to index
      %swap3A_88 = arith.constant 112 : index
      %swap3A_89 = tpu.vector_load %arg8[%swap3A_87, %swap3A_88] {strides = array<i32>} : memref<128x128xf32, #tpu.memory_space<vmem>>, vector<1x16xf32>,
      %swap3A_90 = vector.shape_cast %swap3A_89 : vector<1x16xf32> to vector<16xf32>
      %swap3A_91 = vector.shape_cast %broadcast_in_dim3A_86 : vector<16xf32> to vector<1x16xf32>
      tpu.vector_store %arg8[%swap3A_87, %swap3A_88], %swap3A_91 {strides = array<i32>} : memref<128x128xf32, #tpu.memory_space<vmem>>, vector<1x16xf32>,
      %scan3A_92 = arith.constant 0 : i32
      scf.yield %scan3A_92 : i32
    }
    %scan3A_5 = arith.constant 128 : i32
    %mul3A = arith.constant 640 : i32
    %mul3A_6 = arith.muli %arg1, %mul3A : i32
    %add3A = arith.constant 0 : i32
    %add3A_7 = arith.addi %mul3A_6, %add3A : i32
    "tpu.region"() ({
      %run_scoped3A = tpu.sem_alloc : memref<!tpu.dma_semaphore, #tpu.memory_space<semaphore_mem>>
      %dma_start3A = arith.constant 0 : i32
      %dma_start3A_36 = tpu.memref_slice %arg10[%add3A_7, %dma_start3A] : memref<10240x128xf32, #tpu.memory_space<vmem_shared>> -> memref<128x128xf32, #tpu.memory_space<vmem_shared>>
      %dma_start3A_37 = arith.constant 0 : i32
      %dma_start3A_38 = tpu.memref_slice %arg10[%add3A_7, %dma_start3A_37] : memref<10240x128xf32, #tpu.memory_space<vmem_shared>> -> memref<128x128xf32, #tpu.memory_space<vmem_shared>>
      tpu.enqueue_dma source(%arg8 : memref<128x128xf32, #tpu.memory_space<vmem>>) target(%dma_start3A_38 : memref<128x128xf32, #tpu.memory_space<vmem_shared>>) target_semaphore(%run_scoped3A : memref<!tpu.dma_semaphore, #tpu.memory_space<semaphore_mem>>)
      %dma_wait3A = arith.constant 0 : i32
      %dma_wait3A_39 = tpu.memref_slice %arg10[%add3A_7, %dma_wait3A] : memref<10240x128xf32, #tpu.memory_space<vmem_shared>> -> memref<128x128xf32, #tpu.memory_space<vmem_shared>>
      %dma_wait3A_40 = arith.constant 0 : i32
      %dma_wait3A_41 = tpu.memref_slice %arg10[%add3A_7, %dma_wait3A_40] : memref<10240x128xf32, #tpu.memory_space<vmem_shared>> -> memref<128x128xf32, #tpu.memory_space<vmem_shared>>
      tpu.wait_dma2 semaphore(%run_scoped3A : memref<!tpu.dma_semaphore, #tpu.memory_space<semaphore_mem>>) src(%arg8 : memref<128x128xf32, #tpu.memory_space<vmem>>) dst(%dma_wait3A_41 : memref<128x128xf32, #tpu.memory_space<vmem_shared>>)
      tpu.yield
    }) : () -> ()
    %mul3A_8 = arith.constant 640 : i32
    %mul3A_9 = arith.muli %arg1, %mul3A_8 : i32
    %add3A_10 = arith.constant 128 : i32
    %add3A_11 = arith.addi %mul3A_9, %add3A_10 : i32
    "tpu.region"() ({
      %run_scoped3A = tpu.sem_alloc : memref<!tpu.dma_semaphore, #tpu.memory_space<semaphore_mem>>
      %dma_start3A = arith.constant 0 : i32
      %dma_start3A_36 = tpu.memref_slice %arg10[%add3A_11, %dma_start3A] : memref<10240x128xf32, #tpu.memory_space<vmem_shared>> -> memref<128x128xf32, #tpu.memory_space<vmem_shared>>
      %dma_start3A_37 = arith.constant 0 : i32
      %dma_start3A_38 = tpu.memref_slice %arg10[%add3A_11, %dma_start3A_37] : memref<10240x128xf32, #tpu.memory_space<vmem_shared>> -> memref<128x128xf32, #tpu.memory_space<vmem_shared>>
      tpu.enqueue_dma source(%arg8 : memref<128x128xf32, #tpu.memory_space<vmem>>) target(%dma_start3A_38 : memref<128x128xf32, #tpu.memory_space<vmem_shared>>) target_semaphore(%run_scoped3A : memref<!tpu.dma_semaphore, #tpu.memory_space<semaphore_mem>>)
      %dma_wait3A = arith.constant 0 : i32
      %dma_wait3A_39 = tpu.memref_slice %arg10[%add3A_11, %dma_wait3A] : memref<10240x128xf32, #tpu.memory_space<vmem_shared>> -> memref<128x128xf32, #tpu.memory_space<vmem_shared>>
      %dma_wait3A_40 = arith.constant 0 : i32
      %dma_wait3A_41 = tpu.memref_slice %arg10[%add3A_11, %dma_wait3A_40] : memref<10240x128xf32, #tpu.memory_space<vmem_shared>> -> memref<128x128xf32, #tpu.memory_space<vmem_shared>>
      tpu.wait_dma2 semaphore(%run_scoped3A : memref<!tpu.dma_semaphore, #tpu.memory_space<semaphore_mem>>) src(%arg8 : memref<128x128xf32, #tpu.memory_space<vmem>>) dst(%dma_wait3A_41 : memref<128x128xf32, #tpu.memory_space<vmem_shared>>)
      tpu.yield
    }) : () -> ()
    %mul3A_12 = arith.constant 640 : i32
    %mul3A_13 = arith.muli %arg1, %mul3A_12 : i32
    %add3A_14 = arith.constant 256 : i32
    %add3A_15 = arith.addi %mul3A_13, %add3A_14 : i32
    "tpu.region"() ({
      %run_scoped3A = tpu.sem_alloc : memref<!tpu.dma_semaphore, #tpu.memory_space<semaphore_mem>>
      %dma_start3A = arith.constant 0 : i32
      %dma_start3A_36 = tpu.memref_slice %arg10[%add3A_15, %dma_start3A] : memref<10240x128xf32, #tpu.memory_space<vmem_shared>> -> memref<128x128xf32, #tpu.memory_space<vmem_shared>>
      %dma_start3A_37 = arith.constant 0 : i32
      %dma_start3A_38 = tpu.memref_slice %arg10[%add3A_15, %dma_start3A_37] : memref<10240x128xf32, #tpu.memory_space<vmem_shared>> -> memref<128x128xf32, #tpu.memory_space<vmem_shared>>
      tpu.enqueue_dma source(%arg8 : memref<128x128xf32, #tpu.memory_space<vmem>>) target(%dma_start3A_38 : memref<128x128xf32, #tpu.memory_space<vmem_shared>>) target_semaphore(%run_scoped3A : memref<!tpu.dma_semaphore, #tpu.memory_space<semaphore_mem>>)
      %dma_wait3A = arith.constant 0 : i32
      %dma_wait3A_39 = tpu.memref_slice %arg10[%add3A_15, %dma_wait3A] : memref<10240x128xf32, #tpu.memory_space<vmem_shared>> -> memref<128x128xf32, #tpu.memory_space<vmem_shared>>
      %dma_wait3A_40 = arith.constant 0 : i32
      %dma_wait3A_41 = tpu.memref_slice %arg10[%add3A_15, %dma_wait3A_40] : memref<10240x128xf32, #tpu.memory_space<vmem_shared>> -> memref<128x128xf32, #tpu.memory_space<vmem_shared>>
      tpu.wait_dma2 semaphore(%run_scoped3A : memref<!tpu.dma_semaphore, #tpu.memory_space<semaphore_mem>>) src(%arg8 : memref<128x128xf32, #tpu.memory_space<vmem>>) dst(%dma_wait3A_41 : memref<128x128xf32, #tpu.memory_space<vmem_shared>>)
      tpu.yield
    }) : () -> ()
    %mul3A_16 = arith.constant 640 : i32
    %mul3A_17 = arith.muli %arg1, %mul3A_16 : i32
    %add3A_18 = arith.constant 384 : i32
    %add3A_19 = arith.addi %mul3A_17, %add3A_18 : i32
    "tpu.region"() ({
      %run_scoped3A = tpu.sem_alloc : memref<!tpu.dma_semaphore, #tpu.memory_space<semaphore_mem>>
      %dma_start3A = arith.constant 0 : i32
      %dma_start3A_36 = tpu.memref_slice %arg10[%add3A_19, %dma_start3A] : memref<10240x128xf32, #tpu.memory_space<vmem_shared>> -> memref<128x128xf32, #tpu.memory_space<vmem_shared>>
      %dma_start3A_37 = arith.constant 0 : i32
      %dma_start3A_38 = tpu.memref_slice %arg10[%add3A_19, %dma_start3A_37] : memref<10240x128xf32, #tpu.memory_space<vmem_shared>> -> memref<128x128xf32, #tpu.memory_space<vmem_shared>>
      tpu.enqueue_dma source(%arg8 : memref<128x128xf32, #tpu.memory_space<vmem>>) target(%dma_start3A_38 : memref<128x128xf32, #tpu.memory_space<vmem_shared>>) target_semaphore(%run_scoped3A : memref<!tpu.dma_semaphore, #tpu.memory_space<semaphore_mem>>)
      %dma_wait3A = arith.constant 0 : i32
      %dma_wait3A_39 = tpu.memref_slice %arg10[%add3A_19, %dma_wait3A] : memref<10240x128xf32, #tpu.memory_space<vmem_shared>> -> memref<128x128xf32, #tpu.memory_space<vmem_shared>>
      %dma_wait3A_40 = arith.constant 0 : i32
      %dma_wait3A_41 = tpu.memref_slice %arg10[%add3A_19, %dma_wait3A_40] : memref<10240x128xf32, #tpu.memory_space<vmem_shared>> -> memref<128x128xf32, #tpu.memory_space<vmem_shared>>
      tpu.wait_dma2 semaphore(%run_scoped3A : memref<!tpu.dma_semaphore, #tpu.memory_space<semaphore_mem>>) src(%arg8 : memref<128x128xf32, #tpu.memory_space<vmem>>) dst(%dma_wait3A_41 : memref<128x128xf32, #tpu.memory_space<vmem_shared>>)
      tpu.yield
    }) : () -> ()
    %mul3A_20 = arith.constant 640 : i32
    %mul3A_21 = arith.muli %arg1, %mul3A_20 : i32
    %add3A_22 = arith.constant 512 : i32
    %add3A_23 = arith.addi %mul3A_21, %add3A_22 : i32
    "tpu.region"() ({
      %run_scoped3A = tpu.sem_alloc : memref<!tpu.dma_semaphore, #tpu.memory_space<semaphore_mem>>
      %dma_start3A = arith.constant 0 : i32
      %dma_start3A_36 = tpu.memref_slice %arg10[%add3A_23, %dma_start3A] : memref<10240x128xf32, #tpu.memory_space<vmem_shared>> -> memref<128x128xf32, #tpu.memory_space<vmem_shared>>
      %dma_start3A_37 = arith.constant 0 : i32
      %dma_start3A_38 = tpu.memref_slice %arg10[%add3A_23, %dma_start3A_37] : memref<10240x128xf32, #tpu.memory_space<vmem_shared>> -> memref<128x128xf32, #tpu.memory_space<vmem_shared>>
      tpu.enqueue_dma source(%arg8 : memref<128x128xf32, #tpu.memory_space<vmem>>) target(%dma_start3A_38 : memref<128x128xf32, #tpu.memory_space<vmem_shared>>) target_semaphore(%run_scoped3A : memref<!tpu.dma_semaphore, #tpu.memory_space<semaphore_mem>>)
      %dma_wait3A = arith.constant 0 : i32
      %dma_wait3A_39 = tpu.memref_slice %arg10[%add3A_23, %dma_wait3A] : memref<10240x128xf32, #tpu.memory_space<vmem_shared>> -> memref<128x128xf32, #tpu.memory_space<vmem_shared>>
      %dma_wait3A_40 = arith.constant 0 : i32
      %dma_wait3A_41 = tpu.memref_slice %arg10[%add3A_23, %dma_wait3A_40] : memref<10240x128xf32, #tpu.memory_space<vmem_shared>> -> memref<128x128xf32, #tpu.memory_space<vmem_shared>>
      tpu.wait_dma2 semaphore(%run_scoped3A : memref<!tpu.dma_semaphore, #tpu.memory_space<semaphore_mem>>) src(%arg8 : memref<128x128xf32, #tpu.memory_space<vmem>>) dst(%dma_wait3A_41 : memref<128x128xf32, #tpu.memory_space<vmem_shared>>)
      tpu.yield
    }) : () -> ()
    %barrier3A = arith.constant 0 : index
    tpu.barrier barrier_id(%barrier3A)
    %eq3A = arith.constant 0 : i32
    %eq3A_24 = arith.cmpi eq, %arg0, %eq3A : i32
    %convert_element_type3A = arith.extui %eq3A_24 : i1 to i32
    %cond3A = arith.constant 0 : i32
    %cond3A_25 = arith.cmpi ne, %convert_element_type3A, %cond3A : i32
    scf.if %cond3A_25 {
      %mul3A_36 = arith.constant 144 : i32
      %mul3A_37 = arith.muli %arg1, %mul3A_36 : i32
      %scan3A_38 = arith.constant 0 : i32
      %scan3A_39 = arith.constant 18 : i32
      %scan3A_40 = arith.addi %scan3A_38, %scan3A_39 : i32
      %scan3A_41 = arith.constant 1 : i32
      scf.for %scan3A_43 = %scan3A_38 to %scan3A_40 step %scan3A_41  : i32 {
        %mul3A_44 = arith.constant 8 : i32
        %mul3A_45 = arith.muli %scan3A_43, %mul3A_44 : i32
        %add3A_46 = arith.addi %mul3A_37, %mul3A_45 : i32
        "tpu.region"() ({
          %run_scoped3A_164 = tpu.sem_alloc : memref<!tpu.dma_semaphore, #tpu.memory_space<semaphore_mem>>
          %dma_start3A_165 = arith.constant 0 : i32
          %dma_start3A_166 = tpu.memref_slice %arg3[%add3A_46, %dma_start3A_165] : memref<2560x128xi32, #tpu.memory_space<hbm>> -> memref<8x128xi32, #tpu.memory_space<hbm>>
          %dma_start3A_167 = arith.constant 0 : i32
          %dma_start3A_168 = tpu.memref_slice %arg3[%add3A_46, %dma_start3A_167] : memref<2560x128xi32, #tpu.memory_space<hbm>> -> memref<8x128xi32, #tpu.memory_space<hbm>>
          tpu.enqueue_dma source(%dma_start3A_168 : memref<8x128xi32, #tpu.memory_space<hbm>>) target(%arg6 : memref<8x128xi32, #tpu.memory_space<vmem>>) target_semaphore(%run_scoped3A_164 : memref<!tpu.dma_semaphore, #tpu.memory_space<semaphore_mem>>)
          %dma_wait3A_169 = arith.constant 0 : i32
          %dma_wait3A_170 = tpu.memref_slice %arg3[%add3A_46, %dma_wait3A_169] : memref<2560x128xi32, #tpu.memory_space<hbm>> -> memref<8x128xi32, #tpu.memory_space<hbm>>
          %dma_wait3A_171 = arith.constant 0 : i32
          %dma_wait3A_172 = tpu.memref_slice %arg3[%add3A_46, %dma_wait3A_171] : memref<2560x128xi32, #tpu.memory_space<hbm>> -> memref<8x128xi32, #tpu.memory_space<hbm>>
          tpu.wait_dma2 semaphore(%run_scoped3A_164 : memref<!tpu.dma_semaphore, #tpu.memory_space<semaphore_mem>>) src(%dma_wait3A_172 : memref<8x128xi32, #tpu.memory_space<hbm>>) dst(%arg6 : memref<8x128xi32, #tpu.memory_space<vmem>>)
          tpu.yield
        }) : () -> ()
        "tpu.region"() ({
          %run_scoped3A_164 = tpu.sem_alloc : memref<!tpu.dma_semaphore, #tpu.memory_space<semaphore_mem>>
          %dma_start3A_165 = arith.constant 0 : i32
          %dma_start3A_166 = tpu.memref_slice %arg4[%add3A_46, %dma_start3A_165] : memref<2560x128xi32, #tpu.memory_space<hbm>> -> memref<8x128xi32, #tpu.memory_space<hbm>>
          %dma_start3A_167 = arith.constant 0 : i32
          %dma_start3A_168 = tpu.memref_slice %arg4[%add3A_46, %dma_start3A_167] : memref<2560x128xi32, #tpu.memory_space<hbm>> -> memref<8x128xi32, #tpu.memory_space<hbm>>
          tpu.enqueue_dma source(%dma_start3A_168 : memref<8x128xi32, #tpu.memory_space<hbm>>) target(%arg7 : memref<8x128xi32, #tpu.memory_space<vmem>>) target_semaphore(%run_scoped3A_164 : memref<!tpu.dma_semaphore, #tpu.memory_space<semaphore_mem>>)
          %dma_wait3A_169 = arith.constant 0 : i32
          %dma_wait3A_170 = tpu.memref_slice %arg4[%add3A_46, %dma_wait3A_169] : memref<2560x128xi32, #tpu.memory_space<hbm>> -> memref<8x128xi32, #tpu.memory_space<hbm>>
          %dma_wait3A_171 = arith.constant 0 : i32
          %dma_wait3A_172 = tpu.memref_slice %arg4[%add3A_46, %dma_wait3A_171] : memref<2560x128xi32, #tpu.memory_space<hbm>> -> memref<8x128xi32, #tpu.memory_space<hbm>>
          tpu.wait_dma2 semaphore(%run_scoped3A_164 : memref<!tpu.dma_semaphore, #tpu.memory_space<semaphore_mem>>) src(%dma_wait3A_172 : memref<8x128xi32, #tpu.memory_space<hbm>>) dst(%arg7 : memref<8x128xi32, #tpu.memory_space<vmem>>)
          tpu.yield
        }) : () -> ()
        %dma_start3A = arith.constant 0 : i32
        %dma_start3A_47 = arith.constant 0 : i32
        %dma_start3A_48 = tpu.memref_slice %arg6[%dma_start3A, %dma_start3A_47] : memref<8x128xi32, #tpu.memory_space<vmem>> -> memref<1x128xi32, #tpu.memory_space<vmem>>
        %dma_start3A_49 = tpu.memref_squeeze %dma_start3A_48 : memref<1x128xi32, #tpu.memory_space<vmem>> -> memref<128xi32, #tpu.memory_space<vmem>>
        %dma_start3A_50 = arith.constant 0 : i32
        %dma_start3A_51 = arith.constant 0 : i32
        %dma_start3A_52 = tpu.memref_slice %arg2[%dma_start3A_50, %dma_start3A_51] : memref<10000x128xf32, #tpu.memory_space<hbm>> -> memref<10000x128xf32, #tpu.memory_space<hbm>>
        tpu.enqueue_indirect_dma source(%dma_start3A_52 : memref<10000x128xf32, #tpu.memory_space<hbm>>) target(%arg8 : memref<128x128xf32, #tpu.memory_space<vmem>>) offsets(%dma_start3A_49 : memref<128xi32, #tpu.memory_space<vmem>>) semaphore(%arg11 : memref<!tpu.dma_semaphore, #tpu.memory_space<semaphore_mem>>)
        %dma_wait3A = arith.constant 0 : i32
        %dma_wait3A_53 = arith.constant 0 : i32
        %dma_wait3A_54 = tpu.memref_slice %arg6[%dma_wait3A, %dma_wait3A_53] : memref<8x128xi32, #tpu.memory_space<vmem>> -> memref<1x128xi32, #tpu.memory_space<vmem>>
        %dma_wait3A_55 = tpu.memref_squeeze %dma_wait3A_54 : memref<1x128xi32, #tpu.memory_space<vmem>> -> memref<128xi32, #tpu.memory_space<vmem>>
        %dma_wait3A_56 = arith.constant 0 : i32
        %dma_wait3A_57 = arith.constant 0 : i32
        %dma_wait3A_58 = tpu.memref_slice %arg2[%dma_wait3A_56, %dma_wait3A_57] : memref<10000x128xf32, #tpu.memory_space<hbm>> -> memref<10000x128xf32, #tpu.memory_space<hbm>>
        tpu.wait_indirect_dma semaphore(%arg11 : memref<!tpu.dma_semaphore, #tpu.memory_space<semaphore_mem>>) src(%dma_wait3A_58 : memref<10000x128xf32, #tpu.memory_space<hbm>>) dst(%arg8 : memref<128x128xf32, #tpu.memory_space<vmem>>)
        %dma_start3A_59 = arith.constant 1 : i32
        %dma_start3A_60 = arith.constant 0 : i32
        %dma_start3A_61 = tpu.memref_slice %arg6[%dma_start3A_59, %dma_start3A_60] : memref<8x128xi32, #tpu.memory_space<vmem>> -> memref<1x128xi32, #tpu.memory_space<vmem>>
        %dma_start3A_62 = tpu.memref_squeeze %dma_start3A_61 : memref<1x128xi32, #tpu.memory_space<vmem>> -> memref<128xi32, #tpu.memory_space<vmem>>
        %dma_start3A_63 = arith.constant 0 : i32
        %dma_start3A_64 = arith.constant 0 : i32
        %dma_start3A_65 = tpu.memref_slice %arg2[%dma_start3A_63, %dma_start3A_64] : memref<10000x128xf32, #tpu.memory_space<hbm>> -> memref<10000x128xf32, #tpu.memory_space<hbm>>
        tpu.enqueue_indirect_dma source(%dma_start3A_65 : memref<10000x128xf32, #tpu.memory_space<hbm>>) target(%arg9 : memref<128x128xf32, #tpu.memory_space<vmem>>) offsets(%dma_start3A_62 : memref<128xi32, #tpu.memory_space<vmem>>) semaphore(%arg12 : memref<!tpu.dma_semaphore, #tpu.memory_space<semaphore_mem>>)
        %run_scoped3A = arith.constant 0 : i32
        "tpu.region"() ({
          %run_scoped3A_164 = tpu.sem_alloc : memref<!tpu.dma_semaphore, #tpu.memory_space<semaphore_mem>>
          %dma_start3A_165 = arith.constant 0 : i32
          %dma_start3A_166 = tpu.memref_slice %arg7[%run_scoped3A, %dma_start3A_165] : memref<8x128xi32, #tpu.memory_space<vmem>> -> memref<1x128xi32, #tpu.memory_space<vmem>>
          %dma_start3A_167 = tpu.memref_squeeze %dma_start3A_166 : memref<1x128xi32, #tpu.memory_space<vmem>> -> memref<128xi32, #tpu.memory_space<vmem>>
          %dma_start3A_168 = arith.constant 0 : i32
          %dma_start3A_169 = arith.constant 0 : i32
          %dma_start3A_170 = tpu.memref_slice %arg10[%dma_start3A_168, %dma_start3A_169] : memref<10240x128xf32, #tpu.memory_space<vmem_shared>> -> memref<10240x128xf32, #tpu.memory_space<vmem_shared>>
          tpu.enqueue_indirect_dma source(%arg8 : memref<128x128xf32, #tpu.memory_space<vmem>>) target(%dma_start3A_170 : memref<10240x128xf32, #tpu.memory_space<vmem_shared>>) offsets(%dma_start3A_167 : memref<128xi32, #tpu.memory_space<vmem>>) semaphore(%run_scoped3A_164 : memref<!tpu.dma_semaphore, #tpu.memory_space<semaphore_mem>>) {add = true}
          %dma_wait3A_171 = arith.constant 0 : i32
          %dma_wait3A_172 = tpu.memref_slice %arg7[%run_scoped3A, %dma_wait3A_171] : memref<8x128xi32, #tpu.memory_space<vmem>> -> memref<1x128xi32, #tpu.memory_space<vmem>>
          %dma_wait3A_173 = tpu.memref_squeeze %dma_wait3A_172 : memref<1x128xi32, #tpu.memory_space<vmem>> -> memref<128xi32, #tpu.memory_space<vmem>>
          %dma_wait3A_174 = arith.constant 0 : i32
          %dma_wait3A_175 = arith.constant 0 : i32
          %dma_wait3A_176 = tpu.memref_slice %arg10[%dma_wait3A_174, %dma_wait3A_175] : memref<10240x128xf32, #tpu.memory_space<vmem_shared>> -> memref<10240x128xf32, #tpu.memory_space<vmem_shared>>
          tpu.wait_indirect_dma semaphore(%run_scoped3A_164 : memref<!tpu.dma_semaphore, #tpu.memory_space<semaphore_mem>>) src(%arg8 : memref<128x128xf32, #tpu.memory_space<vmem>>) dst(%dma_wait3A_176 : memref<10240x128xf32, #tpu.memory_space<vmem_shared>>)
          tpu.yield
        }) : () -> ()
        %dma_wait3A_66 = arith.constant 1 : i32
        %dma_wait3A_67 = arith.constant 0 : i32
        %dma_wait3A_68 = tpu.memref_slice %arg6[%dma_wait3A_66, %dma_wait3A_67] : memref<8x128xi32, #tpu.memory_space<vmem>> -> memref<1x128xi32, #tpu.memory_space<vmem>>
        %dma_wait3A_69 = tpu.memref_squeeze %dma_wait3A_68 : memref<1x128xi32, #tpu.memory_space<vmem>> -> memref<128xi32, #tpu.memory_space<vmem>>
        %dma_wait3A_70 = arith.constant 0 : i32
        %dma_wait3A_71 = arith.constant 0 : i32
        %dma_wait3A_72 = tpu.memref_slice %arg2[%dma_wait3A_70, %dma_wait3A_71] : memref<10000x128xf32, #tpu.memory_space<hbm>> -> memref<10000x128xf32, #tpu.memory_space<hbm>>
        tpu.wait_indirect_dma semaphore(%arg12 : memref<!tpu.dma_semaphore, #tpu.memory_space<semaphore_mem>>) src(%dma_wait3A_72 : memref<10000x128xf32, #tpu.memory_space<hbm>>) dst(%arg9 : memref<128x128xf32, #tpu.memory_space<vmem>>)
        %dma_start3A_73 = arith.constant 2 : i32
        %dma_start3A_74 = arith.constant 0 : i32
        %dma_start3A_75 = tpu.memref_slice %arg6[%dma_start3A_73, %dma_start3A_74] : memref<8x128xi32, #tpu.memory_space<vmem>> -> memref<1x128xi32, #tpu.memory_space<vmem>>
        %dma_start3A_76 = tpu.memref_squeeze %dma_start3A_75 : memref<1x128xi32, #tpu.memory_space<vmem>> -> memref<128xi32, #tpu.memory_space<vmem>>
        %dma_start3A_77 = arith.constant 0 : i32
        %dma_start3A_78 = arith.constant 0 : i32
        %dma_start3A_79 = tpu.memref_slice %arg2[%dma_start3A_77, %dma_start3A_78] : memref<10000x128xf32, #tpu.memory_space<hbm>> -> memref<10000x128xf32, #tpu.memory_space<hbm>>
        tpu.enqueue_indirect_dma source(%dma_start3A_79 : memref<10000x128xf32, #tpu.memory_space<hbm>>) target(%arg8 : memref<128x128xf32, #tpu.memory_space<vmem>>) offsets(%dma_start3A_76 : memref<128xi32, #tpu.memory_space<vmem>>) semaphore(%arg11 : memref<!tpu.dma_semaphore, #tpu.memory_space<semaphore_mem>>)
        %run_scoped3A_80 = arith.constant 1 : i32
        "tpu.region"() ({
          %run_scoped3A_164 = tpu.sem_alloc : memref<!tpu.dma_semaphore, #tpu.memory_space<semaphore_mem>>
          %dma_start3A_165 = arith.constant 0 : i32
          %dma_start3A_166 = tpu.memref_slice %arg7[%run_scoped3A_80, %dma_start3A_165] : memref<8x128xi32, #tpu.memory_space<vmem>> -> memref<1x128xi32, #tpu.memory_space<vmem>>
          %dma_start3A_167 = tpu.memref_squeeze %dma_start3A_166 : memref<1x128xi32, #tpu.memory_space<vmem>> -> memref<128xi32, #tpu.memory_space<vmem>>
          %dma_start3A_168 = arith.constant 0 : i32
          %dma_start3A_169 = arith.constant 0 : i32
          %dma_start3A_170 = tpu.memref_slice %arg10[%dma_start3A_168, %dma_start3A_169] : memref<10240x128xf32, #tpu.memory_space<vmem_shared>> -> memref<10240x128xf32, #tpu.memory_space<vmem_shared>>
          tpu.enqueue_indirect_dma source(%arg9 : memref<128x128xf32, #tpu.memory_space<vmem>>) target(%dma_start3A_170 : memref<10240x128xf32, #tpu.memory_space<vmem_shared>>) offsets(%dma_start3A_167 : memref<128xi32, #tpu.memory_space<vmem>>) semaphore(%run_scoped3A_164 : memref<!tpu.dma_semaphore, #tpu.memory_space<semaphore_mem>>) {add = true}
          %dma_wait3A_171 = arith.constant 0 : i32
          %dma_wait3A_172 = tpu.memref_slice %arg7[%run_scoped3A_80, %dma_wait3A_171] : memref<8x128xi32, #tpu.memory_space<vmem>> -> memref<1x128xi32, #tpu.memory_space<vmem>>
          %dma_wait3A_173 = tpu.memref_squeeze %dma_wait3A_172 : memref<1x128xi32, #tpu.memory_space<vmem>> -> memref<128xi32, #tpu.memory_space<vmem>>
          %dma_wait3A_174 = arith.constant 0 : i32
          %dma_wait3A_175 = arith.constant 0 : i32
          %dma_wait3A_176 = tpu.memref_slice %arg10[%dma_wait3A_174, %dma_wait3A_175] : memref<10240x128xf32, #tpu.memory_space<vmem_shared>> -> memref<10240x128xf32, #tpu.memory_space<vmem_shared>>
          tpu.wait_indirect_dma semaphore(%run_scoped3A_164 : memref<!tpu.dma_semaphore, #tpu.memory_space<semaphore_mem>>) src(%arg9 : memref<128x128xf32, #tpu.memory_space<vmem>>) dst(%dma_wait3A_176 : memref<10240x128xf32, #tpu.memory_space<vmem_shared>>)
          tpu.yield
        }) : () -> ()
        %dma_wait3A_81 = arith.constant 2 : i32
        %dma_wait3A_82 = arith.constant 0 : i32
        %dma_wait3A_83 = tpu.memref_slice %arg6[%dma_wait3A_81, %dma_wait3A_82] : memref<8x128xi32, #tpu.memory_space<vmem>> -> memref<1x128xi32, #tpu.memory_space<vmem>>
        %dma_wait3A_84 = tpu.memref_squeeze %dma_wait3A_83 : memref<1x128xi32, #tpu.memory_space<vmem>> -> memref<128xi32, #tpu.memory_space<vmem>>
        %dma_wait3A_85 = arith.constant 0 : i32
        %dma_wait3A_86 = arith.constant 0 : i32
        %dma_wait3A_87 = tpu.memref_slice %arg2[%dma_wait3A_85, %dma_wait3A_86] : memref<10000x128xf32, #tpu.memory_space<hbm>> -> memref<10000x128xf32, #tpu.memory_space<hbm>>
        tpu.wait_indirect_dma semaphore(%arg11 : memref<!tpu.dma_semaphore, #tpu.memory_space<semaphore_mem>>) src(%dma_wait3A_87 : memref<10000x128xf32, #tpu.memory_space<hbm>>) dst(%arg8 : memref<128x128xf32, #tpu.memory_space<vmem>>)
        %dma_start3A_88 = arith.constant 3 : i32
        %dma_start3A_89 = arith.constant 0 : i32
        %dma_start3A_90 = tpu.memref_slice %arg6[%dma_start3A_88, %dma_start3A_89] : memref<8x128xi32, #tpu.memory_space<vmem>> -> memref<1x128xi32, #tpu.memory_space<vmem>>
        %dma_start3A_91 = tpu.memref_squeeze %dma_start3A_90 : memref<1x128xi32, #tpu.memory_space<vmem>> -> memref<128xi32, #tpu.memory_space<vmem>>
        %dma_start3A_92 = arith.constant 0 : i32
        %dma_start3A_93 = arith.constant 0 : i32
        %dma_start3A_94 = tpu.memref_slice %arg2[%dma_start3A_92, %dma_start3A_93] : memref<10000x128xf32, #tpu.memory_space<hbm>> -> memref<10000x128xf32, #tpu.memory_space<hbm>>
        tpu.enqueue_indirect_dma source(%dma_start3A_94 : memref<10000x128xf32, #tpu.memory_space<hbm>>) target(%arg9 : memref<128x128xf32, #tpu.memory_space<vmem>>) offsets(%dma_start3A_91 : memref<128xi32, #tpu.memory_space<vmem>>) semaphore(%arg12 : memref<!tpu.dma_semaphore, #tpu.memory_space<semaphore_mem>>)
        %run_scoped3A_95 = arith.constant 2 : i32
        "tpu.region"() ({
          %run_scoped3A_164 = tpu.sem_alloc : memref<!tpu.dma_semaphore, #tpu.memory_space<semaphore_mem>>
          %dma_start3A_165 = arith.constant 0 : i32
          %dma_start3A_166 = tpu.memref_slice %arg7[%run_scoped3A_95, %dma_start3A_165] : memref<8x128xi32, #tpu.memory_space<vmem>> -> memref<1x128xi32, #tpu.memory_space<vmem>>
          %dma_start3A_167 = tpu.memref_squeeze %dma_start3A_166 : memref<1x128xi32, #tpu.memory_space<vmem>> -> memref<128xi32, #tpu.memory_space<vmem>>
          %dma_start3A_168 = arith.constant 0 : i32
          %dma_start3A_169 = arith.constant 0 : i32
          %dma_start3A_170 = tpu.memref_slice %arg10[%dma_start3A_168, %dma_start3A_169] : memref<10240x128xf32, #tpu.memory_space<vmem_shared>> -> memref<10240x128xf32, #tpu.memory_space<vmem_shared>>
          tpu.enqueue_indirect_dma source(%arg8 : memref<128x128xf32, #tpu.memory_space<vmem>>) target(%dma_start3A_170 : memref<10240x128xf32, #tpu.memory_space<vmem_shared>>) offsets(%dma_start3A_167 : memref<128xi32, #tpu.memory_space<vmem>>) semaphore(%run_scoped3A_164 : memref<!tpu.dma_semaphore, #tpu.memory_space<semaphore_mem>>) {add = true}
          %dma_wait3A_171 = arith.constant 0 : i32
          %dma_wait3A_172 = tpu.memref_slice %arg7[%run_scoped3A_95, %dma_wait3A_171] : memref<8x128xi32, #tpu.memory_space<vmem>> -> memref<1x128xi32, #tpu.memory_space<vmem>>
          %dma_wait3A_173 = tpu.memref_squeeze %dma_wait3A_172 : memref<1x128xi32, #tpu.memory_space<vmem>> -> memref<128xi32, #tpu.memory_space<vmem>>
          %dma_wait3A_174 = arith.constant 0 : i32
          %dma_wait3A_175 = arith.constant 0 : i32
          %dma_wait3A_176 = tpu.memref_slice %arg10[%dma_wait3A_174, %dma_wait3A_175] : memref<10240x128xf32, #tpu.memory_space<vmem_shared>> -> memref<10240x128xf32, #tpu.memory_space<vmem_shared>>
          tpu.wait_indirect_dma semaphore(%run_scoped3A_164 : memref<!tpu.dma_semaphore, #tpu.memory_space<semaphore_mem>>) src(%arg8 : memref<128x128xf32, #tpu.memory_space<vmem>>) dst(%dma_wait3A_176 : memref<10240x128xf32, #tpu.memory_space<vmem_shared>>)
          tpu.yield
        }) : () -> ()
        %dma_wait3A_96 = arith.constant 3 : i32
        %dma_wait3A_97 = arith.constant 0 : i32
        %dma_wait3A_98 = tpu.memref_slice %arg6[%dma_wait3A_96, %dma_wait3A_97] : memref<8x128xi32, #tpu.memory_space<vmem>> -> memref<1x128xi32, #tpu.memory_space<vmem>>
        %dma_wait3A_99 = tpu.memref_squeeze %dma_wait3A_98 : memref<1x128xi32, #tpu.memory_space<vmem>> -> memref<128xi32, #tpu.memory_space<vmem>>
        %dma_wait3A_100 = arith.constant 0 : i32
        %dma_wait3A_101 = arith.constant 0 : i32
        %dma_wait3A_102 = tpu.memref_slice %arg2[%dma_wait3A_100, %dma_wait3A_101] : memref<10000x128xf32, #tpu.memory_space<hbm>> -> memref<10000x128xf32, #tpu.memory_space<hbm>>
        tpu.wait_indirect_dma semaphore(%arg12 : memref<!tpu.dma_semaphore, #tpu.memory_space<semaphore_mem>>) src(%dma_wait3A_102 : memref<10000x128xf32, #tpu.memory_space<hbm>>) dst(%arg9 : memref<128x128xf32, #tpu.memory_space<vmem>>)
        %dma_start3A_103 = arith.constant 4 : i32
        %dma_start3A_104 = arith.constant 0 : i32
        %dma_start3A_105 = tpu.memref_slice %arg6[%dma_start3A_103, %dma_start3A_104] : memref<8x128xi32, #tpu.memory_space<vmem>> -> memref<1x128xi32, #tpu.memory_space<vmem>>
        %dma_start3A_106 = tpu.memref_squeeze %dma_start3A_105 : memref<1x128xi32, #tpu.memory_space<vmem>> -> memref<128xi32, #tpu.memory_space<vmem>>
        %dma_start3A_107 = arith.constant 0 : i32
        %dma_start3A_108 = arith.constant 0 : i32
        %dma_start3A_109 = tpu.memref_slice %arg2[%dma_start3A_107, %dma_start3A_108] : memref<10000x128xf32, #tpu.memory_space<hbm>> -> memref<10000x128xf32, #tpu.memory_space<hbm>>
        tpu.enqueue_indirect_dma source(%dma_start3A_109 : memref<10000x128xf32, #tpu.memory_space<hbm>>) target(%arg8 : memref<128x128xf32, #tpu.memory_space<vmem>>) offsets(%dma_start3A_106 : memref<128xi32, #tpu.memory_space<vmem>>) semaphore(%arg11 : memref<!tpu.dma_semaphore, #tpu.memory_space<semaphore_mem>>)
        %run_scoped3A_110 = arith.constant 3 : i32
        "tpu.region"() ({
          %run_scoped3A_164 = tpu.sem_alloc : memref<!tpu.dma_semaphore, #tpu.memory_space<semaphore_mem>>
          %dma_start3A_165 = arith.constant 0 : i32
          %dma_start3A_166 = tpu.memref_slice %arg7[%run_scoped3A_110, %dma_start3A_165] : memref<8x128xi32, #tpu.memory_space<vmem>> -> memref<1x128xi32, #tpu.memory_space<vmem>>
          %dma_start3A_167 = tpu.memref_squeeze %dma_start3A_166 : memref<1x128xi32, #tpu.memory_space<vmem>> -> memref<128xi32, #tpu.memory_space<vmem>>
          %dma_start3A_168 = arith.constant 0 : i32
          %dma_start3A_169 = arith.constant 0 : i32
          %dma_start3A_170 = tpu.memref_slice %arg10[%dma_start3A_168, %dma_start3A_169] : memref<10240x128xf32, #tpu.memory_space<vmem_shared>> -> memref<10240x128xf32, #tpu.memory_space<vmem_shared>>
          tpu.enqueue_indirect_dma source(%arg9 : memref<128x128xf32, #tpu.memory_space<vmem>>) target(%dma_start3A_170 : memref<10240x128xf32, #tpu.memory_space<vmem_shared>>) offsets(%dma_start3A_167 : memref<128xi32, #tpu.memory_space<vmem>>) semaphore(%run_scoped3A_164 : memref<!tpu.dma_semaphore, #tpu.memory_space<semaphore_mem>>) {add = true}
          %dma_wait3A_171 = arith.constant 0 : i32
          %dma_wait3A_172 = tpu.memref_slice %arg7[%run_scoped3A_110, %dma_wait3A_171] : memref<8x128xi32, #tpu.memory_space<vmem>> -> memref<1x128xi32, #tpu.memory_space<vmem>>
          %dma_wait3A_173 = tpu.memref_squeeze %dma_wait3A_172 : memref<1x128xi32, #tpu.memory_space<vmem>> -> memref<128xi32, #tpu.memory_space<vmem>>
          %dma_wait3A_174 = arith.constant 0 : i32
          %dma_wait3A_175 = arith.constant 0 : i32
          %dma_wait3A_176 = tpu.memref_slice %arg10[%dma_wait3A_174, %dma_wait3A_175] : memref<10240x128xf32, #tpu.memory_space<vmem_shared>> -> memref<10240x128xf32, #tpu.memory_space<vmem_shared>>
          tpu.wait_indirect_dma semaphore(%run_scoped3A_164 : memref<!tpu.dma_semaphore, #tpu.memory_space<semaphore_mem>>) src(%arg9 : memref<128x128xf32, #tpu.memory_space<vmem>>) dst(%dma_wait3A_176 : memref<10240x128xf32, #tpu.memory_space<vmem_shared>>)
          tpu.yield
        }) : () -> ()
        %dma_wait3A_111 = arith.constant 4 : i32
        %dma_wait3A_112 = arith.constant 0 : i32
        %dma_wait3A_113 = tpu.memref_slice %arg6[%dma_wait3A_111, %dma_wait3A_112] : memref<8x128xi32, #tpu.memory_space<vmem>> -> memref<1x128xi32, #tpu.memory_space<vmem>>
        %dma_wait3A_114 = tpu.memref_squeeze %dma_wait3A_113 : memref<1x128xi32, #tpu.memory_space<vmem>> -> memref<128xi32, #tpu.memory_space<vmem>>
        %dma_wait3A_115 = arith.constant 0 : i32
        %dma_wait3A_116 = arith.constant 0 : i32
        %dma_wait3A_117 = tpu.memref_slice %arg2[%dma_wait3A_115, %dma_wait3A_116] : memref<10000x128xf32, #tpu.memory_space<hbm>> -> memref<10000x128xf32, #tpu.memory_space<hbm>>
        tpu.wait_indirect_dma semaphore(%arg11 : memref<!tpu.dma_semaphore, #tpu.memory_space<semaphore_mem>>) src(%dma_wait3A_117 : memref<10000x128xf32, #tpu.memory_space<hbm>>) dst(%arg8 : memref<128x128xf32, #tpu.memory_space<vmem>>)
        %dma_start3A_118 = arith.constant 5 : i32
        %dma_start3A_119 = arith.constant 0 : i32
        %dma_start3A_120 = tpu.memref_slice %arg6[%dma_start3A_118, %dma_start3A_119] : memref<8x128xi32, #tpu.memory_space<vmem>> -> memref<1x128xi32, #tpu.memory_space<vmem>>
        %dma_start3A_121 = tpu.memref_squeeze %dma_start3A_120 : memref<1x128xi32, #tpu.memory_space<vmem>> -> memref<128xi32, #tpu.memory_space<vmem>>
        %dma_start3A_122 = arith.constant 0 : i32
        %dma_start3A_123 = arith.constant 0 : i32
        %dma_start3A_124 = tpu.memref_slice %arg2[%dma_start3A_122, %dma_start3A_123] : memref<10000x128xf32, #tpu.memory_space<hbm>> -> memref<10000x128xf32, #tpu.memory_space<hbm>>
        tpu.enqueue_indirect_dma source(%dma_start3A_124 : memref<10000x128xf32, #tpu.memory_space<hbm>>) target(%arg9 : memref<128x128xf32, #tpu.memory_space<vmem>>) offsets(%dma_start3A_121 : memref<128xi32, #tpu.memory_space<vmem>>) semaphore(%arg12 : memref<!tpu.dma_semaphore, #tpu.memory_space<semaphore_mem>>)
        %run_scoped3A_125 = arith.constant 4 : i32
        "tpu.region"() ({
          %run_scoped3A_164 = tpu.sem_alloc : memref<!tpu.dma_semaphore, #tpu.memory_space<semaphore_mem>>
          %dma_start3A_165 = arith.constant 0 : i32
          %dma_start3A_166 = tpu.memref_slice %arg7[%run_scoped3A_125, %dma_start3A_165] : memref<8x128xi32, #tpu.memory_space<vmem>> -> memref<1x128xi32, #tpu.memory_space<vmem>>
          %dma_start3A_167 = tpu.memref_squeeze %dma_start3A_166 : memref<1x128xi32, #tpu.memory_space<vmem>> -> memref<128xi32, #tpu.memory_space<vmem>>
          %dma_start3A_168 = arith.constant 0 : i32
          %dma_start3A_169 = arith.constant 0 : i32
          %dma_start3A_170 = tpu.memref_slice %arg10[%dma_start3A_168, %dma_start3A_169] : memref<10240x128xf32, #tpu.memory_space<vmem_shared>> -> memref<10240x128xf32, #tpu.memory_space<vmem_shared>>
          tpu.enqueue_indirect_dma source(%arg8 : memref<128x128xf32, #tpu.memory_space<vmem>>) target(%dma_start3A_170 : memref<10240x128xf32, #tpu.memory_space<vmem_shared>>) offsets(%dma_start3A_167 : memref<128xi32, #tpu.memory_space<vmem>>) semaphore(%run_scoped3A_164 : memref<!tpu.dma_semaphore, #tpu.memory_space<semaphore_mem>>) {add = true}
          %dma_wait3A_171 = arith.constant 0 : i32
          %dma_wait3A_172 = tpu.memref_slice %arg7[%run_scoped3A_125, %dma_wait3A_171] : memref<8x128xi32, #tpu.memory_space<vmem>> -> memref<1x128xi32, #tpu.memory_space<vmem>>
          %dma_wait3A_173 = tpu.memref_squeeze %dma_wait3A_172 : memref<1x128xi32, #tpu.memory_space<vmem>> -> memref<128xi32, #tpu.memory_space<vmem>>
          %dma_wait3A_174 = arith.constant 0 : i32
          %dma_wait3A_175 = arith.constant 0 : i32
          %dma_wait3A_176 = tpu.memref_slice %arg10[%dma_wait3A_174, %dma_wait3A_175] : memref<10240x128xf32, #tpu.memory_space<vmem_shared>> -> memref<10240x128xf32, #tpu.memory_space<vmem_shared>>
          tpu.wait_indirect_dma semaphore(%run_scoped3A_164 : memref<!tpu.dma_semaphore, #tpu.memory_space<semaphore_mem>>) src(%arg8 : memref<128x128xf32, #tpu.memory_space<vmem>>) dst(%dma_wait3A_176 : memref<10240x128xf32, #tpu.memory_space<vmem_shared>>)
          tpu.yield
        }) : () -> ()
        %dma_wait3A_126 = arith.constant 5 : i32
        %dma_wait3A_127 = arith.constant 0 : i32
        %dma_wait3A_128 = tpu.memref_slice %arg6[%dma_wait3A_126, %dma_wait3A_127] : memref<8x128xi32, #tpu.memory_space<vmem>> -> memref<1x128xi32, #tpu.memory_space<vmem>>
        %dma_wait3A_129 = tpu.memref_squeeze %dma_wait3A_128 : memref<1x128xi32, #tpu.memory_space<vmem>> -> memref<128xi32, #tpu.memory_space<vmem>>
        %dma_wait3A_130 = arith.constant 0 : i32
        %dma_wait3A_131 = arith.constant 0 : i32
        %dma_wait3A_132 = tpu.memref_slice %arg2[%dma_wait3A_130, %dma_wait3A_131] : memref<10000x128xf32, #tpu.memory_space<hbm>> -> memref<10000x128xf32, #tpu.memory_space<hbm>>
        tpu.wait_indirect_dma semaphore(%arg12 : memref<!tpu.dma_semaphore, #tpu.memory_space<semaphore_mem>>) src(%dma_wait3A_132 : memref<10000x128xf32, #tpu.memory_space<hbm>>) dst(%arg9 : memref<128x128xf32, #tpu.memory_space<vmem>>)
        %dma_start3A_133 = arith.constant 6 : i32
        %dma_start3A_134 = arith.constant 0 : i32
        %dma_start3A_135 = tpu.memref_slice %arg6[%dma_start3A_133, %dma_start3A_134] : memref<8x128xi32, #tpu.memory_space<vmem>> -> memref<1x128xi32, #tpu.memory_space<vmem>>
        %dma_start3A_136 = tpu.memref_squeeze %dma_start3A_135 : memref<1x128xi32, #tpu.memory_space<vmem>> -> memref<128xi32, #tpu.memory_space<vmem>>
        %dma_start3A_137 = arith.constant 0 : i32
        %dma_start3A_138 = arith.constant 0 : i32
        %dma_start3A_139 = tpu.memref_slice %arg2[%dma_start3A_137, %dma_start3A_138] : memref<10000x128xf32, #tpu.memory_space<hbm>> -> memref<10000x128xf32, #tpu.memory_space<hbm>>
        tpu.enqueue_indirect_dma source(%dma_start3A_139 : memref<10000x128xf32, #tpu.memory_space<hbm>>) target(%arg8 : memref<128x128xf32, #tpu.memory_space<vmem>>) offsets(%dma_start3A_136 : memref<128xi32, #tpu.memory_space<vmem>>) semaphore(%arg11 : memref<!tpu.dma_semaphore, #tpu.memory_space<semaphore_mem>>)
        %run_scoped3A_140 = arith.constant 5 : i32
        "tpu.region"() ({
          %run_scoped3A_164 = tpu.sem_alloc : memref<!tpu.dma_semaphore, #tpu.memory_space<semaphore_mem>>
          %dma_start3A_165 = arith.constant 0 : i32
          %dma_start3A_166 = tpu.memref_slice %arg7[%run_scoped3A_140, %dma_start3A_165] : memref<8x128xi32, #tpu.memory_space<vmem>> -> memref<1x128xi32, #tpu.memory_space<vmem>>
          %dma_start3A_167 = tpu.memref_squeeze %dma_start3A_166 : memref<1x128xi32, #tpu.memory_space<vmem>> -> memref<128xi32, #tpu.memory_space<vmem>>
          %dma_start3A_168 = arith.constant 0 : i32
          %dma_start3A_169 = arith.constant 0 : i32
          %dma_start3A_170 = tpu.memref_slice %arg10[%dma_start3A_168, %dma_start3A_169] : memref<10240x128xf32, #tpu.memory_space<vmem_shared>> -> memref<10240x128xf32, #tpu.memory_space<vmem_shared>>
          tpu.enqueue_indirect_dma source(%arg9 : memref<128x128xf32, #tpu.memory_space<vmem>>) target(%dma_start3A_170 : memref<10240x128xf32, #tpu.memory_space<vmem_shared>>) offsets(%dma_start3A_167 : memref<128xi32, #tpu.memory_space<vmem>>) semaphore(%run_scoped3A_164 : memref<!tpu.dma_semaphore, #tpu.memory_space<semaphore_mem>>) {add = true}
          %dma_wait3A_171 = arith.constant 0 : i32
          %dma_wait3A_172 = tpu.memref_slice %arg7[%run_scoped3A_140, %dma_wait3A_171] : memref<8x128xi32, #tpu.memory_space<vmem>> -> memref<1x128xi32, #tpu.memory_space<vmem>>
          %dma_wait3A_173 = tpu.memref_squeeze %dma_wait3A_172 : memref<1x128xi32, #tpu.memory_space<vmem>> -> memref<128xi32, #tpu.memory_space<vmem>>
          %dma_wait3A_174 = arith.constant 0 : i32
          %dma_wait3A_175 = arith.constant 0 : i32
          %dma_wait3A_176 = tpu.memref_slice %arg10[%dma_wait3A_174, %dma_wait3A_175] : memref<10240x128xf32, #tpu.memory_space<vmem_shared>> -> memref<10240x128xf32, #tpu.memory_space<vmem_shared>>
          tpu.wait_indirect_dma semaphore(%run_scoped3A_164 : memref<!tpu.dma_semaphore, #tpu.memory_space<semaphore_mem>>) src(%arg9 : memref<128x128xf32, #tpu.memory_space<vmem>>) dst(%dma_wait3A_176 : memref<10240x128xf32, #tpu.memory_space<vmem_shared>>)
          tpu.yield
        }) : () -> ()
        %dma_wait3A_141 = arith.constant 6 : i32
        %dma_wait3A_142 = arith.constant 0 : i32
        %dma_wait3A_143 = tpu.memref_slice %arg6[%dma_wait3A_141, %dma_wait3A_142] : memref<8x128xi32, #tpu.memory_space<vmem>> -> memref<1x128xi32, #tpu.memory_space<vmem>>
        %dma_wait3A_144 = tpu.memref_squeeze %dma_wait3A_143 : memref<1x128xi32, #tpu.memory_space<vmem>> -> memref<128xi32, #tpu.memory_space<vmem>>
        %dma_wait3A_145 = arith.constant 0 : i32
        %dma_wait3A_146 = arith.constant 0 : i32
        %dma_wait3A_147 = tpu.memref_slice %arg2[%dma_wait3A_145, %dma_wait3A_146] : memref<10000x128xf32, #tpu.memory_space<hbm>> -> memref<10000x128xf32, #tpu.memory_space<hbm>>
        tpu.wait_indirect_dma semaphore(%arg11 : memref<!tpu.dma_semaphore, #tpu.memory_space<semaphore_mem>>) src(%dma_wait3A_147 : memref<10000x128xf32, #tpu.memory_space<hbm>>) dst(%arg8 : memref<128x128xf32, #tpu.memory_space<vmem>>)
        %dma_start3A_148 = arith.constant 7 : i32
        %dma_start3A_149 = arith.constant 0 : i32
        %dma_start3A_150 = tpu.memref_slice %arg6[%dma_start3A_148, %dma_start3A_149] : memref<8x128xi32, #tpu.memory_space<vmem>> -> memref<1x128xi32, #tpu.memory_space<vmem>>
        %dma_start3A_151 = tpu.memref_squeeze %dma_start3A_150 : memref<1x128xi32, #tpu.memory_space<vmem>> -> memref<128xi32, #tpu.memory_space<vmem>>
        %dma_start3A_152 = arith.constant 0 : i32
        %dma_start3A_153 = arith.constant 0 : i32
        %dma_start3A_154 = tpu.memref_slice %arg2[%dma_start3A_152, %dma_start3A_153] : memref<10000x128xf32, #tpu.memory_space<hbm>> -> memref<10000x128xf32, #tpu.memory_space<hbm>>
        tpu.enqueue_indirect_dma source(%dma_start3A_154 : memref<10000x128xf32, #tpu.memory_space<hbm>>) target(%arg9 : memref<128x128xf32, #tpu.memory_space<vmem>>) offsets(%dma_start3A_151 : memref<128xi32, #tpu.memory_space<vmem>>) semaphore(%arg12 : memref<!tpu.dma_semaphore, #tpu.memory_space<semaphore_mem>>)
        %run_scoped3A_155 = arith.constant 6 : i32
        "tpu.region"() ({
          %run_scoped3A_164 = tpu.sem_alloc : memref<!tpu.dma_semaphore, #tpu.memory_space<semaphore_mem>>
          %dma_start3A_165 = arith.constant 0 : i32
          %dma_start3A_166 = tpu.memref_slice %arg7[%run_scoped3A_155, %dma_start3A_165] : memref<8x128xi32, #tpu.memory_space<vmem>> -> memref<1x128xi32, #tpu.memory_space<vmem>>
          %dma_start3A_167 = tpu.memref_squeeze %dma_start3A_166 : memref<1x128xi32, #tpu.memory_space<vmem>> -> memref<128xi32, #tpu.memory_space<vmem>>
          %dma_start3A_168 = arith.constant 0 : i32
          %dma_start3A_169 = arith.constant 0 : i32
          %dma_start3A_170 = tpu.memref_slice %arg10[%dma_start3A_168, %dma_start3A_169] : memref<10240x128xf32, #tpu.memory_space<vmem_shared>> -> memref<10240x128xf32, #tpu.memory_space<vmem_shared>>
          tpu.enqueue_indirect_dma source(%arg8 : memref<128x128xf32, #tpu.memory_space<vmem>>) target(%dma_start3A_170 : memref<10240x128xf32, #tpu.memory_space<vmem_shared>>) offsets(%dma_start3A_167 : memref<128xi32, #tpu.memory_space<vmem>>) semaphore(%run_scoped3A_164 : memref<!tpu.dma_semaphore, #tpu.memory_space<semaphore_mem>>) {add = true}
          %dma_wait3A_171 = arith.constant 0 : i32
          %dma_wait3A_172 = tpu.memref_slice %arg7[%run_scoped3A_155, %dma_wait3A_171] : memref<8x128xi32, #tpu.memory_space<vmem>> -> memref<1x128xi32, #tpu.memory_space<vmem>>
          %dma_wait3A_173 = tpu.memref_squeeze %dma_wait3A_172 : memref<1x128xi32, #tpu.memory_space<vmem>> -> memref<128xi32, #tpu.memory_space<vmem>>
          %dma_wait3A_174 = arith.constant 0 : i32
          %dma_wait3A_175 = arith.constant 0 : i32
          %dma_wait3A_176 = tpu.memref_slice %arg10[%dma_wait3A_174, %dma_wait3A_175] : memref<10240x128xf32, #tpu.memory_space<vmem_shared>> -> memref<10240x128xf32, #tpu.memory_space<vmem_shared>>
          tpu.wait_indirect_dma semaphore(%run_scoped3A_164 : memref<!tpu.dma_semaphore, #tpu.memory_space<semaphore_mem>>) src(%arg8 : memref<128x128xf32, #tpu.memory_space<vmem>>) dst(%dma_wait3A_176 : memref<10240x128xf32, #tpu.memory_space<vmem_shared>>)
          tpu.yield
        }) : () -> ()
        %dma_wait3A_156 = arith.constant 7 : i32
        %dma_wait3A_157 = arith.constant 0 : i32
        %dma_wait3A_158 = tpu.memref_slice %arg6[%dma_wait3A_156, %dma_wait3A_157] : memref<8x128xi32, #tpu.memory_space<vmem>> -> memref<1x128xi32, #tpu.memory_space<vmem>>
        %dma_wait3A_159 = tpu.memref_squeeze %dma_wait3A_158 : memref<1x128xi32, #tpu.memory_space<vmem>> -> memref<128xi32, #tpu.memory_space<vmem>>
        %dma_wait3A_160 = arith.constant 0 : i32
        %dma_wait3A_161 = arith.constant 0 : i32
        %dma_wait3A_162 = tpu.memref_slice %arg2[%dma_wait3A_160, %dma_wait3A_161] : memref<10000x128xf32, #tpu.memory_space<hbm>> -> memref<10000x128xf32, #tpu.memory_space<hbm>>
        tpu.wait_indirect_dma semaphore(%arg12 : memref<!tpu.dma_semaphore, #tpu.memory_space<semaphore_mem>>) src(%dma_wait3A_162 : memref<10000x128xf32, #tpu.memory_space<hbm>>) dst(%arg9 : memref<128x128xf32, #tpu.memory_space<vmem>>)
        %run_scoped3A_163 = arith.constant 7 : i32
        "tpu.region"() ({
          %run_scoped3A_164 = tpu.sem_alloc : memref<!tpu.dma_semaphore, #tpu.memory_space<semaphore_mem>>
          %dma_start3A_165 = arith.constant 0 : i32
          %dma_start3A_166 = tpu.memref_slice %arg7[%run_scoped3A_163, %dma_start3A_165] : memref<8x128xi32, #tpu.memory_space<vmem>> -> memref<1x128xi32, #tpu.memory_space<vmem>>
          %dma_start3A_167 = tpu.memref_squeeze %dma_start3A_166 : memref<1x128xi32, #tpu.memory_space<vmem>> -> memref<128xi32, #tpu.memory_space<vmem>>
          %dma_start3A_168 = arith.constant 0 : i32
          %dma_start3A_169 = arith.constant 0 : i32
          %dma_start3A_170 = tpu.memref_slice %arg10[%dma_start3A_168, %dma_start3A_169] : memref<10240x128xf32, #tpu.memory_space<vmem_shared>> -> memref<10240x128xf32, #tpu.memory_space<vmem_shared>>
          tpu.enqueue_indirect_dma source(%arg9 : memref<128x128xf32, #tpu.memory_space<vmem>>) target(%dma_start3A_170 : memref<10240x128xf32, #tpu.memory_space<vmem_shared>>) offsets(%dma_start3A_167 : memref<128xi32, #tpu.memory_space<vmem>>) semaphore(%run_scoped3A_164 : memref<!tpu.dma_semaphore, #tpu.memory_space<semaphore_mem>>) {add = true}
          %dma_wait3A_171 = arith.constant 0 : i32
          %dma_wait3A_172 = tpu.memref_slice %arg7[%run_scoped3A_163, %dma_wait3A_171] : memref<8x128xi32, #tpu.memory_space<vmem>> -> memref<1x128xi32, #tpu.memory_space<vmem>>
          %dma_wait3A_173 = tpu.memref_squeeze %dma_wait3A_172 : memref<1x128xi32, #tpu.memory_space<vmem>> -> memref<128xi32, #tpu.memory_space<vmem>>
          %dma_wait3A_174 = arith.constant 0 : i32
          %dma_wait3A_175 = arith.constant 0 : i32
          %dma_wait3A_176 = tpu.memref_slice %arg10[%dma_wait3A_174, %dma_wait3A_175] : memref<10240x128xf32, #tpu.memory_space<vmem_shared>> -> memref<10240x128xf32, #tpu.memory_space<vmem_shared>>
          tpu.wait_indirect_dma semaphore(%run_scoped3A_164 : memref<!tpu.dma_semaphore, #tpu.memory_space<semaphore_mem>>) src(%arg9 : memref<128x128xf32, #tpu.memory_space<vmem>>) dst(%dma_wait3A_176 : memref<10240x128xf32, #tpu.memory_space<vmem_shared>>)
          tpu.yield
        }) : () -> ()
      }
      %scan3A_42 = arith.constant 18 : i32
    } else {
    }
    %eq3A_26 = arith.constant 1 : i32
    %eq3A_27 = arith.cmpi eq, %arg0, %eq3A_26 : i32
    %convert_element_type3A_28 = arith.extui %eq3A_27 : i1 to i32
    %cond3A_29 = arith.constant 0 : i32
    %cond3A_30 = arith.cmpi ne, %convert_element_type3A_28, %cond3A_29 : i32
    scf.if %cond3A_30 {
      %mul3A_36 = arith.constant 16 : i32
      %mul3A_37 = arith.muli %arg1, %mul3A_36 : i32
      %add3A_38 = arith.constant 2304 : i32
      %add3A_39 = arith.addi %add3A_38, %mul3A_37 : i32
      %scan3A_40 = arith.constant 0 : i32
      %scan3A_41 = arith.constant 2 : i32
      %scan3A_42 = arith.addi %scan3A_40, %scan3A_41 : i32
      %scan3A_43 = arith.constant 1 : i32
      scf.for %scan3A_45 = %scan3A_40 to %scan3A_42 step %scan3A_43  : i32 {
        %mul3A_46 = arith.constant 8 : i32
        %mul3A_47 = arith.muli %scan3A_45, %mul3A_46 : i32
        %add3A_48 = arith.addi %add3A_39, %mul3A_47 : i32
        "tpu.region"() ({
          %run_scoped3A_166 = tpu.sem_alloc : memref<!tpu.dma_semaphore, #tpu.memory_space<semaphore_mem>>
          %dma_start3A_167 = arith.constant 0 : i32
          %dma_start3A_168 = tpu.memref_slice %arg3[%add3A_48, %dma_start3A_167] : memref<2560x128xi32, #tpu.memory_space<hbm>> -> memref<8x128xi32, #tpu.memory_space<hbm>>
          %dma_start3A_169 = arith.constant 0 : i32
          %dma_start3A_170 = tpu.memref_slice %arg3[%add3A_48, %dma_start3A_169] : memref<2560x128xi32, #tpu.memory_space<hbm>> -> memref<8x128xi32, #tpu.memory_space<hbm>>
          tpu.enqueue_dma source(%dma_start3A_170 : memref<8x128xi32, #tpu.memory_space<hbm>>) target(%arg6 : memref<8x128xi32, #tpu.memory_space<vmem>>) target_semaphore(%run_scoped3A_166 : memref<!tpu.dma_semaphore, #tpu.memory_space<semaphore_mem>>)
          %dma_wait3A_171 = arith.constant 0 : i32
          %dma_wait3A_172 = tpu.memref_slice %arg3[%add3A_48, %dma_wait3A_171] : memref<2560x128xi32, #tpu.memory_space<hbm>> -> memref<8x128xi32, #tpu.memory_space<hbm>>
          %dma_wait3A_173 = arith.constant 0 : i32
          %dma_wait3A_174 = tpu.memref_slice %arg3[%add3A_48, %dma_wait3A_173] : memref<2560x128xi32, #tpu.memory_space<hbm>> -> memref<8x128xi32, #tpu.memory_space<hbm>>
          tpu.wait_dma2 semaphore(%run_scoped3A_166 : memref<!tpu.dma_semaphore, #tpu.memory_space<semaphore_mem>>) src(%dma_wait3A_174 : memref<8x128xi32, #tpu.memory_space<hbm>>) dst(%arg6 : memref<8x128xi32, #tpu.memory_space<vmem>>)
          tpu.yield
        }) : () -> ()
        "tpu.region"() ({
          %run_scoped3A_166 = tpu.sem_alloc : memref<!tpu.dma_semaphore, #tpu.memory_space<semaphore_mem>>
          %dma_start3A_167 = arith.constant 0 : i32
          %dma_start3A_168 = tpu.memref_slice %arg4[%add3A_48, %dma_start3A_167] : memref<2560x128xi32, #tpu.memory_space<hbm>> -> memref<8x128xi32, #tpu.memory_space<hbm>>
          %dma_start3A_169 = arith.constant 0 : i32
          %dma_start3A_170 = tpu.memref_slice %arg4[%add3A_48, %dma_start3A_169] : memref<2560x128xi32, #tpu.memory_space<hbm>> -> memref<8x128xi32, #tpu.memory_space<hbm>>
          tpu.enqueue_dma source(%dma_start3A_170 : memref<8x128xi32, #tpu.memory_space<hbm>>) target(%arg7 : memref<8x128xi32, #tpu.memory_space<vmem>>) target_semaphore(%run_scoped3A_166 : memref<!tpu.dma_semaphore, #tpu.memory_space<semaphore_mem>>)
          %dma_wait3A_171 = arith.constant 0 : i32
          %dma_wait3A_172 = tpu.memref_slice %arg4[%add3A_48, %dma_wait3A_171] : memref<2560x128xi32, #tpu.memory_space<hbm>> -> memref<8x128xi32, #tpu.memory_space<hbm>>
          %dma_wait3A_173 = arith.constant 0 : i32
          %dma_wait3A_174 = tpu.memref_slice %arg4[%add3A_48, %dma_wait3A_173] : memref<2560x128xi32, #tpu.memory_space<hbm>> -> memref<8x128xi32, #tpu.memory_space<hbm>>
          tpu.wait_dma2 semaphore(%run_scoped3A_166 : memref<!tpu.dma_semaphore, #tpu.memory_space<semaphore_mem>>) src(%dma_wait3A_174 : memref<8x128xi32, #tpu.memory_space<hbm>>) dst(%arg7 : memref<8x128xi32, #tpu.memory_space<vmem>>)
          tpu.yield
        }) : () -> ()
        %dma_start3A = arith.constant 0 : i32
        %dma_start3A_49 = arith.constant 0 : i32
        %dma_start3A_50 = tpu.memref_slice %arg6[%dma_start3A, %dma_start3A_49] : memref<8x128xi32, #tpu.memory_space<vmem>> -> memref<1x128xi32, #tpu.memory_space<vmem>>
        %dma_start3A_51 = tpu.memref_squeeze %dma_start3A_50 : memref<1x128xi32, #tpu.memory_space<vmem>> -> memref<128xi32, #tpu.memory_space<vmem>>
        %dma_start3A_52 = arith.constant 0 : i32
        %dma_start3A_53 = arith.constant 0 : i32
        %dma_start3A_54 = tpu.memref_slice %arg2[%dma_start3A_52, %dma_start3A_53] : memref<10000x128xf32, #tpu.memory_space<hbm>> -> memref<10000x128xf32, #tpu.memory_space<hbm>>
        tpu.enqueue_indirect_dma source(%dma_start3A_54 : memref<10000x128xf32, #tpu.memory_space<hbm>>) target(%arg8 : memref<128x128xf32, #tpu.memory_space<vmem>>) offsets(%dma_start3A_51 : memref<128xi32, #tpu.memory_space<vmem>>) semaphore(%arg11 : memref<!tpu.dma_semaphore, #tpu.memory_space<semaphore_mem>>)
        %dma_wait3A = arith.constant 0 : i32
        %dma_wait3A_55 = arith.constant 0 : i32
        %dma_wait3A_56 = tpu.memref_slice %arg6[%dma_wait3A, %dma_wait3A_55] : memref<8x128xi32, #tpu.memory_space<vmem>> -> memref<1x128xi32, #tpu.memory_space<vmem>>
        %dma_wait3A_57 = tpu.memref_squeeze %dma_wait3A_56 : memref<1x128xi32, #tpu.memory_space<vmem>> -> memref<128xi32, #tpu.memory_space<vmem>>
        %dma_wait3A_58 = arith.constant 0 : i32
        %dma_wait3A_59 = arith.constant 0 : i32
        %dma_wait3A_60 = tpu.memref_slice %arg2[%dma_wait3A_58, %dma_wait3A_59] : memref<10000x128xf32, #tpu.memory_space<hbm>> -> memref<10000x128xf32, #tpu.memory_space<hbm>>
        tpu.wait_indirect_dma semaphore(%arg11 : memref<!tpu.dma_semaphore, #tpu.memory_space<semaphore_mem>>) src(%dma_wait3A_60 : memref<10000x128xf32, #tpu.memory_space<hbm>>) dst(%arg8 : memref<128x128xf32, #tpu.memory_space<vmem>>)
        %dma_start3A_61 = arith.constant 1 : i32
        %dma_start3A_62 = arith.constant 0 : i32
        %dma_start3A_63 = tpu.memref_slice %arg6[%dma_start3A_61, %dma_start3A_62] : memref<8x128xi32, #tpu.memory_space<vmem>> -> memref<1x128xi32, #tpu.memory_space<vmem>>
        %dma_start3A_64 = tpu.memref_squeeze %dma_start3A_63 : memref<1x128xi32, #tpu.memory_space<vmem>> -> memref<128xi32, #tpu.memory_space<vmem>>
        %dma_start3A_65 = arith.constant 0 : i32
        %dma_start3A_66 = arith.constant 0 : i32
        %dma_start3A_67 = tpu.memref_slice %arg2[%dma_start3A_65, %dma_start3A_66] : memref<10000x128xf32, #tpu.memory_space<hbm>> -> memref<10000x128xf32, #tpu.memory_space<hbm>>
        tpu.enqueue_indirect_dma source(%dma_start3A_67 : memref<10000x128xf32, #tpu.memory_space<hbm>>) target(%arg9 : memref<128x128xf32, #tpu.memory_space<vmem>>) offsets(%dma_start3A_64 : memref<128xi32, #tpu.memory_space<vmem>>) semaphore(%arg12 : memref<!tpu.dma_semaphore, #tpu.memory_space<semaphore_mem>>)
        %run_scoped3A = arith.constant 0 : i32
        "tpu.region"() ({
          %run_scoped3A_166 = tpu.sem_alloc : memref<!tpu.dma_semaphore, #tpu.memory_space<semaphore_mem>>
          %dma_start3A_167 = arith.constant 0 : i32
          %dma_start3A_168 = tpu.memref_slice %arg7[%run_scoped3A, %dma_start3A_167] : memref<8x128xi32, #tpu.memory_space<vmem>> -> memref<1x128xi32, #tpu.memory_space<vmem>>
          %dma_start3A_169 = tpu.memref_squeeze %dma_start3A_168 : memref<1x128xi32, #tpu.memory_space<vmem>> -> memref<128xi32, #tpu.memory_space<vmem>>
          %dma_start3A_170 = arith.constant 0 : i32
          %dma_start3A_171 = arith.constant 0 : i32
          %dma_start3A_172 = tpu.memref_slice %arg10[%dma_start3A_170, %dma_start3A_171] : memref<10240x128xf32, #tpu.memory_space<vmem_shared>> -> memref<10240x128xf32, #tpu.memory_space<vmem_shared>>
          tpu.enqueue_indirect_dma source(%arg8 : memref<128x128xf32, #tpu.memory_space<vmem>>) target(%dma_start3A_172 : memref<10240x128xf32, #tpu.memory_space<vmem_shared>>) offsets(%dma_start3A_169 : memref<128xi32, #tpu.memory_space<vmem>>) semaphore(%run_scoped3A_166 : memref<!tpu.dma_semaphore, #tpu.memory_space<semaphore_mem>>) {add = true}
          %dma_wait3A_173 = arith.constant 0 : i32
          %dma_wait3A_174 = tpu.memref_slice %arg7[%run_scoped3A, %dma_wait3A_173] : memref<8x128xi32, #tpu.memory_space<vmem>> -> memref<1x128xi32, #tpu.memory_space<vmem>>
          %dma_wait3A_175 = tpu.memref_squeeze %dma_wait3A_174 : memref<1x128xi32, #tpu.memory_space<vmem>> -> memref<128xi32, #tpu.memory_space<vmem>>
          %dma_wait3A_176 = arith.constant 0 : i32
          %dma_wait3A_177 = arith.constant 0 : i32
          %dma_wait3A_178 = tpu.memref_slice %arg10[%dma_wait3A_176, %dma_wait3A_177] : memref<10240x128xf32, #tpu.memory_space<vmem_shared>> -> memref<10240x128xf32, #tpu.memory_space<vmem_shared>>
          tpu.wait_indirect_dma semaphore(%run_scoped3A_166 : memref<!tpu.dma_semaphore, #tpu.memory_space<semaphore_mem>>) src(%arg8 : memref<128x128xf32, #tpu.memory_space<vmem>>) dst(%dma_wait3A_178 : memref<10240x128xf32, #tpu.memory_space<vmem_shared>>)
          tpu.yield
        }) : () -> ()
        %dma_wait3A_68 = arith.constant 1 : i32
        %dma_wait3A_69 = arith.constant 0 : i32
        %dma_wait3A_70 = tpu.memref_slice %arg6[%dma_wait3A_68, %dma_wait3A_69] : memref<8x128xi32, #tpu.memory_space<vmem>> -> memref<1x128xi32, #tpu.memory_space<vmem>>
        %dma_wait3A_71 = tpu.memref_squeeze %dma_wait3A_70 : memref<1x128xi32, #tpu.memory_space<vmem>> -> memref<128xi32, #tpu.memory_space<vmem>>
        %dma_wait3A_72 = arith.constant 0 : i32
        %dma_wait3A_73 = arith.constant 0 : i32
        %dma_wait3A_74 = tpu.memref_slice %arg2[%dma_wait3A_72, %dma_wait3A_73] : memref<10000x128xf32, #tpu.memory_space<hbm>> -> memref<10000x128xf32, #tpu.memory_space<hbm>>
        tpu.wait_indirect_dma semaphore(%arg12 : memref<!tpu.dma_semaphore, #tpu.memory_space<semaphore_mem>>) src(%dma_wait3A_74 : memref<10000x128xf32, #tpu.memory_space<hbm>>) dst(%arg9 : memref<128x128xf32, #tpu.memory_space<vmem>>)
        %dma_start3A_75 = arith.constant 2 : i32
        %dma_start3A_76 = arith.constant 0 : i32
        %dma_start3A_77 = tpu.memref_slice %arg6[%dma_start3A_75, %dma_start3A_76] : memref<8x128xi32, #tpu.memory_space<vmem>> -> memref<1x128xi32, #tpu.memory_space<vmem>>
        %dma_start3A_78 = tpu.memref_squeeze %dma_start3A_77 : memref<1x128xi32, #tpu.memory_space<vmem>> -> memref<128xi32, #tpu.memory_space<vmem>>
        %dma_start3A_79 = arith.constant 0 : i32
        %dma_start3A_80 = arith.constant 0 : i32
        %dma_start3A_81 = tpu.memref_slice %arg2[%dma_start3A_79, %dma_start3A_80] : memref<10000x128xf32, #tpu.memory_space<hbm>> -> memref<10000x128xf32, #tpu.memory_space<hbm>>
        tpu.enqueue_indirect_dma source(%dma_start3A_81 : memref<10000x128xf32, #tpu.memory_space<hbm>>) target(%arg8 : memref<128x128xf32, #tpu.memory_space<vmem>>) offsets(%dma_start3A_78 : memref<128xi32, #tpu.memory_space<vmem>>) semaphore(%arg11 : memref<!tpu.dma_semaphore, #tpu.memory_space<semaphore_mem>>)
        %run_scoped3A_82 = arith.constant 1 : i32
        "tpu.region"() ({
          %run_scoped3A_166 = tpu.sem_alloc : memref<!tpu.dma_semaphore, #tpu.memory_space<semaphore_mem>>
          %dma_start3A_167 = arith.constant 0 : i32
          %dma_start3A_168 = tpu.memref_slice %arg7[%run_scoped3A_82, %dma_start3A_167] : memref<8x128xi32, #tpu.memory_space<vmem>> -> memref<1x128xi32, #tpu.memory_space<vmem>>
          %dma_start3A_169 = tpu.memref_squeeze %dma_start3A_168 : memref<1x128xi32, #tpu.memory_space<vmem>> -> memref<128xi32, #tpu.memory_space<vmem>>
          %dma_start3A_170 = arith.constant 0 : i32
          %dma_start3A_171 = arith.constant 0 : i32
          %dma_start3A_172 = tpu.memref_slice %arg10[%dma_start3A_170, %dma_start3A_171] : memref<10240x128xf32, #tpu.memory_space<vmem_shared>> -> memref<10240x128xf32, #tpu.memory_space<vmem_shared>>
          tpu.enqueue_indirect_dma source(%arg9 : memref<128x128xf32, #tpu.memory_space<vmem>>) target(%dma_start3A_172 : memref<10240x128xf32, #tpu.memory_space<vmem_shared>>) offsets(%dma_start3A_169 : memref<128xi32, #tpu.memory_space<vmem>>) semaphore(%run_scoped3A_166 : memref<!tpu.dma_semaphore, #tpu.memory_space<semaphore_mem>>) {add = true}
          %dma_wait3A_173 = arith.constant 0 : i32
          %dma_wait3A_174 = tpu.memref_slice %arg7[%run_scoped3A_82, %dma_wait3A_173] : memref<8x128xi32, #tpu.memory_space<vmem>> -> memref<1x128xi32, #tpu.memory_space<vmem>>
          %dma_wait3A_175 = tpu.memref_squeeze %dma_wait3A_174 : memref<1x128xi32, #tpu.memory_space<vmem>> -> memref<128xi32, #tpu.memory_space<vmem>>
          %dma_wait3A_176 = arith.constant 0 : i32
          %dma_wait3A_177 = arith.constant 0 : i32
          %dma_wait3A_178 = tpu.memref_slice %arg10[%dma_wait3A_176, %dma_wait3A_177] : memref<10240x128xf32, #tpu.memory_space<vmem_shared>> -> memref<10240x128xf32, #tpu.memory_space<vmem_shared>>
          tpu.wait_indirect_dma semaphore(%run_scoped3A_166 : memref<!tpu.dma_semaphore, #tpu.memory_space<semaphore_mem>>) src(%arg9 : memref<128x128xf32, #tpu.memory_space<vmem>>) dst(%dma_wait3A_178 : memref<10240x128xf32, #tpu.memory_space<vmem_shared>>)
          tpu.yield
        }) : () -> ()
        %dma_wait3A_83 = arith.constant 2 : i32
        %dma_wait3A_84 = arith.constant 0 : i32
        %dma_wait3A_85 = tpu.memref_slice %arg6[%dma_wait3A_83, %dma_wait3A_84] : memref<8x128xi32, #tpu.memory_space<vmem>> -> memref<1x128xi32, #tpu.memory_space<vmem>>
        %dma_wait3A_86 = tpu.memref_squeeze %dma_wait3A_85 : memref<1x128xi32, #tpu.memory_space<vmem>> -> memref<128xi32, #tpu.memory_space<vmem>>
        %dma_wait3A_87 = arith.constant 0 : i32
        %dma_wait3A_88 = arith.constant 0 : i32
        %dma_wait3A_89 = tpu.memref_slice %arg2[%dma_wait3A_87, %dma_wait3A_88] : memref<10000x128xf32, #tpu.memory_space<hbm>> -> memref<10000x128xf32, #tpu.memory_space<hbm>>
        tpu.wait_indirect_dma semaphore(%arg11 : memref<!tpu.dma_semaphore, #tpu.memory_space<semaphore_mem>>) src(%dma_wait3A_89 : memref<10000x128xf32, #tpu.memory_space<hbm>>) dst(%arg8 : memref<128x128xf32, #tpu.memory_space<vmem>>)
        %dma_start3A_90 = arith.constant 3 : i32
        %dma_start3A_91 = arith.constant 0 : i32
        %dma_start3A_92 = tpu.memref_slice %arg6[%dma_start3A_90, %dma_start3A_91] : memref<8x128xi32, #tpu.memory_space<vmem>> -> memref<1x128xi32, #tpu.memory_space<vmem>>
        %dma_start3A_93 = tpu.memref_squeeze %dma_start3A_92 : memref<1x128xi32, #tpu.memory_space<vmem>> -> memref<128xi32, #tpu.memory_space<vmem>>
        %dma_start3A_94 = arith.constant 0 : i32
        %dma_start3A_95 = arith.constant 0 : i32
        %dma_start3A_96 = tpu.memref_slice %arg2[%dma_start3A_94, %dma_start3A_95] : memref<10000x128xf32, #tpu.memory_space<hbm>> -> memref<10000x128xf32, #tpu.memory_space<hbm>>
        tpu.enqueue_indirect_dma source(%dma_start3A_96 : memref<10000x128xf32, #tpu.memory_space<hbm>>) target(%arg9 : memref<128x128xf32, #tpu.memory_space<vmem>>) offsets(%dma_start3A_93 : memref<128xi32, #tpu.memory_space<vmem>>) semaphore(%arg12 : memref<!tpu.dma_semaphore, #tpu.memory_space<semaphore_mem>>)
        %run_scoped3A_97 = arith.constant 2 : i32
        "tpu.region"() ({
          %run_scoped3A_166 = tpu.sem_alloc : memref<!tpu.dma_semaphore, #tpu.memory_space<semaphore_mem>>
          %dma_start3A_167 = arith.constant 0 : i32
          %dma_start3A_168 = tpu.memref_slice %arg7[%run_scoped3A_97, %dma_start3A_167] : memref<8x128xi32, #tpu.memory_space<vmem>> -> memref<1x128xi32, #tpu.memory_space<vmem>>
          %dma_start3A_169 = tpu.memref_squeeze %dma_start3A_168 : memref<1x128xi32, #tpu.memory_space<vmem>> -> memref<128xi32, #tpu.memory_space<vmem>>
          %dma_start3A_170 = arith.constant 0 : i32
          %dma_start3A_171 = arith.constant 0 : i32
          %dma_start3A_172 = tpu.memref_slice %arg10[%dma_start3A_170, %dma_start3A_171] : memref<10240x128xf32, #tpu.memory_space<vmem_shared>> -> memref<10240x128xf32, #tpu.memory_space<vmem_shared>>
          tpu.enqueue_indirect_dma source(%arg8 : memref<128x128xf32, #tpu.memory_space<vmem>>) target(%dma_start3A_172 : memref<10240x128xf32, #tpu.memory_space<vmem_shared>>) offsets(%dma_start3A_169 : memref<128xi32, #tpu.memory_space<vmem>>) semaphore(%run_scoped3A_166 : memref<!tpu.dma_semaphore, #tpu.memory_space<semaphore_mem>>) {add = true}
          %dma_wait3A_173 = arith.constant 0 : i32
          %dma_wait3A_174 = tpu.memref_slice %arg7[%run_scoped3A_97, %dma_wait3A_173] : memref<8x128xi32, #tpu.memory_space<vmem>> -> memref<1x128xi32, #tpu.memory_space<vmem>>
          %dma_wait3A_175 = tpu.memref_squeeze %dma_wait3A_174 : memref<1x128xi32, #tpu.memory_space<vmem>> -> memref<128xi32, #tpu.memory_space<vmem>>
          %dma_wait3A_176 = arith.constant 0 : i32
          %dma_wait3A_177 = arith.constant 0 : i32
          %dma_wait3A_178 = tpu.memref_slice %arg10[%dma_wait3A_176, %dma_wait3A_177] : memref<10240x128xf32, #tpu.memory_space<vmem_shared>> -> memref<10240x128xf32, #tpu.memory_space<vmem_shared>>
          tpu.wait_indirect_dma semaphore(%run_scoped3A_166 : memref<!tpu.dma_semaphore, #tpu.memory_space<semaphore_mem>>) src(%arg8 : memref<128x128xf32, #tpu.memory_space<vmem>>) dst(%dma_wait3A_178 : memref<10240x128xf32, #tpu.memory_space<vmem_shared>>)
          tpu.yield
        }) : () -> ()
        %dma_wait3A_98 = arith.constant 3 : i32
        %dma_wait3A_99 = arith.constant 0 : i32
        %dma_wait3A_100 = tpu.memref_slice %arg6[%dma_wait3A_98, %dma_wait3A_99] : memref<8x128xi32, #tpu.memory_space<vmem>> -> memref<1x128xi32, #tpu.memory_space<vmem>>
        %dma_wait3A_101 = tpu.memref_squeeze %dma_wait3A_100 : memref<1x128xi32, #tpu.memory_space<vmem>> -> memref<128xi32, #tpu.memory_space<vmem>>
        %dma_wait3A_102 = arith.constant 0 : i32
        %dma_wait3A_103 = arith.constant 0 : i32
        %dma_wait3A_104 = tpu.memref_slice %arg2[%dma_wait3A_102, %dma_wait3A_103] : memref<10000x128xf32, #tpu.memory_space<hbm>> -> memref<10000x128xf32, #tpu.memory_space<hbm>>
        tpu.wait_indirect_dma semaphore(%arg12 : memref<!tpu.dma_semaphore, #tpu.memory_space<semaphore_mem>>) src(%dma_wait3A_104 : memref<10000x128xf32, #tpu.memory_space<hbm>>) dst(%arg9 : memref<128x128xf32, #tpu.memory_space<vmem>>)
        %dma_start3A_105 = arith.constant 4 : i32
        %dma_start3A_106 = arith.constant 0 : i32
        %dma_start3A_107 = tpu.memref_slice %arg6[%dma_start3A_105, %dma_start3A_106] : memref<8x128xi32, #tpu.memory_space<vmem>> -> memref<1x128xi32, #tpu.memory_space<vmem>>
        %dma_start3A_108 = tpu.memref_squeeze %dma_start3A_107 : memref<1x128xi32, #tpu.memory_space<vmem>> -> memref<128xi32, #tpu.memory_space<vmem>>
        %dma_start3A_109 = arith.constant 0 : i32
        %dma_start3A_110 = arith.constant 0 : i32
        %dma_start3A_111 = tpu.memref_slice %arg2[%dma_start3A_109, %dma_start3A_110] : memref<10000x128xf32, #tpu.memory_space<hbm>> -> memref<10000x128xf32, #tpu.memory_space<hbm>>
        tpu.enqueue_indirect_dma source(%dma_start3A_111 : memref<10000x128xf32, #tpu.memory_space<hbm>>) target(%arg8 : memref<128x128xf32, #tpu.memory_space<vmem>>) offsets(%dma_start3A_108 : memref<128xi32, #tpu.memory_space<vmem>>) semaphore(%arg11 : memref<!tpu.dma_semaphore, #tpu.memory_space<semaphore_mem>>)
        %run_scoped3A_112 = arith.constant 3 : i32
        "tpu.region"() ({
          %run_scoped3A_166 = tpu.sem_alloc : memref<!tpu.dma_semaphore, #tpu.memory_space<semaphore_mem>>
          %dma_start3A_167 = arith.constant 0 : i32
          %dma_start3A_168 = tpu.memref_slice %arg7[%run_scoped3A_112, %dma_start3A_167] : memref<8x128xi32, #tpu.memory_space<vmem>> -> memref<1x128xi32, #tpu.memory_space<vmem>>
          %dma_start3A_169 = tpu.memref_squeeze %dma_start3A_168 : memref<1x128xi32, #tpu.memory_space<vmem>> -> memref<128xi32, #tpu.memory_space<vmem>>
          %dma_start3A_170 = arith.constant 0 : i32
          %dma_start3A_171 = arith.constant 0 : i32
          %dma_start3A_172 = tpu.memref_slice %arg10[%dma_start3A_170, %dma_start3A_171] : memref<10240x128xf32, #tpu.memory_space<vmem_shared>> -> memref<10240x128xf32, #tpu.memory_space<vmem_shared>>
          tpu.enqueue_indirect_dma source(%arg9 : memref<128x128xf32, #tpu.memory_space<vmem>>) target(%dma_start3A_172 : memref<10240x128xf32, #tpu.memory_space<vmem_shared>>) offsets(%dma_start3A_169 : memref<128xi32, #tpu.memory_space<vmem>>) semaphore(%run_scoped3A_166 : memref<!tpu.dma_semaphore, #tpu.memory_space<semaphore_mem>>) {add = true}
          %dma_wait3A_173 = arith.constant 0 : i32
          %dma_wait3A_174 = tpu.memref_slice %arg7[%run_scoped3A_112, %dma_wait3A_173] : memref<8x128xi32, #tpu.memory_space<vmem>> -> memref<1x128xi32, #tpu.memory_space<vmem>>
          %dma_wait3A_175 = tpu.memref_squeeze %dma_wait3A_174 : memref<1x128xi32, #tpu.memory_space<vmem>> -> memref<128xi32, #tpu.memory_space<vmem>>
          %dma_wait3A_176 = arith.constant 0 : i32
          %dma_wait3A_177 = arith.constant 0 : i32
          %dma_wait3A_178 = tpu.memref_slice %arg10[%dma_wait3A_176, %dma_wait3A_177] : memref<10240x128xf32, #tpu.memory_space<vmem_shared>> -> memref<10240x128xf32, #tpu.memory_space<vmem_shared>>
          tpu.wait_indirect_dma semaphore(%run_scoped3A_166 : memref<!tpu.dma_semaphore, #tpu.memory_space<semaphore_mem>>) src(%arg9 : memref<128x128xf32, #tpu.memory_space<vmem>>) dst(%dma_wait3A_178 : memref<10240x128xf32, #tpu.memory_space<vmem_shared>>)
          tpu.yield
        }) : () -> ()
        %dma_wait3A_113 = arith.constant 4 : i32
        %dma_wait3A_114 = arith.constant 0 : i32
        %dma_wait3A_115 = tpu.memref_slice %arg6[%dma_wait3A_113, %dma_wait3A_114] : memref<8x128xi32, #tpu.memory_space<vmem>> -> memref<1x128xi32, #tpu.memory_space<vmem>>
        %dma_wait3A_116 = tpu.memref_squeeze %dma_wait3A_115 : memref<1x128xi32, #tpu.memory_space<vmem>> -> memref<128xi32, #tpu.memory_space<vmem>>
        %dma_wait3A_117 = arith.constant 0 : i32
        %dma_wait3A_118 = arith.constant 0 : i32
        %dma_wait3A_119 = tpu.memref_slice %arg2[%dma_wait3A_117, %dma_wait3A_118] : memref<10000x128xf32, #tpu.memory_space<hbm>> -> memref<10000x128xf32, #tpu.memory_space<hbm>>
        tpu.wait_indirect_dma semaphore(%arg11 : memref<!tpu.dma_semaphore, #tpu.memory_space<semaphore_mem>>) src(%dma_wait3A_119 : memref<10000x128xf32, #tpu.memory_space<hbm>>) dst(%arg8 : memref<128x128xf32, #tpu.memory_space<vmem>>)
        %dma_start3A_120 = arith.constant 5 : i32
        %dma_start3A_121 = arith.constant 0 : i32
        %dma_start3A_122 = tpu.memref_slice %arg6[%dma_start3A_120, %dma_start3A_121] : memref<8x128xi32, #tpu.memory_space<vmem>> -> memref<1x128xi32, #tpu.memory_space<vmem>>
        %dma_start3A_123 = tpu.memref_squeeze %dma_start3A_122 : memref<1x128xi32, #tpu.memory_space<vmem>> -> memref<128xi32, #tpu.memory_space<vmem>>
        %dma_start3A_124 = arith.constant 0 : i32
        %dma_start3A_125 = arith.constant 0 : i32
        %dma_start3A_126 = tpu.memref_slice %arg2[%dma_start3A_124, %dma_start3A_125] : memref<10000x128xf32, #tpu.memory_space<hbm>> -> memref<10000x128xf32, #tpu.memory_space<hbm>>
        tpu.enqueue_indirect_dma source(%dma_start3A_126 : memref<10000x128xf32, #tpu.memory_space<hbm>>) target(%arg9 : memref<128x128xf32, #tpu.memory_space<vmem>>) offsets(%dma_start3A_123 : memref<128xi32, #tpu.memory_space<vmem>>) semaphore(%arg12 : memref<!tpu.dma_semaphore, #tpu.memory_space<semaphore_mem>>)
        %run_scoped3A_127 = arith.constant 4 : i32
        "tpu.region"() ({
          %run_scoped3A_166 = tpu.sem_alloc : memref<!tpu.dma_semaphore, #tpu.memory_space<semaphore_mem>>
          %dma_start3A_167 = arith.constant 0 : i32
          %dma_start3A_168 = tpu.memref_slice %arg7[%run_scoped3A_127, %dma_start3A_167] : memref<8x128xi32, #tpu.memory_space<vmem>> -> memref<1x128xi32, #tpu.memory_space<vmem>>
          %dma_start3A_169 = tpu.memref_squeeze %dma_start3A_168 : memref<1x128xi32, #tpu.memory_space<vmem>> -> memref<128xi32, #tpu.memory_space<vmem>>
          %dma_start3A_170 = arith.constant 0 : i32
          %dma_start3A_171 = arith.constant 0 : i32
          %dma_start3A_172 = tpu.memref_slice %arg10[%dma_start3A_170, %dma_start3A_171] : memref<10240x128xf32, #tpu.memory_space<vmem_shared>> -> memref<10240x128xf32, #tpu.memory_space<vmem_shared>>
          tpu.enqueue_indirect_dma source(%arg8 : memref<128x128xf32, #tpu.memory_space<vmem>>) target(%dma_start3A_172 : memref<10240x128xf32, #tpu.memory_space<vmem_shared>>) offsets(%dma_start3A_169 : memref<128xi32, #tpu.memory_space<vmem>>) semaphore(%run_scoped3A_166 : memref<!tpu.dma_semaphore, #tpu.memory_space<semaphore_mem>>) {add = true}
          %dma_wait3A_173 = arith.constant 0 : i32
          %dma_wait3A_174 = tpu.memref_slice %arg7[%run_scoped3A_127, %dma_wait3A_173] : memref<8x128xi32, #tpu.memory_space<vmem>> -> memref<1x128xi32, #tpu.memory_space<vmem>>
          %dma_wait3A_175 = tpu.memref_squeeze %dma_wait3A_174 : memref<1x128xi32, #tpu.memory_space<vmem>> -> memref<128xi32, #tpu.memory_space<vmem>>
          %dma_wait3A_176 = arith.constant 0 : i32
          %dma_wait3A_177 = arith.constant 0 : i32
          %dma_wait3A_178 = tpu.memref_slice %arg10[%dma_wait3A_176, %dma_wait3A_177] : memref<10240x128xf32, #tpu.memory_space<vmem_shared>> -> memref<10240x128xf32, #tpu.memory_space<vmem_shared>>
          tpu.wait_indirect_dma semaphore(%run_scoped3A_166 : memref<!tpu.dma_semaphore, #tpu.memory_space<semaphore_mem>>) src(%arg8 : memref<128x128xf32, #tpu.memory_space<vmem>>) dst(%dma_wait3A_178 : memref<10240x128xf32, #tpu.memory_space<vmem_shared>>)
          tpu.yield
        }) : () -> ()
        %dma_wait3A_128 = arith.constant 5 : i32
        %dma_wait3A_129 = arith.constant 0 : i32
        %dma_wait3A_130 = tpu.memref_slice %arg6[%dma_wait3A_128, %dma_wait3A_129] : memref<8x128xi32, #tpu.memory_space<vmem>> -> memref<1x128xi32, #tpu.memory_space<vmem>>
        %dma_wait3A_131 = tpu.memref_squeeze %dma_wait3A_130 : memref<1x128xi32, #tpu.memory_space<vmem>> -> memref<128xi32, #tpu.memory_space<vmem>>
        %dma_wait3A_132 = arith.constant 0 : i32
        %dma_wait3A_133 = arith.constant 0 : i32
        %dma_wait3A_134 = tpu.memref_slice %arg2[%dma_wait3A_132, %dma_wait3A_133] : memref<10000x128xf32, #tpu.memory_space<hbm>> -> memref<10000x128xf32, #tpu.memory_space<hbm>>
        tpu.wait_indirect_dma semaphore(%arg12 : memref<!tpu.dma_semaphore, #tpu.memory_space<semaphore_mem>>) src(%dma_wait3A_134 : memref<10000x128xf32, #tpu.memory_space<hbm>>) dst(%arg9 : memref<128x128xf32, #tpu.memory_space<vmem>>)
        %dma_start3A_135 = arith.constant 6 : i32
        %dma_start3A_136 = arith.constant 0 : i32
        %dma_start3A_137 = tpu.memref_slice %arg6[%dma_start3A_135, %dma_start3A_136] : memref<8x128xi32, #tpu.memory_space<vmem>> -> memref<1x128xi32, #tpu.memory_space<vmem>>
        %dma_start3A_138 = tpu.memref_squeeze %dma_start3A_137 : memref<1x128xi32, #tpu.memory_space<vmem>> -> memref<128xi32, #tpu.memory_space<vmem>>
        %dma_start3A_139 = arith.constant 0 : i32
        %dma_start3A_140 = arith.constant 0 : i32
        %dma_start3A_141 = tpu.memref_slice %arg2[%dma_start3A_139, %dma_start3A_140] : memref<10000x128xf32, #tpu.memory_space<hbm>> -> memref<10000x128xf32, #tpu.memory_space<hbm>>
        tpu.enqueue_indirect_dma source(%dma_start3A_141 : memref<10000x128xf32, #tpu.memory_space<hbm>>) target(%arg8 : memref<128x128xf32, #tpu.memory_space<vmem>>) offsets(%dma_start3A_138 : memref<128xi32, #tpu.memory_space<vmem>>) semaphore(%arg11 : memref<!tpu.dma_semaphore, #tpu.memory_space<semaphore_mem>>)
        %run_scoped3A_142 = arith.constant 5 : i32
        "tpu.region"() ({
          %run_scoped3A_166 = tpu.sem_alloc : memref<!tpu.dma_semaphore, #tpu.memory_space<semaphore_mem>>
          %dma_start3A_167 = arith.constant 0 : i32
          %dma_start3A_168 = tpu.memref_slice %arg7[%run_scoped3A_142, %dma_start3A_167] : memref<8x128xi32, #tpu.memory_space<vmem>> -> memref<1x128xi32, #tpu.memory_space<vmem>>
          %dma_start3A_169 = tpu.memref_squeeze %dma_start3A_168 : memref<1x128xi32, #tpu.memory_space<vmem>> -> memref<128xi32, #tpu.memory_space<vmem>>
          %dma_start3A_170 = arith.constant 0 : i32
          %dma_start3A_171 = arith.constant 0 : i32
          %dma_start3A_172 = tpu.memref_slice %arg10[%dma_start3A_170, %dma_start3A_171] : memref<10240x128xf32, #tpu.memory_space<vmem_shared>> -> memref<10240x128xf32, #tpu.memory_space<vmem_shared>>
          tpu.enqueue_indirect_dma source(%arg9 : memref<128x128xf32, #tpu.memory_space<vmem>>) target(%dma_start3A_172 : memref<10240x128xf32, #tpu.memory_space<vmem_shared>>) offsets(%dma_start3A_169 : memref<128xi32, #tpu.memory_space<vmem>>) semaphore(%run_scoped3A_166 : memref<!tpu.dma_semaphore, #tpu.memory_space<semaphore_mem>>) {add = true}
          %dma_wait3A_173 = arith.constant 0 : i32
          %dma_wait3A_174 = tpu.memref_slice %arg7[%run_scoped3A_142, %dma_wait3A_173] : memref<8x128xi32, #tpu.memory_space<vmem>> -> memref<1x128xi32, #tpu.memory_space<vmem>>
          %dma_wait3A_175 = tpu.memref_squeeze %dma_wait3A_174 : memref<1x128xi32, #tpu.memory_space<vmem>> -> memref<128xi32, #tpu.memory_space<vmem>>
          %dma_wait3A_176 = arith.constant 0 : i32
          %dma_wait3A_177 = arith.constant 0 : i32
          %dma_wait3A_178 = tpu.memref_slice %arg10[%dma_wait3A_176, %dma_wait3A_177] : memref<10240x128xf32, #tpu.memory_space<vmem_shared>> -> memref<10240x128xf32, #tpu.memory_space<vmem_shared>>
          tpu.wait_indirect_dma semaphore(%run_scoped3A_166 : memref<!tpu.dma_semaphore, #tpu.memory_space<semaphore_mem>>) src(%arg9 : memref<128x128xf32, #tpu.memory_space<vmem>>) dst(%dma_wait3A_178 : memref<10240x128xf32, #tpu.memory_space<vmem_shared>>)
          tpu.yield
        }) : () -> ()
        %dma_wait3A_143 = arith.constant 6 : i32
        %dma_wait3A_144 = arith.constant 0 : i32
        %dma_wait3A_145 = tpu.memref_slice %arg6[%dma_wait3A_143, %dma_wait3A_144] : memref<8x128xi32, #tpu.memory_space<vmem>> -> memref<1x128xi32, #tpu.memory_space<vmem>>
        %dma_wait3A_146 = tpu.memref_squeeze %dma_wait3A_145 : memref<1x128xi32, #tpu.memory_space<vmem>> -> memref<128xi32, #tpu.memory_space<vmem>>
        %dma_wait3A_147 = arith.constant 0 : i32
        %dma_wait3A_148 = arith.constant 0 : i32
        %dma_wait3A_149 = tpu.memref_slice %arg2[%dma_wait3A_147, %dma_wait3A_148] : memref<10000x128xf32, #tpu.memory_space<hbm>> -> memref<10000x128xf32, #tpu.memory_space<hbm>>
        tpu.wait_indirect_dma semaphore(%arg11 : memref<!tpu.dma_semaphore, #tpu.memory_space<semaphore_mem>>) src(%dma_wait3A_149 : memref<10000x128xf32, #tpu.memory_space<hbm>>) dst(%arg8 : memref<128x128xf32, #tpu.memory_space<vmem>>)
        %dma_start3A_150 = arith.constant 7 : i32
        %dma_start3A_151 = arith.constant 0 : i32
        %dma_start3A_152 = tpu.memref_slice %arg6[%dma_start3A_150, %dma_start3A_151] : memref<8x128xi32, #tpu.memory_space<vmem>> -> memref<1x128xi32, #tpu.memory_space<vmem>>
        %dma_start3A_153 = tpu.memref_squeeze %dma_start3A_152 : memref<1x128xi32, #tpu.memory_space<vmem>> -> memref<128xi32, #tpu.memory_space<vmem>>
        %dma_start3A_154 = arith.constant 0 : i32
        %dma_start3A_155 = arith.constant 0 : i32
        %dma_start3A_156 = tpu.memref_slice %arg2[%dma_start3A_154, %dma_start3A_155] : memref<10000x128xf32, #tpu.memory_space<hbm>> -> memref<10000x128xf32, #tpu.memory_space<hbm>>
        tpu.enqueue_indirect_dma source(%dma_start3A_156 : memref<10000x128xf32, #tpu.memory_space<hbm>>) target(%arg9 : memref<128x128xf32, #tpu.memory_space<vmem>>) offsets(%dma_start3A_153 : memref<128xi32, #tpu.memory_space<vmem>>) semaphore(%arg12 : memref<!tpu.dma_semaphore, #tpu.memory_space<semaphore_mem>>)
        %run_scoped3A_157 = arith.constant 6 : i32
        "tpu.region"() ({
          %run_scoped3A_166 = tpu.sem_alloc : memref<!tpu.dma_semaphore, #tpu.memory_space<semaphore_mem>>
          %dma_start3A_167 = arith.constant 0 : i32
          %dma_start3A_168 = tpu.memref_slice %arg7[%run_scoped3A_157, %dma_start3A_167] : memref<8x128xi32, #tpu.memory_space<vmem>> -> memref<1x128xi32, #tpu.memory_space<vmem>>
          %dma_start3A_169 = tpu.memref_squeeze %dma_start3A_168 : memref<1x128xi32, #tpu.memory_space<vmem>> -> memref<128xi32, #tpu.memory_space<vmem>>
          %dma_start3A_170 = arith.constant 0 : i32
          %dma_start3A_171 = arith.constant 0 : i32
          %dma_start3A_172 = tpu.memref_slice %arg10[%dma_start3A_170, %dma_start3A_171] : memref<10240x128xf32, #tpu.memory_space<vmem_shared>> -> memref<10240x128xf32, #tpu.memory_space<vmem_shared>>
          tpu.enqueue_indirect_dma source(%arg8 : memref<128x128xf32, #tpu.memory_space<vmem>>) target(%dma_start3A_172 : memref<10240x128xf32, #tpu.memory_space<vmem_shared>>) offsets(%dma_start3A_169 : memref<128xi32, #tpu.memory_space<vmem>>) semaphore(%run_scoped3A_166 : memref<!tpu.dma_semaphore, #tpu.memory_space<semaphore_mem>>) {add = true}
          %dma_wait3A_173 = arith.constant 0 : i32
          %dma_wait3A_174 = tpu.memref_slice %arg7[%run_scoped3A_157, %dma_wait3A_173] : memref<8x128xi32, #tpu.memory_space<vmem>> -> memref<1x128xi32, #tpu.memory_space<vmem>>
          %dma_wait3A_175 = tpu.memref_squeeze %dma_wait3A_174 : memref<1x128xi32, #tpu.memory_space<vmem>> -> memref<128xi32, #tpu.memory_space<vmem>>
          %dma_wait3A_176 = arith.constant 0 : i32
          %dma_wait3A_177 = arith.constant 0 : i32
          %dma_wait3A_178 = tpu.memref_slice %arg10[%dma_wait3A_176, %dma_wait3A_177] : memref<10240x128xf32, #tpu.memory_space<vmem_shared>> -> memref<10240x128xf32, #tpu.memory_space<vmem_shared>>
          tpu.wait_indirect_dma semaphore(%run_scoped3A_166 : memref<!tpu.dma_semaphore, #tpu.memory_space<semaphore_mem>>) src(%arg8 : memref<128x128xf32, #tpu.memory_space<vmem>>) dst(%dma_wait3A_178 : memref<10240x128xf32, #tpu.memory_space<vmem_shared>>)
          tpu.yield
        }) : () -> ()
        %dma_wait3A_158 = arith.constant 7 : i32
        %dma_wait3A_159 = arith.constant 0 : i32
        %dma_wait3A_160 = tpu.memref_slice %arg6[%dma_wait3A_158, %dma_wait3A_159] : memref<8x128xi32, #tpu.memory_space<vmem>> -> memref<1x128xi32, #tpu.memory_space<vmem>>
        %dma_wait3A_161 = tpu.memref_squeeze %dma_wait3A_160 : memref<1x128xi32, #tpu.memory_space<vmem>> -> memref<128xi32, #tpu.memory_space<vmem>>
        %dma_wait3A_162 = arith.constant 0 : i32
        %dma_wait3A_163 = arith.constant 0 : i32
        %dma_wait3A_164 = tpu.memref_slice %arg2[%dma_wait3A_162, %dma_wait3A_163] : memref<10000x128xf32, #tpu.memory_space<hbm>> -> memref<10000x128xf32, #tpu.memory_space<hbm>>
        tpu.wait_indirect_dma semaphore(%arg12 : memref<!tpu.dma_semaphore, #tpu.memory_space<semaphore_mem>>) src(%dma_wait3A_164 : memref<10000x128xf32, #tpu.memory_space<hbm>>) dst(%arg9 : memref<128x128xf32, #tpu.memory_space<vmem>>)
        %run_scoped3A_165 = arith.constant 7 : i32
        "tpu.region"() ({
          %run_scoped3A_166 = tpu.sem_alloc : memref<!tpu.dma_semaphore, #tpu.memory_space<semaphore_mem>>
          %dma_start3A_167 = arith.constant 0 : i32
          %dma_start3A_168 = tpu.memref_slice %arg7[%run_scoped3A_165, %dma_start3A_167] : memref<8x128xi32, #tpu.memory_space<vmem>> -> memref<1x128xi32, #tpu.memory_space<vmem>>
          %dma_start3A_169 = tpu.memref_squeeze %dma_start3A_168 : memref<1x128xi32, #tpu.memory_space<vmem>> -> memref<128xi32, #tpu.memory_space<vmem>>
          %dma_start3A_170 = arith.constant 0 : i32
          %dma_start3A_171 = arith.constant 0 : i32
          %dma_start3A_172 = tpu.memref_slice %arg10[%dma_start3A_170, %dma_start3A_171] : memref<10240x128xf32, #tpu.memory_space<vmem_shared>> -> memref<10240x128xf32, #tpu.memory_space<vmem_shared>>
          tpu.enqueue_indirect_dma source(%arg9 : memref<128x128xf32, #tpu.memory_space<vmem>>) target(%dma_start3A_172 : memref<10240x128xf32, #tpu.memory_space<vmem_shared>>) offsets(%dma_start3A_169 : memref<128xi32, #tpu.memory_space<vmem>>) semaphore(%run_scoped3A_166 : memref<!tpu.dma_semaphore, #tpu.memory_space<semaphore_mem>>) {add = true}
          %dma_wait3A_173 = arith.constant 0 : i32
          %dma_wait3A_174 = tpu.memref_slice %arg7[%run_scoped3A_165, %dma_wait3A_173] : memref<8x128xi32, #tpu.memory_space<vmem>> -> memref<1x128xi32, #tpu.memory_space<vmem>>
          %dma_wait3A_175 = tpu.memref_squeeze %dma_wait3A_174 : memref<1x128xi32, #tpu.memory_space<vmem>> -> memref<128xi32, #tpu.memory_space<vmem>>
          %dma_wait3A_176 = arith.constant 0 : i32
          %dma_wait3A_177 = arith.constant 0 : i32
          %dma_wait3A_178 = tpu.memref_slice %arg10[%dma_wait3A_176, %dma_wait3A_177] : memref<10240x128xf32, #tpu.memory_space<vmem_shared>> -> memref<10240x128xf32, #tpu.memory_space<vmem_shared>>
          tpu.wait_indirect_dma semaphore(%run_scoped3A_166 : memref<!tpu.dma_semaphore, #tpu.memory_space<semaphore_mem>>) src(%arg9 : memref<128x128xf32, #tpu.memory_space<vmem>>) dst(%dma_wait3A_178 : memref<10240x128xf32, #tpu.memory_space<vmem_shared>>)
          tpu.yield
        }) : () -> ()
      }
      %scan3A_44 = arith.constant 2 : i32
    } else {
    }
    %barrier3A_31 = arith.constant 0 : index
    tpu.barrier barrier_id(%barrier3A_31)
    %mul3A_32 = arith.constant 640 : i32
    %mul3A_33 = arith.muli %arg1, %mul3A_32 : i32
    %mul3A_34 = arith.constant 640 : i32
    %mul3A_35 = arith.muli %arg1, %mul3A_34 : i32
    "tpu.region"() ({
      %run_scoped3A = tpu.sem_alloc : memref<!tpu.dma_semaphore, #tpu.memory_space<semaphore_mem>>
      %dma_start3A = arith.constant 0 : i32
      %dma_start3A_36 = tpu.memref_slice %arg5[%arg0, %mul3A_35, %dma_start3A] : memref<2x10240x128xf32, #tpu.memory_space<hbm>> -> memref<1x640x128xf32, #tpu.memory_space<hbm>>
      %dma_start3A_37 = tpu.memref_squeeze %dma_start3A_36 : memref<1x640x128xf32, #tpu.memory_space<hbm>> -> memref<640x128xf32, #tpu.memory_space<hbm>>
      %dma_start3A_38 = arith.constant 0 : i32
      %dma_start3A_39 = tpu.memref_slice %arg10[%mul3A_33, %dma_start3A_38] : memref<10240x128xf32, #tpu.memory_space<vmem_shared>> -> memref<640x128xf32, #tpu.memory_space<vmem_shared>>
      tpu.enqueue_dma source(%dma_start3A_39 : memref<640x128xf32, #tpu.memory_space<vmem_shared>>) target(%dma_start3A_37 : memref<640x128xf32, #tpu.memory_space<hbm>>) target_semaphore(%run_scoped3A : memref<!tpu.dma_semaphore, #tpu.memory_space<semaphore_mem>>)
      %dma_wait3A = arith.constant 0 : i32
      %dma_wait3A_40 = tpu.memref_slice %arg5[%arg0, %mul3A_35, %dma_wait3A] : memref<2x10240x128xf32, #tpu.memory_space<hbm>> -> memref<1x640x128xf32, #tpu.memory_space<hbm>>
      %dma_wait3A_41 = tpu.memref_squeeze %dma_wait3A_40 : memref<1x640x128xf32, #tpu.memory_space<hbm>> -> memref<640x128xf32, #tpu.memory_space<hbm>>
      %dma_wait3A_42 = arith.constant 0 : i32
      %dma_wait3A_43 = tpu.memref_slice %arg10[%mul3A_33, %dma_wait3A_42] : memref<10240x128xf32, #tpu.memory_space<vmem_shared>> -> memref<640x128xf32, #tpu.memory_space<vmem_shared>>
      tpu.wait_dma2 semaphore(%run_scoped3A : memref<!tpu.dma_semaphore, #tpu.memory_space<semaphore_mem>>) src(%dma_wait3A_43 : memref<640x128xf32, #tpu.memory_space<vmem_shared>>) dst(%dma_wait3A_41 : memref<640x128xf32, #tpu.memory_space<hbm>>)
      tpu.yield
    }) : () -> ()
    return
  }
}

module attributes {stable_mosaic.version = 14 : i64} {
  func.func @_stage_a_body(%arg0: memref<10000x128xf32, #tpu.memory_space<vmem>>, %arg1: memref<128x128xf32, #tpu.memory_space<vmem>>, %arg2: memref<2x10240x1xf32, #tpu.memory_space<vmem>>, %arg3: memref<10000x128xf32, #tpu.memory_space<vmem>>, %arg4: memref<10000x128xf32, #tpu.memory_space<vmem>>, %arg5: memref<10000x1xf32, #tpu.memory_space<vmem>>) attributes {dimension_semantics = [], scalar_prefetch = 0 : i64, scratch_operands = 0 : i64, tpu.core_type = #tpu.core_type<tc>} {
    %get3A = arith.constant 0 : index
    %get3A_0 = arith.constant 0 : index
    %get3A_1 = arith.constant 0 : index
    %get3A_2 = vector.load %arg2[%get3A, %get3A_0, %get3A_1] : memref<2x10240x1xf32, #tpu.memory_space<vmem>>, vector<1x10000x1xf32>
    %get3A_3 = vector.shape_cast %get3A_2 : vector<1x10000x1xf32> to vector<10000x1xf32>
    %get3A_4 = arith.constant 1 : index
    %get3A_5 = arith.constant 0 : index
    %get3A_6 = arith.constant 0 : index
    %get3A_7 = vector.load %arg2[%get3A_4, %get3A_5, %get3A_6] : memref<2x10240x1xf32, #tpu.memory_space<vmem>>, vector<1x10000x1xf32>
    %get3A_8 = vector.shape_cast %get3A_7 : vector<1x10000x1xf32> to vector<10000x1xf32>
    %add3A = arith.addf %get3A_3, %get3A_8 : vector<10000x1xf32>
    %add3A_9 = arith.constant 1.000000e+00 : f32
    %add3A_10 = vector.broadcast %add3A_9 : f32 to vector<10000x1xf32>
    %add3A_11 = arith.addf %add3A, %add3A_10 : vector<10000x1xf32>
    %rsqrt3A = math.rsqrt %add3A_11 : vector<10000x1xf32>
    %get3A_12 = arith.constant 0 : index
    %get3A_13 = arith.constant 0 : index
    %get3A_14 = vector.load %arg0[%get3A_12, %get3A_13] : memref<10000x128xf32, #tpu.memory_space<vmem>>, vector<10000x128xf32>
    %get3A_15 = arith.constant 0 : index
    %get3A_16 = arith.constant 0 : index
    %get3A_17 = vector.load %arg1[%get3A_15, %get3A_16] : memref<128x128xf32, #tpu.memory_space<vmem>>, vector<128x128xf32>
    %dot_general3A = arith.constant dense<0.000000e+00> : vector<10000x128xf32>
    %dot_general3A_18 = tpu.matmul %get3A_14, %get3A_17, %dot_general3A {dimension_numbers = #tpu.dot_dimension_numbers<[1], [0], [0], [1], [0, 0, 1, 1], [], []>, transpose_lhs_hint = false} : vector<10000x128xf32>, vector<128x128xf32>, vector<10000x128xf32> -> vector<10000x128xf32>
    %swap3A = arith.constant 0 : index
    %swap3A_19 = arith.constant 0 : index
    %swap3A_20 = vector.load %arg3[%swap3A, %swap3A_19] : memref<10000x128xf32, #tpu.memory_space<vmem>>, vector<10000x128xf32>
    tpu.vector_store %arg3[%swap3A, %swap3A_19], %dot_general3A_18 {strides = array<i32>} : memref<10000x128xf32, #tpu.memory_space<vmem>>, vector<10000x128xf32>,
    %mul3A = vector.broadcast %rsqrt3A : vector<10000x1xf32> to vector<10000x128xf32>
    %mul3A_21 = arith.mulf %dot_general3A_18, %mul3A : vector<10000x128xf32>
    %swap3A_22 = arith.constant 0 : index
    %swap3A_23 = arith.constant 0 : index
    %swap3A_24 = vector.load %arg4[%swap3A_22, %swap3A_23] : memref<10000x128xf32, #tpu.memory_space<vmem>>, vector<10000x128xf32>
    tpu.vector_store %arg4[%swap3A_22, %swap3A_23], %mul3A_21 {strides = array<i32>} : memref<10000x128xf32, #tpu.memory_space<vmem>>, vector<10000x128xf32>,
    %swap3A_25 = arith.constant 0 : index
    %swap3A_26 = arith.constant 0 : index
    %swap3A_27 = vector.load %arg5[%swap3A_25, %swap3A_26] : memref<10000x1xf32, #tpu.memory_space<vmem>>, vector<10000x1xf32>
    tpu.vector_store %arg5[%swap3A_25, %swap3A_26], %rsqrt3A {strides = array<i32>} : memref<10000x1xf32, #tpu.memory_space<vmem>>, vector<10000x1xf32>,
    return
  }
}

module attributes {stable_mosaic.version = 14 : i64} {
  func.func @_stage_b_body(%arg0: memref<2x10240x128xf32, #tpu.memory_space<vmem>>, %arg1: memref<10000x128xf32, #tpu.memory_space<vmem>>, %arg2: memref<10000x1xf32, #tpu.memory_space<vmem>>, %arg3: memref<1x128xf32, #tpu.memory_space<vmem>>, %arg4: memref<1x128xf32, #tpu.memory_space<vmem>>, %arg5: memref<1x128xf32, #tpu.memory_space<vmem>>, %arg6: memref<128x128xf32, #tpu.memory_space<vmem>>, %arg7: memref<10000x128xf32, #tpu.memory_space<vmem>>, %arg8: memref<10000x128xf32, #tpu.memory_space<vmem>>) attributes {dimension_semantics = [], scalar_prefetch = 0 : i64, scratch_operands = 0 : i64, tpu.core_type = #tpu.core_type<tc>} {
    %get3A = arith.constant 0 : index
    %get3A_0 = arith.constant 0 : index
    %get3A_1 = vector.load %arg2[%get3A, %get3A_0] : memref<10000x1xf32, #tpu.memory_space<vmem>>, vector<10000x1xf32>
    %get3A_2 = arith.constant 0 : index
    %get3A_3 = arith.constant 0 : index
    %get3A_4 = arith.constant 0 : index
    %get3A_5 = vector.load %arg0[%get3A_2, %get3A_3, %get3A_4] : memref<2x10240x128xf32, #tpu.memory_space<vmem>>, vector<1x10000x128xf32>
    %get3A_6 = vector.shape_cast %get3A_5 : vector<1x10000x128xf32> to vector<10000x128xf32>
    %get3A_7 = arith.constant 1 : index
    %get3A_8 = arith.constant 0 : index
    %get3A_9 = arith.constant 0 : index
    %get3A_10 = vector.load %arg0[%get3A_7, %get3A_8, %get3A_9] : memref<2x10240x128xf32, #tpu.memory_space<vmem>>, vector<1x10000x128xf32>
    %get3A_11 = vector.shape_cast %get3A_10 : vector<1x10000x128xf32> to vector<10000x128xf32>
    %add3A = arith.addf %get3A_6, %get3A_11 : vector<10000x128xf32>
    %mul3A = vector.broadcast %get3A_1 : vector<10000x1xf32> to vector<10000x128xf32>
    %mul3A_12 = arith.mulf %mul3A, %add3A : vector<10000x128xf32>
    %mul3A_13 = arith.mulf %get3A_1, %get3A_1 : vector<10000x1xf32>
    %get3A_14 = arith.constant 0 : index
    %get3A_15 = arith.constant 0 : index
    %get3A_16 = vector.load %arg1[%get3A_14, %get3A_15] : memref<10000x128xf32, #tpu.memory_space<vmem>>, vector<10000x128xf32>
    %mul3A_17 = vector.broadcast %mul3A_13 : vector<10000x1xf32> to vector<10000x128xf32>
    %mul3A_18 = arith.mulf %mul3A_17, %get3A_16 : vector<10000x128xf32>
    %add3A_19 = arith.addf %mul3A_12, %mul3A_18 : vector<10000x128xf32>
    %get3A_20 = arith.constant 0 : index
    %get3A_21 = arith.constant 0 : index
    %get3A_22 = vector.load %arg3[%get3A_20, %get3A_21] : memref<1x128xf32, #tpu.memory_space<vmem>>, vector<1x128xf32>
    %add3A_23 = vector.broadcast %get3A_22 : vector<1x128xf32> to vector<10000x128xf32>
    %add3A_24 = arith.addf %add3A_19, %add3A_23 : vector<10000x128xf32>
    %reduce_sum3A = arith.constant dense<0.000000e+00> : vector<128xf32>
    %reduce_sum3A_25 = vector.multi_reduction <add>, %add3A_24, %reduce_sum3A [0] : vector<10000x128xf32> to vector<128xf32>
    %broadcast_in_dim3A = vector.shape_cast %reduce_sum3A_25 : vector<128xf32> to vector<1x128xf32>
    %div3A = arith.constant 1.000000e+04 : f32
    %div3A_26 = vector.broadcast %div3A : f32 to vector<1x128xf32>
    %div3A_27 = arith.divf %broadcast_in_dim3A, %div3A_26 : vector<1x128xf32>
    %sub3A = vector.broadcast %div3A_27 : vector<1x128xf32> to vector<10000x128xf32>
    %sub3A_28 = arith.subf %add3A_24, %sub3A : vector<10000x128xf32>
    %integer_pow3A = arith.mulf %sub3A_28, %sub3A_28 : vector<10000x128xf32>
    %reduce_sum3A_29 = arith.constant dense<0.000000e+00> : vector<128xf32>
    %reduce_sum3A_30 = vector.multi_reduction <add>, %integer_pow3A, %reduce_sum3A_29 [0] : vector<10000x128xf32> to vector<128xf32>
    %broadcast_in_dim3A_31 = vector.shape_cast %reduce_sum3A_30 : vector<128xf32> to vector<1x128xf32>
    %div3A_32 = arith.constant 1.000000e+04 : f32
    %div3A_33 = vector.broadcast %div3A_32 : f32 to vector<1x128xf32>
    %div3A_34 = arith.divf %broadcast_in_dim3A_31, %div3A_33 : vector<1x128xf32>
    %sub3A_35 = vector.broadcast %div3A_27 : vector<1x128xf32> to vector<10000x128xf32>
    %sub3A_36 = arith.subf %add3A_24, %sub3A_35 : vector<10000x128xf32>
    %add3A_37 = arith.constant 9.99999974E-6 : f32
    %add3A_38 = vector.broadcast %add3A_37 : f32 to vector<1x128xf32>
    %add3A_39 = arith.addf %div3A_34, %add3A_38 : vector<1x128xf32>
    %rsqrt3A = math.rsqrt %add3A_39 : vector<1x128xf32>
    %mul3A_40 = vector.broadcast %rsqrt3A : vector<1x128xf32> to vector<10000x128xf32>
    %mul3A_41 = arith.mulf %sub3A_36, %mul3A_40 : vector<10000x128xf32>
    %get3A_42 = arith.constant 0 : index
    %get3A_43 = arith.constant 0 : index
    %get3A_44 = vector.load %arg4[%get3A_42, %get3A_43] : memref<1x128xf32, #tpu.memory_space<vmem>>, vector<1x128xf32>
    %mul3A_45 = vector.broadcast %get3A_44 : vector<1x128xf32> to vector<10000x128xf32>
    %mul3A_46 = arith.mulf %mul3A_41, %mul3A_45 : vector<10000x128xf32>
    %get3A_47 = arith.constant 0 : index
    %get3A_48 = arith.constant 0 : index
    %get3A_49 = vector.load %arg5[%get3A_47, %get3A_48] : memref<1x128xf32, #tpu.memory_space<vmem>>, vector<1x128xf32>
    %add3A_50 = vector.broadcast %get3A_49 : vector<1x128xf32> to vector<10000x128xf32>
    %add3A_51 = arith.addf %mul3A_46, %add3A_50 : vector<10000x128xf32>
    %max3A = arith.constant 0.000000e+00 : f32
    %max3A_52 = vector.broadcast %max3A : f32 to vector<10000x128xf32>
    %max3A_53 = arith.maximumf %add3A_51, %max3A_52 : vector<10000x128xf32>
    %get3A_54 = arith.constant 0 : index
    %get3A_55 = arith.constant 0 : index
    %get3A_56 = vector.load %arg6[%get3A_54, %get3A_55] : memref<128x128xf32, #tpu.memory_space<vmem>>, vector<128x128xf32>
    %dot_general3A = arith.constant dense<0.000000e+00> : vector<10000x128xf32>
    %dot_general3A_57 = tpu.matmul %max3A_53, %get3A_56, %dot_general3A {dimension_numbers = #tpu.dot_dimension_numbers<[1], [0], [0], [1], [0, 0, 1, 1], [], []>, transpose_lhs_hint = false} : vector<10000x128xf32>, vector<128x128xf32>, vector<10000x128xf32> -> vector<10000x128xf32>
    %swap3A = arith.constant 0 : index
    %swap3A_58 = arith.constant 0 : index
    %swap3A_59 = vector.load %arg7[%swap3A, %swap3A_58] : memref<10000x128xf32, #tpu.memory_space<vmem>>, vector<10000x128xf32>
    tpu.vector_store %arg7[%swap3A, %swap3A_58], %dot_general3A_57 {strides = array<i32>} : memref<10000x128xf32, #tpu.memory_space<vmem>>, vector<10000x128xf32>,
    %mul3A_60 = vector.broadcast %get3A_1 : vector<10000x1xf32> to vector<10000x128xf32>
    %mul3A_61 = arith.mulf %dot_general3A_57, %mul3A_60 : vector<10000x128xf32>
    %swap3A_62 = arith.constant 0 : index
    %swap3A_63 = arith.constant 0 : index
    %swap3A_64 = vector.load %arg8[%swap3A_62, %swap3A_63] : memref<10000x128xf32, #tpu.memory_space<vmem>>, vector<10000x128xf32>
    tpu.vector_store %arg8[%swap3A_62, %swap3A_63], %mul3A_61 {strides = array<i32>} : memref<10000x128xf32, #tpu.memory_space<vmem>>, vector<10000x128xf32>,
    return
  }
}

module attributes {stable_mosaic.version = 14 : i64} {
  func.func @_stage_c_body(%arg0: memref<2x10240x128xf32, #tpu.memory_space<vmem>>, %arg1: memref<10000x128xf32, #tpu.memory_space<vmem>>, %arg2: memref<10000x1xf32, #tpu.memory_space<vmem>>, %arg3: memref<1x128xf32, #tpu.memory_space<vmem>>, %arg4: memref<1x128xf32, #tpu.memory_space<vmem>>, %arg5: memref<1x128xf32, #tpu.memory_space<vmem>>, %arg6: memref<1x10000xi32, #tpu.memory_space<vmem>>, %arg7: memref<128x128xf32, #tpu.memory_space<vmem>>, %arg8: memref<1x128xf32, #tpu.memory_space<vmem>>, %arg9: memref<128x16xf32, #tpu.memory_space<vmem>>, %arg10: memref<1x16xf32, #tpu.memory_space<vmem>>, %arg11: memref<16x16xf32, #tpu.memory_space<vmem>>) attributes {dimension_semantics = [], scalar_prefetch = 0 : i64, scratch_operands = 0 : i64, tpu.core_type = #tpu.core_type<tc>} {
    %get3A = arith.constant 0 : index
    %get3A_0 = arith.constant 0 : index
    %get3A_1 = vector.load %arg2[%get3A, %get3A_0] : memref<10000x1xf32, #tpu.memory_space<vmem>>, vector<10000x1xf32>
    %get3A_2 = arith.constant 0 : index
    %get3A_3 = arith.constant 0 : index
    %get3A_4 = arith.constant 0 : index
    %get3A_5 = vector.load %arg0[%get3A_2, %get3A_3, %get3A_4] : memref<2x10240x128xf32, #tpu.memory_space<vmem>>, vector<1x10000x128xf32>
    %get3A_6 = vector.shape_cast %get3A_5 : vector<1x10000x128xf32> to vector<10000x128xf32>
    %get3A_7 = arith.constant 1 : index
    %get3A_8 = arith.constant 0 : index
    %get3A_9 = arith.constant 0 : index
    %get3A_10 = vector.load %arg0[%get3A_7, %get3A_8, %get3A_9] : memref<2x10240x128xf32, #tpu.memory_space<vmem>>, vector<1x10000x128xf32>
    %get3A_11 = vector.shape_cast %get3A_10 : vector<1x10000x128xf32> to vector<10000x128xf32>
    %add3A = arith.addf %get3A_6, %get3A_11 : vector<10000x128xf32>
    %mul3A = vector.broadcast %get3A_1 : vector<10000x1xf32> to vector<10000x128xf32>
    %mul3A_12 = arith.mulf %mul3A, %add3A : vector<10000x128xf32>
    %mul3A_13 = arith.mulf %get3A_1, %get3A_1 : vector<10000x1xf32>
    %get3A_14 = arith.constant 0 : index
    %get3A_15 = arith.constant 0 : index
    %get3A_16 = vector.load %arg1[%get3A_14, %get3A_15] : memref<10000x128xf32, #tpu.memory_space<vmem>>, vector<10000x128xf32>
    %mul3A_17 = vector.broadcast %mul3A_13 : vector<10000x1xf32> to vector<10000x128xf32>
    %mul3A_18 = arith.mulf %mul3A_17, %get3A_16 : vector<10000x128xf32>
    %add3A_19 = arith.addf %mul3A_12, %mul3A_18 : vector<10000x128xf32>
    %get3A_20 = arith.constant 0 : index
    %get3A_21 = arith.constant 0 : index
    %get3A_22 = vector.load %arg3[%get3A_20, %get3A_21] : memref<1x128xf32, #tpu.memory_space<vmem>>, vector<1x128xf32>
    %add3A_23 = vector.broadcast %get3A_22 : vector<1x128xf32> to vector<10000x128xf32>
    %add3A_24 = arith.addf %add3A_19, %add3A_23 : vector<10000x128xf32>
    %reduce_sum3A = arith.constant dense<0.000000e+00> : vector<128xf32>
    %reduce_sum3A_25 = vector.multi_reduction <add>, %add3A_24, %reduce_sum3A [0] : vector<10000x128xf32> to vector<128xf32>
    %broadcast_in_dim3A = vector.shape_cast %reduce_sum3A_25 : vector<128xf32> to vector<1x128xf32>
    %div3A = arith.constant 1.000000e+04 : f32
    %div3A_26 = vector.broadcast %div3A : f32 to vector<1x128xf32>
    %div3A_27 = arith.divf %broadcast_in_dim3A, %div3A_26 : vector<1x128xf32>
    %sub3A = vector.broadcast %div3A_27 : vector<1x128xf32> to vector<10000x128xf32>
    %sub3A_28 = arith.subf %add3A_24, %sub3A : vector<10000x128xf32>
    %integer_pow3A = arith.mulf %sub3A_28, %sub3A_28 : vector<10000x128xf32>
    %reduce_sum3A_29 = arith.constant dense<0.000000e+00> : vector<128xf32>
    %reduce_sum3A_30 = vector.multi_reduction <add>, %integer_pow3A, %reduce_sum3A_29 [0] : vector<10000x128xf32> to vector<128xf32>
    %broadcast_in_dim3A_31 = vector.shape_cast %reduce_sum3A_30 : vector<128xf32> to vector<1x128xf32>
    %div3A_32 = arith.constant 1.000000e+04 : f32
    %div3A_33 = vector.broadcast %div3A_32 : f32 to vector<1x128xf32>
    %div3A_34 = arith.divf %broadcast_in_dim3A_31, %div3A_33 : vector<1x128xf32>
    %sub3A_35 = vector.broadcast %div3A_27 : vector<1x128xf32> to vector<10000x128xf32>
    %sub3A_36 = arith.subf %add3A_24, %sub3A_35 : vector<10000x128xf32>
    %add3A_37 = arith.constant 9.99999974E-6 : f32
    %add3A_38 = vector.broadcast %add3A_37 : f32 to vector<1x128xf32>
    %add3A_39 = arith.addf %div3A_34, %add3A_38 : vector<1x128xf32>
    %rsqrt3A = math.rsqrt %add3A_39 : vector<1x128xf32>
    %mul3A_40 = vector.broadcast %rsqrt3A : vector<1x128xf32> to vector<10000x128xf32>
    %mul3A_41 = arith.mulf %sub3A_36, %mul3A_40 : vector<10000x128xf32>
    %get3A_42 = arith.constant 0 : index
    %get3A_43 = arith.constant 0 : index
    %get3A_44 = vector.load %arg4[%get3A_42, %get3A_43] : memref<1x128xf32, #tpu.memory_space<vmem>>, vector<1x128xf32>
    %mul3A_45 = vector.broadcast %get3A_44 : vector<1x128xf32> to vector<10000x128xf32>
    %mul3A_46 = arith.mulf %mul3A_41, %mul3A_45 : vector<10000x128xf32>
    %get3A_47 = arith.constant 0 : index
    %get3A_48 = arith.constant 0 : index
    %get3A_49 = vector.load %arg5[%get3A_47, %get3A_48] : memref<1x128xf32, #tpu.memory_space<vmem>>, vector<1x128xf32>
    %add3A_50 = vector.broadcast %get3A_49 : vector<1x128xf32> to vector<10000x128xf32>
    %add3A_51 = arith.addf %mul3A_46, %add3A_50 : vector<10000x128xf32>
    %max3A = arith.constant 0.000000e+00 : f32
    %max3A_52 = vector.broadcast %max3A : f32 to vector<10000x128xf32>
    %max3A_53 = arith.maximumf %add3A_51, %max3A_52 : vector<10000x128xf32>
    %iota3A = tpu.iota {dimensions = array<i32: 0>} : vector<16x10000xi32>
    %get3A_54 = arith.constant 0 : index
    %get3A_55 = arith.constant 0 : index
    %get3A_56 = vector.load %arg6[%get3A_54, %get3A_55] : memref<1x10000xi32, #tpu.memory_space<vmem>>, vector<1x10000xi32>
    %eq3A = vector.broadcast %get3A_56 : vector<1x10000xi32> to vector<16x10000xi32>
    %eq3A_57 = arith.cmpi eq, %iota3A, %eq3A : vector<16x10000xi32>
    %convert_element_type3A = arith.extui %eq3A_57 : vector<16x10000xi1> to vector<16x10000xi32>
    %convert_element_type3A_58 = arith.sitofp %convert_element_type3A : vector<16x10000xi32> to vector<16x10000xf32>
    %dot_general3A = arith.constant dense<0.000000e+00> : vector<16x128xf32>
    %dot_general3A_59 = tpu.matmul %convert_element_type3A_58, %max3A_53, %dot_general3A {dimension_numbers = #tpu.dot_dimension_numbers<[1], [0], [0], [1], [0, 0, 1, 1], [], []>, transpose_lhs_hint = false} : vector<16x10000xf32>, vector<10000x128xf32>, vector<16x128xf32> -> vector<16x128xf32>
    %reduce_sum3A_60 = arith.constant dense<0.000000e+00> : vector<16xf32>
    %reduce_sum3A_61 = vector.multi_reduction <add>, %convert_element_type3A_58, %reduce_sum3A_60 [1] : vector<16x10000xf32> to vector<16xf32>
    %broadcast_in_dim3A_62 = vector.shape_cast %reduce_sum3A_61 : vector<16xf32> to vector<16x1xf32>
    %max3A_63 = arith.constant 1.000000e+00 : f32
    %max3A_64 = vector.broadcast %max3A_63 : f32 to vector<16x1xf32>
    %max3A_65 = arith.maximumf %broadcast_in_dim3A_62, %max3A_64 : vector<16x1xf32>
    %div3A_66 = vector.broadcast %max3A_65 : vector<16x1xf32> to vector<16x128xf32>
    %div3A_67 = arith.divf %dot_general3A_59, %div3A_66 : vector<16x128xf32>
    %get3A_68 = arith.constant 0 : index
    %get3A_69 = arith.constant 0 : index
    %get3A_70 = vector.load %arg7[%get3A_68, %get3A_69] : memref<128x128xf32, #tpu.memory_space<vmem>>, vector<128x128xf32>
    %dot_general3A_71 = arith.constant dense<0.000000e+00> : vector<16x128xf32>
    %dot_general3A_72 = tpu.matmul %div3A_67, %get3A_70, %dot_general3A_71 {dimension_numbers = #tpu.dot_dimension_numbers<[1], [0], [0], [1], [0, 0, 1, 1], [], []>, transpose_lhs_hint = false} : vector<16x128xf32>, vector<128x128xf32>, vector<16x128xf32> -> vector<16x128xf32>
    %get3A_73 = arith.constant 0 : index
    %get3A_74 = arith.constant 0 : index
    %get3A_75 = vector.load %arg8[%get3A_73, %get3A_74] : memref<1x128xf32, #tpu.memory_space<vmem>>, vector<1x128xf32>
    %add3A_76 = vector.broadcast %get3A_75 : vector<1x128xf32> to vector<16x128xf32>
    %add3A_77 = arith.addf %dot_general3A_72, %add3A_76 : vector<16x128xf32>
    %max3A_78 = arith.constant 0.000000e+00 : f32
    %max3A_79 = vector.broadcast %max3A_78 : f32 to vector<16x128xf32>
    %max3A_80 = arith.maximumf %add3A_77, %max3A_79 : vector<16x128xf32>
    %get3A_81 = arith.constant 0 : index
    %get3A_82 = arith.constant 0 : index
    %get3A_83 = vector.load %arg9[%get3A_81, %get3A_82] : memref<128x16xf32, #tpu.memory_space<vmem>>, vector<128x16xf32>
    %dot_general3A_84 = arith.constant dense<0.000000e+00> : vector<16x16xf32>
    %dot_general3A_85 = tpu.matmul %max3A_80, %get3A_83, %dot_general3A_84 {dimension_numbers = #tpu.dot_dimension_numbers<[1], [0], [0], [1], [0, 0, 1, 1], [], []>, transpose_lhs_hint = false} : vector<16x128xf32>, vector<128x16xf32>, vector<16x16xf32> -> vector<16x16xf32>
    %get3A_86 = arith.constant 0 : index
    %get3A_87 = arith.constant 0 : index
    %get3A_88 = vector.load %arg10[%get3A_86, %get3A_87] : memref<1x16xf32, #tpu.memory_space<vmem>>, vector<1x16xf32>
    %add3A_89 = vector.broadcast %get3A_88 : vector<1x16xf32> to vector<16x16xf32>
    %add3A_90 = arith.addf %dot_general3A_85, %add3A_89 : vector<16x16xf32>
    %reduce_max3A = arith.constant dense<0xFF800000> : vector<16xf32>
    %reduce_max3A_91 = vector.multi_reduction <maximumf>, %add3A_90, %reduce_max3A [1] : vector<16x16xf32> to vector<16xf32>
    %broadcast_in_dim3A_92 = vector.shape_cast %reduce_max3A_91 : vector<16xf32> to vector<16x1xf32>
    %sub3A_93 = vector.broadcast %broadcast_in_dim3A_92 : vector<16x1xf32> to vector<16x16xf32>
    %sub3A_94 = arith.subf %add3A_90, %sub3A_93 : vector<16x16xf32>
    %exp3A = math.exp %sub3A_94 : vector<16x16xf32>
    %reduce_sum3A_95 = arith.constant dense<0.000000e+00> : vector<16xf32>
    %reduce_sum3A_96 = vector.multi_reduction <add>, %exp3A, %reduce_sum3A_95 [1] : vector<16x16xf32> to vector<16xf32>
    %broadcast_in_dim3A_97 = vector.shape_cast %reduce_sum3A_96 : vector<16xf32> to vector<16x1xf32>
    %div3A_98 = vector.broadcast %broadcast_in_dim3A_97 : vector<16x1xf32> to vector<16x16xf32>
    %div3A_99 = arith.divf %exp3A, %div3A_98 : vector<16x16xf32>
    %swap3A = arith.constant 0 : index
    %swap3A_100 = arith.constant 0 : index
    %swap3A_101 = vector.load %arg11[%swap3A, %swap3A_100] : memref<16x16xf32, #tpu.memory_space<vmem>>, vector<16x16xf32>
    tpu.vector_store %arg11[%swap3A, %swap3A_100], %div3A_99 {strides = array<i32>} : memref<16x16xf32, #tpu.memory_space<vmem>>, vector<16x16xf32>,
    return
  }
}

</mosaic_0001>

<sc_bundles>
// kernel: kernel.11.cloned.1.call-start
scs
__scs_entry_jumppad:
0x0: {  	(pc) =	sbr.rel $0x88, $3  }
0x1: {  	(tag) =	ssettag $0x0;
	lr =	simm.s32 $0x1  }
0x2: {  	[smem:$0x3F92] =	sst lr;
	_ =	strace $0xD0000000  }
0x3: {  	_ = 	snop  }
0x4: {  	_ = 	snop  }
0x5: {  	_ = 	snop  }
0x6: {  	_ = 	snop  }
0x7: {  	_ = 	snop  }
__scs_overlays_trampoline_lowered:
0x8: {  	[smem:$0x3FA1] =	sst s0  }
0x9: {  	[smem:$0x3FA2] =	sst s1  }
0xa: {  	[smem:$0x3FA3] =	sst s2  }
0xb: {  	[smem:$0x3FA4] =	sst s3  }
0xc: {  	[smem:$0x3FA5] =	sst s4  }
0xd: {  	[smem:$0x3FA6] =	sst s5  }
0xe: {  	[smem:$0x3FA7] =	sst s6  }
0xf: {  	[smem:$0x3FA8] =	sst s7  }
0x10: {  	[smem:$0x3FA9] =	sst s8  }
0x11: {  	[smem:$0x3FAA] =	sst s9;
	s0 =	simm.s32 @!p0 $0x0  }
0x12: {  	s1 =	sld [smem:$0x3F90];
	s0 =	simm.s32 @p0 $0x1  }
0x13: {  	[smem:$0x3FAB] =	sst s0;
	s0 =	simm.s32 @!p1 $0x0  }
0x14: {  	s2 =	sld [smem:$0x3F8F];
	s0 =	simm.s32 @p1 $0x1  }
0x15: {  	[smem:$0x3FAC] =	sst s0;
	s0 =	simm.s32 @!p2 $0x0  }
0x16: {  	s3 =	sld [smem:$0x3FDB];
	s0 =	simm.s32 @p2 $0x1  }
0x17: {  	s4 =	simm.s32 $0x1BF5;
	[smem:$0x3FAE] =	sst s0  }
0x18: {  	s0 =	sld [smem:$0x3F91];
	_ =	swait.ge [sflag:s4], $0x0  }
0x19: {  	s7 =	sld [smem:$0x3F92]  }
0x1a: {  	s8 =	sadd.s32 $0xFFFFE003, lr  }
0x1b: {  	s9 =	sadd.s32 $0xFFFFFEF7, lr;
	s5 =	simm.s32 $0xFFFFFFFF;
	p2 =	slt.u32 s8, $0xFFFFF086  }
0x1c: {  	p1 =	slt.u32 s9, $0xF7A;
	s5 =	simm.s32 @!p2 $0x0  }
0x1d: {  	s5 =	simm.s32 @p1 $0x1;
	p0 =	seq.s32 s7, s2  }
0x1e: {  	s7 =	smul.u32 @!p0 $0xF7A, s2;
	p2 =	seq.s32 @!p0 s5, $0x0  }
0x1f: {  	s9 =	smul.u32 $0xF7A, s1;
	s8 =	simm.s32 @!p0 $0x1BF5;
	p2 =	por !p2, p0  }
0x20: {  	[sflag:s8] =	ssyncset.s32 @!p0 $0xFFFFF086;
	s6 =	sadd.s32 @!p0 s3, s7;
	s7 =	simm.s32 @!p0 $0x108  }
0x21: {  	s3 =	sadd.s32 s3, s9;
	s6 =	sadd.s32 @!p0 $0x88, s6;
	s7 =	simm.s32 @p2 $0x1082  }
0x22: {  	[simem:s7], [sflag:s8] =	dma.local @!p0 [hbm:s6], $0xF7A  }
0x23: {  	s9 =	sor.u32 $0xD0000000, s2;
	s6 =	simm.s32 $0x108;
	_ =	swait.ge @!p0 [sflag:s8], $0x0  }
0x24: {  	s3 =	sadd.s32 $0x88, s3;
	s6 =	simm.s32 @!p1 $0x1082;
	[sflag:s4] =	ssyncset.s32 $0xFFFFF086  }
0x25: {  	[simem:s6], [sflag:s4] =	dma.local [hbm:s3], $0xF7A  }
0x26: {  	[smem:$0x3F92] =	sst s1;
	(tag) =	ssettag s2;
	_ =	strace s9  }
0x27: {  	s1 =	sld [smem:$0x3FA2]  }
0x28: {  	s2 =	sld [smem:$0x3FA3]  }
0x29: {  	s4 =	sld [smem:$0x3FA5]  }
0x2a: {  	p0 =	seq.s32 s5, $0x0;
	s5 =	sld [smem:$0x3FA6]  }
0x2b: {  	s6 =	sld [smem:$0x3FA7]  }
0x2c: {  	s7 =	sld [smem:$0x3FA8]  }
0x2d: {  	s3 =	simm.s32 $0x108;
	s8 =	sld [smem:$0x3FA9]  }
0x2e: {  	s3 =	simm.s32 @!p0 $0x1082;
	s9 =	sld [smem:$0x3FAA]  }
0x2f: {  	lr =	sadd.s32 s0, s3;
	s0 =	sld [smem:$0x3FA1]  }
0x30: {  	s3 =	sld [smem:$0x3FA4]  }
0x31: {  	[smem:$0x3FAD] =	sst s10  }
0x32: {  	s10 =	sld [smem:$0x3FAB];
	_ =	sdelay $0x3  }
0x33: {  	p0 =	seq.s32 s10, $0x1;
	s10 =	sld [smem:$0x3FAD];
	_ =	sdelay $0x3  }
0x34: {  	[smem:$0x3FAD] =	sst s10  }
0x35: {  	s10 =	sld [smem:$0x3FAC];
	_ =	sdelay $0x3  }
0x36: {  	p1 =	seq.s32 s10, $0x1;
	s10 =	sld [smem:$0x3FAD];
	_ =	sdelay $0x3  }
0x37: {  	[smem:$0x3FAD] =	sst s10  }
0x38: {  	s10 =	sld [smem:$0x3FAE]  }
0x39: {  	_ = 	snop;
	(pc) =	sbr.ind lr, $3  }
0x3a: {  	_ = 	snop  }
0x3b: {  	_ = 	snop  }
0x3c: {  	p2 =	seq.s32 s10, $0x1;
	s10 =	sld [smem:$0x3FAD]  }
0x3d: {  	_ =	shalt  }
0x3e: {  	_ =	shalt  }
0x3f: {  	_ =	shalt  }
0x40: {  	_ =	shalt  }
0x41: {  	_ =	shalt  }
0x42: {  	_ =	shalt  }
0x43: {  	_ =	shalt  }
0x44: {  	_ =	shalt  }
0x45: {  	_ =	shalt  }
0x46: {  	_ =	shalt  }
0x47: {  	_ =	shalt  }
0x48: {  	_ =	shalt  }
0x49: {  	_ =	shalt  }
0x4a: {  	_ =	shalt  }
0x4b: {  	_ =	shalt  }
0x4c: {  	_ =	shalt  }
0x4d: {  	_ =	shalt  }
0x4e: {  	_ =	shalt  }
0x4f: {  	_ =	shalt  }
0x50: {  	_ =	shalt  }
0x51: {  	_ =	shalt  }
0x52: {  	_ =	shalt  }
0x53: {  	_ =	shalt  }
0x54: {  	_ =	shalt  }
0x55: {  	_ =	shalt  }
0x56: {  	_ =	shalt  }
0x57: {  	_ =	shalt  }
0x58: {  	_ =	shalt  }
0x59: {  	_ =	shalt  }
0x5a: {  	_ =	shalt  }
0x5b: {  	_ =	shalt  }
0x5c: {  	_ =	shalt  }
0x5d: {  	_ =	shalt  }
0x5e: {  	_ =	shalt  }
0x5f: {  	_ =	shalt  }
0x60: {  	_ =	shalt  }
0x61: {  	_ =	shalt  }
0x62: {  	_ =	shalt  }
0x63: {  	_ =	shalt  }
0x64: {  	_ =	shalt  }
0x65: {  	_ =	shalt  }
0x66: {  	_ =	shalt  }
0x67: {  	_ =	shalt  }
0x68: {  	_ =	shalt  }
0x69: {  	_ =	shalt  }
0x6a: {  	_ =	shalt  }
0x6b: {  	_ =	shalt  }
0x6c: {  	_ =	shalt  }
0x6d: {  	_ =	shalt  }
0x6e: {  	_ =	shalt  }
0x6f: {  	_ =	shalt  }
0x70: {  	_ =	shalt  }
0x71: {  	_ =	shalt  }
0x72: {  	_ =	shalt  }
0x73: {  	_ =	shalt  }
0x74: {  	_ =	shalt  }
0x75: {  	_ =	shalt  }
0x76: {  	_ =	shalt  }
0x77: {  	_ =	shalt  }
0x78: {  	_ =	shalt  }
0x79: {  	_ =	shalt  }
0x7a: {  	_ =	shalt  }
0x7b: {  	_ =	shalt  }
0x7c: {  	_ =	shalt  }
0x7d: {  	_ =	shalt  }
0x7e: {  	_ =	shalt  }
0x7f: {  	_ =	shalt  }
0x80: {  	_ =	shalt  }
0x81: {  	_ =	shalt  }
0x82: {  	_ =	shalt  }
0x83: {  	_ =	shalt  }
0x84: {  	_ =	shalt  }
0x85: {  	_ =	shalt  }
0x86: {  	_ =	shalt  }
0x87: {  	_ =	shalt  }
.Lfunc_end0:
.L_simem_size_0:
called_computation.1_lowered:
.L_overlay_start_0:
0x88: {  	s2 =	sld [smem:$0x3FD9]  }
0x89: {  	s3 =	sld [smem:$0x3FFE];
	_ =	sdelay $0x1  }
0x8a: {  	s1 =	srdreg.scid  }
0x8b: {  	s0 =	sand.u32 $0x1, s1  }
0x8c: {  	s16 =	sshll.u32 s0, $0xA;
	s2 =	sadd.s32 s3, s2  }
0x8d: {  	s2 =	sadd.s32 s2, s16  }
0x8e: {  	[smem:$0x3FB9] =	sst s2  }
0x8f: {  	_ = 	snop  }
0x90: {  	(tm) =	ssettm $0x1  }
0x91: {  	s17 =	sld [smem:$0x3FFB];
	_ =	sdelay $0x3  }
0x92: {  	_ =	strace s17  }
0x93: {  	s2 =	sld [smem:$0x3FFC];
	_ =	sdelay $0x3  }
0x94: {  	_ =	strace s2  }
0x95: {  	s2 =	sld [smem:$0x3FFD];
	_ =	sdelay $0x3  }
0x96: {  	_ =	strace s2  }
0x97: {  	_ =	strace $0x8FFFFFFF  }
0x98: {  	s18 =	sld [smem:$0x3FDB];
	_ =	sdelay $0x1  }
0x99: {  	s19 =	simm.s32 $_scs_section_size  }
0x9a: {  	s4 =	simm.s32 $_size__tile_overlayer_lowered;
	s5 =	simm.s32 $_tile_overlayer_lowered  }
0x9b: {  	s22 =	simm.s32 $0x1BFF;
	s21 =	sshll.u32 s5, $0x1;
	s2 =	sadd.s32 s19, s18  }
0x9c: {  	s6 =	simm.s32 $0x0;
	s20 =	sshll.u32 s4, $0x1;
	s4 =	sadd.s32 s21, s2  }
0x9d: {  	[timem:s6], [sflag:s22] =	dma.local [hbm:s4], s20  }
0x9e: {  	_ =	swait.ge [sflag:s22], s20  }
0x9f: {  	s3 =	ssub.s32 $0x0, s20;
	[sflag:s22] =	ssyncset.done $0x0  }
0xa0: {  	[sflag:s22] =	ssyncadd.s32 s3;
	_ =	sdelay $0x1  }
0xa1: {  	s23 =	simm.s32 $0x1B8B  }
0xa2: {  	_ =	swait.ge [sflag:s23], $0x1  }
0xa3: {  	[sflag:s23] =	ssyncset.done $0x0  }
0xa4: {  	s25 =	simm.s32 $0x1B8E;
	s24 =	sld [smem:$0x3FFE];
	[sflag:s23] =	ssyncadd.s32 $0xFFFFFFFF  }
0xa5: {  	s26 =	simm.s32 $execute0_lowered;
	[smem:$0x3FD2] =	sst s25  }
0xa6: {  	s4 =	sshll.u32 s26, $0x1;
	_ =	strace $0x80000049;
	[dreg:$0x1] =	wrdreg $0xFFFFFFFF  }
0xa7: {  	s28 =	simm.s32 $_size_execute0_lowered;
	s2 =	sadd.s32 s2, s4;
	[dreg:$0x0] =	wrdreg $0x0  }
0xa8: {  	s4 =	sshll.u32 s28, $0x1;
	[dreg:$0x2] =	wrdreg s2  }
0xa9: {  	[dreg:$0x3] =	wrdreg s4  }
0xaa: {  	[dreg:$0x4] =	wrdreg $0xC0  }
0xab: {  	_ =	task [dreg:s6], $0x5FFFF  }
0xac: {  	[dreg:$0x1] =	wrdreg $0xFFFFFFFF  }
0xad: {  	[dreg:$0x0] =	wrdreg $0x60  }
0xae: {  	[dreg:$0x2] =	wrdreg s24  }
0xaf: {  	[dreg:$0x3] =	wrdreg $0x88000  }
0xb0: {  	[dreg:$0x4] =	wrdreg $0x9  }
0xb1: {  	_ =	task.clear_ibuf [dreg:s6], $0x5FFFF;
	_ =	strace $0x90000049  }
0xb2: {  	s29 =	simm.s32 $0x9;
	_ =	strace $0x8000004B  }
0xb3: {  	_ =	swait.ge [sflag:s29], $0x1  }
0xb4: {  	[sflag:s29] =	ssyncadd.s32 $0xFFFFFFFF  }
0xb5: {  	_ =	strace $0x9000004B  }
0xb6: {  	_ =	sfence  }
0xb7: {  	s30 =	sld [smem:$0x0];
	_ =	sdelay $0x2  }
0xb8: {  	s31 =	sshll.u32 s1, $0xD;
	s1 =	sshrl.u32 s1, $0x2  }
0xb9: {  	s3 =	sand.u32 $0x4000, s31;
	s1 =	sadd.s32 s1, s30  }
0xba: {  	s0 =	sor.u32 s3, s0;
	s1 =	sshll.u32 s1, $0x11  }
0xbb: {  	s0 =	sor.u32 s1, s0  }
0xbc: {  	s0 =	sadd.s32 $0x8F2B, s0  }
0xbd: {  	[sflag:s0] =	ssyncadd.remote.s32 $0x1  }
0xbe: {  	_ =	sfence.sel $0xFFFF  }
0xbf: {  	[dreg:$0x0] =	wrdreg $0xFFFFFFFF;
	(pc) =	sbr.abs _section_cstart, $3  }
0xc0: {  	[dreg:$0x1] =	wrdreg $0xFFFFFFFF  }
0xc1: {  	_ =	task.clear_ibuf [dreg:s6], $0x2FFFF;
	_ =	strace $0x9FFFFFFF  }
0xc2: {  	(tm) =	ssettm $0x7FFFFFFF  }
0xc3: {  	_ =	shalt  }
tec
execute0_lowered:
.L_overlay_start_1:
0x0: {  	(tag) =	ssettag $0x1  }
0x1: {  	s0 =	rddreg [dreg:$0x0]  }
0x2: {  	s1 =	rddreg [dreg:$0x1]  }
0x3: {  	s3 =	simm.s32 $0x0;
	s2 =	srdreg.scid;
	s11 =	stileid.u32  }
0x4: {  	s17 =	simm.s32 $0x800;
	s18 =	simm.s32 $0x3;
	s28 =	simm.s32 $0x200  }
0x5: {  	s29 =	simm.s32 $0x580;
	s30 =	simm.s32 $0x280;
	s31 =	simm.s32 $0x600  }
0x6: {  	[smem:$0x7FF] =	sst s3;
	s2 =	sand.u32 $0x1, s2;
	s8 =	smul.u32 $0x14000, s11  }
0x7: {  	s4 =	sadd.s32 $0x17200, s0;
	s14 =	sadd.s32 $0x3200, s0;
	s9 =	smul.u32 $0x50000, s11  }
0x8: {  	s13 =	sadd.s32 $0xD200, s0;
	s24 =	sshll.u32 s11, $0x8;
	s25 =	smul.u32 $0x900, s11  }
0x9: {  	s11 =	simm.s32 $0x80;
	s7 =	smul.u32 $0x140000, s2;
	_ =	strace $0x8000004A  }
0xa: {  	s19 =	ssub.s32 $0x2, s2;
	p0 =	seq.s32 s2, $0x1;
	s12 =	sor.u32 $0x9000, s24  }
0xb: {  	s24 =	simm.s32 $0x480;
	s2 =	simm.s32 $0x680;
	[dreg:$0x3] =	wrdreg s14  }
0xc: {  	[dreg:$0x4] =	wrdreg s13;
	s10 =	sshrl.u32 s19, $0x1;
	s9 =	sshrl.u32 s9, $0x2  }
0xd: {  	s15 =	sadd.s32 s25, s13;
	s16 =	sadd.s32 s25, s14;
	s25 =	simm.s32 $0x180  }
0xe: {  	s7 =	sadd.s32 s8, s7;
	s20 =	ssub.s32 s19, s10;
	s6 =	sadd.s32 s9, s1  }
0xf: {  	s19 =	simm.s32 $0x400;
	s8 =	simm.s32 $0x380;
	s9 =	simm.s32 $0x700  }
0x10: {  	s10 =	simm.s32 $0x780;
	s21 =	sadd.s32 $0x4000, s6;
	[dreg:$0x5] =	wrdreg s6  }
0x11: {  	s7 =	sshrl.u32 s7, $0x3;
	s22 =	sadd.s32 $0x8000, s6;
	[dreg:$0x6] =	wrdreg s21  }
0x12: {  	s23 =	sadd.s32 $0xC000, s6;
	s6 =	sadd.s32 $0x10000, s6;
	[dreg:$0x7] =	wrdreg s22  }
.Ltmp0:
0x13: {  	s26 =	smax.u32 s20, $0x1;
	[dreg:$0x8] =	wrdreg s23;
	(pc) =	sbr.rel .LBB2_1-.Ltmp0, $4  }
0x14: {  	s20 =	simm.s32 $0x1;
	s0 =	sadd.s32 s7, s0;
	[dreg:$0x9] =	wrdreg s6  }
0x15: {  	[dreg:$0xb] =	wrdreg s26;
	s21 =	simm.s32 $0x4800;
	s22 =	simm.s32 $0x2  }
0x16: {  	s23 =	simm.s32 $0x100;
	s26 =	simm.s32 $0x500;
	s0 =	sadd.s32 $0x3E400, s0  }
0x17: {  	v0 =	vimm.f32 $0.0e+00;
	s6 =	simm.s32 $0x0;
	[dreg:$0xa] =	wrdreg s0;
	s0 =	simm.s32 $0x300  }
.LBB2_6:
0x18: {  	s5 =	sadd.s32 s14, s16;
	[sflag:s18] =	ssyncadd.s32 $0xFFFFC000  }
0x19: {  	[tilespmem:s3], [sflag:$0x3] =	stream.linear.gather [hbm4b:s5+s3], $0x400, $0x38;
	[tilespmem:$0x1C800] =	vst v63  }
0x1a: {  	_ =	swait.ge [sflag:s18], $0x400  }
0x1b: {  	[sflag:s18] =	ssyncset.done $0x0  }
0x1c: {  	s14 =	sadd.s32 s14, s15;
	[sflag:s18] =	ssyncadd.s32 $0xFFFFFC00  }
0x1d: {  	[tilespmem:s19], [sflag:$0x3] =	stream.linear.gather [hbm4b:s14+s3], $0x400, $0x38;
	[tilespmem:$0x1C800] =	vst v63  }
0x1e: {  	_ =	swait.ge [sflag:s18], $0x400  }
0x1f: {  	[sflag:s18] =	ssyncset.done $0x0  }
0x20: {  	[sflag:s18] =	ssyncadd.s32 $0xFFFFFC00  }
0x21: {  	[tilespmem:s17], [sflag:$0x1] =	stream.indirect.gather [hbm4b:s4+s11], $0x80, s3, s11, $0xb8;
	[tilespmem:$0x1C800] =	vst v63  }
0x22: {  	_ =	swait.ge [sflag:s20], $0x4000  }
0x23: {  	[sflag:s20] =	ssyncset.done $0x0  }
0x24: {  	[sflag:s20] =	ssyncadd.s32 $0xFFFFC000  }
0x25: {  	[tilespmem:s21], [sflag:$0x2] =	stream.indirect.gather [hbm4b:s4+s11], $0x80, s11, s11, $0xb8;
	[tilespmem:$0x1C800] =	vst v63  }
0x26: {  	_ = 	snop  }
0x27: {  	[spmem:s1] =	stream.indirect.scatter.add.f32 [tilespmem:s17], [sflag:$0x3], $0x80, s19, s11, $0xb8;
	[tilespmem:$0x1C800] =	vst v63  }
0x28: {  	_ =	swait.ge [sflag:s18], $0x4000  }
0x29: {  	[sflag:s18] =	ssyncset.done $0x0  }
0x2a: {  	[sflag:s18] =	ssyncadd.s32 $0xFFFFC000  }
0x2b: {  	_ =	swait.ge [sflag:s22], $0x4000  }
0x2c: {  	[sflag:s22] =	ssyncset.done $0x0  }
0x2d: {  	[sflag:s22] =	ssyncadd.s32 $0xFFFFC000  }
0x2e: {  	[tilespmem:s17], [sflag:$0x1] =	stream.indirect.gather [hbm4b:s4+s11], $0x80, s23, s11, $0xb8;
	[tilespmem:$0x1C800] =	vst v63  }
0x2f: {  	_ = 	snop  }
0x30: {  	[spmem:s1] =	stream.indirect.scatter.add.f32 [tilespmem:s21], [sflag:$0x3], $0x80, s24, s11, $0xb8;
	[tilespmem:$0x1C800] =	vst v63  }
0x31: {  	_ =	swait.ge [sflag:s18], $0x4000  }
0x32: {  	[sflag:s18] =	ssyncset.done $0x0  }
0x33: {  	[sflag:s18] =	ssyncadd.s32 $0xFFFFC000  }
0x34: {  	_ =	swait.ge [sflag:s20], $0x4000  }
0x35: {  	[sflag:s20] =	ssyncset.done $0x0  }
0x36: {  	[sflag:s20] =	ssyncadd.s32 $0xFFFFC000  }
0x37: {  	[tilespmem:s21], [sflag:$0x2] =	stream.indirect.gather [hbm4b:s4+s11], $0x80, s25, s11, $0xb8;
	[tilespmem:$0x1C800] =	vst v63  }
0x38: {  	_ = 	snop  }
0x39: {  	[spmem:s1] =	stream.indirect.scatter.add.f32 [tilespmem:s17], [sflag:$0x3], $0x80, s26, s11, $0xb8;
	[tilespmem:$0x1C800] =	vst v63  }
0x3a: {  	_ =	swait.ge [sflag:s18], $0x4000  }
0x3b: {  	[sflag:s18] =	ssyncset.done $0x0  }
0x3c: {  	[sflag:s18] =	ssyncadd.s32 $0xFFFFC000  }
0x3d: {  	_ =	swait.ge [sflag:s22], $0x4000  }
0x3e: {  	[sflag:s22] =	ssyncset.done $0x0  }
0x3f: {  	[sflag:s22] =	ssyncadd.s32 $0xFFFFC000  }
0x40: {  	[tilespmem:s17], [sflag:$0x1] =	stream.indirect.gather [hbm4b:s4+s11], $0x80, s28, s11, $0xb8;
	[tilespmem:$0x1C800] =	vst v63  }
0x41: {  	_ = 	snop  }
0x42: {  	[spmem:s1] =	stream.indirect.scatter.add.f32 [tilespmem:s21], [sflag:$0x3], $0x80, s29, s11, $0xb8;
	[tilespmem:$0x1C800] =	vst v63  }
0x43: {  	_ =	swait.ge [sflag:s18], $0x4000  }
0x44: {  	[sflag:s18] =	ssyncset.done $0x0  }
0x45: {  	[sflag:s18] =	ssyncadd.s32 $0xFFFFC000  }
0x46: {  	_ =	swait.ge [sflag:s20], $0x4000  }
0x47: {  	[sflag:s20] =	ssyncset.done $0x0  }
0x48: {  	[sflag:s20] =	ssyncadd.s32 $0xFFFFC000  }
0x49: {  	[tilespmem:s21], [sflag:$0x2] =	stream.indirect.gather [hbm4b:s4+s11], $0x80, s30, s11, $0xb8;
	[tilespmem:$0x1C800] =	vst v63  }
0x4a: {  	_ = 	snop  }
0x4b: {  	[spmem:s1] =	stream.indirect.scatter.add.f32 [tilespmem:s17], [sflag:$0x3], $0x80, s31, s11, $0xb8;
	[tilespmem:$0x1C800] =	vst v63  }
0x4c: {  	_ =	swait.ge [sflag:s18], $0x4000  }
0x4d: {  	[sflag:s18] =	ssyncset.done $0x0  }
0x4e: {  	[sflag:s18] =	ssyncadd.s32 $0xFFFFC000  }
0x4f: {  	_ =	swait.ge [sflag:s22], $0x4000  }
0x50: {  	[sflag:s22] =	ssyncset.done $0x0  }
0x51: {  	[sflag:s22] =	ssyncadd.s32 $0xFFFFC000  }
0x52: {  	[tilespmem:s17], [sflag:$0x1] =	stream.indirect.gather [hbm4b:s4+s11], $0x80, s0, s11, $0xb8;
	[tilespmem:$0x1C800] =	vst v63  }
0x53: {  	_ = 	snop  }
0x54: {  	[spmem:s1] =	stream.indirect.scatter.add.f32 [tilespmem:s21], [sflag:$0x3], $0x80, s2, s11, $0xb8;
	[tilespmem:$0x1C800] =	vst v63  }
0x55: {  	_ =	swait.ge [sflag:s18], $0x4000  }
0x56: {  	[sflag:s18] =	ssyncset.done $0x0  }
0x57: {  	[sflag:s18] =	ssyncadd.s32 $0xFFFFC000  }
0x58: {  	_ =	swait.ge [sflag:s20], $0x4000  }
0x59: {  	[sflag:s20] =	ssyncset.done $0x0  }
0x5a: {  	[sflag:s20] =	ssyncadd.s32 $0xFFFFC000  }
0x5b: {  	[tilespmem:s21], [sflag:$0x2] =	stream.indirect.gather [hbm4b:s4+s11], $0x80, s8, s11, $0xb8;
	[tilespmem:$0x1C800] =	vst v63  }
0x5c: {  	_ = 	snop  }
0x5d: {  	[spmem:s1] =	stream.indirect.scatter.add.f32 [tilespmem:s17], [sflag:$0x3], $0x80, s9, s11, $0xb8;
	[tilespmem:$0x1C800] =	vst v63  }
0x5e: {  	_ =	swait.ge [sflag:s18], $0x4000  }
0x5f: {  	[sflag:s18] =	ssyncset.done $0x0  }
0x60: {  	[sflag:s18] =	ssyncadd.s32 $0xFFFFC000  }
0x61: {  	_ =	swait.ge [sflag:s22], $0x4000  }
0x62: {  	[sflag:s22] =	ssyncset.done $0x0  }
0x63: {  	[sflag:s22] =	ssyncadd.s32 $0xFFFFC000  }
0x64: {  	[spmem:s1] =	stream.indirect.scatter.add.f32 [tilespmem:s21], [sflag:$0x3], $0x80, s10, s11, $0xb8;
	[tilespmem:$0x1C800] =	vst v63  }
0x65: {  	_ =	swait.ge [sflag:s18], $0x4000  }
0x66: {  	[sflag:s18] =	ssyncset.done $0x0  }
0x67: {  	s13 =	rddreg [dreg:$0x4];
	[sflag:s18] =	ssyncadd.s32 $0xFFFFC000  }
.LBB2_8:
0x68: {  	s5 =	stileid.u32;
	[bflag:$0x0] =	sbarrier.arrive $0xFFFF  }
0x69: {  	s5 =	sshll.u32 s5, $0x6;
	s6 =	rddreg [dreg:$0x5]  }
0x6a: {  	s7 =	rddreg [dreg:$0xa];
	s5 =	sor.u32 $0x1C03, s5;
	s6 =	sshrl.u32 s6, $0x3  }
0x6b: {  	[hbm:s7], [sflag:s5] =	dma.local [spmem:s6], $0x2800  }
0x6c: {  	_ =	swait.ge [sflag:s18], $0x2800  }
0x6d: {  	s7 =	rddreg [dreg:$0xc]  }
0x6e: {  	s14 =	rddreg [dreg:$0xb];
	s6 =	sadd.s32 $0x1, s7  }
0x6f: {  	p1 =	sne.s32 s6, s14  }
.Ltmp1:
0x70: {  	_ = 	snop;
	(pc) =	sbr.rel @!p1 .LBB2_9-.Ltmp1, $3  }
0x71: {  	_ =	sdelay $0x1  }
0x72: {  	[sflag:s18] =	ssyncset.done $0x0  }
0x73: {  	[sflag:s18] =	ssyncadd.s32 $0xFFFFD800  }
.LBB2_1:
0x74: {  	[dreg:$0xc] =	wrdreg s6;
	s7 =	simm.s32 $0x0;
	s14 =	simm.s32 $0x200  }
.LBB2_2:
0x75: {  	p1 =	sne.s32 s14, $0xFE00;
	[tilespmem:s7+$0x870] =	vst v0  }
0x76: {  	[tilespmem:s7+$0x800] =	vst v0  }
0x77: {  	[tilespmem:s7+$0x810] =	vst v0  }
.Ltmp2:
0x78: {  	[tilespmem:s7+$0x820] =	vst v0;
	(pc) =	sbr.rel @p1 .LBB2_2-.Ltmp2, $4  }
0x79: {  	[tilespmem:s7+$0x830] =	vst v0  }
0x7a: {  	[tilespmem:s7+$0x840] =	vst v0  }
0x7b: {  	[tilespmem:s7+$0x850] =	vst v0  }
0x7c: {  	[tilespmem:s7+$0x860] =	vst v0;
	s7 =	sshra.s32 s14, $0x2;
	s14 =	sadd.s32 $0x200, s14  }
0x7d: {  	[tilespmem:s7+$0x870] =	vst v0  }
0x7e: {  	[tilespmem:s7+$0x800] =	vst v0  }
0x7f: {  	[tilespmem:s7+$0x810] =	vst v0  }
0x80: {  	[tilespmem:s7+$0x820] =	vst v0  }
0x81: {  	[tilespmem:s7+$0x830] =	vst v0  }
0x82: {  	[tilespmem:s7+$0x840] =	vst v0  }
0x83: {  	[tilespmem:s7+$0x850] =	vst v0  }
0x84: {  	[tilespmem:s7+$0x860] =	vst v0;
	s6 =	rddreg [dreg:$0x5]  }
0x85: {  	[spmem:s6] =	stream.linear.scatter [tilespmem:s17], [sflag:$0x3], $0x4000, $0x38;
	[tilespmem:$0x1C800] =	vst v63  }
0x86: {  	_ =	swait.ge [sflag:s18], $0x4000  }
0x87: {  	[sflag:s18] =	ssyncset.done $0x0  }
0x88: {  	s14 =	rddreg [dreg:$0x6];
	[sflag:s18] =	ssyncadd.s32 $0xFFFFC000  }
0x89: {  	[spmem:s14] =	stream.linear.scatter [tilespmem:s17], [sflag:$0x3], $0x4000, $0x38;
	[tilespmem:$0x1C800] =	vst v63  }
0x8a: {  	_ =	swait.ge [sflag:s18], $0x4000  }
0x8b: {  	[sflag:s18] =	ssyncset.done $0x0  }
0x8c: {  	s5 =	rddreg [dreg:$0x7];
	[sflag:s18] =	ssyncadd.s32 $0xFFFFC000  }
0x8d: {  	[spmem:s5] =	stream.linear.scatter [tilespmem:s17], [sflag:$0x3], $0x4000, $0x38;
	[tilespmem:$0x1C800] =	vst v63  }
0x8e: {  	_ =	swait.ge [sflag:s18], $0x4000  }
0x8f: {  	[sflag:s18] =	ssyncset.done $0x0  }
0x90: {  	s7 =	rddreg [dreg:$0x8];
	[sflag:s18] =	ssyncadd.s32 $0xFFFFC000  }
0x91: {  	[spmem:s7] =	stream.linear.scatter [tilespmem:s17], [sflag:$0x3], $0x4000, $0x38;
	[tilespmem:$0x1C800] =	vst v63  }
0x92: {  	_ =	swait.ge [sflag:s18], $0x4000  }
0x93: {  	[sflag:s18] =	ssyncset.done $0x0  }
0x94: {  	s14 =	rddreg [dreg:$0x9];
	[sflag:s18] =	ssyncadd.s32 $0xFFFFC000  }
0x95: {  	[spmem:s14] =	stream.linear.scatter [tilespmem:s17], [sflag:$0x3], $0x4000, $0x38;
	[tilespmem:$0x1C800] =	vst v63  }
.Ltmp3:
0x96: {  	_ =	swait.ge [sflag:s18], $0x4000;
	(pc) =	sbr.rel @!p0 .LBB2_4-.Ltmp3, $4  }
0x97: {  	[sflag:s18] =	ssyncset.done $0x0  }
0x98: {  	[sflag:s18] =	ssyncadd.s32 $0xFFFFC000  }
0x99: {  	[bflag:$0x0] =	sbarrier.arrive $0xFFFF  }
0x9a: {  	p1 =	por $0x1, $0x1;
	s7 =	simm.s32 $0x0;
	s14 =	rddreg [dreg:$0x3]  }
.LBB2_7:
0x9b: {  	s5 =	sor.u32 s12, s7  }
0x9c: {  	s6 =	sadd.s32 s14, s5  }
0x9d: {  	[tilespmem:s3], [sflag:$0x3] =	stream.linear.gather [hbm4b:s6+s3], $0x400, $0x38;
	[tilespmem:$0x1C800] =	vst v63  }
0x9e: {  	_ =	swait.ge [sflag:s18], $0x400  }
0x9f: {  	[sflag:s18] =	ssyncset.done $0x0  }
0xa0: {  	s5 =	sadd.s32 s13, s5;
	[sflag:s18] =	ssyncadd.s32 $0xFFFFFC00  }
0xa1: {  	[tilespmem:s19], [sflag:$0x3] =	stream.linear.gather [hbm4b:s5+s3], $0x400, $0x38;
	[tilespmem:$0x1C800] =	vst v63  }
0xa2: {  	_ =	swait.ge [sflag:s18], $0x400  }
0xa3: {  	[sflag:s18] =	ssyncset.done $0x0  }
0xa4: {  	s7 =	simm.s32 $0x80;
	[sflag:s18] =	ssyncadd.s32 $0xFFFFFC00  }
0xa5: {  	[tilespmem:s17], [sflag:$0x1] =	stream.indirect.gather [hbm4b:s4+s7], $0x80, s3, s7, $0xb8;
	[tilespmem:$0x1C800] =	vst v63  }
0xa6: {  	_ =	swait.ge [sflag:s20], $0x4000  }
0xa7: {  	[sflag:s20] =	ssyncset.done $0x0  }
0xa8: {  	[sflag:s20] =	ssyncadd.s32 $0xFFFFC000  }
0xa9: {  	[tilespmem:s21], [sflag:$0x2] =	stream.indirect.gather [hbm4b:s4+s7], $0x80, s7, s7, $0xb8;
	[tilespmem:$0x1C800] =	vst v63  }
0xaa: {  	_ = 	snop  }
0xab: {  	[spmem:s1] =	stream.indirect.scatter.add.f32 [tilespmem:s17], [sflag:$0x3], $0x80, s19, s7, $0xb8;
	[tilespmem:$0x1C800] =	vst v63  }
0xac: {  	_ =	swait.ge [sflag:s18], $0x4000  }
0xad: {  	[sflag:s18] =	ssyncset.done $0x0  }
0xae: {  	[sflag:s18] =	ssyncadd.s32 $0xFFFFC000  }
0xaf: {  	_ =	swait.ge [sflag:s22], $0x4000  }
0xb0: {  	[sflag:s22] =	ssyncset.done $0x0  }
0xb1: {  	[sflag:s22] =	ssyncadd.s32 $0xFFFFC000  }
0xb2: {  	[tilespmem:s17], [sflag:$0x1] =	stream.indirect.gather [hbm4b:s4+s7], $0x80, s23, s7, $0xb8;
	[tilespmem:$0x1C800] =	vst v63  }
0xb3: {  	_ = 	snop  }
0xb4: {  	[spmem:s1] =	stream.indirect.scatter.add.f32 [tilespmem:s21], [sflag:$0x3], $0x80, s24, s7, $0xb8;
	[tilespmem:$0x1C800] =	vst v63  }
0xb5: {  	_ =	swait.ge [sflag:s18], $0x4000  }
0xb6: {  	[sflag:s18] =	ssyncset.done $0x0  }
0xb7: {  	[sflag:s18] =	ssyncadd.s32 $0xFFFFC000  }
0xb8: {  	_ =	swait.ge [sflag:s20], $0x4000  }
0xb9: {  	[sflag:s20] =	ssyncset.done $0x0  }
0xba: {  	[sflag:s20] =	ssyncadd.s32 $0xFFFFC000  }
0xbb: {  	[tilespmem:s21], [sflag:$0x2] =	stream.indirect.gather [hbm4b:s4+s7], $0x80, s25, s7, $0xb8;
	[tilespmem:$0x1C800] =	vst v63  }
0xbc: {  	_ = 	snop  }
0xbd: {  	[spmem:s1] =	stream.indirect.scatter.add.f32 [tilespmem:s17], [sflag:$0x3], $0x80, s26, s7, $0xb8;
	[tilespmem:$0x1C800] =	vst v63  }
0xbe: {  	_ =	swait.ge [sflag:s18], $0x4000  }
0xbf: {  	[sflag:s18] =	ssyncset.done $0x0  }
0xc0: {  	[sflag:s18] =	ssyncadd.s32 $0xFFFFC000  }
0xc1: {  	_ =	swait.ge [sflag:s22], $0x4000  }
0xc2: {  	[sflag:s22] =	ssyncset.done $0x0  }
0xc3: {  	[sflag:s22] =	ssyncadd.s32 $0xFFFFC000  }
0xc4: {  	[tilespmem:s17], [sflag:$0x1] =	stream.indirect.gather [hbm4b:s4+s7], $0x80, s28, s7, $0xb8;
	[tilespmem:$0x1C800] =	vst v63  }
0xc5: {  	_ = 	snop  }
0xc6: {  	[spmem:s1] =	stream.indirect.scatter.add.f32 [tilespmem:s21], [sflag:$0x3], $0x80, s29, s7, $0xb8;
	[tilespmem:$0x1C800] =	vst v63  }
0xc7: {  	_ =	swait.ge [sflag:s18], $0x4000  }
0xc8: {  	[sflag:s18] =	ssyncset.done $0x0  }
0xc9: {  	[sflag:s18] =	ssyncadd.s32 $0xFFFFC000  }
0xca: {  	_ =	swait.ge [sflag:s20], $0x4000  }
0xcb: {  	[sflag:s20] =	ssyncset.done $0x0  }
0xcc: {  	[sflag:s20] =	ssyncadd.s32 $0xFFFFC000  }
0xcd: {  	[tilespmem:s21], [sflag:$0x2] =	stream.indirect.gather [hbm4b:s4+s7], $0x80, s30, s7, $0xb8;
	[tilespmem:$0x1C800] =	vst v63  }
0xce: {  	_ = 	snop  }
0xcf: {  	[spmem:s1] =	stream.indirect.scatter.add.f32 [tilespmem:s17], [sflag:$0x3], $0x80, s31, s7, $0xb8;
	[tilespmem:$0x1C800] =	vst v63  }
0xd0: {  	_ =	swait.ge [sflag:s18], $0x4000  }
0xd1: {  	[sflag:s18] =	ssyncset.done $0x0  }
0xd2: {  	[sflag:s18] =	ssyncadd.s32 $0xFFFFC000  }
0xd3: {  	_ =	swait.ge [sflag:s22], $0x4000  }
0xd4: {  	[sflag:s22] =	ssyncset.done $0x0  }
0xd5: {  	[sflag:s22] =	ssyncadd.s32 $0xFFFFC000  }
0xd6: {  	[tilespmem:s17], [sflag:$0x1] =	stream.indirect.gather [hbm4b:s4+s7], $0x80, s0, s7, $0xb8;
	[tilespmem:$0x1C800] =	vst v63  }
0xd7: {  	_ = 	snop  }
0xd8: {  	[spmem:s1] =	stream.indirect.scatter.add.f32 [tilespmem:s21], [sflag:$0x3], $0x80, s2, s7, $0xb8;
	[tilespmem:$0x1C800] =	vst v63  }
0xd9: {  	_ =	swait.ge [sflag:s18], $0x4000  }
0xda: {  	[sflag:s18] =	ssyncset.done $0x0  }
0xdb: {  	[sflag:s18] =	ssyncadd.s32 $0xFFFFC000  }
0xdc: {  	_ =	swait.ge [sflag:s20], $0x4000  }
0xdd: {  	[sflag:s20] =	ssyncset.done $0x0  }
0xde: {  	[sflag:s20] =	ssyncadd.s32 $0xFFFFC000  }
0xdf: {  	[tilespmem:s21], [sflag:$0x2] =	stream.indirect.gather [hbm4b:s4+s7], $0x80, s8, s7, $0xb8;
	[tilespmem:$0x1C800] =	vst v63  }
0xe0: {  	_ = 	snop  }
0xe1: {  	[spmem:s1] =	stream.indirect.scatter.add.f32 [tilespmem:s17], [sflag:$0x3], $0x80, s9, s7, $0xb8;
	[tilespmem:$0x1C800] =	vst v63  }
0xe2: {  	_ =	swait.ge [sflag:s18], $0x4000  }
0xe3: {  	[sflag:s18] =	ssyncset.done $0x0  }
0xe4: {  	[sflag:s18] =	ssyncadd.s32 $0xFFFFC000  }
0xe5: {  	_ =	swait.ge [sflag:s22], $0x4000  }
0xe6: {  	p2 =	por p1, p1;
	[sflag:s22] =	ssyncset.done $0x0  }
.Ltmp4:
0xe7: {  	[sflag:s22] =	ssyncadd.s32 $0xFFFFC000;
	(pc) =	sbr.rel @p2 .LBB2_7-.Ltmp4, $4  }
0xe8: {  	[spmem:s1] =	stream.indirect.scatter.add.f32 [tilespmem:s21], [sflag:$0x3], $0x80, s10, s7, $0xb8;
	[tilespmem:$0x1C800] =	vst v63  }
0xe9: {  	_ =	swait.ge [sflag:s18], $0x4000  }
0xea: {  	[sflag:s18] =	ssyncset.done $0x0  }
0xeb: {  	p1 =	por $0x0, $0x0;
	[sflag:s18] =	ssyncadd.s32 $0xFFFFC000  }
.Ltmp5:
0xec: {  	_ = 	snop;
	(pc) =	sbr.rel .LBB2_8-.Ltmp5, $1  }
0xed: {  	_ =	sdelay $0x3  }
.LBB2_4:
0xee: {  	s7 =	sadd.s32 $0x0, s16  }
0xef: {  	[tilespmem:s3], [sflag:$0x3] =	stream.linear.gather [hbm4b:s7+s3], $0x400, $0x38;
	[tilespmem:$0x1C800] =	vst v63  }
0xf0: {  	_ =	swait.ge [sflag:s18], $0x400  }
0xf1: {  	[sflag:s18] =	ssyncset.done $0x0  }
0xf2: {  	s14 =	sadd.s32 $0x0, s15;
	[sflag:s18] =	ssyncadd.s32 $0xFFFFFC00  }
0xf3: {  	[tilespmem:s19], [sflag:$0x3] =	stream.linear.gather [hbm4b:s14+s3], $0x400, $0x38;
	[tilespmem:$0x1C800] =	vst v63  }
0xf4: {  	_ =	swait.ge [sflag:s18], $0x400  }
0xf5: {  	[sflag:s18] =	ssyncset.done $0x0  }
0xf6: {  	[sflag:s18] =	ssyncadd.s32 $0xFFFFFC00  }
0xf7: {  	[tilespmem:s17], [sflag:$0x1] =	stream.indirect.gather [hbm4b:s4+s11], $0x80, s3, s11, $0xb8;
	[tilespmem:$0x1C800] =	vst v63  }
0xf8: {  	_ =	swait.ge [sflag:s20], $0x4000  }
0xf9: {  	[sflag:s20] =	ssyncset.done $0x0  }
0xfa: {  	[sflag:s20] =	ssyncadd.s32 $0xFFFFC000  }
0xfb: {  	[tilespmem:s21], [sflag:$0x2] =	stream.indirect.gather [hbm4b:s4+s11], $0x80, s11, s11, $0xb8;
	[tilespmem:$0x1C800] =	vst v63  }
0xfc: {  	_ = 	snop  }
0xfd: {  	[spmem:s1] =	stream.indirect.scatter.add.f32 [tilespmem:s17], [sflag:$0x3], $0x80, s19, s11, $0xb8;
	[tilespmem:$0x1C800] =	vst v63  }
0xfe: {  	_ =	swait.ge [sflag:s18], $0x4000  }
0xff: {  	[sflag:s18] =	ssyncset.done $0x0  }
0x100: {  	[sflag:s18] =	ssyncadd.s32 $0xFFFFC000  }
0x101: {  	_ =	swait.ge [sflag:s22], $0x4000  }
0x102: {  	[sflag:s22] =	ssyncset.done $0x0  }
0x103: {  	[sflag:s22] =	ssyncadd.s32 $0xFFFFC000  }
0x104: {  	[tilespmem:s17], [sflag:$0x1] =	stream.indirect.gather [hbm4b:s4+s11], $0x80, s23, s11, $0xb8;
	[tilespmem:$0x1C800] =	vst v63  }
0x105: {  	_ = 	snop  }
0x106: {  	[spmem:s1] =	stream.indirect.scatter.add.f32 [tilespmem:s21], [sflag:$0x3], $0x80, s24, s11, $0xb8;
	[tilespmem:$0x1C800] =	vst v63  }
0x107: {  	_ =	swait.ge [sflag:s18], $0x4000  }
0x108: {  	[sflag:s18] =	ssyncset.done $0x0  }
0x109: {  	[sflag:s18] =	ssyncadd.s32 $0xFFFFC000  }
0x10a: {  	_ =	swait.ge [sflag:s20], $0x4000  }
0x10b: {  	[sflag:s20] =	ssyncset.done $0x0  }
0x10c: {  	[sflag:s20] =	ssyncadd.s32 $0xFFFFC000  }
0x10d: {  	[tilespmem:s21], [sflag:$0x2] =	stream.indirect.gather [hbm4b:s4+s11], $0x80, s25, s11, $0xb8;
	[tilespmem:$0x1C800] =	vst v63  }
0x10e: {  	_ = 	snop  }
0x10f: {  	[spmem:s1] =	stream.indirect.scatter.add.f32 [tilespmem:s17], [sflag:$0x3], $0x80, s26, s11, $0xb8;
	[tilespmem:$0x1C800] =	vst v63  }
0x110: {  	_ =	swait.ge [sflag:s18], $0x4000  }
0x111: {  	[sflag:s18] =	ssyncset.done $0x0  }
0x112: {  	[sflag:s18] =	ssyncadd.s32 $0xFFFFC000  }
0x113: {  	_ =	swait.ge [sflag:s22], $0x4000  }
0x114: {  	[sflag:s22] =	ssyncset.done $0x0  }
0x115: {  	[sflag:s22] =	ssyncadd.s32 $0xFFFFC000  }
0x116: {  	[tilespmem:s17], [sflag:$0x1] =	stream.indirect.gather [hbm4b:s4+s11], $0x80, s28, s11, $0xb8;
	[tilespmem:$0x1C800] =	vst v63  }
0x117: {  	_ = 	snop  }
0x118: {  	[spmem:s1] =	stream.indirect.scatter.add.f32 [tilespmem:s21], [sflag:$0x3], $0x80, s29, s11, $0xb8;
	[tilespmem:$0x1C800] =	vst v63  }
0x119: {  	_ =	swait.ge [sflag:s18], $0x4000  }
0x11a: {  	[sflag:s18] =	ssyncset.done $0x0  }
0x11b: {  	[sflag:s18] =	ssyncadd.s32 $0xFFFFC000  }
0x11c: {  	_ =	swait.ge [sflag:s20], $0x4000  }
0x11d: {  	[sflag:s20] =	ssyncset.done $0x0  }
0x11e: {  	[sflag:s20] =	ssyncadd.s32 $0xFFFFC000  }
0x11f: {  	[tilespmem:s21], [sflag:$0x2] =	stream.indirect.gather [hbm4b:s4+s11], $0x80, s30, s11, $0xb8;
	[tilespmem:$0x1C800] =	vst v63  }
0x120: {  	_ = 	snop  }
0x121: {  	[spmem:s1] =	stream.indirect.scatter.add.f32 [tilespmem:s17], [sflag:$0x3], $0x80, s31, s11, $0xb8;
	[tilespmem:$0x1C800] =	vst v63  }
0x122: {  	_ =	swait.ge [sflag:s18], $0x4000  }
0x123: {  	[sflag:s18] =	ssyncset.done $0x0  }
0x124: {  	[sflag:s18] =	ssyncadd.s32 $0xFFFFC000  }
0x125: {  	_ =	swait.ge [sflag:s22], $0x4000  }
0x126: {  	[sflag:s22] =	ssyncset.done $0x0  }
0x127: {  	[sflag:s22] =	ssyncadd.s32 $0xFFFFC000  }
0x128: {  	[tilespmem:s17], [sflag:$0x1] =	stream.indirect.gather [hbm4b:s4+s11], $0x80, s0, s11, $0xb8;
	[tilespmem:$0x1C800] =	vst v63  }
0x129: {  	_ = 	snop  }
0x12a: {  	[spmem:s1] =	stream.indirect.scatter.add.f32 [tilespmem:s21], [sflag:$0x3], $0x80, s2, s11, $0xb8;
	[tilespmem:$0x1C800] =	vst v63  }
0x12b: {  	_ =	swait.ge [sflag:s18], $0x4000  }
0x12c: {  	[sflag:s18] =	ssyncset.done $0x0  }
0x12d: {  	[sflag:s18] =	ssyncadd.s32 $0xFFFFC000  }
0x12e: {  	_ =	swait.ge [sflag:s20], $0x4000  }
0x12f: {  	[sflag:s20] =	ssyncset.done $0x0  }
0x130: {  	[sflag:s20] =	ssyncadd.s32 $0xFFFFC000  }
0x131: {  	[tilespmem:s21], [sflag:$0x2] =	stream.indirect.gather [hbm4b:s4+s11], $0x80, s8, s11, $0xb8;
	[tilespmem:$0x1C800] =	vst v63  }
0x132: {  	_ = 	snop  }
0x133: {  	[spmem:s1] =	stream.indirect.scatter.add.f32 [tilespmem:s17], [sflag:$0x3], $0x80, s9, s11, $0xb8;
	[tilespmem:$0x1C800] =	vst v63  }
0x134: {  	_ =	swait.ge [sflag:s18], $0x4000  }
0x135: {  	[sflag:s18] =	ssyncset.done $0x0  }
0x136: {  	[sflag:s18] =	ssyncadd.s32 $0xFFFFC000  }
0x137: {  	_ =	swait.ge [sflag:s22], $0x4000  }
0x138: {  	[sflag:s22] =	ssyncset.done $0x0  }
0x139: {  	[sflag:s22] =	ssyncadd.s32 $0xFFFFC000  }
0x13a: {  	[spmem:s1] =	stream.indirect.scatter.add.f32 [tilespmem:s21], [sflag:$0x3], $0x80, s10, s11, $0xb8;
	[tilespmem:$0x1C800] =	vst v63  }
0x13b: {  	_ =	swait.ge [sflag:s18], $0x4000  }
0x13c: {  	s7 =	simm.s32 $0x100;
	s14 =	simm.s32 $0x80;
	[sflag:s18] =	ssyncset.done $0x0  }
.LBB2_5:
0x13d: {  	s5 =	sadd.s32 s14, s16  }
0x13e: {  	[sflag:s18] =	ssyncadd.s32 $0xFFFFC000;
	s6 =	smov.u32 s7;
	s13 =	sadd.s32 $0x80, s7  }
0x13f: {  	[tilespmem:s3], [sflag:$0x3] =	stream.linear.gather [hbm4b:s5+s3], $0x400, $0x38;
	[tilespmem:$0x1C800] =	vst v63  }
0x140: {  	p1 =	seq.s32 s7, $0x880;
	_ =	swait.ge [sflag:s18], $0x400  }
0x141: {  	[sflag:s18] =	ssyncset.done $0x0  }
0x142: {  	s5 =	sadd.s32 s14, s15;
	s14 =	smov.u32 s6;
	[sflag:s18] =	ssyncadd.s32 $0xFFFFFC00  }
0x143: {  	[tilespmem:s19], [sflag:$0x3] =	stream.linear.gather [hbm4b:s5+s3], $0x400, $0x38;
	[tilespmem:$0x1C800] =	vst v63  }
0x144: {  	_ =	swait.ge [sflag:s18], $0x400  }
0x145: {  	[sflag:s18] =	ssyncset.done $0x0  }
0x146: {  	[sflag:s18] =	ssyncadd.s32 $0xFFFFFC00  }
0x147: {  	[tilespmem:s17], [sflag:$0x1] =	stream.indirect.gather [hbm4b:s4+s11], $0x80, s3, s11, $0xb8;
	[tilespmem:$0x1C800] =	vst v63  }
0x148: {  	_ =	swait.ge [sflag:s20], $0x4000  }
0x149: {  	[sflag:s20] =	ssyncset.done $0x0  }
0x14a: {  	[sflag:s20] =	ssyncadd.s32 $0xFFFFC000  }
0x14b: {  	[tilespmem:s21], [sflag:$0x2] =	stream.indirect.gather [hbm4b:s4+s11], $0x80, s11, s11, $0xb8;
	[tilespmem:$0x1C800] =	vst v63  }
0x14c: {  	_ = 	snop  }
0x14d: {  	[spmem:s1] =	stream.indirect.scatter.add.f32 [tilespmem:s17], [sflag:$0x3], $0x80, s19, s11, $0xb8;
	[tilespmem:$0x1C800] =	vst v63  }
0x14e: {  	_ =	swait.ge [sflag:s18], $0x4000  }
0x14f: {  	[sflag:s18] =	ssyncset.done $0x0  }
0x150: {  	[sflag:s18] =	ssyncadd.s32 $0xFFFFC000  }
0x151: {  	_ =	swait.ge [sflag:s22], $0x4000  }
0x152: {  	[sflag:s22] =	ssyncset.done $0x0  }
0x153: {  	[sflag:s22] =	ssyncadd.s32 $0xFFFFC000  }
0x154: {  	[tilespmem:s17], [sflag:$0x1] =	stream.indirect.gather [hbm4b:s4+s11], $0x80, s23, s11, $0xb8;
	[tilespmem:$0x1C800] =	vst v63  }
0x155: {  	_ = 	snop  }
0x156: {  	[spmem:s1] =	stream.indirect.scatter.add.f32 [tilespmem:s21], [sflag:$0x3], $0x80, s24, s11, $0xb8;
	[tilespmem:$0x1C800] =	vst v63  }
0x157: {  	_ =	swait.ge [sflag:s18], $0x4000  }
0x158: {  	[sflag:s18] =	ssyncset.done $0x0  }
0x159: {  	[sflag:s18] =	ssyncadd.s32 $0xFFFFC000  }
0x15a: {  	_ =	swait.ge [sflag:s20], $0x4000  }
0x15b: {  	[sflag:s20] =	ssyncset.done $0x0  }
0x15c: {  	[sflag:s20] =	ssyncadd.s32 $0xFFFFC000  }
0x15d: {  	[tilespmem:s21], [sflag:$0x2] =	stream.indirect.gather [hbm4b:s4+s11], $0x80, s25, s11, $0xb8;
	[tilespmem:$0x1C800] =	vst v63  }
0x15e: {  	_ = 	snop  }
0x15f: {  	[spmem:s1] =	stream.indirect.scatter.add.f32 [tilespmem:s17], [sflag:$0x3], $0x80, s26, s11, $0xb8;
	[tilespmem:$0x1C800] =	vst v63  }
0x160: {  	_ =	swait.ge [sflag:s18], $0x4000  }
0x161: {  	[sflag:s18] =	ssyncset.done $0x0  }
0x162: {  	[sflag:s18] =	ssyncadd.s32 $0xFFFFC000  }
0x163: {  	_ =	swait.ge [sflag:s22], $0x4000  }
0x164: {  	[sflag:s22] =	ssyncset.done $0x0  }
0x165: {  	[sflag:s22] =	ssyncadd.s32 $0xFFFFC000  }
0x166: {  	[tilespmem:s17], [sflag:$0x1] =	stream.indirect.gather [hbm4b:s4+s11], $0x80, s28, s11, $0xb8;
	[tilespmem:$0x1C800] =	vst v63  }
0x167: {  	_ = 	snop  }
0x168: {  	[spmem:s1] =	stream.indirect.scatter.add.f32 [tilespmem:s21], [sflag:$0x3], $0x80, s29, s11, $0xb8;
	[tilespmem:$0x1C800] =	vst v63  }
0x169: {  	_ =	swait.ge [sflag:s18], $0x4000  }
0x16a: {  	[sflag:s18] =	ssyncset.done $0x0  }
0x16b: {  	[sflag:s18] =	ssyncadd.s32 $0xFFFFC000  }
0x16c: {  	_ =	swait.ge [sflag:s20], $0x4000  }
0x16d: {  	[sflag:s20] =	ssyncset.done $0x0  }
0x16e: {  	[sflag:s20] =	ssyncadd.s32 $0xFFFFC000  }
0x16f: {  	[tilespmem:s21], [sflag:$0x2] =	stream.indirect.gather [hbm4b:s4+s11], $0x80, s30, s11, $0xb8;
	[tilespmem:$0x1C800] =	vst v63  }
0x170: {  	_ = 	snop  }
0x171: {  	[spmem:s1] =	stream.indirect.scatter.add.f32 [tilespmem:s17], [sflag:$0x3], $0x80, s31, s11, $0xb8;
	[tilespmem:$0x1C800] =	vst v63  }
0x172: {  	_ =	swait.ge [sflag:s18], $0x4000  }
0x173: {  	[sflag:s18] =	ssyncset.done $0x0  }
0x174: {  	[sflag:s18] =	ssyncadd.s32 $0xFFFFC000  }
0x175: {  	_ =	swait.ge [sflag:s22], $0x4000  }
0x176: {  	[sflag:s22] =	ssyncset.done $0x0  }
0x177: {  	[sflag:s22] =	ssyncadd.s32 $0xFFFFC000  }
0x178: {  	[tilespmem:s17], [sflag:$0x1] =	stream.indirect.gather [hbm4b:s4+s11], $0x80, s0, s11, $0xb8;
	[tilespmem:$0x1C800] =	vst v63  }
0x179: {  	_ = 	snop  }
0x17a: {  	[spmem:s1] =	stream.indirect.scatter.add.f32 [tilespmem:s21], [sflag:$0x3], $0x80, s2, s11, $0xb8;
	[tilespmem:$0x1C800] =	vst v63  }
0x17b: {  	_ =	swait.ge [sflag:s18], $0x4000  }
0x17c: {  	[sflag:s18] =	ssyncset.done $0x0  }
0x17d: {  	[sflag:s18] =	ssyncadd.s32 $0xFFFFC000  }
0x17e: {  	_ =	swait.ge [sflag:s20], $0x4000  }
0x17f: {  	[sflag:s20] =	ssyncset.done $0x0  }
0x180: {  	[sflag:s20] =	ssyncadd.s32 $0xFFFFC000  }
0x181: {  	[tilespmem:s21], [sflag:$0x2] =	stream.indirect.gather [hbm4b:s4+s11], $0x80, s8, s11, $0xb8;
	[tilespmem:$0x1C800] =	vst v63  }
0x182: {  	_ = 	snop  }
0x183: {  	[spmem:s1] =	stream.indirect.scatter.add.f32 [tilespmem:s17], [sflag:$0x3], $0x80, s9, s11, $0xb8;
	[tilespmem:$0x1C800] =	vst v63  }
0x184: {  	_ =	swait.ge [sflag:s18], $0x4000  }
0x185: {  	[sflag:s18] =	ssyncset.done $0x0  }
0x186: {  	[sflag:s18] =	ssyncadd.s32 $0xFFFFC000  }
0x187: {  	_ =	swait.ge [sflag:s22], $0x4000  }
.Ltmp6:
0x188: {  	[sflag:s22] =	ssyncset.done $0x0;
	(pc) =	sbr.rel @!p1 .LBB2_5-.Ltmp6, $4  }
0x189: {  	[sflag:s22] =	ssyncadd.s32 $0xFFFFC000  }
0x18a: {  	[spmem:s1] =	stream.indirect.scatter.add.f32 [tilespmem:s21], [sflag:$0x3], $0x80, s10, s11, $0xb8;
	[tilespmem:$0x1C800] =	vst v63  }
0x18b: {  	_ =	swait.ge [sflag:s18], $0x4000  }
0x18c: {  	s7 =	smov.u32 s13;
	[sflag:s18] =	ssyncset.done $0x0  }
.Ltmp7:
0x18d: {  	_ = 	snop;
	(pc) =	sbr.rel .LBB2_6-.Ltmp7, $1  }
0x18e: {  	_ =	sdelay $0x3  }
.LBB2_9:
0x18f: {  	_ =	sfence.sel $0x180000  }
0x190: {  	[bflag:$0x0] =	sbarrier.arrive $0xFFFF  }
0x191: {  	_ =	strace $0x9000004A  }
0x192: {  	s0 =	stileid.u32;
	[bflag:$0x2] =	sbarrier.arrive $0xFFFF  }
0x193: {  	p0 =	sne.s32 s0, $0x0;
	s0 =	rddreg [dreg:$0x2]  }
0x194: {  	s0 =	sadd.s32 @!p0 $0x100000, s0  }
0x195: {  	[sflag:s0] =	ssyncadd.tile.s32 @!p0 $0x1;
	_ =	shalt  }
.Lfunc_end2:
_tile_overlayer_lowered:
.L_overlay_start_2:
0x196: {  	(tag) =	ssettag $0x2  }
0x197: {  	s0 =	rddreg [dreg:$0x0];
	s2 =	stileid.u32  }
0x198: {  	s1 =	rddreg [dreg:$0x1];
	p0 =	sne.s32 s2, $0x0  }
0x199: {  	s3 =	rddreg [dreg:$0x2];
	[bflag:$0x3] =	sbarrier.arrive $0xFFFF;
	s2 =	simm.s32 @!p0 $0x1C03  }
0x19a: {  	[timem:s3], [sflag:s2] =	dma.local @!p0 [hbm:s0], s1  }
0x19b: {  	s0 =	simm.s32 @!p0 $0x3  }
0x19c: {  	_ =	swait.ge @!p0 [sflag:s0], s1  }
0x19d: {  	s1 =	ssub.s32 @!p0 $0x0, s1;
	[sflag:s0] =	ssyncset.done @!p0 $0x0  }
0x19e: {  	[sflag:s0] =	ssyncadd.s32 @!p0 s1  }
0x19f: {  	[bflag:$0x3] =	sbarrier.arrive $0xFFFF  }
0x1a0: {  	_ =	shalt  }

// kernel: kernel.14.cloned.1.call-start
scs
__scs_entry_jumppad:
0x0: {  	(pc) =	sbr.rel $0x88, $3  }
0x1: {  	(tag) =	ssettag $0x0;
	lr =	simm.s32 $0x1  }
0x2: {  	[smem:$0x3F92] =	sst lr;
	_ =	strace $0xD0000000  }
0x3: {  	_ = 	snop  }
0x4: {  	_ = 	snop  }
0x5: {  	_ = 	snop  }
0x6: {  	_ = 	snop  }
0x7: {  	_ = 	snop  }
__scs_overlays_trampoline_lowered:
0x8: {  	[smem:$0x3FA1] =	sst s0  }
0x9: {  	[smem:$0x3FA2] =	sst s1  }
0xa: {  	[smem:$0x3FA3] =	sst s2  }
0xb: {  	[smem:$0x3FA4] =	sst s3  }
0xc: {  	[smem:$0x3FA5] =	sst s4  }
0xd: {  	[smem:$0x3FA6] =	sst s5  }
0xe: {  	[smem:$0x3FA7] =	sst s6  }
0xf: {  	[smem:$0x3FA8] =	sst s7  }
0x10: {  	[smem:$0x3FA9] =	sst s8  }
0x11: {  	[smem:$0x3FAA] =	sst s9;
	s0 =	simm.s32 @!p0 $0x0  }
0x12: {  	s1 =	sld [smem:$0x3F90];
	s0 =	simm.s32 @p0 $0x1  }
0x13: {  	[smem:$0x3FAB] =	sst s0;
	s0 =	simm.s32 @!p1 $0x0  }
0x14: {  	s2 =	sld [smem:$0x3F8F];
	s0 =	simm.s32 @p1 $0x1  }
0x15: {  	[smem:$0x3FAC] =	sst s0;
	s0 =	simm.s32 @!p2 $0x0  }
0x16: {  	s3 =	sld [smem:$0x3FDB];
	s0 =	simm.s32 @p2 $0x1  }
0x17: {  	s4 =	simm.s32 $0x1BF5;
	[smem:$0x3FAE] =	sst s0  }
0x18: {  	s0 =	sld [smem:$0x3F91];
	_ =	swait.ge [sflag:s4], $0x0  }
0x19: {  	s7 =	sld [smem:$0x3F92]  }
0x1a: {  	s8 =	sadd.s32 $0xFFFFE003, lr  }
0x1b: {  	s9 =	sadd.s32 $0xFFFFFEF7, lr;
	s5 =	simm.s32 $0xFFFFFFFF;
	p2 =	slt.u32 s8, $0xFFFFF086  }
0x1c: {  	p1 =	slt.u32 s9, $0xF7A;
	s5 =	simm.s32 @!p2 $0x0  }
0x1d: {  	s5 =	simm.s32 @p1 $0x1;
	p0 =	seq.s32 s7, s2  }
0x1e: {  	s7 =	smul.u32 @!p0 $0xF7A, s2;
	p2 =	seq.s32 @!p0 s5, $0x0  }
0x1f: {  	s9 =	smul.u32 $0xF7A, s1;
	s8 =	simm.s32 @!p0 $0x1BF5;
	p2 =	por !p2, p0  }
0x20: {  	[sflag:s8] =	ssyncset.s32 @!p0 $0xFFFFF086;
	s6 =	sadd.s32 @!p0 s3, s7;
	s7 =	simm.s32 @!p0 $0x108  }
0x21: {  	s3 =	sadd.s32 s3, s9;
	s6 =	sadd.s32 @!p0 $0x88, s6;
	s7 =	simm.s32 @p2 $0x1082  }
0x22: {  	[simem:s7], [sflag:s8] =	dma.local @!p0 [hbm:s6], $0xF7A  }
0x23: {  	s9 =	sor.u32 $0xD0000000, s2;
	s6 =	simm.s32 $0x108;
	_ =	swait.ge @!p0 [sflag:s8], $0x0  }
0x24: {  	s3 =	sadd.s32 $0x88, s3;
	s6 =	simm.s32 @!p1 $0x1082;
	[sflag:s4] =	ssyncset.s32 $0xFFFFF086  }
0x25: {  	[simem:s6], [sflag:s4] =	dma.local [hbm:s3], $0xF7A  }
0x26: {  	[smem:$0x3F92] =	sst s1;
	(tag) =	ssettag s2;
	_ =	strace s9  }
0x27: {  	s1 =	sld [smem:$0x3FA2]  }
0x28: {  	s2 =	sld [smem:$0x3FA3]  }
0x29: {  	s4 =	sld [smem:$0x3FA5]  }
0x2a: {  	p0 =	seq.s32 s5, $0x0;
	s5 =	sld [smem:$0x3FA6]  }
0x2b: {  	s6 =	sld [smem:$0x3FA7]  }
0x2c: {  	s7 =	sld [smem:$0x3FA8]  }
0x2d: {  	s3 =	simm.s32 $0x108;
	s8 =	sld [smem:$0x3FA9]  }
0x2e: {  	s3 =	simm.s32 @!p0 $0x1082;
	s9 =	sld [smem:$0x3FAA]  }
0x2f: {  	lr =	sadd.s32 s0, s3;
	s0 =	sld [smem:$0x3FA1]  }
0x30: {  	s3 =	sld [smem:$0x3FA4]  }
0x31: {  	[smem:$0x3FAD] =	sst s10  }
0x32: {  	s10 =	sld [smem:$0x3FAB];
	_ =	sdelay $0x3  }
0x33: {  	p0 =	seq.s32 s10, $0x1;
	s10 =	sld [smem:$0x3FAD];
	_ =	sdelay $0x3  }
0x34: {  	[smem:$0x3FAD] =	sst s10  }
0x35: {  	s10 =	sld [smem:$0x3FAC];
	_ =	sdelay $0x3  }
0x36: {  	p1 =	seq.s32 s10, $0x1;
	s10 =	sld [smem:$0x3FAD];
	_ =	sdelay $0x3  }
0x37: {  	[smem:$0x3FAD] =	sst s10  }
0x38: {  	s10 =	sld [smem:$0x3FAE]  }
0x39: {  	_ = 	snop;
	(pc) =	sbr.ind lr, $3  }
0x3a: {  	_ = 	snop  }
0x3b: {  	_ = 	snop  }
0x3c: {  	p2 =	seq.s32 s10, $0x1;
	s10 =	sld [smem:$0x3FAD]  }
0x3d: {  	_ =	shalt  }
0x3e: {  	_ =	shalt  }
0x3f: {  	_ =	shalt  }
0x40: {  	_ =	shalt  }
0x41: {  	_ =	shalt  }
0x42: {  	_ =	shalt  }
0x43: {  	_ =	shalt  }
0x44: {  	_ =	shalt  }
0x45: {  	_ =	shalt  }
0x46: {  	_ =	shalt  }
0x47: {  	_ =	shalt  }
0x48: {  	_ =	shalt  }
0x49: {  	_ =	shalt  }
0x4a: {  	_ =	shalt  }
0x4b: {  	_ =	shalt  }
0x4c: {  	_ =	shalt  }
0x4d: {  	_ =	shalt  }
0x4e: {  	_ =	shalt  }
0x4f: {  	_ =	shalt  }
0x50: {  	_ =	shalt  }
0x51: {  	_ =	shalt  }
0x52: {  	_ =	shalt  }
0x53: {  	_ =	shalt  }
0x54: {  	_ =	shalt  }
0x55: {  	_ =	shalt  }
0x56: {  	_ =	shalt  }
0x57: {  	_ =	shalt  }
0x58: {  	_ =	shalt  }
0x59: {  	_ =	shalt  }
0x5a: {  	_ =	shalt  }
0x5b: {  	_ =	shalt  }
0x5c: {  	_ =	shalt  }
0x5d: {  	_ =	shalt  }
0x5e: {  	_ =	shalt  }
0x5f: {  	_ =	shalt  }
0x60: {  	_ =	shalt  }
0x61: {  	_ =	shalt  }
0x62: {  	_ =	shalt  }
0x63: {  	_ =	shalt  }
0x64: {  	_ =	shalt  }
0x65: {  	_ =	shalt  }
0x66: {  	_ =	shalt  }
0x67: {  	_ =	shalt  }
0x68: {  	_ =	shalt  }
0x69: {  	_ =	shalt  }
0x6a: {  	_ =	shalt  }
0x6b: {  	_ =	shalt  }
0x6c: {  	_ =	shalt  }
0x6d: {  	_ =	shalt  }
0x6e: {  	_ =	shalt  }
0x6f: {  	_ =	shalt  }
0x70: {  	_ =	shalt  }
0x71: {  	_ =	shalt  }
0x72: {  	_ =	shalt  }
0x73: {  	_ =	shalt  }
0x74: {  	_ =	shalt  }
0x75: {  	_ =	shalt  }
0x76: {  	_ =	shalt  }
0x77: {  	_ =	shalt  }
0x78: {  	_ =	shalt  }
0x79: {  	_ =	shalt  }
0x7a: {  	_ =	shalt  }
0x7b: {  	_ =	shalt  }
0x7c: {  	_ =	shalt  }
0x7d: {  	_ =	shalt  }
0x7e: {  	_ =	shalt  }
0x7f: {  	_ =	shalt  }
0x80: {  	_ =	shalt  }
0x81: {  	_ =	shalt  }
0x82: {  	_ =	shalt  }
0x83: {  	_ =	shalt  }
0x84: {  	_ =	shalt  }
0x85: {  	_ =	shalt  }
0x86: {  	_ =	shalt  }
0x87: {  	_ =	shalt  }
.Lfunc_end0:
.L_simem_size_0:
called_computation.2_lowered:
.L_overlay_start_0:
0x88: {  	s2 =	sld [smem:$0x3FD9]  }
0x89: {  	s3 =	sld [smem:$0x3FFE];
	_ =	sdelay $0x1  }
0x8a: {  	s1 =	srdreg.scid  }
0x8b: {  	s0 =	sand.u32 $0x1, s1  }
0x8c: {  	s16 =	sshll.u32 s0, $0xA;
	s2 =	sadd.s32 s3, s2  }
0x8d: {  	s2 =	sadd.s32 s2, s16  }
0x8e: {  	[smem:$0x3FB9] =	sst s2  }
0x8f: {  	_ = 	snop  }
0x90: {  	(tm) =	ssettm $0x1  }
0x91: {  	s17 =	sld [smem:$0x3FFB];
	_ =	sdelay $0x3  }
0x92: {  	_ =	strace s17  }
0x93: {  	s2 =	sld [smem:$0x3FFC];
	_ =	sdelay $0x3  }
0x94: {  	_ =	strace s2  }
0x95: {  	s2 =	sld [smem:$0x3FFD];
	_ =	sdelay $0x3  }
0x96: {  	_ =	strace s2  }
0x97: {  	_ =	strace $0x8FFFFFFF  }
0x98: {  	s18 =	sld [smem:$0x3FDB];
	_ =	sdelay $0x1  }
0x99: {  	s19 =	simm.s32 $_scs_section_size  }
0x9a: {  	s4 =	simm.s32 $_size__tile_overlayer_lowered;
	s5 =	simm.s32 $_tile_overlayer_lowered  }
0x9b: {  	s22 =	simm.s32 $0x1BFF;
	s21 =	sshll.u32 s5, $0x1;
	s2 =	sadd.s32 s19, s18  }
0x9c: {  	s6 =	simm.s32 $0x0;
	s20 =	sshll.u32 s4, $0x1;
	s4 =	sadd.s32 s21, s2  }
0x9d: {  	[timem:s6], [sflag:s22] =	dma.local [hbm:s4], s20  }
0x9e: {  	_ =	swait.ge [sflag:s22], s20  }
0x9f: {  	s3 =	ssub.s32 $0x0, s20;
	[sflag:s22] =	ssyncset.done $0x0  }
0xa0: {  	[sflag:s22] =	ssyncadd.s32 s3;
	_ =	sdelay $0x1  }
0xa1: {  	s23 =	simm.s32 $0x1B8B  }
0xa2: {  	_ =	swait.ge [sflag:s23], $0x1  }
0xa3: {  	[sflag:s23] =	ssyncset.done $0x0  }
0xa4: {  	s25 =	simm.s32 $0x1B8E;
	s24 =	sld [smem:$0x3FFE];
	[sflag:s23] =	ssyncadd.s32 $0xFFFFFFFF  }
0xa5: {  	s26 =	simm.s32 $execute0_lowered;
	[smem:$0x3FD2] =	sst s25  }
0xa6: {  	s4 =	sshll.u32 s26, $0x1;
	_ =	strace $0x8000004C;
	[dreg:$0x1] =	wrdreg $0xFFFFFFFF  }
0xa7: {  	s28 =	simm.s32 $_size_execute0_lowered;
	s2 =	sadd.s32 s2, s4;
	[dreg:$0x0] =	wrdreg $0x0  }
0xa8: {  	s4 =	sshll.u32 s28, $0x1;
	[dreg:$0x2] =	wrdreg s2  }
0xa9: {  	[dreg:$0x3] =	wrdreg s4  }
0xaa: {  	[dreg:$0x4] =	wrdreg $0xC0  }
0xab: {  	_ =	task [dreg:s6], $0x5FFFF  }
0xac: {  	[dreg:$0x1] =	wrdreg $0xFFFFFFFF  }
0xad: {  	[dreg:$0x0] =	wrdreg $0x60  }
0xae: {  	[dreg:$0x2] =	wrdreg s24  }
0xaf: {  	[dreg:$0x3] =	wrdreg $0x88000  }
0xb0: {  	[dreg:$0x4] =	wrdreg $0x9  }
0xb1: {  	_ =	task.clear_ibuf [dreg:s6], $0x5FFFF;
	_ =	strace $0x9000004C  }
0xb2: {  	s29 =	simm.s32 $0x9;
	_ =	strace $0x8000004E  }
0xb3: {  	_ =	swait.ge [sflag:s29], $0x1  }
0xb4: {  	[sflag:s29] =	ssyncadd.s32 $0xFFFFFFFF  }
0xb5: {  	_ =	strace $0x9000004E  }
0xb6: {  	_ =	sfence  }
0xb7: {  	s30 =	sld [smem:$0x0];
	_ =	sdelay $0x2  }
0xb8: {  	s31 =	sshll.u32 s1, $0xD;
	s1 =	sshrl.u32 s1, $0x2  }
0xb9: {  	s3 =	sand.u32 $0x4000, s31;
	s1 =	sadd.s32 s1, s30  }
0xba: {  	s0 =	sor.u32 s3, s0;
	s1 =	sshll.u32 s1, $0x11  }
0xbb: {  	s0 =	sor.u32 s1, s0  }
0xbc: {  	s0 =	sadd.s32 $0x8F2B, s0  }
0xbd: {  	[sflag:s0] =	ssyncadd.remote.s32 $0x1  }
0xbe: {  	_ =	sfence.sel $0xFFFF  }
0xbf: {  	[dreg:$0x0] =	wrdreg $0xFFFFFFFF;
	(pc) =	sbr.abs _section_cstart, $3  }
0xc0: {  	[dreg:$0x1] =	wrdreg $0xFFFFFFFF  }
0xc1: {  	_ =	task.clear_ibuf [dreg:s6], $0x2FFFF;
	_ =	strace $0x9FFFFFFF  }
0xc2: {  	(tm) =	ssettm $0x7FFFFFFF  }
0xc3: {  	_ =	shalt  }
tec
execute0_lowered:
.L_overlay_start_1:
0x0: {  	(tag) =	ssettag $0x1  }
0x1: {  	s0 =	rddreg [dreg:$0x0]  }
0x2: {  	s1 =	rddreg [dreg:$0x1]  }
0x3: {  	s3 =	simm.s32 $0x0;
	s2 =	srdreg.scid;
	s11 =	stileid.u32  }
0x4: {  	s17 =	simm.s32 $0x800;
	s18 =	simm.s32 $0x3;
	s28 =	simm.s32 $0x200  }
0x5: {  	s29 =	simm.s32 $0x580;
	s30 =	simm.s32 $0x280;
	s31 =	simm.s32 $0x600  }
0x6: {  	[smem:$0x7FF] =	sst s3;
	s2 =	sand.u32 $0x1, s2;
	s8 =	smul.u32 $0x14000, s11  }
0x7: {  	s4 =	sadd.s32 $0x17200, s0;
	s14 =	sadd.s32 $0x3200, s0;
	s9 =	smul.u32 $0x50000, s11  }
0x8: {  	s13 =	sadd.s32 $0xD200, s0;
	s24 =	sshll.u32 s11, $0x8;
	s25 =	smul.u32 $0x900, s11  }
0x9: {  	s11 =	simm.s32 $0x80;
	s7 =	smul.u32 $0x140000, s2;
	_ =	strace $0x8000004D  }
0xa: {  	s19 =	ssub.s32 $0x2, s2;
	p0 =	seq.s32 s2, $0x1;
	s12 =	sor.u32 $0x9000, s24  }
0xb: {  	s24 =	simm.s32 $0x480;
	s2 =	simm.s32 $0x680;
	[dreg:$0x3] =	wrdreg s14  }
0xc: {  	[dreg:$0x4] =	wrdreg s13;
	s10 =	sshrl.u32 s19, $0x1;
	s9 =	sshrl.u32 s9, $0x2  }
0xd: {  	s15 =	sadd.s32 s25, s13;
	s16 =	sadd.s32 s25, s14;
	s25 =	simm.s32 $0x180  }
0xe: {  	s7 =	sadd.s32 s8, s7;
	s20 =	ssub.s32 s19, s10;
	s6 =	sadd.s32 s9, s1  }
0xf: {  	s19 =	simm.s32 $0x400;
	s8 =	simm.s32 $0x380;
	s9 =	simm.s32 $0x700  }
0x10: {  	s10 =	simm.s32 $0x780;
	s21 =	sadd.s32 $0x4000, s6;
	[dreg:$0x5] =	wrdreg s6  }
0x11: {  	s7 =	sshrl.u32 s7, $0x3;
	s22 =	sadd.s32 $0x8000, s6;
	[dreg:$0x6] =	wrdreg s21  }
0x12: {  	s23 =	sadd.s32 $0xC000, s6;
	s6 =	sadd.s32 $0x10000, s6;
	[dreg:$0x7] =	wrdreg s22  }
.Ltmp0:
0x13: {  	s26 =	smax.u32 s20, $0x1;
	[dreg:$0x8] =	wrdreg s23;
	(pc) =	sbr.rel .LBB2_1-.Ltmp0, $4  }
0x14: {  	s20 =	simm.s32 $0x1;
	s0 =	sadd.s32 s7, s0;
	[dreg:$0x9] =	wrdreg s6  }
0x15: {  	[dreg:$0xb] =	wrdreg s26;
	s21 =	simm.s32 $0x4800;
	s22 =	simm.s32 $0x2  }
0x16: {  	s23 =	simm.s32 $0x100;
	s26 =	simm.s32 $0x500;
	s0 =	sadd.s32 $0x3E400, s0  }
0x17: {  	v0 =	vimm.f32 $0.0e+00;
	s6 =	simm.s32 $0x0;
	[dreg:$0xa] =	wrdreg s0;
	s0 =	simm.s32 $0x300  }
.LBB2_6:
0x18: {  	s5 =	sadd.s32 s14, s16;
	[sflag:s18] =	ssyncadd.s32 $0xFFFFC000  }
0x19: {  	[tilespmem:s3], [sflag:$0x3] =	stream.linear.gather [hbm4b:s5+s3], $0x400, $0x38;
	[tilespmem:$0x1C800] =	vst v63  }
0x1a: {  	_ =	swait.ge [sflag:s18], $0x400  }
0x1b: {  	[sflag:s18] =	ssyncset.done $0x0  }
0x1c: {  	s14 =	sadd.s32 s14, s15;
	[sflag:s18] =	ssyncadd.s32 $0xFFFFFC00  }
0x1d: {  	[tilespmem:s19], [sflag:$0x3] =	stream.linear.gather [hbm4b:s14+s3], $0x400, $0x38;
	[tilespmem:$0x1C800] =	vst v63  }
0x1e: {  	_ =	swait.ge [sflag:s18], $0x400  }
0x1f: {  	[sflag:s18] =	ssyncset.done $0x0  }
0x20: {  	[sflag:s18] =	ssyncadd.s32 $0xFFFFFC00  }
0x21: {  	[tilespmem:s17], [sflag:$0x1] =	stream.indirect.gather [hbm4b:s4+s11], $0x80, s3, s11, $0xb8;
	[tilespmem:$0x1C800] =	vst v63  }
0x22: {  	_ =	swait.ge [sflag:s20], $0x4000  }
0x23: {  	[sflag:s20] =	ssyncset.done $0x0  }
0x24: {  	[sflag:s20] =	ssyncadd.s32 $0xFFFFC000  }
0x25: {  	[tilespmem:s21], [sflag:$0x2] =	stream.indirect.gather [hbm4b:s4+s11], $0x80, s11, s11, $0xb8;
	[tilespmem:$0x1C800] =	vst v63  }
0x26: {  	_ = 	snop  }
0x27: {  	[spmem:s1] =	stream.indirect.scatter.add.f32 [tilespmem:s17], [sflag:$0x3], $0x80, s19, s11, $0xb8;
	[tilespmem:$0x1C800] =	vst v63  }
0x28: {  	_ =	swait.ge [sflag:s18], $0x4000  }
0x29: {  	[sflag:s18] =	ssyncset.done $0x0  }
0x2a: {  	[sflag:s18] =	ssyncadd.s32 $0xFFFFC000  }
0x2b: {  	_ =	swait.ge [sflag:s22], $0x4000  }
0x2c: {  	[sflag:s22] =	ssyncset.done $0x0  }
0x2d: {  	[sflag:s22] =	ssyncadd.s32 $0xFFFFC000  }
0x2e: {  	[tilespmem:s17], [sflag:$0x1] =	stream.indirect.gather [hbm4b:s4+s11], $0x80, s23, s11, $0xb8;
	[tilespmem:$0x1C800] =	vst v63  }
0x2f: {  	_ = 	snop  }
0x30: {  	[spmem:s1] =	stream.indirect.scatter.add.f32 [tilespmem:s21], [sflag:$0x3], $0x80, s24, s11, $0xb8;
	[tilespmem:$0x1C800] =	vst v63  }
0x31: {  	_ =	swait.ge [sflag:s18], $0x4000  }
0x32: {  	[sflag:s18] =	ssyncset.done $0x0  }
0x33: {  	[sflag:s18] =	ssyncadd.s32 $0xFFFFC000  }
0x34: {  	_ =	swait.ge [sflag:s20], $0x4000  }
0x35: {  	[sflag:s20] =	ssyncset.done $0x0  }
0x36: {  	[sflag:s20] =	ssyncadd.s32 $0xFFFFC000  }
0x37: {  	[tilespmem:s21], [sflag:$0x2] =	stream.indirect.gather [hbm4b:s4+s11], $0x80, s25, s11, $0xb8;
	[tilespmem:$0x1C800] =	vst v63  }
0x38: {  	_ = 	snop  }
0x39: {  	[spmem:s1] =	stream.indirect.scatter.add.f32 [tilespmem:s17], [sflag:$0x3], $0x80, s26, s11, $0xb8;
	[tilespmem:$0x1C800] =	vst v63  }
0x3a: {  	_ =	swait.ge [sflag:s18], $0x4000  }
0x3b: {  	[sflag:s18] =	ssyncset.done $0x0  }
0x3c: {  	[sflag:s18] =	ssyncadd.s32 $0xFFFFC000  }
0x3d: {  	_ =	swait.ge [sflag:s22], $0x4000  }
0x3e: {  	[sflag:s22] =	ssyncset.done $0x0  }
0x3f: {  	[sflag:s22] =	ssyncadd.s32 $0xFFFFC000  }
0x40: {  	[tilespmem:s17], [sflag:$0x1] =	stream.indirect.gather [hbm4b:s4+s11], $0x80, s28, s11, $0xb8;
	[tilespmem:$0x1C800] =	vst v63  }
0x41: {  	_ = 	snop  }
0x42: {  	[spmem:s1] =	stream.indirect.scatter.add.f32 [tilespmem:s21], [sflag:$0x3], $0x80, s29, s11, $0xb8;
	[tilespmem:$0x1C800] =	vst v63  }
0x43: {  	_ =	swait.ge [sflag:s18], $0x4000  }
0x44: {  	[sflag:s18] =	ssyncset.done $0x0  }
0x45: {  	[sflag:s18] =	ssyncadd.s32 $0xFFFFC000  }
0x46: {  	_ =	swait.ge [sflag:s20], $0x4000  }
0x47: {  	[sflag:s20] =	ssyncset.done $0x0  }
0x48: {  	[sflag:s20] =	ssyncadd.s32 $0xFFFFC000  }
0x49: {  	[tilespmem:s21], [sflag:$0x2] =	stream.indirect.gather [hbm4b:s4+s11], $0x80, s30, s11, $0xb8;
	[tilespmem:$0x1C800] =	vst v63  }
0x4a: {  	_ = 	snop  }
0x4b: {  	[spmem:s1] =	stream.indirect.scatter.add.f32 [tilespmem:s17], [sflag:$0x3], $0x80, s31, s11, $0xb8;
	[tilespmem:$0x1C800] =	vst v63  }
0x4c: {  	_ =	swait.ge [sflag:s18], $0x4000  }
0x4d: {  	[sflag:s18] =	ssyncset.done $0x0  }
0x4e: {  	[sflag:s18] =	ssyncadd.s32 $0xFFFFC000  }
0x4f: {  	_ =	swait.ge [sflag:s22], $0x4000  }
0x50: {  	[sflag:s22] =	ssyncset.done $0x0  }
0x51: {  	[sflag:s22] =	ssyncadd.s32 $0xFFFFC000  }
0x52: {  	[tilespmem:s17], [sflag:$0x1] =	stream.indirect.gather [hbm4b:s4+s11], $0x80, s0, s11, $0xb8;
	[tilespmem:$0x1C800] =	vst v63  }
0x53: {  	_ = 	snop  }
0x54: {  	[spmem:s1] =	stream.indirect.scatter.add.f32 [tilespmem:s21], [sflag:$0x3], $0x80, s2, s11, $0xb8;
	[tilespmem:$0x1C800] =	vst v63  }
0x55: {  	_ =	swait.ge [sflag:s18], $0x4000  }
0x56: {  	[sflag:s18] =	ssyncset.done $0x0  }
0x57: {  	[sflag:s18] =	ssyncadd.s32 $0xFFFFC000  }
0x58: {  	_ =	swait.ge [sflag:s20], $0x4000  }
0x59: {  	[sflag:s20] =	ssyncset.done $0x0  }
0x5a: {  	[sflag:s20] =	ssyncadd.s32 $0xFFFFC000  }
0x5b: {  	[tilespmem:s21], [sflag:$0x2] =	stream.indirect.gather [hbm4b:s4+s11], $0x80, s8, s11, $0xb8;
	[tilespmem:$0x1C800] =	vst v63  }
0x5c: {  	_ = 	snop  }
0x5d: {  	[spmem:s1] =	stream.indirect.scatter.add.f32 [tilespmem:s17], [sflag:$0x3], $0x80, s9, s11, $0xb8;
	[tilespmem:$0x1C800] =	vst v63  }
0x5e: {  	_ =	swait.ge [sflag:s18], $0x4000  }
0x5f: {  	[sflag:s18] =	ssyncset.done $0x0  }
0x60: {  	[sflag:s18] =	ssyncadd.s32 $0xFFFFC000  }
0x61: {  	_ =	swait.ge [sflag:s22], $0x4000  }
0x62: {  	[sflag:s22] =	ssyncset.done $0x0  }
0x63: {  	[sflag:s22] =	ssyncadd.s32 $0xFFFFC000  }
0x64: {  	[spmem:s1] =	stream.indirect.scatter.add.f32 [tilespmem:s21], [sflag:$0x3], $0x80, s10, s11, $0xb8;
	[tilespmem:$0x1C800] =	vst v63  }
0x65: {  	_ =	swait.ge [sflag:s18], $0x4000  }
0x66: {  	[sflag:s18] =	ssyncset.done $0x0  }
0x67: {  	s13 =	rddreg [dreg:$0x4];
	[sflag:s18] =	ssyncadd.s32 $0xFFFFC000  }
.LBB2_8:
0x68: {  	s5 =	stileid.u32;
	[bflag:$0x0] =	sbarrier.arrive $0xFFFF  }
0x69: {  	s5 =	sshll.u32 s5, $0x6;
	s6 =	rddreg [dreg:$0x5]  }
0x6a: {  	s7 =	rddreg [dreg:$0xa];
	s5 =	sor.u32 $0x1C03, s5;
	s6 =	sshrl.u32 s6, $0x3  }
0x6b: {  	[hbm:s7], [sflag:s5] =	dma.local [spmem:s6], $0x2800  }
0x6c: {  	_ =	swait.ge [sflag:s18], $0x2800  }
0x6d: {  	s7 =	rddreg [dreg:$0xc]  }
0x6e: {  	s14 =	rddreg [dreg:$0xb];
	s6 =	sadd.s32 $0x1, s7  }
0x6f: {  	p1 =	sne.s32 s6, s14  }
.Ltmp1:
0x70: {  	_ = 	snop;
	(pc) =	sbr.rel @!p1 .LBB2_9-.Ltmp1, $3  }
0x71: {  	_ =	sdelay $0x1  }
0x72: {  	[sflag:s18] =	ssyncset.done $0x0  }
0x73: {  	[sflag:s18] =	ssyncadd.s32 $0xFFFFD800  }
.LBB2_1:
0x74: {  	[dreg:$0xc] =	wrdreg s6;
	s7 =	simm.s32 $0x0;
	s14 =	simm.s32 $0x200  }
.LBB2_2:
0x75: {  	p1 =	sne.s32 s14, $0xFE00;
	[tilespmem:s7+$0x870] =	vst v0  }
0x76: {  	[tilespmem:s7+$0x800] =	vst v0  }
0x77: {  	[tilespmem:s7+$0x810] =	vst v0  }
.Ltmp2:
0x78: {  	[tilespmem:s7+$0x820] =	vst v0;
	(pc) =	sbr.rel @p1 .LBB2_2-.Ltmp2, $4  }
0x79: {  	[tilespmem:s7+$0x830] =	vst v0  }
0x7a: {  	[tilespmem:s7+$0x840] =	vst v0  }
0x7b: {  	[tilespmem:s7+$0x850] =	vst v0  }
0x7c: {  	[tilespmem:s7+$0x860] =	vst v0;
	s7 =	sshra.s32 s14, $0x2;
	s14 =	sadd.s32 $0x200, s14  }
0x7d: {  	[tilespmem:s7+$0x870] =	vst v0  }
0x7e: {  	[tilespmem:s7+$0x800] =	vst v0  }
0x7f: {  	[tilespmem:s7+$0x810] =	vst v0  }
0x80: {  	[tilespmem:s7+$0x820] =	vst v0  }
0x81: {  	[tilespmem:s7+$0x830] =	vst v0  }
0x82: {  	[tilespmem:s7+$0x840] =	vst v0  }
0x83: {  	[tilespmem:s7+$0x850] =	vst v0  }
0x84: {  	[tilespmem:s7+$0x860] =	vst v0;
	s6 =	rddreg [dreg:$0x5]  }
0x85: {  	[spmem:s6] =	stream.linear.scatter [tilespmem:s17], [sflag:$0x3], $0x4000, $0x38;
	[tilespmem:$0x1C800] =	vst v63  }
0x86: {  	_ =	swait.ge [sflag:s18], $0x4000  }
0x87: {  	[sflag:s18] =	ssyncset.done $0x0  }
0x88: {  	s14 =	rddreg [dreg:$0x6];
	[sflag:s18] =	ssyncadd.s32 $0xFFFFC000  }
0x89: {  	[spmem:s14] =	stream.linear.scatter [tilespmem:s17], [sflag:$0x3], $0x4000, $0x38;
	[tilespmem:$0x1C800] =	vst v63  }
0x8a: {  	_ =	swait.ge [sflag:s18], $0x4000  }
0x8b: {  	[sflag:s18] =	ssyncset.done $0x0  }
0x8c: {  	s5 =	rddreg [dreg:$0x7];
	[sflag:s18] =	ssyncadd.s32 $0xFFFFC000  }
0x8d: {  	[spmem:s5] =	stream.linear.scatter [tilespmem:s17], [sflag:$0x3], $0x4000, $0x38;
	[tilespmem:$0x1C800] =	vst v63  }
0x8e: {  	_ =	swait.ge [sflag:s18], $0x4000  }
0x8f: {  	[sflag:s18] =	ssyncset.done $0x0  }
0x90: {  	s7 =	rddreg [dreg:$0x8];
	[sflag:s18] =	ssyncadd.s32 $0xFFFFC000  }
0x91: {  	[spmem:s7] =	stream.linear.scatter [tilespmem:s17], [sflag:$0x3], $0x4000, $0x38;
	[tilespmem:$0x1C800] =	vst v63  }
0x92: {  	_ =	swait.ge [sflag:s18], $0x4000  }
0x93: {  	[sflag:s18] =	ssyncset.done $0x0  }
0x94: {  	s14 =	rddreg [dreg:$0x9];
	[sflag:s18] =	ssyncadd.s32 $0xFFFFC000  }
0x95: {  	[spmem:s14] =	stream.linear.scatter [tilespmem:s17], [sflag:$0x3], $0x4000, $0x38;
	[tilespmem:$0x1C800] =	vst v63  }
.Ltmp3:
0x96: {  	_ =	swait.ge [sflag:s18], $0x4000;
	(pc) =	sbr.rel @!p0 .LBB2_4-.Ltmp3, $4  }
0x97: {  	[sflag:s18] =	ssyncset.done $0x0  }
0x98: {  	[sflag:s18] =	ssyncadd.s32 $0xFFFFC000  }
0x99: {  	[bflag:$0x0] =	sbarrier.arrive $0xFFFF  }
0x9a: {  	p1 =	por $0x1, $0x1;
	s7 =	simm.s32 $0x0;
	s14 =	rddreg [dreg:$0x3]  }
.LBB2_7:
0x9b: {  	s5 =	sor.u32 s12, s7  }
0x9c: {  	s6 =	sadd.s32 s14, s5  }
0x9d: {  	[tilespmem:s3], [sflag:$0x3] =	stream.linear.gather [hbm4b:s6+s3], $0x400, $0x38;
	[tilespmem:$0x1C800] =	vst v63  }
0x9e: {  	_ =	swait.ge [sflag:s18], $0x400  }
0x9f: {  	[sflag:s18] =	ssyncset.done $0x0  }
0xa0: {  	s5 =	sadd.s32 s13, s5;
	[sflag:s18] =	ssyncadd.s32 $0xFFFFFC00  }
0xa1: {  	[tilespmem:s19], [sflag:$0x3] =	stream.linear.gather [hbm4b:s5+s3], $0x400, $0x38;
	[tilespmem:$0x1C800] =	vst v63  }
0xa2: {  	_ =	swait.ge [sflag:s18], $0x400  }
0xa3: {  	[sflag:s18] =	ssyncset.done $0x0  }
0xa4: {  	s7 =	simm.s32 $0x80;
	[sflag:s18] =	ssyncadd.s32 $0xFFFFFC00  }
0xa5: {  	[tilespmem:s17], [sflag:$0x1] =	stream.indirect.gather [hbm4b:s4+s7], $0x80, s3, s7, $0xb8;
	[tilespmem:$0x1C800] =	vst v63  }
0xa6: {  	_ =	swait.ge [sflag:s20], $0x4000  }
0xa7: {  	[sflag:s20] =	ssyncset.done $0x0  }
0xa8: {  	[sflag:s20] =	ssyncadd.s32 $0xFFFFC000  }
0xa9: {  	[tilespmem:s21], [sflag:$0x2] =	stream.indirect.gather [hbm4b:s4+s7], $0x80, s7, s7, $0xb8;
	[tilespmem:$0x1C800] =	vst v63  }
0xaa: {  	_ = 	snop  }
0xab: {  	[spmem:s1] =	stream.indirect.scatter.add.f32 [tilespmem:s17], [sflag:$0x3], $0x80, s19, s7, $0xb8;
	[tilespmem:$0x1C800] =	vst v63  }
0xac: {  	_ =	swait.ge [sflag:s18], $0x4000  }
0xad: {  	[sflag:s18] =	ssyncset.done $0x0  }
0xae: {  	[sflag:s18] =	ssyncadd.s32 $0xFFFFC000  }
0xaf: {  	_ =	swait.ge [sflag:s22], $0x4000  }
0xb0: {  	[sflag:s22] =	ssyncset.done $0x0  }
0xb1: {  	[sflag:s22] =	ssyncadd.s32 $0xFFFFC000  }
0xb2: {  	[tilespmem:s17], [sflag:$0x1] =	stream.indirect.gather [hbm4b:s4+s7], $0x80, s23, s7, $0xb8;
	[tilespmem:$0x1C800] =	vst v63  }
0xb3: {  	_ = 	snop  }
0xb4: {  	[spmem:s1] =	stream.indirect.scatter.add.f32 [tilespmem:s21], [sflag:$0x3], $0x80, s24, s7, $0xb8;
	[tilespmem:$0x1C800] =	vst v63  }
0xb5: {  	_ =	swait.ge [sflag:s18], $0x4000  }
0xb6: {  	[sflag:s18] =	ssyncset.done $0x0  }
0xb7: {  	[sflag:s18] =	ssyncadd.s32 $0xFFFFC000  }
0xb8: {  	_ =	swait.ge [sflag:s20], $0x4000  }
0xb9: {  	[sflag:s20] =	ssyncset.done $0x0  }
0xba: {  	[sflag:s20] =	ssyncadd.s32 $0xFFFFC000  }
0xbb: {  	[tilespmem:s21], [sflag:$0x2] =	stream.indirect.gather [hbm4b:s4+s7], $0x80, s25, s7, $0xb8;
	[tilespmem:$0x1C800] =	vst v63  }
0xbc: {  	_ = 	snop  }
0xbd: {  	[spmem:s1] =	stream.indirect.scatter.add.f32 [tilespmem:s17], [sflag:$0x3], $0x80, s26, s7, $0xb8;
	[tilespmem:$0x1C800] =	vst v63  }
0xbe: {  	_ =	swait.ge [sflag:s18], $0x4000  }
0xbf: {  	[sflag:s18] =	ssyncset.done $0x0  }
0xc0: {  	[sflag:s18] =	ssyncadd.s32 $0xFFFFC000  }
0xc1: {  	_ =	swait.ge [sflag:s22], $0x4000  }
0xc2: {  	[sflag:s22] =	ssyncset.done $0x0  }
0xc3: {  	[sflag:s22] =	ssyncadd.s32 $0xFFFFC000  }
0xc4: {  	[tilespmem:s17], [sflag:$0x1] =	stream.indirect.gather [hbm4b:s4+s7], $0x80, s28, s7, $0xb8;
	[tilespmem:$0x1C800] =	vst v63  }
0xc5: {  	_ = 	snop  }
0xc6: {  	[spmem:s1] =	stream.indirect.scatter.add.f32 [tilespmem:s21], [sflag:$0x3], $0x80, s29, s7, $0xb8;
	[tilespmem:$0x1C800] =	vst v63  }
0xc7: {  	_ =	swait.ge [sflag:s18], $0x4000  }
0xc8: {  	[sflag:s18] =	ssyncset.done $0x0  }
0xc9: {  	[sflag:s18] =	ssyncadd.s32 $0xFFFFC000  }
0xca: {  	_ =	swait.ge [sflag:s20], $0x4000  }
0xcb: {  	[sflag:s20] =	ssyncset.done $0x0  }
0xcc: {  	[sflag:s20] =	ssyncadd.s32 $0xFFFFC000  }
0xcd: {  	[tilespmem:s21], [sflag:$0x2] =	stream.indirect.gather [hbm4b:s4+s7], $0x80, s30, s7, $0xb8;
	[tilespmem:$0x1C800] =	vst v63  }
0xce: {  	_ = 	snop  }
0xcf: {  	[spmem:s1] =	stream.indirect.scatter.add.f32 [tilespmem:s17], [sflag:$0x3], $0x80, s31, s7, $0xb8;
	[tilespmem:$0x1C800] =	vst v63  }
0xd0: {  	_ =	swait.ge [sflag:s18], $0x4000  }
0xd1: {  	[sflag:s18] =	ssyncset.done $0x0  }
0xd2: {  	[sflag:s18] =	ssyncadd.s32 $0xFFFFC000  }
0xd3: {  	_ =	swait.ge [sflag:s22], $0x4000  }
0xd4: {  	[sflag:s22] =	ssyncset.done $0x0  }
0xd5: {  	[sflag:s22] =	ssyncadd.s32 $0xFFFFC000  }
0xd6: {  	[tilespmem:s17], [sflag:$0x1] =	stream.indirect.gather [hbm4b:s4+s7], $0x80, s0, s7, $0xb8;
	[tilespmem:$0x1C800] =	vst v63  }
0xd7: {  	_ = 	snop  }
0xd8: {  	[spmem:s1] =	stream.indirect.scatter.add.f32 [tilespmem:s21], [sflag:$0x3], $0x80, s2, s7, $0xb8;
	[tilespmem:$0x1C800] =	vst v63  }
0xd9: {  	_ =	swait.ge [sflag:s18], $0x4000  }
0xda: {  	[sflag:s18] =	ssyncset.done $0x0  }
0xdb: {  	[sflag:s18] =	ssyncadd.s32 $0xFFFFC000  }
0xdc: {  	_ =	swait.ge [sflag:s20], $0x4000  }
0xdd: {  	[sflag:s20] =	ssyncset.done $0x0  }
0xde: {  	[sflag:s20] =	ssyncadd.s32 $0xFFFFC000  }
0xdf: {  	[tilespmem:s21], [sflag:$0x2] =	stream.indirect.gather [hbm4b:s4+s7], $0x80, s8, s7, $0xb8;
	[tilespmem:$0x1C800] =	vst v63  }
0xe0: {  	_ = 	snop  }
0xe1: {  	[spmem:s1] =	stream.indirect.scatter.add.f32 [tilespmem:s17], [sflag:$0x3], $0x80, s9, s7, $0xb8;
	[tilespmem:$0x1C800] =	vst v63  }
0xe2: {  	_ =	swait.ge [sflag:s18], $0x4000  }
0xe3: {  	[sflag:s18] =	ssyncset.done $0x0  }
0xe4: {  	[sflag:s18] =	ssyncadd.s32 $0xFFFFC000  }
0xe5: {  	_ =	swait.ge [sflag:s22], $0x4000  }
0xe6: {  	p2 =	por p1, p1;
	[sflag:s22] =	ssyncset.done $0x0  }
.Ltmp4:
0xe7: {  	[sflag:s22] =	ssyncadd.s32 $0xFFFFC000;
	(pc) =	sbr.rel @p2 .LBB2_7-.Ltmp4, $4  }
0xe8: {  	[spmem:s1] =	stream.indirect.scatter.add.f32 [tilespmem:s21], [sflag:$0x3], $0x80, s10, s7, $0xb8;
	[tilespmem:$0x1C800] =	vst v63  }
0xe9: {  	_ =	swait.ge [sflag:s18], $0x4000  }
0xea: {  	[sflag:s18] =	ssyncset.done $0x0  }
0xeb: {  	p1 =	por $0x0, $0x0;
	[sflag:s18] =	ssyncadd.s32 $0xFFFFC000  }
.Ltmp5:
0xec: {  	_ = 	snop;
	(pc) =	sbr.rel .LBB2_8-.Ltmp5, $1  }
0xed: {  	_ =	sdelay $0x3  }
.LBB2_4:
0xee: {  	s7 =	sadd.s32 $0x0, s16  }
0xef: {  	[tilespmem:s3], [sflag:$0x3] =	stream.linear.gather [hbm4b:s7+s3], $0x400, $0x38;
	[tilespmem:$0x1C800] =	vst v63  }
0xf0: {  	_ =	swait.ge [sflag:s18], $0x400  }
0xf1: {  	[sflag:s18] =	ssyncset.done $0x0  }
0xf2: {  	s14 =	sadd.s32 $0x0, s15;
	[sflag:s18] =	ssyncadd.s32 $0xFFFFFC00  }
0xf3: {  	[tilespmem:s19], [sflag:$0x3] =	stream.linear.gather [hbm4b:s14+s3], $0x400, $0x38;
	[tilespmem:$0x1C800] =	vst v63  }
0xf4: {  	_ =	swait.ge [sflag:s18], $0x400  }
0xf5: {  	[sflag:s18] =	ssyncset.done $0x0  }
0xf6: {  	[sflag:s18] =	ssyncadd.s32 $0xFFFFFC00  }
0xf7: {  	[tilespmem:s17], [sflag:$0x1] =	stream.indirect.gather [hbm4b:s4+s11], $0x80, s3, s11, $0xb8;
	[tilespmem:$0x1C800] =	vst v63  }
0xf8: {  	_ =	swait.ge [sflag:s20], $0x4000  }
0xf9: {  	[sflag:s20] =	ssyncset.done $0x0  }
0xfa: {  	[sflag:s20] =	ssyncadd.s32 $0xFFFFC000  }
0xfb: {  	[tilespmem:s21], [sflag:$0x2] =	stream.indirect.gather [hbm4b:s4+s11], $0x80, s11, s11, $0xb8;
	[tilespmem:$0x1C800] =	vst v63  }
0xfc: {  	_ = 	snop  }
0xfd: {  	[spmem:s1] =	stream.indirect.scatter.add.f32 [tilespmem:s17], [sflag:$0x3], $0x80, s19, s11, $0xb8;
	[tilespmem:$0x1C800] =	vst v63  }
0xfe: {  	_ =	swait.ge [sflag:s18], $0x4000  }
0xff: {  	[sflag:s18] =	ssyncset.done $0x0  }
0x100: {  	[sflag:s18] =	ssyncadd.s32 $0xFFFFC000  }
0x101: {  	_ =	swait.ge [sflag:s22], $0x4000  }
0x102: {  	[sflag:s22] =	ssyncset.done $0x0  }
0x103: {  	[sflag:s22] =	ssyncadd.s32 $0xFFFFC000  }
0x104: {  	[tilespmem:s17], [sflag:$0x1] =	stream.indirect.gather [hbm4b:s4+s11], $0x80, s23, s11, $0xb8;
	[tilespmem:$0x1C800] =	vst v63  }
0x105: {  	_ = 	snop  }
0x106: {  	[spmem:s1] =	stream.indirect.scatter.add.f32 [tilespmem:s21], [sflag:$0x3], $0x80, s24, s11, $0xb8;
	[tilespmem:$0x1C800] =	vst v63  }
0x107: {  	_ =	swait.ge [sflag:s18], $0x4000  }
0x108: {  	[sflag:s18] =	ssyncset.done $0x0  }
0x109: {  	[sflag:s18] =	ssyncadd.s32 $0xFFFFC000  }
0x10a: {  	_ =	swait.ge [sflag:s20], $0x4000  }
0x10b: {  	[sflag:s20] =	ssyncset.done $0x0  }
0x10c: {  	[sflag:s20] =	ssyncadd.s32 $0xFFFFC000  }
0x10d: {  	[tilespmem:s21], [sflag:$0x2] =	stream.indirect.gather [hbm4b:s4+s11], $0x80, s25, s11, $0xb8;
	[tilespmem:$0x1C800] =	vst v63  }
0x10e: {  	_ = 	snop  }
0x10f: {  	[spmem:s1] =	stream.indirect.scatter.add.f32 [tilespmem:s17], [sflag:$0x3], $0x80, s26, s11, $0xb8;
	[tilespmem:$0x1C800] =	vst v63  }
0x110: {  	_ =	swait.ge [sflag:s18], $0x4000  }
0x111: {  	[sflag:s18] =	ssyncset.done $0x0  }
0x112: {  	[sflag:s18] =	ssyncadd.s32 $0xFFFFC000  }
0x113: {  	_ =	swait.ge [sflag:s22], $0x4000  }
0x114: {  	[sflag:s22] =	ssyncset.done $0x0  }
0x115: {  	[sflag:s22] =	ssyncadd.s32 $0xFFFFC000  }
0x116: {  	[tilespmem:s17], [sflag:$0x1] =	stream.indirect.gather [hbm4b:s4+s11], $0x80, s28, s11, $0xb8;
	[tilespmem:$0x1C800] =	vst v63  }
0x117: {  	_ = 	snop  }
0x118: {  	[spmem:s1] =	stream.indirect.scatter.add.f32 [tilespmem:s21], [sflag:$0x3], $0x80, s29, s11, $0xb8;
	[tilespmem:$0x1C800] =	vst v63  }
0x119: {  	_ =	swait.ge [sflag:s18], $0x4000  }
0x11a: {  	[sflag:s18] =	ssyncset.done $0x0  }
0x11b: {  	[sflag:s18] =	ssyncadd.s32 $0xFFFFC000  }
0x11c: {  	_ =	swait.ge [sflag:s20], $0x4000  }
0x11d: {  	[sflag:s20] =	ssyncset.done $0x0  }
0x11e: {  	[sflag:s20] =	ssyncadd.s32 $0xFFFFC000  }
0x11f: {  	[tilespmem:s21], [sflag:$0x2] =	stream.indirect.gather [hbm4b:s4+s11], $0x80, s30, s11, $0xb8;
	[tilespmem:$0x1C800] =	vst v63  }
0x120: {  	_ = 	snop  }
0x121: {  	[spmem:s1] =	stream.indirect.scatter.add.f32 [tilespmem:s17], [sflag:$0x3], $0x80, s31, s11, $0xb8;
	[tilespmem:$0x1C800] =	vst v63  }
0x122: {  	_ =	swait.ge [sflag:s18], $0x4000  }
0x123: {  	[sflag:s18] =	ssyncset.done $0x0  }
0x124: {  	[sflag:s18] =	ssyncadd.s32 $0xFFFFC000  }
0x125: {  	_ =	swait.ge [sflag:s22], $0x4000  }
0x126: {  	[sflag:s22] =	ssyncset.done $0x0  }
0x127: {  	[sflag:s22] =	ssyncadd.s32 $0xFFFFC000  }
0x128: {  	[tilespmem:s17], [sflag:$0x1] =	stream.indirect.gather [hbm4b:s4+s11], $0x80, s0, s11, $0xb8;
	[tilespmem:$0x1C800] =	vst v63  }
0x129: {  	_ = 	snop  }
0x12a: {  	[spmem:s1] =	stream.indirect.scatter.add.f32 [tilespmem:s21], [sflag:$0x3], $0x80, s2, s11, $0xb8;
	[tilespmem:$0x1C800] =	vst v63  }
0x12b: {  	_ =	swait.ge [sflag:s18], $0x4000  }
0x12c: {  	[sflag:s18] =	ssyncset.done $0x0  }
0x12d: {  	[sflag:s18] =	ssyncadd.s32 $0xFFFFC000  }
0x12e: {  	_ =	swait.ge [sflag:s20], $0x4000  }
0x12f: {  	[sflag:s20] =	ssyncset.done $0x0  }
0x130: {  	[sflag:s20] =	ssyncadd.s32 $0xFFFFC000  }
0x131: {  	[tilespmem:s21], [sflag:$0x2] =	stream.indirect.gather [hbm4b:s4+s11], $0x80, s8, s11, $0xb8;
	[tilespmem:$0x1C800] =	vst v63  }
0x132: {  	_ = 	snop  }
0x133: {  	[spmem:s1] =	stream.indirect.scatter.add.f32 [tilespmem:s17], [sflag:$0x3], $0x80, s9, s11, $0xb8;
	[tilespmem:$0x1C800] =	vst v63  }
0x134: {  	_ =	swait.ge [sflag:s18], $0x4000  }
0x135: {  	[sflag:s18] =	ssyncset.done $0x0  }
0x136: {  	[sflag:s18] =	ssyncadd.s32 $0xFFFFC000  }
0x137: {  	_ =	swait.ge [sflag:s22], $0x4000  }
0x138: {  	[sflag:s22] =	ssyncset.done $0x0  }
0x139: {  	[sflag:s22] =	ssyncadd.s32 $0xFFFFC000  }
0x13a: {  	[spmem:s1] =	stream.indirect.scatter.add.f32 [tilespmem:s21], [sflag:$0x3], $0x80, s10, s11, $0xb8;
	[tilespmem:$0x1C800] =	vst v63  }
0x13b: {  	_ =	swait.ge [sflag:s18], $0x4000  }
0x13c: {  	s7 =	simm.s32 $0x100;
	s14 =	simm.s32 $0x80;
	[sflag:s18] =	ssyncset.done $0x0  }
.LBB2_5:
0x13d: {  	s5 =	sadd.s32 s14, s16  }
0x13e: {  	[sflag:s18] =	ssyncadd.s32 $0xFFFFC000;
	s6 =	smov.u32 s7;
	s13 =	sadd.s32 $0x80, s7  }
0x13f: {  	[tilespmem:s3], [sflag:$0x3] =	stream.linear.gather [hbm4b:s5+s3], $0x400, $0x38;
	[tilespmem:$0x1C800] =	vst v63  }
0x140: {  	p1 =	seq.s32 s7, $0x880;
	_ =	swait.ge [sflag:s18], $0x400  }
0x141: {  	[sflag:s18] =	ssyncset.done $0x0  }
0x142: {  	s5 =	sadd.s32 s14, s15;
	s14 =	smov.u32 s6;
	[sflag:s18] =	ssyncadd.s32 $0xFFFFFC00  }
0x143: {  	[tilespmem:s19], [sflag:$0x3] =	stream.linear.gather [hbm4b:s5+s3], $0x400, $0x38;
	[tilespmem:$0x1C800] =	vst v63  }
0x144: {  	_ =	swait.ge [sflag:s18], $0x400  }
0x145: {  	[sflag:s18] =	ssyncset.done $0x0  }
0x146: {  	[sflag:s18] =	ssyncadd.s32 $0xFFFFFC00  }
0x147: {  	[tilespmem:s17], [sflag:$0x1] =	stream.indirect.gather [hbm4b:s4+s11], $0x80, s3, s11, $0xb8;
	[tilespmem:$0x1C800] =	vst v63  }
0x148: {  	_ =	swait.ge [sflag:s20], $0x4000  }
0x149: {  	[sflag:s20] =	ssyncset.done $0x0  }
0x14a: {  	[sflag:s20] =	ssyncadd.s32 $0xFFFFC000  }
0x14b: {  	[tilespmem:s21], [sflag:$0x2] =	stream.indirect.gather [hbm4b:s4+s11], $0x80, s11, s11, $0xb8;
	[tilespmem:$0x1C800] =	vst v63  }
0x14c: {  	_ = 	snop  }
0x14d: {  	[spmem:s1] =	stream.indirect.scatter.add.f32 [tilespmem:s17], [sflag:$0x3], $0x80, s19, s11, $0xb8;
	[tilespmem:$0x1C800] =	vst v63  }
0x14e: {  	_ =	swait.ge [sflag:s18], $0x4000  }
0x14f: {  	[sflag:s18] =	ssyncset.done $0x0  }
0x150: {  	[sflag:s18] =	ssyncadd.s32 $0xFFFFC000  }
0x151: {  	_ =	swait.ge [sflag:s22], $0x4000  }
0x152: {  	[sflag:s22] =	ssyncset.done $0x0  }
0x153: {  	[sflag:s22] =	ssyncadd.s32 $0xFFFFC000  }
0x154: {  	[tilespmem:s17], [sflag:$0x1] =	stream.indirect.gather [hbm4b:s4+s11], $0x80, s23, s11, $0xb8;
	[tilespmem:$0x1C800] =	vst v63  }
0x155: {  	_ = 	snop  }
0x156: {  	[spmem:s1] =	stream.indirect.scatter.add.f32 [tilespmem:s21], [sflag:$0x3], $0x80, s24, s11, $0xb8;
	[tilespmem:$0x1C800] =	vst v63  }
0x157: {  	_ =	swait.ge [sflag:s18], $0x4000  }
0x158: {  	[sflag:s18] =	ssyncset.done $0x0  }
0x159: {  	[sflag:s18] =	ssyncadd.s32 $0xFFFFC000  }
0x15a: {  	_ =	swait.ge [sflag:s20], $0x4000  }
0x15b: {  	[sflag:s20] =	ssyncset.done $0x0  }
0x15c: {  	[sflag:s20] =	ssyncadd.s32 $0xFFFFC000  }
0x15d: {  	[tilespmem:s21], [sflag:$0x2] =	stream.indirect.gather [hbm4b:s4+s11], $0x80, s25, s11, $0xb8;
	[tilespmem:$0x1C800] =	vst v63  }
0x15e: {  	_ = 	snop  }
0x15f: {  	[spmem:s1] =	stream.indirect.scatter.add.f32 [tilespmem:s17], [sflag:$0x3], $0x80, s26, s11, $0xb8;
	[tilespmem:$0x1C800] =	vst v63  }
0x160: {  	_ =	swait.ge [sflag:s18], $0x4000  }
0x161: {  	[sflag:s18] =	ssyncset.done $0x0  }
0x162: {  	[sflag:s18] =	ssyncadd.s32 $0xFFFFC000  }
0x163: {  	_ =	swait.ge [sflag:s22], $0x4000  }
0x164: {  	[sflag:s22] =	ssyncset.done $0x0  }
0x165: {  	[sflag:s22] =	ssyncadd.s32 $0xFFFFC000  }
0x166: {  	[tilespmem:s17], [sflag:$0x1] =	stream.indirect.gather [hbm4b:s4+s11], $0x80, s28, s11, $0xb8;
	[tilespmem:$0x1C800] =	vst v63  }
0x167: {  	_ = 	snop  }
0x168: {  	[spmem:s1] =	stream.indirect.scatter.add.f32 [tilespmem:s21], [sflag:$0x3], $0x80, s29, s11, $0xb8;
	[tilespmem:$0x1C800] =	vst v63  }
0x169: {  	_ =	swait.ge [sflag:s18], $0x4000  }
0x16a: {  	[sflag:s18] =	ssyncset.done $0x0  }
0x16b: {  	[sflag:s18] =	ssyncadd.s32 $0xFFFFC000  }
0x16c: {  	_ =	swait.ge [sflag:s20], $0x4000  }
0x16d: {  	[sflag:s20] =	ssyncset.done $0x0  }
0x16e: {  	[sflag:s20] =	ssyncadd.s32 $0xFFFFC000  }
0x16f: {  	[tilespmem:s21], [sflag:$0x2] =	stream.indirect.gather [hbm4b:s4+s11], $0x80, s30, s11, $0xb8;
	[tilespmem:$0x1C800] =	vst v63  }
0x170: {  	_ = 	snop  }
0x171: {  	[spmem:s1] =	stream.indirect.scatter.add.f32 [tilespmem:s17], [sflag:$0x3], $0x80, s31, s11, $0xb8;
	[tilespmem:$0x1C800] =	vst v63  }
0x172: {  	_ =	swait.ge [sflag:s18], $0x4000  }
0x173: {  	[sflag:s18] =	ssyncset.done $0x0  }
0x174: {  	[sflag:s18] =	ssyncadd.s32 $0xFFFFC000  }
0x175: {  	_ =	swait.ge [sflag:s22], $0x4000  }
0x176: {  	[sflag:s22] =	ssyncset.done $0x0  }
0x177: {  	[sflag:s22] =	ssyncadd.s32 $0xFFFFC000  }
0x178: {  	[tilespmem:s17], [sflag:$0x1] =	stream.indirect.gather [hbm4b:s4+s11], $0x80, s0, s11, $0xb8;
	[tilespmem:$0x1C800] =	vst v63  }
0x179: {  	_ = 	snop  }
0x17a: {  	[spmem:s1] =	stream.indirect.scatter.add.f32 [tilespmem:s21], [sflag:$0x3], $0x80, s2, s11, $0xb8;
	[tilespmem:$0x1C800] =	vst v63  }
0x17b: {  	_ =	swait.ge [sflag:s18], $0x4000  }
0x17c: {  	[sflag:s18] =	ssyncset.done $0x0  }
0x17d: {  	[sflag:s18] =	ssyncadd.s32 $0xFFFFC000  }
0x17e: {  	_ =	swait.ge [sflag:s20], $0x4000  }
0x17f: {  	[sflag:s20] =	ssyncset.done $0x0  }
0x180: {  	[sflag:s20] =	ssyncadd.s32 $0xFFFFC000  }
0x181: {  	[tilespmem:s21], [sflag:$0x2] =	stream.indirect.gather [hbm4b:s4+s11], $0x80, s8, s11, $0xb8;
	[tilespmem:$0x1C800] =	vst v63  }
0x182: {  	_ = 	snop  }
0x183: {  	[spmem:s1] =	stream.indirect.scatter.add.f32 [tilespmem:s17], [sflag:$0x3], $0x80, s9, s11, $0xb8;
	[tilespmem:$0x1C800] =	vst v63  }
0x184: {  	_ =	swait.ge [sflag:s18], $0x4000  }
0x185: {  	[sflag:s18] =	ssyncset.done $0x0  }
0x186: {  	[sflag:s18] =	ssyncadd.s32 $0xFFFFC000  }
0x187: {  	_ =	swait.ge [sflag:s22], $0x4000  }
.Ltmp6:
0x188: {  	[sflag:s22] =	ssyncset.done $0x0;
	(pc) =	sbr.rel @!p1 .LBB2_5-.Ltmp6, $4  }
0x189: {  	[sflag:s22] =	ssyncadd.s32 $0xFFFFC000  }
0x18a: {  	[spmem:s1] =	stream.indirect.scatter.add.f32 [tilespmem:s21], [sflag:$0x3], $0x80, s10, s11, $0xb8;
	[tilespmem:$0x1C800] =	vst v63  }
0x18b: {  	_ =	swait.ge [sflag:s18], $0x4000  }
0x18c: {  	s7 =	smov.u32 s13;
	[sflag:s18] =	ssyncset.done $0x0  }
.Ltmp7:
0x18d: {  	_ = 	snop;
	(pc) =	sbr.rel .LBB2_6-.Ltmp7, $1  }
0x18e: {  	_ =	sdelay $0x3  }
.LBB2_9:
0x18f: {  	_ =	sfence.sel $0x180000  }
0x190: {  	[bflag:$0x0] =	sbarrier.arrive $0xFFFF  }
0x191: {  	_ =	strace $0x9000004D  }
0x192: {  	s0 =	stileid.u32;
	[bflag:$0x2] =	sbarrier.arrive $0xFFFF  }
0x193: {  	p0 =	sne.s32 s0, $0x0;
	s0 =	rddreg [dreg:$0x2]  }
0x194: {  	s0 =	sadd.s32 @!p0 $0x100000, s0  }
0x195: {  	[sflag:s0] =	ssyncadd.tile.s32 @!p0 $0x1;
	_ =	shalt  }
.Lfunc_end2:
_tile_overlayer_lowered:
.L_overlay_start_2:
0x196: {  	(tag) =	ssettag $0x2  }
0x197: {  	s0 =	rddreg [dreg:$0x0];
	s2 =	stileid.u32  }
0x198: {  	s1 =	rddreg [dreg:$0x1];
	p0 =	sne.s32 s2, $0x0  }
0x199: {  	s3 =	rddreg [dreg:$0x2];
	[bflag:$0x3] =	sbarrier.arrive $0xFFFF;
	s2 =	simm.s32 @!p0 $0x1C03  }
0x19a: {  	[timem:s3], [sflag:s2] =	dma.local @!p0 [hbm:s0], s1  }
0x19b: {  	s0 =	simm.s32 @!p0 $0x3  }
0x19c: {  	_ =	swait.ge @!p0 [sflag:s0], s1  }
0x19d: {  	s1 =	ssub.s32 @!p0 $0x0, s1;
	[sflag:s0] =	ssyncset.done @!p0 $0x0  }
0x19e: {  	[sflag:s0] =	ssyncadd.s32 @!p0 s1  }
0x19f: {  	[bflag:$0x3] =	sbarrier.arrive $0xFFFF  }
0x1a0: {  	_ =	shalt  }

// kernel: kernel.8.cloned.1.call-start
scs
__scs_entry_jumppad:
0x0: {  	(pc) =	sbr.rel $0x88, $3  }
0x1: {  	(tag) =	ssettag $0x0;
	lr =	simm.s32 $0x1  }
0x2: {  	[smem:$0x3F92] =	sst lr;
	_ =	strace $0xD0000000  }
0x3: {  	_ = 	snop  }
0x4: {  	_ = 	snop  }
0x5: {  	_ = 	snop  }
0x6: {  	_ = 	snop  }
0x7: {  	_ = 	snop  }
__scs_overlays_trampoline_lowered:
0x8: {  	[smem:$0x3FA1] =	sst s0  }
0x9: {  	[smem:$0x3FA2] =	sst s1  }
0xa: {  	[smem:$0x3FA3] =	sst s2  }
0xb: {  	[smem:$0x3FA4] =	sst s3  }
0xc: {  	[smem:$0x3FA5] =	sst s4  }
0xd: {  	[smem:$0x3FA6] =	sst s5  }
0xe: {  	[smem:$0x3FA7] =	sst s6  }
0xf: {  	[smem:$0x3FA8] =	sst s7  }
0x10: {  	[smem:$0x3FA9] =	sst s8  }
0x11: {  	[smem:$0x3FAA] =	sst s9;
	s0 =	simm.s32 @!p0 $0x0  }
0x12: {  	s1 =	sld [smem:$0x3F90];
	s0 =	simm.s32 @p0 $0x1  }
0x13: {  	[smem:$0x3FAB] =	sst s0;
	s0 =	simm.s32 @!p1 $0x0  }
0x14: {  	s2 =	sld [smem:$0x3F8F];
	s0 =	simm.s32 @p1 $0x1  }
0x15: {  	[smem:$0x3FAC] =	sst s0;
	s0 =	simm.s32 @!p2 $0x0  }
0x16: {  	s3 =	sld [smem:$0x3FDB];
	s0 =	simm.s32 @p2 $0x1  }
0x17: {  	s4 =	simm.s32 $0x1BF5;
	[smem:$0x3FAE] =	sst s0  }
0x18: {  	s0 =	sld [smem:$0x3F91];
	_ =	swait.ge [sflag:s4], $0x0  }
0x19: {  	s7 =	sld [smem:$0x3F92]  }
0x1a: {  	s8 =	sadd.s32 $0xFFFFE003, lr  }
0x1b: {  	s9 =	sadd.s32 $0xFFFFFEF7, lr;
	s5 =	simm.s32 $0xFFFFFFFF;
	p2 =	slt.u32 s8, $0xFFFFF086  }
0x1c: {  	p1 =	slt.u32 s9, $0xF7A;
	s5 =	simm.s32 @!p2 $0x0  }
0x1d: {  	s5 =	simm.s32 @p1 $0x1;
	p0 =	seq.s32 s7, s2  }
0x1e: {  	s7 =	smul.u32 @!p0 $0xF7A, s2;
	p2 =	seq.s32 @!p0 s5, $0x0  }
0x1f: {  	s9 =	smul.u32 $0xF7A, s1;
	s8 =	simm.s32 @!p0 $0x1BF5;
	p2 =	por !p2, p0  }
0x20: {  	[sflag:s8] =	ssyncset.s32 @!p0 $0xFFFFF086;
	s6 =	sadd.s32 @!p0 s3, s7;
	s7 =	simm.s32 @!p0 $0x108  }
0x21: {  	s3 =	sadd.s32 s3, s9;
	s6 =	sadd.s32 @!p0 $0x88, s6;
	s7 =	simm.s32 @p2 $0x1082  }
0x22: {  	[simem:s7], [sflag:s8] =	dma.local @!p0 [hbm:s6], $0xF7A  }
0x23: {  	s9 =	sor.u32 $0xD0000000, s2;
	s6 =	simm.s32 $0x108;
	_ =	swait.ge @!p0 [sflag:s8], $0x0  }
0x24: {  	s3 =	sadd.s32 $0x88, s3;
	s6 =	simm.s32 @!p1 $0x1082;
	[sflag:s4] =	ssyncset.s32 $0xFFFFF086  }
0x25: {  	[simem:s6], [sflag:s4] =	dma.local [hbm:s3], $0xF7A  }
0x26: {  	[smem:$0x3F92] =	sst s1;
	(tag) =	ssettag s2;
	_ =	strace s9  }
0x27: {  	s1 =	sld [smem:$0x3FA2]  }
0x28: {  	s2 =	sld [smem:$0x3FA3]  }
0x29: {  	s4 =	sld [smem:$0x3FA5]  }
0x2a: {  	p0 =	seq.s32 s5, $0x0;
	s5 =	sld [smem:$0x3FA6]  }
0x2b: {  	s6 =	sld [smem:$0x3FA7]  }
0x2c: {  	s7 =	sld [smem:$0x3FA8]  }
0x2d: {  	s3 =	simm.s32 $0x108;
	s8 =	sld [smem:$0x3FA9]  }
0x2e: {  	s3 =	simm.s32 @!p0 $0x1082;
	s9 =	sld [smem:$0x3FAA]  }
0x2f: {  	lr =	sadd.s32 s0, s3;
	s0 =	sld [smem:$0x3FA1]  }
0x30: {  	s3 =	sld [smem:$0x3FA4]  }
0x31: {  	[smem:$0x3FAD] =	sst s10  }
0x32: {  	s10 =	sld [smem:$0x3FAB];
	_ =	sdelay $0x3  }
0x33: {  	p0 =	seq.s32 s10, $0x1;
	s10 =	sld [smem:$0x3FAD];
	_ =	sdelay $0x3  }
0x34: {  	[smem:$0x3FAD] =	sst s10  }
0x35: {  	s10 =	sld [smem:$0x3FAC];
	_ =	sdelay $0x3  }
0x36: {  	p1 =	seq.s32 s10, $0x1;
	s10 =	sld [smem:$0x3FAD];
	_ =	sdelay $0x3  }
0x37: {  	[smem:$0x3FAD] =	sst s10  }
0x38: {  	s10 =	sld [smem:$0x3FAE]  }
0x39: {  	_ = 	snop;
	(pc) =	sbr.ind lr, $3  }
0x3a: {  	_ = 	snop  }
0x3b: {  	_ = 	snop  }
0x3c: {  	p2 =	seq.s32 s10, $0x1;
	s10 =	sld [smem:$0x3FAD]  }
0x3d: {  	_ =	shalt  }
0x3e: {  	_ =	shalt  }
0x3f: {  	_ =	shalt  }
0x40: {  	_ =	shalt  }
0x41: {  	_ =	shalt  }
0x42: {  	_ =	shalt  }
0x43: {  	_ =	shalt  }
0x44: {  	_ =	shalt  }
0x45: {  	_ =	shalt  }
0x46: {  	_ =	shalt  }
0x47: {  	_ =	shalt  }
0x48: {  	_ =	shalt  }
0x49: {  	_ =	shalt  }
0x4a: {  	_ =	shalt  }
0x4b: {  	_ =	shalt  }
0x4c: {  	_ =	shalt  }
0x4d: {  	_ =	shalt  }
0x4e: {  	_ =	shalt  }
0x4f: {  	_ =	shalt  }
0x50: {  	_ =	shalt  }
0x51: {  	_ =	shalt  }
0x52: {  	_ =	shalt  }
0x53: {  	_ =	shalt  }
0x54: {  	_ =	shalt  }
0x55: {  	_ =	shalt  }
0x56: {  	_ =	shalt  }
0x57: {  	_ =	shalt  }
0x58: {  	_ =	shalt  }
0x59: {  	_ =	shalt  }
0x5a: {  	_ =	shalt  }
0x5b: {  	_ =	shalt  }
0x5c: {  	_ =	shalt  }
0x5d: {  	_ =	shalt  }
0x5e: {  	_ =	shalt  }
0x5f: {  	_ =	shalt  }
0x60: {  	_ =	shalt  }
0x61: {  	_ =	shalt  }
0x62: {  	_ =	shalt  }
0x63: {  	_ =	shalt  }
0x64: {  	_ =	shalt  }
0x65: {  	_ =	shalt  }
0x66: {  	_ =	shalt  }
0x67: {  	_ =	shalt  }
0x68: {  	_ =	shalt  }
0x69: {  	_ =	shalt  }
0x6a: {  	_ =	shalt  }
0x6b: {  	_ =	shalt  }
0x6c: {  	_ =	shalt  }
0x6d: {  	_ =	shalt  }
0x6e: {  	_ =	shalt  }
0x6f: {  	_ =	shalt  }
0x70: {  	_ =	shalt  }
0x71: {  	_ =	shalt  }
0x72: {  	_ =	shalt  }
0x73: {  	_ =	shalt  }
0x74: {  	_ =	shalt  }
0x75: {  	_ =	shalt  }
0x76: {  	_ =	shalt  }
0x77: {  	_ =	shalt  }
0x78: {  	_ =	shalt  }
0x79: {  	_ =	shalt  }
0x7a: {  	_ =	shalt  }
0x7b: {  	_ =	shalt  }
0x7c: {  	_ =	shalt  }
0x7d: {  	_ =	shalt  }
0x7e: {  	_ =	shalt  }
0x7f: {  	_ =	shalt  }
0x80: {  	_ =	shalt  }
0x81: {  	_ =	shalt  }
0x82: {  	_ =	shalt  }
0x83: {  	_ =	shalt  }
0x84: {  	_ =	shalt  }
0x85: {  	_ =	shalt  }
0x86: {  	_ =	shalt  }
0x87: {  	_ =	shalt  }
.Lfunc_end0:
.L_simem_size_0:
called_computation_lowered:
.L_overlay_start_0:
0x88: {  	s2 =	sld [smem:$0x3FD9]  }
0x89: {  	s3 =	sld [smem:$0x3FFE];
	_ =	sdelay $0x1  }
0x8a: {  	s1 =	srdreg.scid  }
0x8b: {  	s0 =	sand.u32 $0x1, s1  }
0x8c: {  	s16 =	sshll.u32 s0, $0xA;
	s2 =	sadd.s32 s3, s2  }
0x8d: {  	s2 =	sadd.s32 s2, s16  }
0x8e: {  	[smem:$0x3FB9] =	sst s2  }
0x8f: {  	_ = 	snop  }
0x90: {  	(tm) =	ssettm $0x1  }
0x91: {  	s17 =	sld [smem:$0x3FFB];
	_ =	sdelay $0x3  }
0x92: {  	_ =	strace s17  }
0x93: {  	s2 =	sld [smem:$0x3FFC];
	_ =	sdelay $0x3  }
0x94: {  	_ =	strace s2  }
0x95: {  	s2 =	sld [smem:$0x3FFD];
	_ =	sdelay $0x3  }
0x96: {  	_ =	strace s2  }
0x97: {  	_ =	strace $0x8FFFFFFF  }
0x98: {  	s18 =	sld [smem:$0x3FDB];
	_ =	sdelay $0x1  }
0x99: {  	s19 =	simm.s32 $_scs_section_size  }
0x9a: {  	s4 =	simm.s32 $_size__tile_overlayer_lowered;
	s5 =	simm.s32 $_tile_overlayer_lowered  }
0x9b: {  	s22 =	simm.s32 $0x1BFF;
	s21 =	sshll.u32 s5, $0x1;
	s2 =	sadd.s32 s19, s18  }
0x9c: {  	s6 =	simm.s32 $0x0;
	s20 =	sshll.u32 s4, $0x1;
	s4 =	sadd.s32 s21, s2  }
0x9d: {  	[timem:s6], [sflag:s22] =	dma.local [hbm:s4], s20  }
0x9e: {  	_ =	swait.ge [sflag:s22], s20  }
0x9f: {  	s3 =	ssub.s32 $0x0, s20;
	[sflag:s22] =	ssyncset.done $0x0  }
0xa0: {  	[sflag:s22] =	ssyncadd.s32 s3;
	_ =	sdelay $0x1  }
0xa1: {  	s23 =	simm.s32 $0x1B8B  }
0xa2: {  	_ =	swait.ge [sflag:s23], $0x1  }
0xa3: {  	[sflag:s23] =	ssyncset.done $0x0  }
0xa4: {  	s25 =	simm.s32 $0x1B8E;
	s24 =	sld [smem:$0x3FFE];
	[sflag:s23] =	ssyncadd.s32 $0xFFFFFFFF  }
0xa5: {  	s26 =	simm.s32 $execute0_lowered;
	[smem:$0x3FD2] =	sst s25  }
0xa6: {  	s4 =	sshll.u32 s26, $0x1;
	_ =	strace $0x80000046;
	[dreg:$0x1] =	wrdreg $0xFFFFFFFF  }
0xa7: {  	s28 =	simm.s32 $_size_execute0_lowered;
	s2 =	sadd.s32 s2, s4;
	[dreg:$0x0] =	wrdreg $0x0  }
0xa8: {  	s4 =	sshll.u32 s28, $0x1;
	[dreg:$0x2] =	wrdreg s2  }
0xa9: {  	[dreg:$0x3] =	wrdreg s4  }
0xaa: {  	[dreg:$0x4] =	wrdreg $0xC0  }
0xab: {  	_ =	task [dreg:s6], $0x5FFFF  }
0xac: {  	[dreg:$0x1] =	wrdreg $0xFFFFFFFF  }
0xad: {  	[dreg:$0x0] =	wrdreg $0x60  }
0xae: {  	[dreg:$0x2] =	wrdreg s24  }
0xaf: {  	[dreg:$0x3] =	wrdreg $0x2B000  }
0xb0: {  	[dreg:$0x4] =	wrdreg $0x9  }
0xb1: {  	_ =	task.clear_ibuf [dreg:s6], $0x5FFFF;
	_ =	strace $0x90000046  }
0xb2: {  	s29 =	simm.s32 $0x9;
	_ =	strace $0x80000048  }
0xb3: {  	_ =	swait.ge [sflag:s29], $0x1  }
0xb4: {  	[sflag:s29] =	ssyncadd.s32 $0xFFFFFFFF  }
0xb5: {  	_ =	strace $0x90000048  }
0xb6: {  	_ =	sfence  }
0xb7: {  	s30 =	sld [smem:$0x0];
	_ =	sdelay $0x2  }
0xb8: {  	s31 =	sshll.u32 s1, $0xD;
	s1 =	sshrl.u32 s1, $0x2  }
0xb9: {  	s3 =	sand.u32 $0x4000, s31;
	s1 =	sadd.s32 s1, s30  }
0xba: {  	s0 =	sor.u32 s3, s0;
	s1 =	sshll.u32 s1, $0x11  }
0xbb: {  	s0 =	sor.u32 s1, s0  }
0xbc: {  	s0 =	sadd.s32 $0x8F2B, s0  }
0xbd: {  	[sflag:s0] =	ssyncadd.remote.s32 $0x1  }
0xbe: {  	_ =	sfence.sel $0xFFFF  }
0xbf: {  	[dreg:$0x0] =	wrdreg $0xFFFFFFFF;
	(pc) =	sbr.abs _section_cstart, $3  }
0xc0: {  	[dreg:$0x1] =	wrdreg $0xFFFFFFFF  }
0xc1: {  	_ =	task.clear_ibuf [dreg:s6], $0x2FFFF;
	_ =	strace $0x9FFFFFFF  }
0xc2: {  	(tm) =	ssettm $0x7FFFFFFF  }
0xc3: {  	_ =	shalt  }
tec
execute0_lowered:
.L_overlay_start_1:
0x0: {  	(tag) =	ssettag $0x1  }
0x1: {  	s4 =	rddreg [dreg:$0x0]  }
0x2: {  	s2 =	rddreg [dreg:$0x1]  }
0x3: {  	s3 =	srdreg.scid;
	s1 =	stileid.u32  }
0x4: {  	s0 =	rddreg [dreg:$0x2];
	s10 =	simm.s32 $0x80;
	s11 =	simm.s32 $0x2800  }
0x5: {  	s14 =	simm.s32 $0x20;
	s15 =	simm.s32 $0x10;
	s16 =	simm.s32 $0x0  }
0x6: {  	s5 =	sand.u32 $0x1, s3;
	s6 =	sshll.u32 s1, $0x1;
	s7 =	smul.u32 $0x500, s1  }
0x7: {  	s3 =	simm.s32 $0x0;
	s30 =	smul.u32 $0xA00, s1;
	s12 =	sshll.u32 s1, $0x6  }
0x8: {  	s6 =	sor.u32 s5, s6;
	[smem:$0x7FF] =	sst s3;
	s8 =	sshll.u32 s5, $0x7  }
0x9: {  	s5 =	ssub.s32 $0x2, s5;
	s12 =	sor.u32 $0x1C01, s12;
	s6 =	smul.u32 $0x500, s6  }
0xa: {  	_ =	strace $0x80000047;
	s7 =	sor.u32 s8, s7;
	s31 =	sshrl.u32 s5, $0x1  }
0xb: {  	s8 =	sshrl.u32 s30, $0x2;
	s7 =	sshrl.u32 s7, $0x3;
	s9 =	ssub.s32 s5, s31  }
0xc: {  	s6 =	sadd.s32 s6, s4;
	s7 =	sadd.s32 s7, s4;
	s4 =	sadd.s32 s8, s2  }
0xd: {  	s8 =	simm.s32 $0x2880;
	s5 =	sadd.s32 $0xD200, s6;
	s6 =	sadd.s32 $0x17200, s7  }
0xe: {  	v0 =	vimm.f32 $1.000000000e+00;
	v1 =	vimm.f32 $0.0e+00;
	s7 =	smax.u32 s9, $0x1;
	s9 =	simm.s32 $0x1;
	s13 =	sshrl.u32 s4, $0x3  }
.LBB2_1:
0xf: {  	[tilespmem:$0x2800] =	vst v0  }
0x10: {  	[tilespmem:$0x2810] =	vst v0  }
0x11: {  	[tilespmem:$0x2820] =	vst v0  }
0x12: {  	[tilespmem:$0x2830] =	vst v0  }
0x13: {  	[tilespmem:$0x2840] =	vst v0  }
0x14: {  	[tilespmem:$0x2850] =	vst v0  }
0x15: {  	[tilespmem:$0x2860] =	vst v0  }
0x16: {  	[tilespmem:$0x2870] =	vst v0  }
0x17: {  	[tilespmem:$0x2880] =	vst v1  }
0x18: {  	[tilespmem:$0x2890] =	vst v1  }
0x19: {  	[tilespmem:$0x28A0] =	vst v1  }
0x1a: {  	[tilespmem:$0x28B0] =	vst v1  }
0x1b: {  	[tilespmem:$0x28C0] =	vst v1  }
0x1c: {  	[tilespmem:$0x28D0] =	vst v1  }
0x1d: {  	[tilespmem:$0x28E0] =	vst v1  }
0x1e: {  	[tilespmem:$0x28F0] =	vst v1  }
0x1f: {  	[tilespmem:$0x2900] =	vst v1  }
0x20: {  	[tilespmem:$0x2910] =	vst v1  }
0x21: {  	[tilespmem:$0x2920] =	vst v1  }
0x22: {  	[tilespmem:$0x2930] =	vst v1  }
0x23: {  	[tilespmem:$0x2940] =	vst v1  }
0x24: {  	[tilespmem:$0x2950] =	vst v1  }
0x25: {  	[tilespmem:$0x2960] =	vst v1  }
0x26: {  	[tilespmem:$0x2970] =	vst v1  }
0x27: {  	[tilespmem:$0x2980] =	vst v1  }
0x28: {  	[tilespmem:$0x2990] =	vst v1  }
0x29: {  	[tilespmem:$0x29A0] =	vst v1  }
0x2a: {  	[tilespmem:$0x29B0] =	vst v1  }
0x2b: {  	[tilespmem:$0x29C0] =	vst v1  }
0x2c: {  	[tilespmem:$0x29D0] =	vst v1  }
0x2d: {  	[tilespmem:$0x29E0] =	vst v1  }
0x2e: {  	[tilespmem:$0x29F0] =	vst v1  }
0x2f: {  	[tilespmem:$0x2A00] =	vst v1  }
0x30: {  	[tilespmem:$0x2A10] =	vst v1  }
0x31: {  	[tilespmem:$0x2A20] =	vst v1  }
0x32: {  	[tilespmem:$0x2A30] =	vst v1  }
0x33: {  	[tilespmem:$0x2A40] =	vst v1  }
0x34: {  	[tilespmem:$0x2A50] =	vst v1  }
0x35: {  	[tilespmem:$0x2A60] =	vst v1  }
0x36: {  	[tilespmem:$0x2A70] =	vst v1  }
0x37: {  	[tilespmem:$0x2A80] =	vst v1  }
0x38: {  	[tilespmem:$0x2A90] =	vst v1  }
0x39: {  	[tilespmem:$0x2AA0] =	vst v1  }
0x3a: {  	[tilespmem:$0x2AB0] =	vst v1  }
0x3b: {  	[tilespmem:$0x2AC0] =	vst v1  }
0x3c: {  	[tilespmem:$0x2AD0] =	vst v1  }
0x3d: {  	[tilespmem:$0x2AE0] =	vst v1  }
0x3e: {  	[tilespmem:$0x2AF0] =	vst v1  }
0x3f: {  	[spmem:s4] =	stream.linear.scatter [tilespmem:s8], [sflag:$0x1], $0x280, $0x38;
	[tilespmem:$0x2D80] =	vst v63  }
0x40: {  	_ =	swait.ge [sflag:s9], $0x280  }
0x41: {  	[sflag:s9] =	ssyncset.done $0x0  }
0x42: {  	[sflag:s9] =	ssyncadd.s32 $0xFFFFFD80  }
0x43: {  	[bflag:$0x0] =	sbarrier.arrive $0xFFFF  }
0x44: {  	[tilespmem:s3], [sflag:$0x1] =	stream.linear.gather [hbm4b:s5+s3], $0x2800, $0x38;
	[tilespmem:$0x2D80] =	vst v63  }
0x45: {  	_ =	swait.ge [sflag:s9], $0x2800  }
0x46: {  	[sflag:s9] =	ssyncset.done $0x0  }
0x47: {  	s17 =	simm.s32 $0x0;
	[sflag:s9] =	ssyncadd.s32 $0xFFFFD800  }
0x48: {  	[spmem:s2] =	stream.indirect.scatter.add.f32 [tilespmem:s11], [sflag:$0x1], $0x1, s17, s10, $0xb8;
	[tilespmem:$0x2D80] =	vst v63  }
0x49: {  	_ =	swait.ge [sflag:s9], $0x80  }
0x4a: {  	s17 =	simm.s32 $0x200;
	[sflag:s9] =	ssyncset.done $0x0  }
.LBB2_2:
0x4b: {  	s18 =	sshra.s32 s17, $0x2;
	[sflag:s9] =	ssyncadd.s32 $0xFFFFFF80;
	p0 =	sne.s32 s17, $0x9E00  }
0x4c: {  	[spmem:s2] =	stream.indirect.scatter.add.f32 [tilespmem:s11], [sflag:$0x1], $0x1, s18, s10, $0xb8;
	[tilespmem:$0x2D80] =	vst v63  }
.Ltmp0:
0x4d: {  	_ = 	snop;
	(pc) =	sbr.rel @p0 .LBB2_2-.Ltmp0, $4  }
0x4e: {  	_ = 	snop  }
0x4f: {  	s17 =	sadd.s32 $0x200, s17  }
0x50: {  	_ =	swait.ge [sflag:s9], $0x80  }
0x51: {  	[sflag:s9] =	ssyncset.done $0x0  }
0x52: {  	s16 =	sadd.s32 $0x1, s16  }
0x53: {  	[sflag:s9] =	ssyncadd.s32 $0xFFFFFF80;
	p0 =	sne.s32 s16, s7  }
.Ltmp1:
0x54: {  	[bflag:$0x0] =	sbarrier.arrive $0xFFFF;
	(pc) =	sbr.rel @p0 .LBB2_1-.Ltmp1, $4  }
0x55: {  	[hbm:s6@s14], [sflag:s12] =	dma.strided [spmem:s13@s15], $0x50, s9, $0x10   }
0x56: {  	_ =	swait.ge [sflag:s9], $0x50  }
0x57: {  	[sflag:s9] =	ssyncset.done $0x0  }
0x58: {  	[sflag:s9] =	ssyncadd.s32 $0xFFFFFFB0  }
0x59: {  	_ =	sfence.sel $0x180000  }
0x5a: {  	[bflag:$0x0] =	sbarrier.arrive $0xFFFF  }
0x5b: {  	p0 =	sne.s32 s1, $0x0;
	_ =	strace $0x90000047  }
0x5c: {  	s0 =	sadd.s32 @!p0 $0x100000, s0;
	[bflag:$0x2] =	sbarrier.arrive $0xFFFF  }
0x5d: {  	[sflag:s0] =	ssyncadd.tile.s32 @!p0 $0x1;
	_ =	shalt  }
.Lfunc_end2:
_tile_overlayer_lowered:
.L_overlay_start_2:
0x5e: {  	(tag) =	ssettag $0x2  }
0x5f: {  	s0 =	rddreg [dreg:$0x0];
	s2 =	stileid.u32  }
0x60: {  	s1 =	rddreg [dreg:$0x1];
	p0 =	sne.s32 s2, $0x0  }
0x61: {  	s3 =	rddreg [dreg:$0x2];
	[bflag:$0x3] =	sbarrier.arrive $0xFFFF;
	s2 =	simm.s32 @!p0 $0x1C01  }
0x62: {  	[timem:s3], [sflag:s2] =	dma.local @!p0 [hbm:s0], s1  }
0x63: {  	s0 =	simm.s32 @!p0 $0x1  }
0x64: {  	_ =	swait.ge @!p0 [sflag:s0], s1  }
0x65: {  	s1 =	ssub.s32 @!p0 $0x0, s1;
	[sflag:s0] =	ssyncset.done @!p0 $0x0  }
0x66: {  	[sflag:s0] =	ssyncadd.s32 @!p0 s1  }
0x67: {  	[bflag:$0x3] =	sbarrier.arrive $0xFFFF  }
0x68: {  	_ =	shalt  }

</sc_bundles>
